<compile_context>
chip_gen: v7x
topology: tpu7x:2x2x1
jax: 0.10.2.dev20260603
libtpu: 0.0.44.dev20260713+nightly
codegen_flags: <defaults>
</compile_context>

<pallas_src>
import functools

import jax
import jax.numpy as jnp
import numpy as np
from jax import lax
from jax.experimental import pallas as pl
from jax.experimental.pallas import tpu as pltpu
from jax.experimental.pallas import tpu_sc as plsc

ROWS = 32
COLS = 8192
K = 4096
LANES = 16
CHUNKS = COLS // LANES
NUM_CORES = 2
UNROLL = 8

DELTA = np.float32(0.1242)
LADDER = (np.float32(-0.04), np.float32(0.0), np.float32(0.04))
EGT = 2
MAX_INTERP = 12

_SIGN = np.uint32(0x80000000)
_UMAX = np.uint32(0xFFFFFFFF)


def _key_of(v):
    u = lax.bitcast_convert_type(v, jnp.uint32)
    return jnp.where(u >= _SIGN, ~u, u | _SIGN)


def _val_of(k):
    u = jnp.where(k >= _SIGN, k & jnp.uint32(0x7FFFFFFF), ~k)
    return lax.bitcast_convert_type(u, jnp.float32)


def _recip(b):
    t = lax.bitcast_convert_type(
        jnp.int32(0x7EF477D5) - lax.bitcast_convert_type(b, jnp.int32),
        jnp.float32,
    )
    t = t * (jnp.float32(2.0) - b * t)
    t = t * (jnp.float32(2.0) - b * t)
    return t


def _rot_reduce(v, op):
    iota = lax.iota(jnp.int32, LANES)
    for sh in (1, 2, 4, 8):
        v = op(v, jnp.take(v, (iota + sh) % LANES))
    return v


def _splat(x, dtype):
    return jnp.full((LANES,), x, dtype)


def _cumsum16(v, iota):
    for sh in (1, 2, 4, 8):
        shifted = jnp.take(v, jnp.maximum(iota - sh, 0))
        v = v + jnp.where(iota >= sh, shifted, 0)
    return v


def _tec_body(row_base, z_hbm, g_hbm, out_hbm, zrow, grow, keyrow, outrow):
    wid = lax.axis_index("s")
    out_row = wid

    pltpu.sync_copy(z_hbm.at[row_base + wid], zrow)
    pltpu.sync_copy(g_hbm.at[row_base + wid], grow)

    @plsc.parallel_loop(
        0,
        CHUNKS,
        step=1,
        unroll=UNROLL,
        carry=(
            jnp.zeros((LANES,), jnp.float32),
            jnp.full((LANES,), _UMAX, jnp.uint32),
            jnp.zeros((LANES,), jnp.uint32),
        ),
    )
    def key_stats(i, carry):
        acc, mn, mx = carry
        sl = pl.ds(i * LANES, LANES)
        x = zrow[sl] + grow[sl]
        kc = _key_of(x)
        keyrow[sl] = kc
        return acc + x, jnp.minimum(mn, kc), jnp.maximum(mx, kc)

    x_acc, key_mn, key_mx = key_stats
    seed_s = _rot_reduce(x_acc, jnp.add)[0] * jnp.float32(1.0 / COLS) - DELTA
    min_key = _rot_reduce(key_mn, jnp.minimum)[0]
    max_key = _rot_reduce(key_mx, jnp.maximum)[0]

    lo = min_key
    clo = jnp.int32(COLS)
    hi = max_key + jnp.uint32(1)
    chi = jnp.int32(0)

    def clamp(cand):
        return jnp.minimum(jnp.maximum(cand, lo + jnp.uint32(1)), hi - jnp.uint32(1))

    lcands = [clamp(_key_of(seed_s + off)) for off in LADDER]

    @plsc.parallel_loop(
        0,
        CHUNKS,
        step=1,
        unroll=UNROLL,
        carry=tuple(jnp.zeros((LANES,), jnp.int32) for _ in LADDER),
    )
    def laccs(i, accs):
        kc = keyrow[pl.ds(i * LANES, LANES)]
        return tuple(
            a + jnp.where(kc >= c_, 1, 0).astype(jnp.int32)
            for a, c_ in zip(accs, lcands)
        )

    for c_, a_ in zip(lcands, laccs):
        n_ = _rot_reduce(a_, jnp.add)[0]
        pl_ = jnp.logical_and(n_ >= K, c_ > lo)
        lo = jnp.where(pl_, c_, lo)
        clo = jnp.where(pl_, n_, clo)
        ph_ = jnp.logical_and(n_ < K, c_ < hi)
        hi = jnp.where(ph_, c_, hi)
        chi = jnp.where(ph_, n_, chi)

    def count_ge(cand):
        def cbody(i, a):
            for u_ in range(UNROLL):
                kc = keyrow[pl.ds((i * UNROLL + u_) * LANES, LANES)]
                a = a + jnp.where(kc >= cand, 1, 0).astype(jnp.int32)
            return a

        acc = lax.fori_loop(
            0, CHUNKS // UNROLL, cbody, jnp.zeros((LANES,), jnp.int32)
        )
        return _rot_reduce(acc, jnp.add)[0]

    def _pow2_neg(n):
        bits = (jnp.int32(127) - jnp.minimum(n, jnp.int32(60))) << 23
        return lax.bitcast_convert_type(bits, jnp.float32)

    def w_body(i, st):
        def do_probe(st):
            lo, clo, hi, chi, nlo, nhi, last = st
            vlo = _val_of(lo)
            vhi = _val_of(hi - jnp.uint32(1))
            f_lo = (clo - K).astype(jnp.float32) * _pow2_neg(nlo)
            f_hi = (chi - K).astype(jnp.float32) * _pow2_neg(nhi)
            denom = jnp.maximum(f_lo - f_hi, jnp.float32(1e-30))
            frac = jnp.minimum(
                jnp.maximum(f_lo * _recip(denom), jnp.float32(0.0)),
                jnp.float32(1.0),
            )
            cand_i = _key_of(vlo + (vhi - vlo) * frac)
            cand_b = lo + ((hi - lo) >> jnp.uint32(1))
            cand = jnp.minimum(
                jnp.maximum(
                    jnp.where(i < MAX_INTERP, cand_i, cand_b), lo + jnp.uint32(1)
                ),
                hi - jnp.uint32(1),
            )
            c = count_ge(cand)
            pred = c >= K
            nhi = jnp.where(
                pred, jnp.where(last == 1, nhi + 1, jnp.int32(0)), nhi
            )
            nlo = jnp.where(
                pred, nlo, jnp.where(last == -1, nlo + 1, jnp.int32(0))
            )
            lo = jnp.where(pred, cand, lo)
            clo = jnp.where(pred, c, clo)
            hi = jnp.where(pred, hi, cand)
            chi = jnp.where(pred, chi, c)
            last = jnp.where(pred, jnp.int32(1), jnp.int32(-1))
            return (lo, clo, hi, chi, nlo, nhi, last)

        lo, clo, hi, chi = st[0], st[1], st[2], st[3]
        done = jnp.logical_or(clo - K <= EGT, hi - lo <= jnp.uint32(1))
        return lax.cond(done, lambda s: s, do_probe, st)

    lo, clo, hi, chi, _, _, _ = lax.fori_loop(
        0,
        MAX_INTERP + 33,
        w_body,
        (lo, clo, hi, chi, jnp.int32(0), jnp.int32(0), jnp.int32(0)),
    )

    def a_body(_, st):
        def do_step(st):
            P, cP, stop, need = st

            def mbody(i, carry):
                mn, eqc = carry
                for u_ in range(UNROLL):
                    kc = keyrow[pl.ds((i * UNROLL + u_) * LANES, LANES)]
                    mn = jnp.minimum(mn, jnp.where(kc > P, kc, _UMAX))
                    eqc = eqc + jnp.where(kc == P, 1, 0).astype(jnp.int32)
                return mn, eqc

            mn, eqc = lax.fori_loop(
                0,
                CHUNKS // UNROLL,
                mbody,
                (
                    jnp.full((LANES,), _UMAX, jnp.uint32),
                    jnp.zeros((LANES,), jnp.int32),
                ),
            )
            M = _rot_reduce(mn, jnp.minimum)[0]
            nP = _rot_reduce(eqc, jnp.add)[0]
            cM = cP - nP
            tie = cM < K
            P = jnp.where(tie, P, M)
            cP = jnp.where(tie, cP, cM)
            need = jnp.where(tie, K - cM, need)
            return (P, cP, tie, need)

        P, cP, stop, need = st
        done = jnp.logical_or(cP <= K, stop)
        return lax.cond(done, lambda s: s, do_step, st)

    t, cP, stop, tie_need = lax.fori_loop(
        0, EGT + 1, a_body, (lo, clo, jnp.bool_(False), jnp.int32(0))
    )

    @plsc.parallel_loop(
        0, CHUNKS, step=1, unroll=UNROLL, carry=jnp.zeros((LANES,), jnp.int32)
    )
    def eq_acc(i, acc):
        sl = pl.ds(i * LANES, LANES)
        kc = keyrow[sl]
        outrow[sl] = jnp.where(kc >= t, jnp.float32(1.0), jnp.float32(0.0))
        return acc + jnp.where(kc == t, 1, 0).astype(jnp.int32)

    n_eq = _rot_reduce(eq_acc, jnp.add)[0]
    need = jnp.where(stop, tie_need, n_eq)

    @pl.when(n_eq != need)
    def _tie_fixup():
        iota = lax.iota(jnp.int32, LANES)

        def fbody(i, carry):
            sl = pl.ds(i * LANES, LANES)
            kc = keyrow[sl]
            eqi = jnp.where(kc == t, 1, 0).astype(jnp.int32)
            incl = _cumsum16(eqi, iota)
            keep = jnp.logical_or(kc > t, (carry + incl) <= need)
            outrow[sl] = jnp.where(
                keep & (kc >= t), jnp.float32(1.0), jnp.float32(0.0)
            )
            return carry + incl[LANES - 1]

        lax.fori_loop(0, CHUNKS, fbody, jnp.int32(0))

    pltpu.sync_copy(outrow, out_hbm.at[out_row])


def _make_half_call(row_base):
    return functools.partial(
        pl.kernel,
        out_type=jax.ShapeDtypeStruct((ROWS // 2, COLS), jnp.float32),
        mesh=plsc.VectorSubcoreMesh(
            core_axis_name="c", subcore_axis_name="s", num_cores=1
        ),
        scratch_types=[
            pltpu.VMEM((COLS,), jnp.float32),
            pltpu.VMEM((COLS,), jnp.float32),
            pltpu.VMEM((COLS,), jnp.uint32),
            pltpu.VMEM((COLS,), jnp.float32),
        ],
    )(functools.partial(_tec_body, row_base))


def kernel(z_loga, step):
    del step
    eps = jax.random.uniform(
        jax.random.key(42), z_loga.shape, z_loga.dtype, minval=1e-06, maxval=1 - 1e-06
    )
    gumbel = -jnp.log(-jnp.log(eps))
    top = _make_half_call(0)(z_loga, gumbel)
    bot = _make_half_call(ROWS // 2)(z_loga, gumbel)
    return jnp.concatenate([top, bot], axis=0)

# --- scband reference (transcript-rebuilt; emitter-appended) ---
"""Pipeline reference for scband-l0-module-embedding-30683246362707 (READ-ONLY COPY).

The authoritative reference and input builder live on the scoring server;
editing this copy changes nothing except your own understanding.
"""

import jax, jax.numpy as jnp
import numpy as np

TEMPERATURE = 2.0 / 3.0
MAGICAL_NUMBER = 0.8
TARGET_MASK_SIZE = 4096
MASK_SHAPE = (32, 8192)
MASK_OUTPUT_SHAPE = (32, 8192)
DROPRATE_INIT = 0.5


def setup_inputs(seed: int = 0) -> dict:
    key = jax.random.key(seed)
    k1, _ = jax.random.split(key)
    # z_loga initialized as in param_init_fn: normal(mean, 0.01) with
    # mean = log(1 - droprate_init) - log(droprate_init) = 0.0 for droprate 0.5
    mean = np.log(1 - DROPRATE_INIT) - np.log(DROPRATE_INIT)
    z_loga = mean + 0.01 * jax.random.normal(k1, MASK_SHAPE, dtype=jnp.float32)
    # add larger-scale variation so topk selection is non-degenerate
    z_loga = z_loga + jax.random.normal(jax.random.fold_in(key, 7), MASK_SHAPE, dtype=jnp.float32)
    return {"z_loga": z_loga, "step": 0}


def reference(z_loga, step):
    # Mask.sample_z in training mode: Gumbel-Concrete sampling + per-row top-k
    # hard mask with straight-through estimator.
    soft_mask = jax.nn.sigmoid(z_loga / TEMPERATURE * MAGICAL_NUMBER)  # computed as in torch code
    eps_key = jax.random.key(42)
    eps = jax.random.uniform(eps_key, z_loga.shape, dtype=z_loga.dtype,
                             minval=1e-06, maxval=1 - 1e-06)
    gumbel = -jnp.log(-jnp.log(eps))
    gumbel_mask = jax.nn.sigmoid((z_loga + gumbel) / TEMPERATURE)
    # 2D branch: per-row top-k along dim 1
    k = min(TARGET_MASK_SIZE, gumbel_mask.shape[1])
    _, indices = jax.lax.top_k(gumbel_mask, k)
    hard = jnp.zeros_like(gumbel_mask)
    rows = jnp.arange(gumbel_mask.shape[0])[:, None]
    hard = hard.at[rows, indices].set(1.0)
    st = hard - jax.lax.stop_gradient(gumbel_mask) + gumbel_mask
    return st.reshape(*MASK_OUTPUT_SHAPE)

if __name__ == "__main__":
    import jax
    _d = setup_inputs()
    print(jax.jit(kernel)(*tuple(_d.values())))

</pallas_src>

<mosaic_0001>
#map = affine_map<(d0, d1) -> (0, 0)>
module attributes {stable_mosaic.version = 14 : i64} {
  func.func @_tec_body(%arg0: i32, %arg1: i32, %arg2: memref<32x8192xf32, #tpu.memory_space<hbm>>, %arg3: memref<32x8192xf32, #tpu.memory_space<hbm>>, %arg4: memref<16x8192xf32, #tpu.memory_space<hbm>>, %arg5: memref<8192xf32, #tpu.memory_space<vmem>>, %arg6: memref<8192xf32, #tpu.memory_space<vmem>>, %arg7: memref<8192xi32, #tpu.memory_space<vmem>>, %arg8: memref<8192xf32, #tpu.memory_space<vmem>>) attributes {dimension_semantics = [#tpu.dimension_semantics<core_parallel>, #tpu.dimension_semantics<subcore_parallel>], iteration_bounds = array<i64: 1, 16>, scalar_prefetch = 0 : i64, scratch_operands = 4 : i64, tpu.core_type = #tpu.core_type<sc_vector_subcore>, window_params = [{transform_indices = #map}, {transform_indices = #map}, {transform_indices = #map}]} {
    %add3A = arith.constant 16 : i32
    %add3A_0 = arith.addi %add3A, %arg1 : i32
    "tpu.region"() ({
      %run_scoped3A = tpu.sem_alloc : memref<!tpu.dma_semaphore, #tpu.memory_space<semaphore_mem>>
      %dma_start3A = arith.constant 0 : i32
      %dma_start3A_1147 = tpu.memref_slice %arg2[%add3A_0, %dma_start3A] : memref<32x8192xf32, #tpu.memory_space<hbm>> -> memref<1x8192xf32, #tpu.memory_space<hbm>>
      %dma_start3A_1148 = tpu.memref_squeeze %dma_start3A_1147 : memref<1x8192xf32, #tpu.memory_space<hbm>> -> memref<8192xf32, #tpu.memory_space<hbm>>
      %dma_start3A_1149 = arith.constant 0 : i32
      %dma_start3A_1150 = tpu.memref_slice %arg2[%add3A_0, %dma_start3A_1149] : memref<32x8192xf32, #tpu.memory_space<hbm>> -> memref<1x8192xf32, #tpu.memory_space<hbm>>
      %dma_start3A_1151 = tpu.memref_squeeze %dma_start3A_1150 : memref<1x8192xf32, #tpu.memory_space<hbm>> -> memref<8192xf32, #tpu.memory_space<hbm>>
      tpu.enqueue_dma source(%dma_start3A_1151 : memref<8192xf32, #tpu.memory_space<hbm>>) target(%arg5 : memref<8192xf32, #tpu.memory_space<vmem>>) target_semaphore(%run_scoped3A : memref<!tpu.dma_semaphore, #tpu.memory_space<semaphore_mem>>)
      %dma_wait3A = arith.constant 0 : i32
      %dma_wait3A_1152 = tpu.memref_slice %arg2[%add3A_0, %dma_wait3A] : memref<32x8192xf32, #tpu.memory_space<hbm>> -> memref<1x8192xf32, #tpu.memory_space<hbm>>
      %dma_wait3A_1153 = tpu.memref_squeeze %dma_wait3A_1152 : memref<1x8192xf32, #tpu.memory_space<hbm>> -> memref<8192xf32, #tpu.memory_space<hbm>>
      %dma_wait3A_1154 = arith.constant 0 : i32
      %dma_wait3A_1155 = tpu.memref_slice %arg2[%add3A_0, %dma_wait3A_1154] : memref<32x8192xf32, #tpu.memory_space<hbm>> -> memref<1x8192xf32, #tpu.memory_space<hbm>>
      %dma_wait3A_1156 = tpu.memref_squeeze %dma_wait3A_1155 : memref<1x8192xf32, #tpu.memory_space<hbm>> -> memref<8192xf32, #tpu.memory_space<hbm>>
      tpu.wait_dma2 semaphore(%run_scoped3A : memref<!tpu.dma_semaphore, #tpu.memory_space<semaphore_mem>>) src(%dma_wait3A_1156 : memref<8192xf32, #tpu.memory_space<hbm>>) dst(%arg5 : memref<8192xf32, #tpu.memory_space<vmem>>)
      tpu.yield
    }) : () -> ()
    %add3A_1 = arith.constant 16 : i32
    %add3A_2 = arith.addi %add3A_1, %arg1 : i32
    "tpu.region"() ({
      %run_scoped3A = tpu.sem_alloc : memref<!tpu.dma_semaphore, #tpu.memory_space<semaphore_mem>>
      %dma_start3A = arith.constant 0 : i32
      %dma_start3A_1147 = tpu.memref_slice %arg3[%add3A_2, %dma_start3A] : memref<32x8192xf32, #tpu.memory_space<hbm>> -> memref<1x8192xf32, #tpu.memory_space<hbm>>
      %dma_start3A_1148 = tpu.memref_squeeze %dma_start3A_1147 : memref<1x8192xf32, #tpu.memory_space<hbm>> -> memref<8192xf32, #tpu.memory_space<hbm>>
      %dma_start3A_1149 = arith.constant 0 : i32
      %dma_start3A_1150 = tpu.memref_slice %arg3[%add3A_2, %dma_start3A_1149] : memref<32x8192xf32, #tpu.memory_space<hbm>> -> memref<1x8192xf32, #tpu.memory_space<hbm>>
      %dma_start3A_1151 = tpu.memref_squeeze %dma_start3A_1150 : memref<1x8192xf32, #tpu.memory_space<hbm>> -> memref<8192xf32, #tpu.memory_space<hbm>>
      tpu.enqueue_dma source(%dma_start3A_1151 : memref<8192xf32, #tpu.memory_space<hbm>>) target(%arg6 : memref<8192xf32, #tpu.memory_space<vmem>>) target_semaphore(%run_scoped3A : memref<!tpu.dma_semaphore, #tpu.memory_space<semaphore_mem>>)
      %dma_wait3A = arith.constant 0 : i32
      %dma_wait3A_1152 = tpu.memref_slice %arg3[%add3A_2, %dma_wait3A] : memref<32x8192xf32, #tpu.memory_space<hbm>> -> memref<1x8192xf32, #tpu.memory_space<hbm>>
      %dma_wait3A_1153 = tpu.memref_squeeze %dma_wait3A_1152 : memref<1x8192xf32, #tpu.memory_space<hbm>> -> memref<8192xf32, #tpu.memory_space<hbm>>
      %dma_wait3A_1154 = arith.constant 0 : i32
      %dma_wait3A_1155 = tpu.memref_slice %arg3[%add3A_2, %dma_wait3A_1154] : memref<32x8192xf32, #tpu.memory_space<hbm>> -> memref<1x8192xf32, #tpu.memory_space<hbm>>
      %dma_wait3A_1156 = tpu.memref_squeeze %dma_wait3A_1155 : memref<1x8192xf32, #tpu.memory_space<hbm>> -> memref<8192xf32, #tpu.memory_space<hbm>>
      tpu.wait_dma2 semaphore(%run_scoped3A : memref<!tpu.dma_semaphore, #tpu.memory_space<semaphore_mem>>) src(%dma_wait3A_1156 : memref<8192xf32, #tpu.memory_space<hbm>>) dst(%arg6 : memref<8192xf32, #tpu.memory_space<vmem>>)
      tpu.yield
    }) : () -> ()
    %broadcast_in_dim3A = arith.constant 0.000000e+00 : f32
    %broadcast_in_dim3A_3 = vector.broadcast %broadcast_in_dim3A : f32 to vector<16xf32>
    %broadcast_in_dim3A_4 = arith.constant -1 : i32
    %broadcast_in_dim3A_5 = vector.broadcast %broadcast_in_dim3A_4 : i32 to vector<16xi32>
    %broadcast_in_dim3A_6 = arith.constant 0 : i32
    %broadcast_in_dim3A_7 = vector.broadcast %broadcast_in_dim3A_6 : i32 to vector<16xi32>
    %parallel_loop3A = arith.constant 0 : i32
    %parallel_loop3A_8 = arith.constant 512 : i32
    %parallel_loop3A_9 = arith.constant 1 : i32
    %parallel_loop3A_10:3 = scf.for %parallel_loop3A_1147 = %parallel_loop3A to %parallel_loop3A_8 step %parallel_loop3A_9 iter_args(%parallel_loop3A_1148 = %broadcast_in_dim3A_3, %parallel_loop3A_1149 = %broadcast_in_dim3A_5, %parallel_loop3A_1150 = %broadcast_in_dim3A_7) -> (vector<16xf32>, vector<16xi32>, vector<16xi32>)  : i32 {
      %parallel_loop3A_1151 = arith.constant 16 : i32
      %parallel_loop3A_1152 = arith.muli %parallel_loop3A_1147, %parallel_loop3A_1151 : i32
      %parallel_loop3A_1153 = arith.index_cast %parallel_loop3A_1152 : i32 to index
      %parallel_loop3A_1154 = tpu.vector_load %arg5[%parallel_loop3A_1153] {strides = array<i32>} : memref<8192xf32, #tpu.memory_space<vmem>>, vector<16xf32>,
      %parallel_loop3A_1155 = vector.shape_cast %parallel_loop3A_1154 : vector<16xf32> to vector<16xf32>
      %parallel_loop3A_1156 = arith.index_cast %parallel_loop3A_1152 : i32 to index
      %parallel_loop3A_1157 = tpu.vector_load %arg6[%parallel_loop3A_1156] {strides = array<i32>} : memref<8192xf32, #tpu.memory_space<vmem>>, vector<16xf32>,
      %parallel_loop3A_1158 = vector.shape_cast %parallel_loop3A_1157 : vector<16xf32> to vector<16xf32>
      %parallel_loop3A_1159 = arith.addf %parallel_loop3A_1155, %parallel_loop3A_1158 : vector<16xf32>
      %parallel_loop3A_1160 = tpu.bitcast %parallel_loop3A_1159 : vector<16xf32> -> vector<16xi32>
      %parallel_loop3A_1161 = arith.constant -2147483648 : i32
      %parallel_loop3A_1162 = vector.broadcast %parallel_loop3A_1161 : i32 to vector<16xi32>
      %parallel_loop3A_1163 = arith.cmpi uge, %parallel_loop3A_1160, %parallel_loop3A_1162 : vector<16xi32>
      %parallel_loop3A_1164 = arith.constant dense<-1> : vector<16xi32>
      %parallel_loop3A_1165 = arith.xori %parallel_loop3A_1160, %parallel_loop3A_1164 : vector<16xi32>
      %parallel_loop3A_1166 = arith.constant -2147483648 : i32
      %parallel_loop3A_1167 = vector.broadcast %parallel_loop3A_1166 : i32 to vector<16xi32>
      %parallel_loop3A_1168 = arith.ori %parallel_loop3A_1160, %parallel_loop3A_1167 : vector<16xi32>
      %parallel_loop3A_1169 = arith.select %parallel_loop3A_1163, %parallel_loop3A_1165, %parallel_loop3A_1168 : vector<16xi1>, vector<16xi32>
      %parallel_loop3A_1170 = arith.index_cast %parallel_loop3A_1152 : i32 to index
      %parallel_loop3A_1171 = tpu.vector_load %arg7[%parallel_loop3A_1170] {strides = array<i32>} : memref<8192xi32, #tpu.memory_space<vmem>>, vector<16xi32>,
      %parallel_loop3A_1172 = vector.shape_cast %parallel_loop3A_1171 : vector<16xi32> to vector<16xi32>
      %parallel_loop3A_1173 = vector.shape_cast %parallel_loop3A_1169 : vector<16xi32> to vector<16xi32>
      tpu.vector_store %arg7[%parallel_loop3A_1170], %parallel_loop3A_1173 {strides = array<i32>} : memref<8192xi32, #tpu.memory_space<vmem>>, vector<16xi32>,
      %parallel_loop3A_1174 = arith.addf %parallel_loop3A_1148, %parallel_loop3A_1159 : vector<16xf32>
      %parallel_loop3A_1175 = arith.minui %parallel_loop3A_1149, %parallel_loop3A_1169 : vector<16xi32>
      %parallel_loop3A_1176 = arith.maxui %parallel_loop3A_1150, %parallel_loop3A_1169 : vector<16xi32>
      scf.yield %parallel_loop3A_1174, %parallel_loop3A_1175, %parallel_loop3A_1176 : vector<16xf32>, vector<16xi32>, vector<16xi32>
    } {sc.loop_unroll_factor = 8 : i64, sc.parallel_access}
    %iota3A = tpu.iota {dimensions = array<i32: 0>} : vector<16xi32>
    %add3A_11 = arith.constant 1 : i32
    %add3A_12 = vector.broadcast %add3A_11 : i32 to vector<16xi32>
    %add3A_13 = arith.addi %iota3A, %add3A_12 : vector<16xi32>
    %jit3A = arith.constant 16 : i32
    %eq3A = arith.constant 0 : i32
    %eq3A_14 = arith.cmpi eq, %jit3A, %eq3A : i32
    %jit3A_15 = arith.constant 1 : i32
    %select_n3A = arith.select %eq3A_14, %jit3A_15, %jit3A : i32
    %rem3A = vector.broadcast %select_n3A : i32 to vector<16xi32>
    %rem3A_16 = arith.remsi %add3A_13, %rem3A : vector<16xi32>
    %ne3A = arith.constant 0 : i32
    %ne3A_17 = vector.broadcast %ne3A : i32 to vector<16xi32>
    %ne3A_18 = arith.cmpi ne, %rem3A_16, %ne3A_17 : vector<16xi32>
    %lt3A = arith.constant 0 : i32
    %lt3A_19 = vector.broadcast %lt3A : i32 to vector<16xi32>
    %lt3A_20 = arith.cmpi slt, %rem3A_16, %lt3A_19 : vector<16xi32>
    %lt3A_21 = arith.constant 0 : i32
    %lt3A_22 = arith.cmpi slt, %select_n3A, %lt3A_21 : i32
    %ne3A_23 = vector.broadcast %lt3A_22 : i1 to vector<16xi1>
    %ne3A_24 = vector.broadcast %ne3A_23 : vector<16xi1> to vector<16xi1>
    %ne3A_25 = arith.xori %lt3A_20, %ne3A_24 : vector<16xi1>
    %and3A = arith.andi %ne3A_25, %ne3A_18 : vector<16xi1>
    %add3A_26 = vector.broadcast %select_n3A : i32 to vector<16xi32>
    %add3A_27 = arith.addi %rem3A_16, %add3A_26 : vector<16xi32>
    %select_n3A_28 = arith.select %and3A, %add3A_27, %rem3A_16 : vector<16xi1>, vector<16xi32>
    %lt3A_29 = arith.constant 0 : i32
    %lt3A_30 = vector.broadcast %lt3A_29 : i32 to vector<16xi32>
    %lt3A_31 = arith.cmpi slt, %select_n3A_28, %lt3A_30 : vector<16xi32>
    %add3A_32 = arith.constant 16 : i32
    %add3A_33 = vector.broadcast %add3A_32 : i32 to vector<16xi32>
    %add3A_34 = arith.addi %select_n3A_28, %add3A_33 : vector<16xi32>
    %select_n3A_35 = arith.select %lt3A_31, %add3A_34, %select_n3A_28 : vector<16xi1>, vector<16xi32>
    %broadcast_in_dim3A_36 = vector.shape_cast %select_n3A_35 : vector<16xi32> to vector<16x1xi32>
    %gather3A = vector.shape_cast %broadcast_in_dim3A_36 : vector<16x1xi32> to vector<16xi32>
    %gather3A_37 = tpu.dynamic_gather %parallel_loop3A_10#0[%gather3A] in [0] : vector<16xf32>, vector<16xi32> -> vector<16xf32>
    %add3A_38 = arith.addf %parallel_loop3A_10#0, %gather3A_37 : vector<16xf32>
    %add3A_39 = arith.constant 2 : i32
    %add3A_40 = vector.broadcast %add3A_39 : i32 to vector<16xi32>
    %add3A_41 = arith.addi %iota3A, %add3A_40 : vector<16xi32>
    %jit3A_42 = arith.constant 16 : i32
    %eq3A_43 = arith.constant 0 : i32
    %eq3A_44 = arith.cmpi eq, %jit3A_42, %eq3A_43 : i32
    %jit3A_45 = arith.constant 1 : i32
    %select_n3A_46 = arith.select %eq3A_44, %jit3A_45, %jit3A_42 : i32
    %rem3A_47 = vector.broadcast %select_n3A_46 : i32 to vector<16xi32>
    %rem3A_48 = arith.remsi %add3A_41, %rem3A_47 : vector<16xi32>
    %ne3A_49 = arith.constant 0 : i32
    %ne3A_50 = vector.broadcast %ne3A_49 : i32 to vector<16xi32>
    %ne3A_51 = arith.cmpi ne, %rem3A_48, %ne3A_50 : vector<16xi32>
    %lt3A_52 = arith.constant 0 : i32
    %lt3A_53 = vector.broadcast %lt3A_52 : i32 to vector<16xi32>
    %lt3A_54 = arith.cmpi slt, %rem3A_48, %lt3A_53 : vector<16xi32>
    %lt3A_55 = arith.constant 0 : i32
    %lt3A_56 = arith.cmpi slt, %select_n3A_46, %lt3A_55 : i32
    %ne3A_57 = vector.broadcast %lt3A_56 : i1 to vector<16xi1>
    %ne3A_58 = vector.broadcast %ne3A_57 : vector<16xi1> to vector<16xi1>
    %ne3A_59 = arith.xori %lt3A_54, %ne3A_58 : vector<16xi1>
    %and3A_60 = arith.andi %ne3A_59, %ne3A_51 : vector<16xi1>
    %add3A_61 = vector.broadcast %select_n3A_46 : i32 to vector<16xi32>
    %add3A_62 = arith.addi %rem3A_48, %add3A_61 : vector<16xi32>
    %select_n3A_63 = arith.select %and3A_60, %add3A_62, %rem3A_48 : vector<16xi1>, vector<16xi32>
    %lt3A_64 = arith.constant 0 : i32
    %lt3A_65 = vector.broadcast %lt3A_64 : i32 to vector<16xi32>
    %lt3A_66 = arith.cmpi slt, %select_n3A_63, %lt3A_65 : vector<16xi32>
    %add3A_67 = arith.constant 16 : i32
    %add3A_68 = vector.broadcast %add3A_67 : i32 to vector<16xi32>
    %add3A_69 = arith.addi %select_n3A_63, %add3A_68 : vector<16xi32>
    %select_n3A_70 = arith.select %lt3A_66, %add3A_69, %select_n3A_63 : vector<16xi1>, vector<16xi32>
    %broadcast_in_dim3A_71 = vector.shape_cast %select_n3A_70 : vector<16xi32> to vector<16x1xi32>
    %gather3A_72 = vector.shape_cast %broadcast_in_dim3A_71 : vector<16x1xi32> to vector<16xi32>
    %gather3A_73 = tpu.dynamic_gather %add3A_38[%gather3A_72] in [0] : vector<16xf32>, vector<16xi32> -> vector<16xf32>
    %add3A_74 = arith.addf %add3A_38, %gather3A_73 : vector<16xf32>
    %add3A_75 = arith.constant 4 : i32
    %add3A_76 = vector.broadcast %add3A_75 : i32 to vector<16xi32>
    %add3A_77 = arith.addi %iota3A, %add3A_76 : vector<16xi32>
    %jit3A_78 = arith.constant 16 : i32
    %eq3A_79 = arith.constant 0 : i32
    %eq3A_80 = arith.cmpi eq, %jit3A_78, %eq3A_79 : i32
    %jit3A_81 = arith.constant 1 : i32
    %select_n3A_82 = arith.select %eq3A_80, %jit3A_81, %jit3A_78 : i32
    %rem3A_83 = vector.broadcast %select_n3A_82 : i32 to vector<16xi32>
    %rem3A_84 = arith.remsi %add3A_77, %rem3A_83 : vector<16xi32>
    %ne3A_85 = arith.constant 0 : i32
    %ne3A_86 = vector.broadcast %ne3A_85 : i32 to vector<16xi32>
    %ne3A_87 = arith.cmpi ne, %rem3A_84, %ne3A_86 : vector<16xi32>
    %lt3A_88 = arith.constant 0 : i32
    %lt3A_89 = vector.broadcast %lt3A_88 : i32 to vector<16xi32>
    %lt3A_90 = arith.cmpi slt, %rem3A_84, %lt3A_89 : vector<16xi32>
    %lt3A_91 = arith.constant 0 : i32
    %lt3A_92 = arith.cmpi slt, %select_n3A_82, %lt3A_91 : i32
    %ne3A_93 = vector.broadcast %lt3A_92 : i1 to vector<16xi1>
    %ne3A_94 = vector.broadcast %ne3A_93 : vector<16xi1> to vector<16xi1>
    %ne3A_95 = arith.xori %lt3A_90, %ne3A_94 : vector<16xi1>
    %and3A_96 = arith.andi %ne3A_95, %ne3A_87 : vector<16xi1>
    %add3A_97 = vector.broadcast %select_n3A_82 : i32 to vector<16xi32>
    %add3A_98 = arith.addi %rem3A_84, %add3A_97 : vector<16xi32>
    %select_n3A_99 = arith.select %and3A_96, %add3A_98, %rem3A_84 : vector<16xi1>, vector<16xi32>
    %lt3A_100 = arith.constant 0 : i32
    %lt3A_101 = vector.broadcast %lt3A_100 : i32 to vector<16xi32>
    %lt3A_102 = arith.cmpi slt, %select_n3A_99, %lt3A_101 : vector<16xi32>
    %add3A_103 = arith.constant 16 : i32
    %add3A_104 = vector.broadcast %add3A_103 : i32 to vector<16xi32>
    %add3A_105 = arith.addi %select_n3A_99, %add3A_104 : vector<16xi32>
    %select_n3A_106 = arith.select %lt3A_102, %add3A_105, %select_n3A_99 : vector<16xi1>, vector<16xi32>
    %broadcast_in_dim3A_107 = vector.shape_cast %select_n3A_106 : vector<16xi32> to vector<16x1xi32>
    %gather3A_108 = vector.shape_cast %broadcast_in_dim3A_107 : vector<16x1xi32> to vector<16xi32>
    %gather3A_109 = tpu.dynamic_gather %add3A_74[%gather3A_108] in [0] : vector<16xf32>, vector<16xi32> -> vector<16xf32>
    %add3A_110 = arith.addf %add3A_74, %gather3A_109 : vector<16xf32>
    %add3A_111 = arith.constant 8 : i32
    %add3A_112 = vector.broadcast %add3A_111 : i32 to vector<16xi32>
    %add3A_113 = arith.addi %iota3A, %add3A_112 : vector<16xi32>
    %jit3A_114 = arith.constant 16 : i32
    %eq3A_115 = arith.constant 0 : i32
    %eq3A_116 = arith.cmpi eq, %jit3A_114, %eq3A_115 : i32
    %jit3A_117 = arith.constant 1 : i32
    %select_n3A_118 = arith.select %eq3A_116, %jit3A_117, %jit3A_114 : i32
    %rem3A_119 = vector.broadcast %select_n3A_118 : i32 to vector<16xi32>
    %rem3A_120 = arith.remsi %add3A_113, %rem3A_119 : vector<16xi32>
    %ne3A_121 = arith.constant 0 : i32
    %ne3A_122 = vector.broadcast %ne3A_121 : i32 to vector<16xi32>
    %ne3A_123 = arith.cmpi ne, %rem3A_120, %ne3A_122 : vector<16xi32>
    %lt3A_124 = arith.constant 0 : i32
    %lt3A_125 = vector.broadcast %lt3A_124 : i32 to vector<16xi32>
    %lt3A_126 = arith.cmpi slt, %rem3A_120, %lt3A_125 : vector<16xi32>
    %lt3A_127 = arith.constant 0 : i32
    %lt3A_128 = arith.cmpi slt, %select_n3A_118, %lt3A_127 : i32
    %ne3A_129 = vector.broadcast %lt3A_128 : i1 to vector<16xi1>
    %ne3A_130 = vector.broadcast %ne3A_129 : vector<16xi1> to vector<16xi1>
    %ne3A_131 = arith.xori %lt3A_126, %ne3A_130 : vector<16xi1>
    %and3A_132 = arith.andi %ne3A_131, %ne3A_123 : vector<16xi1>
    %add3A_133 = vector.broadcast %select_n3A_118 : i32 to vector<16xi32>
    %add3A_134 = arith.addi %rem3A_120, %add3A_133 : vector<16xi32>
    %select_n3A_135 = arith.select %and3A_132, %add3A_134, %rem3A_120 : vector<16xi1>, vector<16xi32>
    %lt3A_136 = arith.constant 0 : i32
    %lt3A_137 = vector.broadcast %lt3A_136 : i32 to vector<16xi32>
    %lt3A_138 = arith.cmpi slt, %select_n3A_135, %lt3A_137 : vector<16xi32>
    %add3A_139 = arith.constant 16 : i32
    %add3A_140 = vector.broadcast %add3A_139 : i32 to vector<16xi32>
    %add3A_141 = arith.addi %select_n3A_135, %add3A_140 : vector<16xi32>
    %select_n3A_142 = arith.select %lt3A_138, %add3A_141, %select_n3A_135 : vector<16xi1>, vector<16xi32>
    %broadcast_in_dim3A_143 = vector.shape_cast %select_n3A_142 : vector<16xi32> to vector<16x1xi32>
    %gather3A_144 = vector.shape_cast %broadcast_in_dim3A_143 : vector<16x1xi32> to vector<16xi32>
    %gather3A_145 = tpu.dynamic_gather %add3A_110[%gather3A_144] in [0] : vector<16xf32>, vector<16xi32> -> vector<16xf32>
    %add3A_146 = arith.addf %add3A_110, %gather3A_145 : vector<16xf32>
    %slice3A = vector.extract_strided_slice %add3A_146 {offsets = [0], sizes = [1], strides = [1]} : vector<16xf32> to vector<1xf32>
    %squeeze3A = vector.extract %slice3A[0] : f32 from vector<1xf32>
    %mul3A = arith.constant 1.22070313E-4 : f32
    %mul3A_147 = arith.mulf %squeeze3A, %mul3A : f32
    %sub3A = arith.constant 1.242000e-01 : f32
    %sub3A_148 = arith.subf %mul3A_147, %sub3A : f32
    %iota3A_149 = tpu.iota {dimensions = array<i32: 0>} : vector<16xi32>
    %add3A_150 = arith.constant 1 : i32
    %add3A_151 = vector.broadcast %add3A_150 : i32 to vector<16xi32>
    %add3A_152 = arith.addi %iota3A_149, %add3A_151 : vector<16xi32>
    %jit3A_153 = arith.constant 16 : i32
    %eq3A_154 = arith.constant 0 : i32
    %eq3A_155 = arith.cmpi eq, %jit3A_153, %eq3A_154 : i32
    %jit3A_156 = arith.constant 1 : i32
    %select_n3A_157 = arith.select %eq3A_155, %jit3A_156, %jit3A_153 : i32
    %rem3A_158 = vector.broadcast %select_n3A_157 : i32 to vector<16xi32>
    %rem3A_159 = arith.remsi %add3A_152, %rem3A_158 : vector<16xi32>
    %ne3A_160 = arith.constant 0 : i32
    %ne3A_161 = vector.broadcast %ne3A_160 : i32 to vector<16xi32>
    %ne3A_162 = arith.cmpi ne, %rem3A_159, %ne3A_161 : vector<16xi32>
    %lt3A_163 = arith.constant 0 : i32
    %lt3A_164 = vector.broadcast %lt3A_163 : i32 to vector<16xi32>
    %lt3A_165 = arith.cmpi slt, %rem3A_159, %lt3A_164 : vector<16xi32>
    %lt3A_166 = arith.constant 0 : i32
    %lt3A_167 = arith.cmpi slt, %select_n3A_157, %lt3A_166 : i32
    %ne3A_168 = vector.broadcast %lt3A_167 : i1 to vector<16xi1>
    %ne3A_169 = vector.broadcast %ne3A_168 : vector<16xi1> to vector<16xi1>
    %ne3A_170 = arith.xori %lt3A_165, %ne3A_169 : vector<16xi1>
    %and3A_171 = arith.andi %ne3A_170, %ne3A_162 : vector<16xi1>
    %add3A_172 = vector.broadcast %select_n3A_157 : i32 to vector<16xi32>
    %add3A_173 = arith.addi %rem3A_159, %add3A_172 : vector<16xi32>
    %select_n3A_174 = arith.select %and3A_171, %add3A_173, %rem3A_159 : vector<16xi1>, vector<16xi32>
    %lt3A_175 = arith.constant 0 : i32
    %lt3A_176 = vector.broadcast %lt3A_175 : i32 to vector<16xi32>
    %lt3A_177 = arith.cmpi slt, %select_n3A_174, %lt3A_176 : vector<16xi32>
    %add3A_178 = arith.constant 16 : i32
    %add3A_179 = vector.broadcast %add3A_178 : i32 to vector<16xi32>
    %add3A_180 = arith.addi %select_n3A_174, %add3A_179 : vector<16xi32>
    %select_n3A_181 = arith.select %lt3A_177, %add3A_180, %select_n3A_174 : vector<16xi1>, vector<16xi32>
    %broadcast_in_dim3A_182 = vector.shape_cast %select_n3A_181 : vector<16xi32> to vector<16x1xi32>
    %gather3A_183 = vector.shape_cast %broadcast_in_dim3A_182 : vector<16x1xi32> to vector<16xi32>
    %gather3A_184 = tpu.dynamic_gather %parallel_loop3A_10#1[%gather3A_183] in [0] : vector<16xi32>, vector<16xi32> -> vector<16xi32>
    %min3A = arith.minui %parallel_loop3A_10#1, %gather3A_184 : vector<16xi32>
    %add3A_185 = arith.constant 2 : i32
    %add3A_186 = vector.broadcast %add3A_185 : i32 to vector<16xi32>
    %add3A_187 = arith.addi %iota3A_149, %add3A_186 : vector<16xi32>
    %jit3A_188 = arith.constant 16 : i32
    %eq3A_189 = arith.constant 0 : i32
    %eq3A_190 = arith.cmpi eq, %jit3A_188, %eq3A_189 : i32
    %jit3A_191 = arith.constant 1 : i32
    %select_n3A_192 = arith.select %eq3A_190, %jit3A_191, %jit3A_188 : i32
    %rem3A_193 = vector.broadcast %select_n3A_192 : i32 to vector<16xi32>
    %rem3A_194 = arith.remsi %add3A_187, %rem3A_193 : vector<16xi32>
    %ne3A_195 = arith.constant 0 : i32
    %ne3A_196 = vector.broadcast %ne3A_195 : i32 to vector<16xi32>
    %ne3A_197 = arith.cmpi ne, %rem3A_194, %ne3A_196 : vector<16xi32>
    %lt3A_198 = arith.constant 0 : i32
    %lt3A_199 = vector.broadcast %lt3A_198 : i32 to vector<16xi32>
    %lt3A_200 = arith.cmpi slt, %rem3A_194, %lt3A_199 : vector<16xi32>
    %lt3A_201 = arith.constant 0 : i32
    %lt3A_202 = arith.cmpi slt, %select_n3A_192, %lt3A_201 : i32
    %ne3A_203 = vector.broadcast %lt3A_202 : i1 to vector<16xi1>
    %ne3A_204 = vector.broadcast %ne3A_203 : vector<16xi1> to vector<16xi1>
    %ne3A_205 = arith.xori %lt3A_200, %ne3A_204 : vector<16xi1>
    %and3A_206 = arith.andi %ne3A_205, %ne3A_197 : vector<16xi1>
    %add3A_207 = vector.broadcast %select_n3A_192 : i32 to vector<16xi32>
    %add3A_208 = arith.addi %rem3A_194, %add3A_207 : vector<16xi32>
    %select_n3A_209 = arith.select %and3A_206, %add3A_208, %rem3A_194 : vector<16xi1>, vector<16xi32>
    %lt3A_210 = arith.constant 0 : i32
    %lt3A_211 = vector.broadcast %lt3A_210 : i32 to vector<16xi32>
    %lt3A_212 = arith.cmpi slt, %select_n3A_209, %lt3A_211 : vector<16xi32>
    %add3A_213 = arith.constant 16 : i32
    %add3A_214 = vector.broadcast %add3A_213 : i32 to vector<16xi32>
    %add3A_215 = arith.addi %select_n3A_209, %add3A_214 : vector<16xi32>
    %select_n3A_216 = arith.select %lt3A_212, %add3A_215, %select_n3A_209 : vector<16xi1>, vector<16xi32>
    %broadcast_in_dim3A_217 = vector.shape_cast %select_n3A_216 : vector<16xi32> to vector<16x1xi32>
    %gather3A_218 = vector.shape_cast %broadcast_in_dim3A_217 : vector<16x1xi32> to vector<16xi32>
    %gather3A_219 = tpu.dynamic_gather %min3A[%gather3A_218] in [0] : vector<16xi32>, vector<16xi32> -> vector<16xi32>
    %min3A_220 = arith.minui %min3A, %gather3A_219 : vector<16xi32>
    %add3A_221 = arith.constant 4 : i32
    %add3A_222 = vector.broadcast %add3A_221 : i32 to vector<16xi32>
    %add3A_223 = arith.addi %iota3A_149, %add3A_222 : vector<16xi32>
    %jit3A_224 = arith.constant 16 : i32
    %eq3A_225 = arith.constant 0 : i32
    %eq3A_226 = arith.cmpi eq, %jit3A_224, %eq3A_225 : i32
    %jit3A_227 = arith.constant 1 : i32
    %select_n3A_228 = arith.select %eq3A_226, %jit3A_227, %jit3A_224 : i32
    %rem3A_229 = vector.broadcast %select_n3A_228 : i32 to vector<16xi32>
    %rem3A_230 = arith.remsi %add3A_223, %rem3A_229 : vector<16xi32>
    %ne3A_231 = arith.constant 0 : i32
    %ne3A_232 = vector.broadcast %ne3A_231 : i32 to vector<16xi32>
    %ne3A_233 = arith.cmpi ne, %rem3A_230, %ne3A_232 : vector<16xi32>
    %lt3A_234 = arith.constant 0 : i32
    %lt3A_235 = vector.broadcast %lt3A_234 : i32 to vector<16xi32>
    %lt3A_236 = arith.cmpi slt, %rem3A_230, %lt3A_235 : vector<16xi32>
    %lt3A_237 = arith.constant 0 : i32
    %lt3A_238 = arith.cmpi slt, %select_n3A_228, %lt3A_237 : i32
    %ne3A_239 = vector.broadcast %lt3A_238 : i1 to vector<16xi1>
    %ne3A_240 = vector.broadcast %ne3A_239 : vector<16xi1> to vector<16xi1>
    %ne3A_241 = arith.xori %lt3A_236, %ne3A_240 : vector<16xi1>
    %and3A_242 = arith.andi %ne3A_241, %ne3A_233 : vector<16xi1>
    %add3A_243 = vector.broadcast %select_n3A_228 : i32 to vector<16xi32>
    %add3A_244 = arith.addi %rem3A_230, %add3A_243 : vector<16xi32>
    %select_n3A_245 = arith.select %and3A_242, %add3A_244, %rem3A_230 : vector<16xi1>, vector<16xi32>
    %lt3A_246 = arith.constant 0 : i32
    %lt3A_247 = vector.broadcast %lt3A_246 : i32 to vector<16xi32>
    %lt3A_248 = arith.cmpi slt, %select_n3A_245, %lt3A_247 : vector<16xi32>
    %add3A_249 = arith.constant 16 : i32
    %add3A_250 = vector.broadcast %add3A_249 : i32 to vector<16xi32>
    %add3A_251 = arith.addi %select_n3A_245, %add3A_250 : vector<16xi32>
    %select_n3A_252 = arith.select %lt3A_248, %add3A_251, %select_n3A_245 : vector<16xi1>, vector<16xi32>
    %broadcast_in_dim3A_253 = vector.shape_cast %select_n3A_252 : vector<16xi32> to vector<16x1xi32>
    %gather3A_254 = vector.shape_cast %broadcast_in_dim3A_253 : vector<16x1xi32> to vector<16xi32>
    %gather3A_255 = tpu.dynamic_gather %min3A_220[%gather3A_254] in [0] : vector<16xi32>, vector<16xi32> -> vector<16xi32>
    %min3A_256 = arith.minui %min3A_220, %gather3A_255 : vector<16xi32>
    %add3A_257 = arith.constant 8 : i32
    %add3A_258 = vector.broadcast %add3A_257 : i32 to vector<16xi32>
    %add3A_259 = arith.addi %iota3A_149, %add3A_258 : vector<16xi32>
    %jit3A_260 = arith.constant 16 : i32
    %eq3A_261 = arith.constant 0 : i32
    %eq3A_262 = arith.cmpi eq, %jit3A_260, %eq3A_261 : i32
    %jit3A_263 = arith.constant 1 : i32
    %select_n3A_264 = arith.select %eq3A_262, %jit3A_263, %jit3A_260 : i32
    %rem3A_265 = vector.broadcast %select_n3A_264 : i32 to vector<16xi32>
    %rem3A_266 = arith.remsi %add3A_259, %rem3A_265 : vector<16xi32>
    %ne3A_267 = arith.constant 0 : i32
    %ne3A_268 = vector.broadcast %ne3A_267 : i32 to vector<16xi32>
    %ne3A_269 = arith.cmpi ne, %rem3A_266, %ne3A_268 : vector<16xi32>
    %lt3A_270 = arith.constant 0 : i32
    %lt3A_271 = vector.broadcast %lt3A_270 : i32 to vector<16xi32>
    %lt3A_272 = arith.cmpi slt, %rem3A_266, %lt3A_271 : vector<16xi32>
    %lt3A_273 = arith.constant 0 : i32
    %lt3A_274 = arith.cmpi slt, %select_n3A_264, %lt3A_273 : i32
    %ne3A_275 = vector.broadcast %lt3A_274 : i1 to vector<16xi1>
    %ne3A_276 = vector.broadcast %ne3A_275 : vector<16xi1> to vector<16xi1>
    %ne3A_277 = arith.xori %lt3A_272, %ne3A_276 : vector<16xi1>
    %and3A_278 = arith.andi %ne3A_277, %ne3A_269 : vector<16xi1>
    %add3A_279 = vector.broadcast %select_n3A_264 : i32 to vector<16xi32>
    %add3A_280 = arith.addi %rem3A_266, %add3A_279 : vector<16xi32>
    %select_n3A_281 = arith.select %and3A_278, %add3A_280, %rem3A_266 : vector<16xi1>, vector<16xi32>
    %lt3A_282 = arith.constant 0 : i32
    %lt3A_283 = vector.broadcast %lt3A_282 : i32 to vector<16xi32>
    %lt3A_284 = arith.cmpi slt, %select_n3A_281, %lt3A_283 : vector<16xi32>
    %add3A_285 = arith.constant 16 : i32
    %add3A_286 = vector.broadcast %add3A_285 : i32 to vector<16xi32>
    %add3A_287 = arith.addi %select_n3A_281, %add3A_286 : vector<16xi32>
    %select_n3A_288 = arith.select %lt3A_284, %add3A_287, %select_n3A_281 : vector<16xi1>, vector<16xi32>
    %broadcast_in_dim3A_289 = vector.shape_cast %select_n3A_288 : vector<16xi32> to vector<16x1xi32>
    %gather3A_290 = vector.shape_cast %broadcast_in_dim3A_289 : vector<16x1xi32> to vector<16xi32>
    %gather3A_291 = tpu.dynamic_gather %min3A_256[%gather3A_290] in [0] : vector<16xi32>, vector<16xi32> -> vector<16xi32>
    %min3A_292 = arith.minui %min3A_256, %gather3A_291 : vector<16xi32>
    %slice3A_293 = vector.extract_strided_slice %min3A_292 {offsets = [0], sizes = [1], strides = [1]} : vector<16xi32> to vector<1xi32>
    %squeeze3A_294 = vector.extract %slice3A_293[0] : i32 from vector<1xi32>
    %iota3A_295 = tpu.iota {dimensions = array<i32: 0>} : vector<16xi32>
    %add3A_296 = arith.constant 1 : i32
    %add3A_297 = vector.broadcast %add3A_296 : i32 to vector<16xi32>
    %add3A_298 = arith.addi %iota3A_295, %add3A_297 : vector<16xi32>
    %jit3A_299 = arith.constant 16 : i32
    %eq3A_300 = arith.constant 0 : i32
    %eq3A_301 = arith.cmpi eq, %jit3A_299, %eq3A_300 : i32
    %jit3A_302 = arith.constant 1 : i32
    %select_n3A_303 = arith.select %eq3A_301, %jit3A_302, %jit3A_299 : i32
    %rem3A_304 = vector.broadcast %select_n3A_303 : i32 to vector<16xi32>
    %rem3A_305 = arith.remsi %add3A_298, %rem3A_304 : vector<16xi32>
    %ne3A_306 = arith.constant 0 : i32
    %ne3A_307 = vector.broadcast %ne3A_306 : i32 to vector<16xi32>
    %ne3A_308 = arith.cmpi ne, %rem3A_305, %ne3A_307 : vector<16xi32>
    %lt3A_309 = arith.constant 0 : i32
    %lt3A_310 = vector.broadcast %lt3A_309 : i32 to vector<16xi32>
    %lt3A_311 = arith.cmpi slt, %rem3A_305, %lt3A_310 : vector<16xi32>
    %lt3A_312 = arith.constant 0 : i32
    %lt3A_313 = arith.cmpi slt, %select_n3A_303, %lt3A_312 : i32
    %ne3A_314 = vector.broadcast %lt3A_313 : i1 to vector<16xi1>
    %ne3A_315 = vector.broadcast %ne3A_314 : vector<16xi1> to vector<16xi1>
    %ne3A_316 = arith.xori %lt3A_311, %ne3A_315 : vector<16xi1>
    %and3A_317 = arith.andi %ne3A_316, %ne3A_308 : vector<16xi1>
    %add3A_318 = vector.broadcast %select_n3A_303 : i32 to vector<16xi32>
    %add3A_319 = arith.addi %rem3A_305, %add3A_318 : vector<16xi32>
    %select_n3A_320 = arith.select %and3A_317, %add3A_319, %rem3A_305 : vector<16xi1>, vector<16xi32>
    %lt3A_321 = arith.constant 0 : i32
    %lt3A_322 = vector.broadcast %lt3A_321 : i32 to vector<16xi32>
    %lt3A_323 = arith.cmpi slt, %select_n3A_320, %lt3A_322 : vector<16xi32>
    %add3A_324 = arith.constant 16 : i32
    %add3A_325 = vector.broadcast %add3A_324 : i32 to vector<16xi32>
    %add3A_326 = arith.addi %select_n3A_320, %add3A_325 : vector<16xi32>
    %select_n3A_327 = arith.select %lt3A_323, %add3A_326, %select_n3A_320 : vector<16xi1>, vector<16xi32>
    %broadcast_in_dim3A_328 = vector.shape_cast %select_n3A_327 : vector<16xi32> to vector<16x1xi32>
    %gather3A_329 = vector.shape_cast %broadcast_in_dim3A_328 : vector<16x1xi32> to vector<16xi32>
    %gather3A_330 = tpu.dynamic_gather %parallel_loop3A_10#2[%gather3A_329] in [0] : vector<16xi32>, vector<16xi32> -> vector<16xi32>
    %max3A = arith.maxui %parallel_loop3A_10#2, %gather3A_330 : vector<16xi32>
    %add3A_331 = arith.constant 2 : i32
    %add3A_332 = vector.broadcast %add3A_331 : i32 to vector<16xi32>
    %add3A_333 = arith.addi %iota3A_295, %add3A_332 : vector<16xi32>
    %jit3A_334 = arith.constant 16 : i32
    %eq3A_335 = arith.constant 0 : i32
    %eq3A_336 = arith.cmpi eq, %jit3A_334, %eq3A_335 : i32
    %jit3A_337 = arith.constant 1 : i32
    %select_n3A_338 = arith.select %eq3A_336, %jit3A_337, %jit3A_334 : i32
    %rem3A_339 = vector.broadcast %select_n3A_338 : i32 to vector<16xi32>
    %rem3A_340 = arith.remsi %add3A_333, %rem3A_339 : vector<16xi32>
    %ne3A_341 = arith.constant 0 : i32
    %ne3A_342 = vector.broadcast %ne3A_341 : i32 to vector<16xi32>
    %ne3A_343 = arith.cmpi ne, %rem3A_340, %ne3A_342 : vector<16xi32>
    %lt3A_344 = arith.constant 0 : i32
    %lt3A_345 = vector.broadcast %lt3A_344 : i32 to vector<16xi32>
    %lt3A_346 = arith.cmpi slt, %rem3A_340, %lt3A_345 : vector<16xi32>
    %lt3A_347 = arith.constant 0 : i32
    %lt3A_348 = arith.cmpi slt, %select_n3A_338, %lt3A_347 : i32
    %ne3A_349 = vector.broadcast %lt3A_348 : i1 to vector<16xi1>
    %ne3A_350 = vector.broadcast %ne3A_349 : vector<16xi1> to vector<16xi1>
    %ne3A_351 = arith.xori %lt3A_346, %ne3A_350 : vector<16xi1>
    %and3A_352 = arith.andi %ne3A_351, %ne3A_343 : vector<16xi1>
    %add3A_353 = vector.broadcast %select_n3A_338 : i32 to vector<16xi32>
    %add3A_354 = arith.addi %rem3A_340, %add3A_353 : vector<16xi32>
    %select_n3A_355 = arith.select %and3A_352, %add3A_354, %rem3A_340 : vector<16xi1>, vector<16xi32>
    %lt3A_356 = arith.constant 0 : i32
    %lt3A_357 = vector.broadcast %lt3A_356 : i32 to vector<16xi32>
    %lt3A_358 = arith.cmpi slt, %select_n3A_355, %lt3A_357 : vector<16xi32>
    %add3A_359 = arith.constant 16 : i32
    %add3A_360 = vector.broadcast %add3A_359 : i32 to vector<16xi32>
    %add3A_361 = arith.addi %select_n3A_355, %add3A_360 : vector<16xi32>
    %select_n3A_362 = arith.select %lt3A_358, %add3A_361, %select_n3A_355 : vector<16xi1>, vector<16xi32>
    %broadcast_in_dim3A_363 = vector.shape_cast %select_n3A_362 : vector<16xi32> to vector<16x1xi32>
    %gather3A_364 = vector.shape_cast %broadcast_in_dim3A_363 : vector<16x1xi32> to vector<16xi32>
    %gather3A_365 = tpu.dynamic_gather %max3A[%gather3A_364] in [0] : vector<16xi32>, vector<16xi32> -> vector<16xi32>
    %max3A_366 = arith.maxui %max3A, %gather3A_365 : vector<16xi32>
    %add3A_367 = arith.constant 4 : i32
    %add3A_368 = vector.broadcast %add3A_367 : i32 to vector<16xi32>
    %add3A_369 = arith.addi %iota3A_295, %add3A_368 : vector<16xi32>
    %jit3A_370 = arith.constant 16 : i32
    %eq3A_371 = arith.constant 0 : i32
    %eq3A_372 = arith.cmpi eq, %jit3A_370, %eq3A_371 : i32
    %jit3A_373 = arith.constant 1 : i32
    %select_n3A_374 = arith.select %eq3A_372, %jit3A_373, %jit3A_370 : i32
    %rem3A_375 = vector.broadcast %select_n3A_374 : i32 to vector<16xi32>
    %rem3A_376 = arith.remsi %add3A_369, %rem3A_375 : vector<16xi32>
    %ne3A_377 = arith.constant 0 : i32
    %ne3A_378 = vector.broadcast %ne3A_377 : i32 to vector<16xi32>
    %ne3A_379 = arith.cmpi ne, %rem3A_376, %ne3A_378 : vector<16xi32>
    %lt3A_380 = arith.constant 0 : i32
    %lt3A_381 = vector.broadcast %lt3A_380 : i32 to vector<16xi32>
    %lt3A_382 = arith.cmpi slt, %rem3A_376, %lt3A_381 : vector<16xi32>
    %lt3A_383 = arith.constant 0 : i32
    %lt3A_384 = arith.cmpi slt, %select_n3A_374, %lt3A_383 : i32
    %ne3A_385 = vector.broadcast %lt3A_384 : i1 to vector<16xi1>
    %ne3A_386 = vector.broadcast %ne3A_385 : vector<16xi1> to vector<16xi1>
    %ne3A_387 = arith.xori %lt3A_382, %ne3A_386 : vector<16xi1>
    %and3A_388 = arith.andi %ne3A_387, %ne3A_379 : vector<16xi1>
    %add3A_389 = vector.broadcast %select_n3A_374 : i32 to vector<16xi32>
    %add3A_390 = arith.addi %rem3A_376, %add3A_389 : vector<16xi32>
    %select_n3A_391 = arith.select %and3A_388, %add3A_390, %rem3A_376 : vector<16xi1>, vector<16xi32>
    %lt3A_392 = arith.constant 0 : i32
    %lt3A_393 = vector.broadcast %lt3A_392 : i32 to vector<16xi32>
    %lt3A_394 = arith.cmpi slt, %select_n3A_391, %lt3A_393 : vector<16xi32>
    %add3A_395 = arith.constant 16 : i32
    %add3A_396 = vector.broadcast %add3A_395 : i32 to vector<16xi32>
    %add3A_397 = arith.addi %select_n3A_391, %add3A_396 : vector<16xi32>
    %select_n3A_398 = arith.select %lt3A_394, %add3A_397, %select_n3A_391 : vector<16xi1>, vector<16xi32>
    %broadcast_in_dim3A_399 = vector.shape_cast %select_n3A_398 : vector<16xi32> to vector<16x1xi32>
    %gather3A_400 = vector.shape_cast %broadcast_in_dim3A_399 : vector<16x1xi32> to vector<16xi32>
    %gather3A_401 = tpu.dynamic_gather %max3A_366[%gather3A_400] in [0] : vector<16xi32>, vector<16xi32> -> vector<16xi32>
    %max3A_402 = arith.maxui %max3A_366, %gather3A_401 : vector<16xi32>
    %add3A_403 = arith.constant 8 : i32
    %add3A_404 = vector.broadcast %add3A_403 : i32 to vector<16xi32>
    %add3A_405 = arith.addi %iota3A_295, %add3A_404 : vector<16xi32>
    %jit3A_406 = arith.constant 16 : i32
    %eq3A_407 = arith.constant 0 : i32
    %eq3A_408 = arith.cmpi eq, %jit3A_406, %eq3A_407 : i32
    %jit3A_409 = arith.constant 1 : i32
    %select_n3A_410 = arith.select %eq3A_408, %jit3A_409, %jit3A_406 : i32
    %rem3A_411 = vector.broadcast %select_n3A_410 : i32 to vector<16xi32>
    %rem3A_412 = arith.remsi %add3A_405, %rem3A_411 : vector<16xi32>
    %ne3A_413 = arith.constant 0 : i32
    %ne3A_414 = vector.broadcast %ne3A_413 : i32 to vector<16xi32>
    %ne3A_415 = arith.cmpi ne, %rem3A_412, %ne3A_414 : vector<16xi32>
    %lt3A_416 = arith.constant 0 : i32
    %lt3A_417 = vector.broadcast %lt3A_416 : i32 to vector<16xi32>
    %lt3A_418 = arith.cmpi slt, %rem3A_412, %lt3A_417 : vector<16xi32>
    %lt3A_419 = arith.constant 0 : i32
    %lt3A_420 = arith.cmpi slt, %select_n3A_410, %lt3A_419 : i32
    %ne3A_421 = vector.broadcast %lt3A_420 : i1 to vector<16xi1>
    %ne3A_422 = vector.broadcast %ne3A_421 : vector<16xi1> to vector<16xi1>
    %ne3A_423 = arith.xori %lt3A_418, %ne3A_422 : vector<16xi1>
    %and3A_424 = arith.andi %ne3A_423, %ne3A_415 : vector<16xi1>
    %add3A_425 = vector.broadcast %select_n3A_410 : i32 to vector<16xi32>
    %add3A_426 = arith.addi %rem3A_412, %add3A_425 : vector<16xi32>
    %select_n3A_427 = arith.select %and3A_424, %add3A_426, %rem3A_412 : vector<16xi1>, vector<16xi32>
    %lt3A_428 = arith.constant 0 : i32
    %lt3A_429 = vector.broadcast %lt3A_428 : i32 to vector<16xi32>
    %lt3A_430 = arith.cmpi slt, %select_n3A_427, %lt3A_429 : vector<16xi32>
    %add3A_431 = arith.constant 16 : i32
    %add3A_432 = vector.broadcast %add3A_431 : i32 to vector<16xi32>
    %add3A_433 = arith.addi %select_n3A_427, %add3A_432 : vector<16xi32>
    %select_n3A_434 = arith.select %lt3A_430, %add3A_433, %select_n3A_427 : vector<16xi1>, vector<16xi32>
    %broadcast_in_dim3A_435 = vector.shape_cast %select_n3A_434 : vector<16xi32> to vector<16x1xi32>
    %gather3A_436 = vector.shape_cast %broadcast_in_dim3A_435 : vector<16x1xi32> to vector<16xi32>
    %gather3A_437 = tpu.dynamic_gather %max3A_402[%gather3A_436] in [0] : vector<16xi32>, vector<16xi32> -> vector<16xi32>
    %max3A_438 = arith.maxui %max3A_402, %gather3A_437 : vector<16xi32>
    %slice3A_439 = vector.extract_strided_slice %max3A_438 {offsets = [0], sizes = [1], strides = [1]} : vector<16xi32> to vector<1xi32>
    %squeeze3A_440 = vector.extract %slice3A_439[0] : i32 from vector<1xi32>
    %add3A_441 = arith.constant 1 : i32
    %add3A_442 = arith.addi %squeeze3A_440, %add3A_441 : i32
    %add3A_443 = arith.constant -4.000000e-02 : f32
    %add3A_444 = arith.addf %sub3A_148, %add3A_443 : f32
    %bitcast_convert_type3A = arith.bitcast %add3A_444 : f32 to i32
    %ge3A = arith.constant -2147483648 : i32
    %ge3A_445 = arith.cmpi uge, %bitcast_convert_type3A, %ge3A : i32
    %not3A = arith.constant -1 : i32
    %not3A_446 = arith.xori %bitcast_convert_type3A, %not3A : i32
    %or3A = arith.constant -2147483648 : i32
    %or3A_447 = arith.ori %bitcast_convert_type3A, %or3A : i32
    %select_n3A_448 = arith.select %ge3A_445, %not3A_446, %or3A_447 : i32
    %add3A_449 = arith.constant 1 : i32
    %add3A_450 = arith.addi %squeeze3A_294, %add3A_449 : i32
    %max3A_451 = arith.maxui %select_n3A_448, %add3A_450 : i32
    %sub3A_452 = arith.constant 1 : i32
    %sub3A_453 = arith.subi %add3A_442, %sub3A_452 : i32
    %min3A_454 = arith.minui %max3A_451, %sub3A_453 : i32
    %add3A_455 = arith.constant 0.000000e+00 : f32
    %add3A_456 = arith.addf %sub3A_148, %add3A_455 : f32
    %bitcast_convert_type3A_457 = arith.bitcast %add3A_456 : f32 to i32
    %ge3A_458 = arith.constant -2147483648 : i32
    %ge3A_459 = arith.cmpi uge, %bitcast_convert_type3A_457, %ge3A_458 : i32
    %not3A_460 = arith.constant -1 : i32
    %not3A_461 = arith.xori %bitcast_convert_type3A_457, %not3A_460 : i32
    %or3A_462 = arith.constant -2147483648 : i32
    %or3A_463 = arith.ori %bitcast_convert_type3A_457, %or3A_462 : i32
    %select_n3A_464 = arith.select %ge3A_459, %not3A_461, %or3A_463 : i32
    %add3A_465 = arith.constant 1 : i32
    %add3A_466 = arith.addi %squeeze3A_294, %add3A_465 : i32
    %max3A_467 = arith.maxui %select_n3A_464, %add3A_466 : i32
    %sub3A_468 = arith.constant 1 : i32
    %sub3A_469 = arith.subi %add3A_442, %sub3A_468 : i32
    %min3A_470 = arith.minui %max3A_467, %sub3A_469 : i32
    %add3A_471 = arith.constant 4.000000e-02 : f32
    %add3A_472 = arith.addf %sub3A_148, %add3A_471 : f32
    %bitcast_convert_type3A_473 = arith.bitcast %add3A_472 : f32 to i32
    %ge3A_474 = arith.constant -2147483648 : i32
    %ge3A_475 = arith.cmpi uge, %bitcast_convert_type3A_473, %ge3A_474 : i32
    %not3A_476 = arith.constant -1 : i32
    %not3A_477 = arith.xori %bitcast_convert_type3A_473, %not3A_476 : i32
    %or3A_478 = arith.constant -2147483648 : i32
    %or3A_479 = arith.ori %bitcast_convert_type3A_473, %or3A_478 : i32
    %select_n3A_480 = arith.select %ge3A_475, %not3A_477, %or3A_479 : i32
    %add3A_481 = arith.constant 1 : i32
    %add3A_482 = arith.addi %squeeze3A_294, %add3A_481 : i32
    %max3A_483 = arith.maxui %select_n3A_480, %add3A_482 : i32
    %sub3A_484 = arith.constant 1 : i32
    %sub3A_485 = arith.subi %add3A_442, %sub3A_484 : i32
    %min3A_486 = arith.minui %max3A_483, %sub3A_485 : i32
    %broadcast_in_dim3A_487 = arith.constant 0 : i32
    %broadcast_in_dim3A_488 = vector.broadcast %broadcast_in_dim3A_487 : i32 to vector<16xi32>
    %broadcast_in_dim3A_489 = arith.constant 0 : i32
    %broadcast_in_dim3A_490 = vector.broadcast %broadcast_in_dim3A_489 : i32 to vector<16xi32>
    %broadcast_in_dim3A_491 = arith.constant 0 : i32
    %broadcast_in_dim3A_492 = vector.broadcast %broadcast_in_dim3A_491 : i32 to vector<16xi32>
    %parallel_loop3A_493 = arith.constant 0 : i32
    %parallel_loop3A_494 = arith.constant 512 : i32
    %parallel_loop3A_495 = arith.constant 1 : i32
    %parallel_loop3A_496:3 = scf.for %parallel_loop3A_1147 = %parallel_loop3A_493 to %parallel_loop3A_494 step %parallel_loop3A_495 iter_args(%parallel_loop3A_1148 = %broadcast_in_dim3A_488, %parallel_loop3A_1149 = %broadcast_in_dim3A_490, %parallel_loop3A_1150 = %broadcast_in_dim3A_492) -> (vector<16xi32>, vector<16xi32>, vector<16xi32>)  : i32 {
      %parallel_loop3A_1151 = arith.constant 16 : i32
      %parallel_loop3A_1152 = arith.muli %parallel_loop3A_1147, %parallel_loop3A_1151 : i32
      %parallel_loop3A_1153 = arith.index_cast %parallel_loop3A_1152 : i32 to index
      %parallel_loop3A_1154 = tpu.vector_load %arg7[%parallel_loop3A_1153] {strides = array<i32>} : memref<8192xi32, #tpu.memory_space<vmem>>, vector<16xi32>,
      %parallel_loop3A_1155 = vector.shape_cast %parallel_loop3A_1154 : vector<16xi32> to vector<16xi32>
      %parallel_loop3A_1156 = vector.broadcast %min3A_454 : i32 to vector<16xi32>
      %parallel_loop3A_1157 = arith.cmpi uge, %parallel_loop3A_1155, %parallel_loop3A_1156 : vector<16xi32>
      %parallel_loop3A_1158 = arith.constant 1 : i32
      %parallel_loop3A_1159 = arith.constant 0 : i32
      %parallel_loop3A_1160 = vector.broadcast %parallel_loop3A_1158 : i32 to vector<16xi32>
      %parallel_loop3A_1161 = vector.broadcast %parallel_loop3A_1159 : i32 to vector<16xi32>
      %parallel_loop3A_1162 = arith.select %parallel_loop3A_1157, %parallel_loop3A_1160, %parallel_loop3A_1161 : vector<16xi1>, vector<16xi32>
      %parallel_loop3A_1163 = arith.addi %parallel_loop3A_1148, %parallel_loop3A_1162 : vector<16xi32>
      %parallel_loop3A_1164 = vector.broadcast %min3A_470 : i32 to vector<16xi32>
      %parallel_loop3A_1165 = arith.cmpi uge, %parallel_loop3A_1155, %parallel_loop3A_1164 : vector<16xi32>
      %parallel_loop3A_1166 = arith.constant 1 : i32
      %parallel_loop3A_1167 = arith.constant 0 : i32
      %parallel_loop3A_1168 = vector.broadcast %parallel_loop3A_1166 : i32 to vector<16xi32>
      %parallel_loop3A_1169 = vector.broadcast %parallel_loop3A_1167 : i32 to vector<16xi32>
      %parallel_loop3A_1170 = arith.select %parallel_loop3A_1165, %parallel_loop3A_1168, %parallel_loop3A_1169 : vector<16xi1>, vector<16xi32>
      %parallel_loop3A_1171 = arith.addi %parallel_loop3A_1149, %parallel_loop3A_1170 : vector<16xi32>
      %parallel_loop3A_1172 = vector.broadcast %min3A_486 : i32 to vector<16xi32>
      %parallel_loop3A_1173 = arith.cmpi uge, %parallel_loop3A_1155, %parallel_loop3A_1172 : vector<16xi32>
      %parallel_loop3A_1174 = arith.constant 1 : i32
      %parallel_loop3A_1175 = arith.constant 0 : i32
      %parallel_loop3A_1176 = vector.broadcast %parallel_loop3A_1174 : i32 to vector<16xi32>
      %parallel_loop3A_1177 = vector.broadcast %parallel_loop3A_1175 : i32 to vector<16xi32>
      %parallel_loop3A_1178 = arith.select %parallel_loop3A_1173, %parallel_loop3A_1176, %parallel_loop3A_1177 : vector<16xi1>, vector<16xi32>
      %parallel_loop3A_1179 = arith.addi %parallel_loop3A_1150, %parallel_loop3A_1178 : vector<16xi32>
      scf.yield %parallel_loop3A_1163, %parallel_loop3A_1171, %parallel_loop3A_1179 : vector<16xi32>, vector<16xi32>, vector<16xi32>
    } {sc.loop_unroll_factor = 8 : i64, sc.parallel_access}
    %iota3A_497 = tpu.iota {dimensions = array<i32: 0>} : vector<16xi32>
    %add3A_498 = arith.constant 1 : i32
    %add3A_499 = vector.broadcast %add3A_498 : i32 to vector<16xi32>
    %add3A_500 = arith.addi %iota3A_497, %add3A_499 : vector<16xi32>
    %jit3A_501 = arith.constant 16 : i32
    %eq3A_502 = arith.constant 0 : i32
    %eq3A_503 = arith.cmpi eq, %jit3A_501, %eq3A_502 : i32
    %jit3A_504 = arith.constant 1 : i32
    %select_n3A_505 = arith.select %eq3A_503, %jit3A_504, %jit3A_501 : i32
    %rem3A_506 = vector.broadcast %select_n3A_505 : i32 to vector<16xi32>
    %rem3A_507 = arith.remsi %add3A_500, %rem3A_506 : vector<16xi32>
    %ne3A_508 = arith.constant 0 : i32
    %ne3A_509 = vector.broadcast %ne3A_508 : i32 to vector<16xi32>
    %ne3A_510 = arith.cmpi ne, %rem3A_507, %ne3A_509 : vector<16xi32>
    %lt3A_511 = arith.constant 0 : i32
    %lt3A_512 = vector.broadcast %lt3A_511 : i32 to vector<16xi32>
    %lt3A_513 = arith.cmpi slt, %rem3A_507, %lt3A_512 : vector<16xi32>
    %lt3A_514 = arith.constant 0 : i32
    %lt3A_515 = arith.cmpi slt, %select_n3A_505, %lt3A_514 : i32
    %ne3A_516 = vector.broadcast %lt3A_515 : i1 to vector<16xi1>
    %ne3A_517 = vector.broadcast %ne3A_516 : vector<16xi1> to vector<16xi1>
    %ne3A_518 = arith.xori %lt3A_513, %ne3A_517 : vector<16xi1>
    %and3A_519 = arith.andi %ne3A_518, %ne3A_510 : vector<16xi1>
    %add3A_520 = vector.broadcast %select_n3A_505 : i32 to vector<16xi32>
    %add3A_521 = arith.addi %rem3A_507, %add3A_520 : vector<16xi32>
    %select_n3A_522 = arith.select %and3A_519, %add3A_521, %rem3A_507 : vector<16xi1>, vector<16xi32>
    %lt3A_523 = arith.constant 0 : i32
    %lt3A_524 = vector.broadcast %lt3A_523 : i32 to vector<16xi32>
    %lt3A_525 = arith.cmpi slt, %select_n3A_522, %lt3A_524 : vector<16xi32>
    %add3A_526 = arith.constant 16 : i32
    %add3A_527 = vector.broadcast %add3A_526 : i32 to vector<16xi32>
    %add3A_528 = arith.addi %select_n3A_522, %add3A_527 : vector<16xi32>
    %select_n3A_529 = arith.select %lt3A_525, %add3A_528, %select_n3A_522 : vector<16xi1>, vector<16xi32>
    %broadcast_in_dim3A_530 = vector.shape_cast %select_n3A_529 : vector<16xi32> to vector<16x1xi32>
    %gather3A_531 = vector.shape_cast %broadcast_in_dim3A_530 : vector<16x1xi32> to vector<16xi32>
    %gather3A_532 = tpu.dynamic_gather %parallel_loop3A_496#0[%gather3A_531] in [0] : vector<16xi32>, vector<16xi32> -> vector<16xi32>
    %add3A_533 = arith.addi %parallel_loop3A_496#0, %gather3A_532 : vector<16xi32>
    %add3A_534 = arith.constant 2 : i32
    %add3A_535 = vector.broadcast %add3A_534 : i32 to vector<16xi32>
    %add3A_536 = arith.addi %iota3A_497, %add3A_535 : vector<16xi32>
    %jit3A_537 = arith.constant 16 : i32
    %eq3A_538 = arith.constant 0 : i32
    %eq3A_539 = arith.cmpi eq, %jit3A_537, %eq3A_538 : i32
    %jit3A_540 = arith.constant 1 : i32
    %select_n3A_541 = arith.select %eq3A_539, %jit3A_540, %jit3A_537 : i32
    %rem3A_542 = vector.broadcast %select_n3A_541 : i32 to vector<16xi32>
    %rem3A_543 = arith.remsi %add3A_536, %rem3A_542 : vector<16xi32>
    %ne3A_544 = arith.constant 0 : i32
    %ne3A_545 = vector.broadcast %ne3A_544 : i32 to vector<16xi32>
    %ne3A_546 = arith.cmpi ne, %rem3A_543, %ne3A_545 : vector<16xi32>
    %lt3A_547 = arith.constant 0 : i32
    %lt3A_548 = vector.broadcast %lt3A_547 : i32 to vector<16xi32>
    %lt3A_549 = arith.cmpi slt, %rem3A_543, %lt3A_548 : vector<16xi32>
    %lt3A_550 = arith.constant 0 : i32
    %lt3A_551 = arith.cmpi slt, %select_n3A_541, %lt3A_550 : i32
    %ne3A_552 = vector.broadcast %lt3A_551 : i1 to vector<16xi1>
    %ne3A_553 = vector.broadcast %ne3A_552 : vector<16xi1> to vector<16xi1>
    %ne3A_554 = arith.xori %lt3A_549, %ne3A_553 : vector<16xi1>
    %and3A_555 = arith.andi %ne3A_554, %ne3A_546 : vector<16xi1>
    %add3A_556 = vector.broadcast %select_n3A_541 : i32 to vector<16xi32>
    %add3A_557 = arith.addi %rem3A_543, %add3A_556 : vector<16xi32>
    %select_n3A_558 = arith.select %and3A_555, %add3A_557, %rem3A_543 : vector<16xi1>, vector<16xi32>
    %lt3A_559 = arith.constant 0 : i32
    %lt3A_560 = vector.broadcast %lt3A_559 : i32 to vector<16xi32>
    %lt3A_561 = arith.cmpi slt, %select_n3A_558, %lt3A_560 : vector<16xi32>
    %add3A_562 = arith.constant 16 : i32
    %add3A_563 = vector.broadcast %add3A_562 : i32 to vector<16xi32>
    %add3A_564 = arith.addi %select_n3A_558, %add3A_563 : vector<16xi32>
    %select_n3A_565 = arith.select %lt3A_561, %add3A_564, %select_n3A_558 : vector<16xi1>, vector<16xi32>
    %broadcast_in_dim3A_566 = vector.shape_cast %select_n3A_565 : vector<16xi32> to vector<16x1xi32>
    %gather3A_567 = vector.shape_cast %broadcast_in_dim3A_566 : vector<16x1xi32> to vector<16xi32>
    %gather3A_568 = tpu.dynamic_gather %add3A_533[%gather3A_567] in [0] : vector<16xi32>, vector<16xi32> -> vector<16xi32>
    %add3A_569 = arith.addi %add3A_533, %gather3A_568 : vector<16xi32>
    %add3A_570 = arith.constant 4 : i32
    %add3A_571 = vector.broadcast %add3A_570 : i32 to vector<16xi32>
    %add3A_572 = arith.addi %iota3A_497, %add3A_571 : vector<16xi32>
    %jit3A_573 = arith.constant 16 : i32
    %eq3A_574 = arith.constant 0 : i32
    %eq3A_575 = arith.cmpi eq, %jit3A_573, %eq3A_574 : i32
    %jit3A_576 = arith.constant 1 : i32
    %select_n3A_577 = arith.select %eq3A_575, %jit3A_576, %jit3A_573 : i32
    %rem3A_578 = vector.broadcast %select_n3A_577 : i32 to vector<16xi32>
    %rem3A_579 = arith.remsi %add3A_572, %rem3A_578 : vector<16xi32>
    %ne3A_580 = arith.constant 0 : i32
    %ne3A_581 = vector.broadcast %ne3A_580 : i32 to vector<16xi32>
    %ne3A_582 = arith.cmpi ne, %rem3A_579, %ne3A_581 : vector<16xi32>
    %lt3A_583 = arith.constant 0 : i32
    %lt3A_584 = vector.broadcast %lt3A_583 : i32 to vector<16xi32>
    %lt3A_585 = arith.cmpi slt, %rem3A_579, %lt3A_584 : vector<16xi32>
    %lt3A_586 = arith.constant 0 : i32
    %lt3A_587 = arith.cmpi slt, %select_n3A_577, %lt3A_586 : i32
    %ne3A_588 = vector.broadcast %lt3A_587 : i1 to vector<16xi1>
    %ne3A_589 = vector.broadcast %ne3A_588 : vector<16xi1> to vector<16xi1>
    %ne3A_590 = arith.xori %lt3A_585, %ne3A_589 : vector<16xi1>
    %and3A_591 = arith.andi %ne3A_590, %ne3A_582 : vector<16xi1>
    %add3A_592 = vector.broadcast %select_n3A_577 : i32 to vector<16xi32>
    %add3A_593 = arith.addi %rem3A_579, %add3A_592 : vector<16xi32>
    %select_n3A_594 = arith.select %and3A_591, %add3A_593, %rem3A_579 : vector<16xi1>, vector<16xi32>
    %lt3A_595 = arith.constant 0 : i32
    %lt3A_596 = vector.broadcast %lt3A_595 : i32 to vector<16xi32>
    %lt3A_597 = arith.cmpi slt, %select_n3A_594, %lt3A_596 : vector<16xi32>
    %add3A_598 = arith.constant 16 : i32
    %add3A_599 = vector.broadcast %add3A_598 : i32 to vector<16xi32>
    %add3A_600 = arith.addi %select_n3A_594, %add3A_599 : vector<16xi32>
    %select_n3A_601 = arith.select %lt3A_597, %add3A_600, %select_n3A_594 : vector<16xi1>, vector<16xi32>
    %broadcast_in_dim3A_602 = vector.shape_cast %select_n3A_601 : vector<16xi32> to vector<16x1xi32>
    %gather3A_603 = vector.shape_cast %broadcast_in_dim3A_602 : vector<16x1xi32> to vector<16xi32>
    %gather3A_604 = tpu.dynamic_gather %add3A_569[%gather3A_603] in [0] : vector<16xi32>, vector<16xi32> -> vector<16xi32>
    %add3A_605 = arith.addi %add3A_569, %gather3A_604 : vector<16xi32>
    %add3A_606 = arith.constant 8 : i32
    %add3A_607 = vector.broadcast %add3A_606 : i32 to vector<16xi32>
    %add3A_608 = arith.addi %iota3A_497, %add3A_607 : vector<16xi32>
    %jit3A_609 = arith.constant 16 : i32
    %eq3A_610 = arith.constant 0 : i32
    %eq3A_611 = arith.cmpi eq, %jit3A_609, %eq3A_610 : i32
    %jit3A_612 = arith.constant 1 : i32
    %select_n3A_613 = arith.select %eq3A_611, %jit3A_612, %jit3A_609 : i32
    %rem3A_614 = vector.broadcast %select_n3A_613 : i32 to vector<16xi32>
    %rem3A_615 = arith.remsi %add3A_608, %rem3A_614 : vector<16xi32>
    %ne3A_616 = arith.constant 0 : i32
    %ne3A_617 = vector.broadcast %ne3A_616 : i32 to vector<16xi32>
    %ne3A_618 = arith.cmpi ne, %rem3A_615, %ne3A_617 : vector<16xi32>
    %lt3A_619 = arith.constant 0 : i32
    %lt3A_620 = vector.broadcast %lt3A_619 : i32 to vector<16xi32>
    %lt3A_621 = arith.cmpi slt, %rem3A_615, %lt3A_620 : vector<16xi32>
    %lt3A_622 = arith.constant 0 : i32
    %lt3A_623 = arith.cmpi slt, %select_n3A_613, %lt3A_622 : i32
    %ne3A_624 = vector.broadcast %lt3A_623 : i1 to vector<16xi1>
    %ne3A_625 = vector.broadcast %ne3A_624 : vector<16xi1> to vector<16xi1>
    %ne3A_626 = arith.xori %lt3A_621, %ne3A_625 : vector<16xi1>
    %and3A_627 = arith.andi %ne3A_626, %ne3A_618 : vector<16xi1>
    %add3A_628 = vector.broadcast %select_n3A_613 : i32 to vector<16xi32>
    %add3A_629 = arith.addi %rem3A_615, %add3A_628 : vector<16xi32>
    %select_n3A_630 = arith.select %and3A_627, %add3A_629, %rem3A_615 : vector<16xi1>, vector<16xi32>
    %lt3A_631 = arith.constant 0 : i32
    %lt3A_632 = vector.broadcast %lt3A_631 : i32 to vector<16xi32>
    %lt3A_633 = arith.cmpi slt, %select_n3A_630, %lt3A_632 : vector<16xi32>
    %add3A_634 = arith.constant 16 : i32
    %add3A_635 = vector.broadcast %add3A_634 : i32 to vector<16xi32>
    %add3A_636 = arith.addi %select_n3A_630, %add3A_635 : vector<16xi32>
    %select_n3A_637 = arith.select %lt3A_633, %add3A_636, %select_n3A_630 : vector<16xi1>, vector<16xi32>
    %broadcast_in_dim3A_638 = vector.shape_cast %select_n3A_637 : vector<16xi32> to vector<16x1xi32>
    %gather3A_639 = vector.shape_cast %broadcast_in_dim3A_638 : vector<16x1xi32> to vector<16xi32>
    %gather3A_640 = tpu.dynamic_gather %add3A_605[%gather3A_639] in [0] : vector<16xi32>, vector<16xi32> -> vector<16xi32>
    %add3A_641 = arith.addi %add3A_605, %gather3A_640 : vector<16xi32>
    %slice3A_642 = vector.extract_strided_slice %add3A_641 {offsets = [0], sizes = [1], strides = [1]} : vector<16xi32> to vector<1xi32>
    %squeeze3A_643 = vector.extract %slice3A_642[0] : i32 from vector<1xi32>
    %ge3A_644 = arith.constant 4096 : i32
    %ge3A_645 = arith.cmpi sge, %squeeze3A_643, %ge3A_644 : i32
    %gt3A = arith.cmpi ugt, %min3A_454, %squeeze3A_294 : i32
    %and3A_646 = arith.andi %ge3A_645, %gt3A : i1
    %select_n3A_647 = arith.select %and3A_646, %min3A_454, %squeeze3A_294 : i32
    %jit3A_648 = arith.constant 8192 : i32
    %select_n3A_649 = arith.select %and3A_646, %squeeze3A_643, %jit3A_648 : i32
    %lt3A_650 = arith.constant 4096 : i32
    %lt3A_651 = arith.cmpi slt, %squeeze3A_643, %lt3A_650 : i32
    %lt3A_652 = arith.cmpi ult, %min3A_454, %add3A_442 : i32
    %and3A_653 = arith.andi %lt3A_651, %lt3A_652 : i1
    %select_n3A_654 = arith.select %and3A_653, %min3A_454, %add3A_442 : i32
    %jit3A_655 = arith.constant 0 : i32
    %select_n3A_656 = arith.select %and3A_653, %squeeze3A_643, %jit3A_655 : i32
    %iota3A_657 = tpu.iota {dimensions = array<i32: 0>} : vector<16xi32>
    %add3A_658 = arith.constant 1 : i32
    %add3A_659 = vector.broadcast %add3A_658 : i32 to vector<16xi32>
    %add3A_660 = arith.addi %iota3A_657, %add3A_659 : vector<16xi32>
    %jit3A_661 = arith.constant 16 : i32
    %eq3A_662 = arith.constant 0 : i32
    %eq3A_663 = arith.cmpi eq, %jit3A_661, %eq3A_662 : i32
    %jit3A_664 = arith.constant 1 : i32
    %select_n3A_665 = arith.select %eq3A_663, %jit3A_664, %jit3A_661 : i32
    %rem3A_666 = vector.broadcast %select_n3A_665 : i32 to vector<16xi32>
    %rem3A_667 = arith.remsi %add3A_660, %rem3A_666 : vector<16xi32>
    %ne3A_668 = arith.constant 0 : i32
    %ne3A_669 = vector.broadcast %ne3A_668 : i32 to vector<16xi32>
    %ne3A_670 = arith.cmpi ne, %rem3A_667, %ne3A_669 : vector<16xi32>
    %lt3A_671 = arith.constant 0 : i32
    %lt3A_672 = vector.broadcast %lt3A_671 : i32 to vector<16xi32>
    %lt3A_673 = arith.cmpi slt, %rem3A_667, %lt3A_672 : vector<16xi32>
    %lt3A_674 = arith.constant 0 : i32
    %lt3A_675 = arith.cmpi slt, %select_n3A_665, %lt3A_674 : i32
    %ne3A_676 = vector.broadcast %lt3A_675 : i1 to vector<16xi1>
    %ne3A_677 = vector.broadcast %ne3A_676 : vector<16xi1> to vector<16xi1>
    %ne3A_678 = arith.xori %lt3A_673, %ne3A_677 : vector<16xi1>
    %and3A_679 = arith.andi %ne3A_678, %ne3A_670 : vector<16xi1>
    %add3A_680 = vector.broadcast %select_n3A_665 : i32 to vector<16xi32>
    %add3A_681 = arith.addi %rem3A_667, %add3A_680 : vector<16xi32>
    %select_n3A_682 = arith.select %and3A_679, %add3A_681, %rem3A_667 : vector<16xi1>, vector<16xi32>
    %lt3A_683 = arith.constant 0 : i32
    %lt3A_684 = vector.broadcast %lt3A_683 : i32 to vector<16xi32>
    %lt3A_685 = arith.cmpi slt, %select_n3A_682, %lt3A_684 : vector<16xi32>
    %add3A_686 = arith.constant 16 : i32
    %add3A_687 = vector.broadcast %add3A_686 : i32 to vector<16xi32>
    %add3A_688 = arith.addi %select_n3A_682, %add3A_687 : vector<16xi32>
    %select_n3A_689 = arith.select %lt3A_685, %add3A_688, %select_n3A_682 : vector<16xi1>, vector<16xi32>
    %broadcast_in_dim3A_690 = vector.shape_cast %select_n3A_689 : vector<16xi32> to vector<16x1xi32>
    %gather3A_691 = vector.shape_cast %broadcast_in_dim3A_690 : vector<16x1xi32> to vector<16xi32>
    %gather3A_692 = tpu.dynamic_gather %parallel_loop3A_496#1[%gather3A_691] in [0] : vector<16xi32>, vector<16xi32> -> vector<16xi32>
    %add3A_693 = arith.addi %parallel_loop3A_496#1, %gather3A_692 : vector<16xi32>
    %add3A_694 = arith.constant 2 : i32
    %add3A_695 = vector.broadcast %add3A_694 : i32 to vector<16xi32>
    %add3A_696 = arith.addi %iota3A_657, %add3A_695 : vector<16xi32>
    %jit3A_697 = arith.constant 16 : i32
    %eq3A_698 = arith.constant 0 : i32
    %eq3A_699 = arith.cmpi eq, %jit3A_697, %eq3A_698 : i32
    %jit3A_700 = arith.constant 1 : i32
    %select_n3A_701 = arith.select %eq3A_699, %jit3A_700, %jit3A_697 : i32
    %rem3A_702 = vector.broadcast %select_n3A_701 : i32 to vector<16xi32>
    %rem3A_703 = arith.remsi %add3A_696, %rem3A_702 : vector<16xi32>
    %ne3A_704 = arith.constant 0 : i32
    %ne3A_705 = vector.broadcast %ne3A_704 : i32 to vector<16xi32>
    %ne3A_706 = arith.cmpi ne, %rem3A_703, %ne3A_705 : vector<16xi32>
    %lt3A_707 = arith.constant 0 : i32
    %lt3A_708 = vector.broadcast %lt3A_707 : i32 to vector<16xi32>
    %lt3A_709 = arith.cmpi slt, %rem3A_703, %lt3A_708 : vector<16xi32>
    %lt3A_710 = arith.constant 0 : i32
    %lt3A_711 = arith.cmpi slt, %select_n3A_701, %lt3A_710 : i32
    %ne3A_712 = vector.broadcast %lt3A_711 : i1 to vector<16xi1>
    %ne3A_713 = vector.broadcast %ne3A_712 : vector<16xi1> to vector<16xi1>
    %ne3A_714 = arith.xori %lt3A_709, %ne3A_713 : vector<16xi1>
    %and3A_715 = arith.andi %ne3A_714, %ne3A_706 : vector<16xi1>
    %add3A_716 = vector.broadcast %select_n3A_701 : i32 to vector<16xi32>
    %add3A_717 = arith.addi %rem3A_703, %add3A_716 : vector<16xi32>
    %select_n3A_718 = arith.select %and3A_715, %add3A_717, %rem3A_703 : vector<16xi1>, vector<16xi32>
    %lt3A_719 = arith.constant 0 : i32
    %lt3A_720 = vector.broadcast %lt3A_719 : i32 to vector<16xi32>
    %lt3A_721 = arith.cmpi slt, %select_n3A_718, %lt3A_720 : vector<16xi32>
    %add3A_722 = arith.constant 16 : i32
    %add3A_723 = vector.broadcast %add3A_722 : i32 to vector<16xi32>
    %add3A_724 = arith.addi %select_n3A_718, %add3A_723 : vector<16xi32>
    %select_n3A_725 = arith.select %lt3A_721, %add3A_724, %select_n3A_718 : vector<16xi1>, vector<16xi32>
    %broadcast_in_dim3A_726 = vector.shape_cast %select_n3A_725 : vector<16xi32> to vector<16x1xi32>
    %gather3A_727 = vector.shape_cast %broadcast_in_dim3A_726 : vector<16x1xi32> to vector<16xi32>
    %gather3A_728 = tpu.dynamic_gather %add3A_693[%gather3A_727] in [0] : vector<16xi32>, vector<16xi32> -> vector<16xi32>
    %add3A_729 = arith.addi %add3A_693, %gather3A_728 : vector<16xi32>
    %add3A_730 = arith.constant 4 : i32
    %add3A_731 = vector.broadcast %add3A_730 : i32 to vector<16xi32>
    %add3A_732 = arith.addi %iota3A_657, %add3A_731 : vector<16xi32>
    %jit3A_733 = arith.constant 16 : i32
    %eq3A_734 = arith.constant 0 : i32
    %eq3A_735 = arith.cmpi eq, %jit3A_733, %eq3A_734 : i32
    %jit3A_736 = arith.constant 1 : i32
    %select_n3A_737 = arith.select %eq3A_735, %jit3A_736, %jit3A_733 : i32
    %rem3A_738 = vector.broadcast %select_n3A_737 : i32 to vector<16xi32>
    %rem3A_739 = arith.remsi %add3A_732, %rem3A_738 : vector<16xi32>
    %ne3A_740 = arith.constant 0 : i32
    %ne3A_741 = vector.broadcast %ne3A_740 : i32 to vector<16xi32>
    %ne3A_742 = arith.cmpi ne, %rem3A_739, %ne3A_741 : vector<16xi32>
    %lt3A_743 = arith.constant 0 : i32
    %lt3A_744 = vector.broadcast %lt3A_743 : i32 to vector<16xi32>
    %lt3A_745 = arith.cmpi slt, %rem3A_739, %lt3A_744 : vector<16xi32>
    %lt3A_746 = arith.constant 0 : i32
    %lt3A_747 = arith.cmpi slt, %select_n3A_737, %lt3A_746 : i32
    %ne3A_748 = vector.broadcast %lt3A_747 : i1 to vector<16xi1>
    %ne3A_749 = vector.broadcast %ne3A_748 : vector<16xi1> to vector<16xi1>
    %ne3A_750 = arith.xori %lt3A_745, %ne3A_749 : vector<16xi1>
    %and3A_751 = arith.andi %ne3A_750, %ne3A_742 : vector<16xi1>
    %add3A_752 = vector.broadcast %select_n3A_737 : i32 to vector<16xi32>
    %add3A_753 = arith.addi %rem3A_739, %add3A_752 : vector<16xi32>
    %select_n3A_754 = arith.select %and3A_751, %add3A_753, %rem3A_739 : vector<16xi1>, vector<16xi32>
    %lt3A_755 = arith.constant 0 : i32
    %lt3A_756 = vector.broadcast %lt3A_755 : i32 to vector<16xi32>
    %lt3A_757 = arith.cmpi slt, %select_n3A_754, %lt3A_756 : vector<16xi32>
    %add3A_758 = arith.constant 16 : i32
    %add3A_759 = vector.broadcast %add3A_758 : i32 to vector<16xi32>
    %add3A_760 = arith.addi %select_n3A_754, %add3A_759 : vector<16xi32>
    %select_n3A_761 = arith.select %lt3A_757, %add3A_760, %select_n3A_754 : vector<16xi1>, vector<16xi32>
    %broadcast_in_dim3A_762 = vector.shape_cast %select_n3A_761 : vector<16xi32> to vector<16x1xi32>
    %gather3A_763 = vector.shape_cast %broadcast_in_dim3A_762 : vector<16x1xi32> to vector<16xi32>
    %gather3A_764 = tpu.dynamic_gather %add3A_729[%gather3A_763] in [0] : vector<16xi32>, vector<16xi32> -> vector<16xi32>
    %add3A_765 = arith.addi %add3A_729, %gather3A_764 : vector<16xi32>
    %add3A_766 = arith.constant 8 : i32
    %add3A_767 = vector.broadcast %add3A_766 : i32 to vector<16xi32>
    %add3A_768 = arith.addi %iota3A_657, %add3A_767 : vector<16xi32>
    %jit3A_769 = arith.constant 16 : i32
    %eq3A_770 = arith.constant 0 : i32
    %eq3A_771 = arith.cmpi eq, %jit3A_769, %eq3A_770 : i32
    %jit3A_772 = arith.constant 1 : i32
    %select_n3A_773 = arith.select %eq3A_771, %jit3A_772, %jit3A_769 : i32
    %rem3A_774 = vector.broadcast %select_n3A_773 : i32 to vector<16xi32>
    %rem3A_775 = arith.remsi %add3A_768, %rem3A_774 : vector<16xi32>
    %ne3A_776 = arith.constant 0 : i32
    %ne3A_777 = vector.broadcast %ne3A_776 : i32 to vector<16xi32>
    %ne3A_778 = arith.cmpi ne, %rem3A_775, %ne3A_777 : vector<16xi32>
    %lt3A_779 = arith.constant 0 : i32
    %lt3A_780 = vector.broadcast %lt3A_779 : i32 to vector<16xi32>
    %lt3A_781 = arith.cmpi slt, %rem3A_775, %lt3A_780 : vector<16xi32>
    %lt3A_782 = arith.constant 0 : i32
    %lt3A_783 = arith.cmpi slt, %select_n3A_773, %lt3A_782 : i32
    %ne3A_784 = vector.broadcast %lt3A_783 : i1 to vector<16xi1>
    %ne3A_785 = vector.broadcast %ne3A_784 : vector<16xi1> to vector<16xi1>
    %ne3A_786 = arith.xori %lt3A_781, %ne3A_785 : vector<16xi1>
    %and3A_787 = arith.andi %ne3A_786, %ne3A_778 : vector<16xi1>
    %add3A_788 = vector.broadcast %select_n3A_773 : i32 to vector<16xi32>
    %add3A_789 = arith.addi %rem3A_775, %add3A_788 : vector<16xi32>
    %select_n3A_790 = arith.select %and3A_787, %add3A_789, %rem3A_775 : vector<16xi1>, vector<16xi32>
    %lt3A_791 = arith.constant 0 : i32
    %lt3A_792 = vector.broadcast %lt3A_791 : i32 to vector<16xi32>
    %lt3A_793 = arith.cmpi slt, %select_n3A_790, %lt3A_792 : vector<16xi32>
    %add3A_794 = arith.constant 16 : i32
    %add3A_795 = vector.broadcast %add3A_794 : i32 to vector<16xi32>
    %add3A_796 = arith.addi %select_n3A_790, %add3A_795 : vector<16xi32>
    %select_n3A_797 = arith.select %lt3A_793, %add3A_796, %select_n3A_790 : vector<16xi1>, vector<16xi32>
    %broadcast_in_dim3A_798 = vector.shape_cast %select_n3A_797 : vector<16xi32> to vector<16x1xi32>
    %gather3A_799 = vector.shape_cast %broadcast_in_dim3A_798 : vector<16x1xi32> to vector<16xi32>
    %gather3A_800 = tpu.dynamic_gather %add3A_765[%gather3A_799] in [0] : vector<16xi32>, vector<16xi32> -> vector<16xi32>
    %add3A_801 = arith.addi %add3A_765, %gather3A_800 : vector<16xi32>
    %slice3A_802 = vector.extract_strided_slice %add3A_801 {offsets = [0], sizes = [1], strides = [1]} : vector<16xi32> to vector<1xi32>
    %squeeze3A_803 = vector.extract %slice3A_802[0] : i32 from vector<1xi32>
    %ge3A_804 = arith.constant 4096 : i32
    %ge3A_805 = arith.cmpi sge, %squeeze3A_803, %ge3A_804 : i32
    %gt3A_806 = arith.cmpi ugt, %min3A_470, %select_n3A_647 : i32
    %and3A_807 = arith.andi %ge3A_805, %gt3A_806 : i1
    %select_n3A_808 = arith.select %and3A_807, %min3A_470, %select_n3A_647 : i32
    %select_n3A_809 = arith.select %and3A_807, %squeeze3A_803, %select_n3A_649 : i32
    %lt3A_810 = arith.constant 4096 : i32
    %lt3A_811 = arith.cmpi slt, %squeeze3A_803, %lt3A_810 : i32
    %lt3A_812 = arith.cmpi ult, %min3A_470, %select_n3A_654 : i32
    %and3A_813 = arith.andi %lt3A_811, %lt3A_812 : i1
    %select_n3A_814 = arith.select %and3A_813, %min3A_470, %select_n3A_654 : i32
    %select_n3A_815 = arith.select %and3A_813, %squeeze3A_803, %select_n3A_656 : i32
    %iota3A_816 = tpu.iota {dimensions = array<i32: 0>} : vector<16xi32>
    %add3A_817 = arith.constant 1 : i32
    %add3A_818 = vector.broadcast %add3A_817 : i32 to vector<16xi32>
    %add3A_819 = arith.addi %iota3A_816, %add3A_818 : vector<16xi32>
    %jit3A_820 = arith.constant 16 : i32
    %eq3A_821 = arith.constant 0 : i32
    %eq3A_822 = arith.cmpi eq, %jit3A_820, %eq3A_821 : i32
    %jit3A_823 = arith.constant 1 : i32
    %select_n3A_824 = arith.select %eq3A_822, %jit3A_823, %jit3A_820 : i32
    %rem3A_825 = vector.broadcast %select_n3A_824 : i32 to vector<16xi32>
    %rem3A_826 = arith.remsi %add3A_819, %rem3A_825 : vector<16xi32>
    %ne3A_827 = arith.constant 0 : i32
    %ne3A_828 = vector.broadcast %ne3A_827 : i32 to vector<16xi32>
    %ne3A_829 = arith.cmpi ne, %rem3A_826, %ne3A_828 : vector<16xi32>
    %lt3A_830 = arith.constant 0 : i32
    %lt3A_831 = vector.broadcast %lt3A_830 : i32 to vector<16xi32>
    %lt3A_832 = arith.cmpi slt, %rem3A_826, %lt3A_831 : vector<16xi32>
    %lt3A_833 = arith.constant 0 : i32
    %lt3A_834 = arith.cmpi slt, %select_n3A_824, %lt3A_833 : i32
    %ne3A_835 = vector.broadcast %lt3A_834 : i1 to vector<16xi1>
    %ne3A_836 = vector.broadcast %ne3A_835 : vector<16xi1> to vector<16xi1>
    %ne3A_837 = arith.xori %lt3A_832, %ne3A_836 : vector<16xi1>
    %and3A_838 = arith.andi %ne3A_837, %ne3A_829 : vector<16xi1>
    %add3A_839 = vector.broadcast %select_n3A_824 : i32 to vector<16xi32>
    %add3A_840 = arith.addi %rem3A_826, %add3A_839 : vector<16xi32>
    %select_n3A_841 = arith.select %and3A_838, %add3A_840, %rem3A_826 : vector<16xi1>, vector<16xi32>
    %lt3A_842 = arith.constant 0 : i32
    %lt3A_843 = vector.broadcast %lt3A_842 : i32 to vector<16xi32>
    %lt3A_844 = arith.cmpi slt, %select_n3A_841, %lt3A_843 : vector<16xi32>
    %add3A_845 = arith.constant 16 : i32
    %add3A_846 = vector.broadcast %add3A_845 : i32 to vector<16xi32>
    %add3A_847 = arith.addi %select_n3A_841, %add3A_846 : vector<16xi32>
    %select_n3A_848 = arith.select %lt3A_844, %add3A_847, %select_n3A_841 : vector<16xi1>, vector<16xi32>
    %broadcast_in_dim3A_849 = vector.shape_cast %select_n3A_848 : vector<16xi32> to vector<16x1xi32>
    %gather3A_850 = vector.shape_cast %broadcast_in_dim3A_849 : vector<16x1xi32> to vector<16xi32>
    %gather3A_851 = tpu.dynamic_gather %parallel_loop3A_496#2[%gather3A_850] in [0] : vector<16xi32>, vector<16xi32> -> vector<16xi32>
    %add3A_852 = arith.addi %parallel_loop3A_496#2, %gather3A_851 : vector<16xi32>
    %add3A_853 = arith.constant 2 : i32
    %add3A_854 = vector.broadcast %add3A_853 : i32 to vector<16xi32>
    %add3A_855 = arith.addi %iota3A_816, %add3A_854 : vector<16xi32>
    %jit3A_856 = arith.constant 16 : i32
    %eq3A_857 = arith.constant 0 : i32
    %eq3A_858 = arith.cmpi eq, %jit3A_856, %eq3A_857 : i32
    %jit3A_859 = arith.constant 1 : i32
    %select_n3A_860 = arith.select %eq3A_858, %jit3A_859, %jit3A_856 : i32
    %rem3A_861 = vector.broadcast %select_n3A_860 : i32 to vector<16xi32>
    %rem3A_862 = arith.remsi %add3A_855, %rem3A_861 : vector<16xi32>
    %ne3A_863 = arith.constant 0 : i32
    %ne3A_864 = vector.broadcast %ne3A_863 : i32 to vector<16xi32>
    %ne3A_865 = arith.cmpi ne, %rem3A_862, %ne3A_864 : vector<16xi32>
    %lt3A_866 = arith.constant 0 : i32
    %lt3A_867 = vector.broadcast %lt3A_866 : i32 to vector<16xi32>
    %lt3A_868 = arith.cmpi slt, %rem3A_862, %lt3A_867 : vector<16xi32>
    %lt3A_869 = arith.constant 0 : i32
    %lt3A_870 = arith.cmpi slt, %select_n3A_860, %lt3A_869 : i32
    %ne3A_871 = vector.broadcast %lt3A_870 : i1 to vector<16xi1>
    %ne3A_872 = vector.broadcast %ne3A_871 : vector<16xi1> to vector<16xi1>
    %ne3A_873 = arith.xori %lt3A_868, %ne3A_872 : vector<16xi1>
    %and3A_874 = arith.andi %ne3A_873, %ne3A_865 : vector<16xi1>
    %add3A_875 = vector.broadcast %select_n3A_860 : i32 to vector<16xi32>
    %add3A_876 = arith.addi %rem3A_862, %add3A_875 : vector<16xi32>
    %select_n3A_877 = arith.select %and3A_874, %add3A_876, %rem3A_862 : vector<16xi1>, vector<16xi32>
    %lt3A_878 = arith.constant 0 : i32
    %lt3A_879 = vector.broadcast %lt3A_878 : i32 to vector<16xi32>
    %lt3A_880 = arith.cmpi slt, %select_n3A_877, %lt3A_879 : vector<16xi32>
    %add3A_881 = arith.constant 16 : i32
    %add3A_882 = vector.broadcast %add3A_881 : i32 to vector<16xi32>
    %add3A_883 = arith.addi %select_n3A_877, %add3A_882 : vector<16xi32>
    %select_n3A_884 = arith.select %lt3A_880, %add3A_883, %select_n3A_877 : vector<16xi1>, vector<16xi32>
    %broadcast_in_dim3A_885 = vector.shape_cast %select_n3A_884 : vector<16xi32> to vector<16x1xi32>
    %gather3A_886 = vector.shape_cast %broadcast_in_dim3A_885 : vector<16x1xi32> to vector<16xi32>
    %gather3A_887 = tpu.dynamic_gather %add3A_852[%gather3A_886] in [0] : vector<16xi32>, vector<16xi32> -> vector<16xi32>
    %add3A_888 = arith.addi %add3A_852, %gather3A_887 : vector<16xi32>
    %add3A_889 = arith.constant 4 : i32
    %add3A_890 = vector.broadcast %add3A_889 : i32 to vector<16xi32>
    %add3A_891 = arith.addi %iota3A_816, %add3A_890 : vector<16xi32>
    %jit3A_892 = arith.constant 16 : i32
    %eq3A_893 = arith.constant 0 : i32
    %eq3A_894 = arith.cmpi eq, %jit3A_892, %eq3A_893 : i32
    %jit3A_895 = arith.constant 1 : i32
    %select_n3A_896 = arith.select %eq3A_894, %jit3A_895, %jit3A_892 : i32
    %rem3A_897 = vector.broadcast %select_n3A_896 : i32 to vector<16xi32>
    %rem3A_898 = arith.remsi %add3A_891, %rem3A_897 : vector<16xi32>
    %ne3A_899 = arith.constant 0 : i32
    %ne3A_900 = vector.broadcast %ne3A_899 : i32 to vector<16xi32>
    %ne3A_901 = arith.cmpi ne, %rem3A_898, %ne3A_900 : vector<16xi32>
    %lt3A_902 = arith.constant 0 : i32
    %lt3A_903 = vector.broadcast %lt3A_902 : i32 to vector<16xi32>
    %lt3A_904 = arith.cmpi slt, %rem3A_898, %lt3A_903 : vector<16xi32>
    %lt3A_905 = arith.constant 0 : i32
    %lt3A_906 = arith.cmpi slt, %select_n3A_896, %lt3A_905 : i32
    %ne3A_907 = vector.broadcast %lt3A_906 : i1 to vector<16xi1>
    %ne3A_908 = vector.broadcast %ne3A_907 : vector<16xi1> to vector<16xi1>
    %ne3A_909 = arith.xori %lt3A_904, %ne3A_908 : vector<16xi1>
    %and3A_910 = arith.andi %ne3A_909, %ne3A_901 : vector<16xi1>
    %add3A_911 = vector.broadcast %select_n3A_896 : i32 to vector<16xi32>
    %add3A_912 = arith.addi %rem3A_898, %add3A_911 : vector<16xi32>
    %select_n3A_913 = arith.select %and3A_910, %add3A_912, %rem3A_898 : vector<16xi1>, vector<16xi32>
    %lt3A_914 = arith.constant 0 : i32
    %lt3A_915 = vector.broadcast %lt3A_914 : i32 to vector<16xi32>
    %lt3A_916 = arith.cmpi slt, %select_n3A_913, %lt3A_915 : vector<16xi32>
    %add3A_917 = arith.constant 16 : i32
    %add3A_918 = vector.broadcast %add3A_917 : i32 to vector<16xi32>
    %add3A_919 = arith.addi %select_n3A_913, %add3A_918 : vector<16xi32>
    %select_n3A_920 = arith.select %lt3A_916, %add3A_919, %select_n3A_913 : vector<16xi1>, vector<16xi32>
    %broadcast_in_dim3A_921 = vector.shape_cast %select_n3A_920 : vector<16xi32> to vector<16x1xi32>
    %gather3A_922 = vector.shape_cast %broadcast_in_dim3A_921 : vector<16x1xi32> to vector<16xi32>
    %gather3A_923 = tpu.dynamic_gather %add3A_888[%gather3A_922] in [0] : vector<16xi32>, vector<16xi32> -> vector<16xi32>
    %add3A_924 = arith.addi %add3A_888, %gather3A_923 : vector<16xi32>
    %add3A_925 = arith.constant 8 : i32
    %add3A_926 = vector.broadcast %add3A_925 : i32 to vector<16xi32>
    %add3A_927 = arith.addi %iota3A_816, %add3A_926 : vector<16xi32>
    %jit3A_928 = arith.constant 16 : i32
    %eq3A_929 = arith.constant 0 : i32
    %eq3A_930 = arith.cmpi eq, %jit3A_928, %eq3A_929 : i32
    %jit3A_931 = arith.constant 1 : i32
    %select_n3A_932 = arith.select %eq3A_930, %jit3A_931, %jit3A_928 : i32
    %rem3A_933 = vector.broadcast %select_n3A_932 : i32 to vector<16xi32>
    %rem3A_934 = arith.remsi %add3A_927, %rem3A_933 : vector<16xi32>
    %ne3A_935 = arith.constant 0 : i32
    %ne3A_936 = vector.broadcast %ne3A_935 : i32 to vector<16xi32>
    %ne3A_937 = arith.cmpi ne, %rem3A_934, %ne3A_936 : vector<16xi32>
    %lt3A_938 = arith.constant 0 : i32
    %lt3A_939 = vector.broadcast %lt3A_938 : i32 to vector<16xi32>
    %lt3A_940 = arith.cmpi slt, %rem3A_934, %lt3A_939 : vector<16xi32>
    %lt3A_941 = arith.constant 0 : i32
    %lt3A_942 = arith.cmpi slt, %select_n3A_932, %lt3A_941 : i32
    %ne3A_943 = vector.broadcast %lt3A_942 : i1 to vector<16xi1>
    %ne3A_944 = vector.broadcast %ne3A_943 : vector<16xi1> to vector<16xi1>
    %ne3A_945 = arith.xori %lt3A_940, %ne3A_944 : vector<16xi1>
    %and3A_946 = arith.andi %ne3A_945, %ne3A_937 : vector<16xi1>
    %add3A_947 = vector.broadcast %select_n3A_932 : i32 to vector<16xi32>
    %add3A_948 = arith.addi %rem3A_934, %add3A_947 : vector<16xi32>
    %select_n3A_949 = arith.select %and3A_946, %add3A_948, %rem3A_934 : vector<16xi1>, vector<16xi32>
    %lt3A_950 = arith.constant 0 : i32
    %lt3A_951 = vector.broadcast %lt3A_950 : i32 to vector<16xi32>
    %lt3A_952 = arith.cmpi slt, %select_n3A_949, %lt3A_951 : vector<16xi32>
    %add3A_953 = arith.constant 16 : i32
    %add3A_954 = vector.broadcast %add3A_953 : i32 to vector<16xi32>
    %add3A_955 = arith.addi %select_n3A_949, %add3A_954 : vector<16xi32>
    %select_n3A_956 = arith.select %lt3A_952, %add3A_955, %select_n3A_949 : vector<16xi1>, vector<16xi32>
    %broadcast_in_dim3A_957 = vector.shape_cast %select_n3A_956 : vector<16xi32> to vector<16x1xi32>
    %gather3A_958 = vector.shape_cast %broadcast_in_dim3A_957 : vector<16x1xi32> to vector<16xi32>
    %gather3A_959 = tpu.dynamic_gather %add3A_924[%gather3A_958] in [0] : vector<16xi32>, vector<16xi32> -> vector<16xi32>
    %add3A_960 = arith.addi %add3A_924, %gather3A_959 : vector<16xi32>
    %slice3A_961 = vector.extract_strided_slice %add3A_960 {offsets = [0], sizes = [1], strides = [1]} : vector<16xi32> to vector<1xi32>
    %squeeze3A_962 = vector.extract %slice3A_961[0] : i32 from vector<1xi32>
    %ge3A_963 = arith.constant 4096 : i32
    %ge3A_964 = arith.cmpi sge, %squeeze3A_962, %ge3A_963 : i32
    %gt3A_965 = arith.cmpi ugt, %min3A_486, %select_n3A_808 : i32
    %and3A_966 = arith.andi %ge3A_964, %gt3A_965 : i1
    %select_n3A_967 = arith.select %and3A_966, %min3A_486, %select_n3A_808 : i32
    %select_n3A_968 = arith.select %and3A_966, %squeeze3A_962, %select_n3A_809 : i32
    %lt3A_969 = arith.constant 4096 : i32
    %lt3A_970 = arith.cmpi slt, %squeeze3A_962, %lt3A_969 : i32
    %lt3A_971 = arith.cmpi ult, %min3A_486, %select_n3A_814 : i32
    %and3A_972 = arith.andi %lt3A_970, %lt3A_971 : i1
    %select_n3A_973 = arith.select %and3A_972, %min3A_486, %select_n3A_814 : i32
    %select_n3A_974 = arith.select %and3A_972, %squeeze3A_962, %select_n3A_815 : i32
    %scan3A = arith.constant 0 : i32
    %scan3A_975 = arith.constant 0 : i32
    %scan3A_976 = arith.constant 0 : i32
    %scan3A_977 = arith.constant 0 : i32
    %scan3A_978 = arith.constant 45 : i32
    %scan3A_979 = arith.addi %scan3A_977, %scan3A_978 : i32
    %scan3A_980 = arith.constant 1 : i32
    %scan3A_981:7 = scf.for %scan3A_1147 = %scan3A_977 to %scan3A_979 step %scan3A_980 iter_args(%scan3A_1148 = %select_n3A_967, %scan3A_1149 = %select_n3A_968, %scan3A_1150 = %select_n3A_973, %scan3A_1151 = %select_n3A_974, %scan3A_1152 = %scan3A, %scan3A_1153 = %scan3A_975, %scan3A_1154 = %scan3A_976) -> (i32, i32, i32, i32, i32, i32, i32)  : i32 {
      %sub3A_1155 = arith.constant 4096 : i32
      %sub3A_1156 = arith.subi %scan3A_1149, %sub3A_1155 : i32
      %le3A = arith.constant 2 : i32
      %le3A_1157 = arith.cmpi sle, %sub3A_1156, %le3A : i32
      %sub3A_1158 = arith.subi %scan3A_1150, %scan3A_1148 : i32
      %le3A_1159 = arith.constant 1 : i32
      %le3A_1160 = arith.cmpi ule, %sub3A_1158, %le3A_1159 : i32
      %or3A_1161 = arith.ori %le3A_1157, %le3A_1160 : i1
      %convert_element_type3A_1162 = arith.extui %or3A_1161 : i1 to i32
      %cond3A_1163 = arith.constant 0 : i32
      %cond3A_1164 = arith.cmpi ne, %convert_element_type3A_1162, %cond3A_1163 : i32
      %cond3A_1165:7 = scf.if %cond3A_1164 -> (i32, i32, i32, i32, i32, i32, i32) {
        scf.yield %scan3A_1148, %scan3A_1149, %scan3A_1150, %scan3A_1151, %scan3A_1152, %scan3A_1153, %scan3A_1154 : i32, i32, i32, i32, i32, i32, i32
      } else {
        %ge3A_1166 = arith.constant -2147483648 : i32
        %ge3A_1167 = arith.cmpi uge, %scan3A_1148, %ge3A_1166 : i32
        %and3A_1168 = arith.constant 2147483647 : i32
        %and3A_1169 = arith.andi %scan3A_1148, %and3A_1168 : i32
        %not3A_1170 = arith.constant -1 : i32
        %not3A_1171 = arith.xori %scan3A_1148, %not3A_1170 : i32
        %select_n3A_1172 = arith.select %ge3A_1167, %and3A_1169, %not3A_1171 : i32
        %bitcast_convert_type3A_1173 = arith.bitcast %select_n3A_1172 : i32 to f32
        %sub3A_1174 = arith.constant 1 : i32
        %sub3A_1175 = arith.subi %scan3A_1150, %sub3A_1174 : i32
        %ge3A_1176 = arith.constant -2147483648 : i32
        %ge3A_1177 = arith.cmpi uge, %sub3A_1175, %ge3A_1176 : i32
        %and3A_1178 = arith.constant 2147483647 : i32
        %and3A_1179 = arith.andi %sub3A_1175, %and3A_1178 : i32
        %not3A_1180 = arith.constant -1 : i32
        %not3A_1181 = arith.xori %sub3A_1175, %not3A_1180 : i32
        %select_n3A_1182 = arith.select %ge3A_1177, %and3A_1179, %not3A_1181 : i32
        %bitcast_convert_type3A_1183 = arith.bitcast %select_n3A_1182 : i32 to f32
        %sub3A_1184 = arith.constant 4096 : i32
        %sub3A_1185 = arith.subi %scan3A_1149, %sub3A_1184 : i32
        %convert_element_type3A_1186 = arith.sitofp %sub3A_1185 : i32 to f32
        %min3A_1187 = arith.constant 60 : i32
        %min3A_1188 = arith.minsi %scan3A_1152, %min3A_1187 : i32
        %sub3A_1189 = arith.constant 127 : i32
        %sub3A_1190 = arith.subi %sub3A_1189, %min3A_1188 : i32
        %shift_left3A = arith.constant 23 : i32
        %shift_left3A_1191 = arith.shli %sub3A_1190, %shift_left3A : i32
        %bitcast_convert_type3A_1192 = arith.bitcast %shift_left3A_1191 : i32 to f32
        %mul3A_1193 = arith.mulf %convert_element_type3A_1186, %bitcast_convert_type3A_1192 : f32
        %sub3A_1194 = arith.constant 4096 : i32
        %sub3A_1195 = arith.subi %scan3A_1151, %sub3A_1194 : i32
        %convert_element_type3A_1196 = arith.sitofp %sub3A_1195 : i32 to f32
        %min3A_1197 = arith.constant 60 : i32
        %min3A_1198 = arith.minsi %scan3A_1153, %min3A_1197 : i32
        %sub3A_1199 = arith.constant 127 : i32
        %sub3A_1200 = arith.subi %sub3A_1199, %min3A_1198 : i32
        %shift_left3A_1201 = arith.constant 23 : i32
        %shift_left3A_1202 = arith.shli %sub3A_1200, %shift_left3A_1201 : i32
        %bitcast_convert_type3A_1203 = arith.bitcast %shift_left3A_1202 : i32 to f32
        %mul3A_1204 = arith.mulf %convert_element_type3A_1196, %bitcast_convert_type3A_1203 : f32
        %sub3A_1205 = arith.subf %mul3A_1193, %mul3A_1204 : f32
        %max3A_1206 = arith.constant 1.000000e-30 : f32
        %max3A_1207 = arith.maximumf %sub3A_1205, %max3A_1206 : f32
        %bitcast_convert_type3A_1208 = arith.bitcast %max3A_1207 : f32 to i32
        %sub3A_1209 = arith.constant 2129950677 : i32
        %sub3A_1210 = arith.subi %sub3A_1209, %bitcast_convert_type3A_1208 : i32
        %bitcast_convert_type3A_1211 = arith.bitcast %sub3A_1210 : i32 to f32
        %mul3A_1212 = arith.mulf %max3A_1207, %bitcast_convert_type3A_1211 : f32
        %sub3A_1213 = arith.constant 2.000000e+00 : f32
        %sub3A_1214 = arith.subf %sub3A_1213, %mul3A_1212 : f32
        %mul3A_1215 = arith.mulf %bitcast_convert_type3A_1211, %sub3A_1214 : f32
        %mul3A_1216 = arith.mulf %max3A_1207, %mul3A_1215 : f32
        %sub3A_1217 = arith.constant 2.000000e+00 : f32
        %sub3A_1218 = arith.subf %sub3A_1217, %mul3A_1216 : f32
        %mul3A_1219 = arith.mulf %mul3A_1215, %sub3A_1218 : f32
        %mul3A_1220 = arith.mulf %mul3A_1193, %mul3A_1219 : f32
        %max3A_1221 = arith.constant 0.000000e+00 : f32
        %max3A_1222 = arith.maximumf %mul3A_1220, %max3A_1221 : f32
        %min3A_1223 = arith.constant 1.000000e+00 : f32
        %min3A_1224 = arith.minimumf %max3A_1222, %min3A_1223 : f32
        %sub3A_1225 = arith.subf %bitcast_convert_type3A_1183, %bitcast_convert_type3A_1173 : f32
        %mul3A_1226 = arith.mulf %sub3A_1225, %min3A_1224 : f32
        %add3A_1227 = arith.addf %bitcast_convert_type3A_1173, %mul3A_1226 : f32
        %bitcast_convert_type3A_1228 = arith.bitcast %add3A_1227 : f32 to i32
        %ge3A_1229 = arith.constant -2147483648 : i32
        %ge3A_1230 = arith.cmpi uge, %bitcast_convert_type3A_1228, %ge3A_1229 : i32
        %not3A_1231 = arith.constant -1 : i32
        %not3A_1232 = arith.xori %bitcast_convert_type3A_1228, %not3A_1231 : i32
        %or3A_1233 = arith.constant -2147483648 : i32
        %or3A_1234 = arith.ori %bitcast_convert_type3A_1228, %or3A_1233 : i32
        %select_n3A_1235 = arith.select %ge3A_1230, %not3A_1232, %or3A_1234 : i32
        %sub3A_1236 = arith.subi %scan3A_1150, %scan3A_1148 : i32
        %shift_right_logical3A = arith.constant 1 : i32
        %shift_right_logical3A_1237 = arith.shrui %sub3A_1236, %shift_right_logical3A : i32
        %add3A_1238 = arith.addi %scan3A_1148, %shift_right_logical3A_1237 : i32
        %lt3A_1239 = arith.constant 12 : i32
        %lt3A_1240 = arith.cmpi slt, %scan3A_1147, %lt3A_1239 : i32
        %select_n3A_1241 = arith.select %lt3A_1240, %select_n3A_1235, %add3A_1238 : i32
        %add3A_1242 = arith.constant 1 : i32
        %add3A_1243 = arith.addi %scan3A_1148, %add3A_1242 : i32
        %max3A_1244 = arith.maxui %select_n3A_1241, %add3A_1243 : i32
        %sub3A_1245 = arith.constant 1 : i32
        %sub3A_1246 = arith.subi %scan3A_1150, %sub3A_1245 : i32
        %min3A_1247 = arith.minui %max3A_1244, %sub3A_1246 : i32
        %broadcast_in_dim3A_1248 = arith.constant 0 : i32
        %broadcast_in_dim3A_1249 = vector.broadcast %broadcast_in_dim3A_1248 : i32 to vector<16xi32>
        %scan3A_1250 = arith.constant 0 : i32
        %scan3A_1251 = arith.constant 64 : i32
        %scan3A_1252 = arith.addi %scan3A_1250, %scan3A_1251 : i32
        %scan3A_1253 = arith.constant 1 : i32
        %scan3A_1254 = scf.for %scan3A_1426 = %scan3A_1250 to %scan3A_1252 step %scan3A_1253 iter_args(%scan3A_1427 = %broadcast_in_dim3A_1249) -> (vector<16xi32>)  : i32 {
          %mul3A_1428 = arith.constant 8 : i32
          %mul3A_1429 = arith.muli %scan3A_1426, %mul3A_1428 : i32
          %add3A_1430 = arith.constant 0 : i32
          %add3A_1431 = arith.addi %mul3A_1429, %add3A_1430 : i32
          %mul3A_1432 = arith.constant 16 : i32
          %mul3A_1433 = arith.muli %add3A_1431, %mul3A_1432 : i32
          %get3A = arith.index_cast %mul3A_1433 : i32 to index
          %get3A_1434 = tpu.vector_load %arg7[%get3A] {strides = array<i32>} : memref<8192xi32, #tpu.memory_space<vmem>>, vector<16xi32>,
          %get3A_1435 = vector.shape_cast %get3A_1434 : vector<16xi32> to vector<16xi32>
          %ge3A_1436 = vector.broadcast %min3A_1247 : i32 to vector<16xi32>
          %ge3A_1437 = arith.cmpi uge, %get3A_1435, %ge3A_1436 : vector<16xi32>
          %jit3A_1438 = arith.constant 1 : i32
          %jit3A_1439 = arith.constant 0 : i32
          %broadcast_in_dim3A_1440 = vector.broadcast %jit3A_1438 : i32 to vector<16xi32>
          %broadcast_in_dim3A_1441 = vector.broadcast %jit3A_1439 : i32 to vector<16xi32>
          %select_n3A_1442 = arith.select %ge3A_1437, %broadcast_in_dim3A_1440, %broadcast_in_dim3A_1441 : vector<16xi1>, vector<16xi32>
          %add3A_1443 = arith.addi %scan3A_1427, %select_n3A_1442 : vector<16xi32>
          %mul3A_1444 = arith.constant 8 : i32
          %mul3A_1445 = arith.muli %scan3A_1426, %mul3A_1444 : i32
          %add3A_1446 = arith.constant 1 : i32
          %add3A_1447 = arith.addi %mul3A_1445, %add3A_1446 : i32
          %mul3A_1448 = arith.constant 16 : i32
          %mul3A_1449 = arith.muli %add3A_1447, %mul3A_1448 : i32
          %get3A_1450 = arith.index_cast %mul3A_1449 : i32 to index
          %get3A_1451 = tpu.vector_load %arg7[%get3A_1450] {strides = array<i32>} : memref<8192xi32, #tpu.memory_space<vmem>>, vector<16xi32>,
          %get3A_1452 = vector.shape_cast %get3A_1451 : vector<16xi32> to vector<16xi32>
          %ge3A_1453 = vector.broadcast %min3A_1247 : i32 to vector<16xi32>
          %ge3A_1454 = arith.cmpi uge, %get3A_1452, %ge3A_1453 : vector<16xi32>
          %jit3A_1455 = arith.constant 1 : i32
          %jit3A_1456 = arith.constant 0 : i32
          %broadcast_in_dim3A_1457 = vector.broadcast %jit3A_1455 : i32 to vector<16xi32>
          %broadcast_in_dim3A_1458 = vector.broadcast %jit3A_1456 : i32 to vector<16xi32>
          %select_n3A_1459 = arith.select %ge3A_1454, %broadcast_in_dim3A_1457, %broadcast_in_dim3A_1458 : vector<16xi1>, vector<16xi32>
          %add3A_1460 = arith.addi %add3A_1443, %select_n3A_1459 : vector<16xi32>
          %mul3A_1461 = arith.constant 8 : i32
          %mul3A_1462 = arith.muli %scan3A_1426, %mul3A_1461 : i32
          %add3A_1463 = arith.constant 2 : i32
          %add3A_1464 = arith.addi %mul3A_1462, %add3A_1463 : i32
          %mul3A_1465 = arith.constant 16 : i32
          %mul3A_1466 = arith.muli %add3A_1464, %mul3A_1465 : i32
          %get3A_1467 = arith.index_cast %mul3A_1466 : i32 to index
          %get3A_1468 = tpu.vector_load %arg7[%get3A_1467] {strides = array<i32>} : memref<8192xi32, #tpu.memory_space<vmem>>, vector<16xi32>,
          %get3A_1469 = vector.shape_cast %get3A_1468 : vector<16xi32> to vector<16xi32>
          %ge3A_1470 = vector.broadcast %min3A_1247 : i32 to vector<16xi32>
          %ge3A_1471 = arith.cmpi uge, %get3A_1469, %ge3A_1470 : vector<16xi32>
          %jit3A_1472 = arith.constant 1 : i32
          %jit3A_1473 = arith.constant 0 : i32
          %broadcast_in_dim3A_1474 = vector.broadcast %jit3A_1472 : i32 to vector<16xi32>
          %broadcast_in_dim3A_1475 = vector.broadcast %jit3A_1473 : i32 to vector<16xi32>
          %select_n3A_1476 = arith.select %ge3A_1471, %broadcast_in_dim3A_1474, %broadcast_in_dim3A_1475 : vector<16xi1>, vector<16xi32>
          %add3A_1477 = arith.addi %add3A_1460, %select_n3A_1476 : vector<16xi32>
          %mul3A_1478 = arith.constant 8 : i32
          %mul3A_1479 = arith.muli %scan3A_1426, %mul3A_1478 : i32
          %add3A_1480 = arith.constant 3 : i32
          %add3A_1481 = arith.addi %mul3A_1479, %add3A_1480 : i32
          %mul3A_1482 = arith.constant 16 : i32
          %mul3A_1483 = arith.muli %add3A_1481, %mul3A_1482 : i32
          %get3A_1484 = arith.index_cast %mul3A_1483 : i32 to index
          %get3A_1485 = tpu.vector_load %arg7[%get3A_1484] {strides = array<i32>} : memref<8192xi32, #tpu.memory_space<vmem>>, vector<16xi32>,
          %get3A_1486 = vector.shape_cast %get3A_1485 : vector<16xi32> to vector<16xi32>
          %ge3A_1487 = vector.broadcast %min3A_1247 : i32 to vector<16xi32>
          %ge3A_1488 = arith.cmpi uge, %get3A_1486, %ge3A_1487 : vector<16xi32>
          %jit3A_1489 = arith.constant 1 : i32
          %jit3A_1490 = arith.constant 0 : i32
          %broadcast_in_dim3A_1491 = vector.broadcast %jit3A_1489 : i32 to vector<16xi32>
          %broadcast_in_dim3A_1492 = vector.broadcast %jit3A_1490 : i32 to vector<16xi32>
          %select_n3A_1493 = arith.select %ge3A_1488, %broadcast_in_dim3A_1491, %broadcast_in_dim3A_1492 : vector<16xi1>, vector<16xi32>
          %add3A_1494 = arith.addi %add3A_1477, %select_n3A_1493 : vector<16xi32>
          %mul3A_1495 = arith.constant 8 : i32
          %mul3A_1496 = arith.muli %scan3A_1426, %mul3A_1495 : i32
          %add3A_1497 = arith.constant 4 : i32
          %add3A_1498 = arith.addi %mul3A_1496, %add3A_1497 : i32
          %mul3A_1499 = arith.constant 16 : i32
          %mul3A_1500 = arith.muli %add3A_1498, %mul3A_1499 : i32
          %get3A_1501 = arith.index_cast %mul3A_1500 : i32 to index
          %get3A_1502 = tpu.vector_load %arg7[%get3A_1501] {strides = array<i32>} : memref<8192xi32, #tpu.memory_space<vmem>>, vector<16xi32>,
          %get3A_1503 = vector.shape_cast %get3A_1502 : vector<16xi32> to vector<16xi32>
          %ge3A_1504 = vector.broadcast %min3A_1247 : i32 to vector<16xi32>
          %ge3A_1505 = arith.cmpi uge, %get3A_1503, %ge3A_1504 : vector<16xi32>
          %jit3A_1506 = arith.constant 1 : i32
          %jit3A_1507 = arith.constant 0 : i32
          %broadcast_in_dim3A_1508 = vector.broadcast %jit3A_1506 : i32 to vector<16xi32>
          %broadcast_in_dim3A_1509 = vector.broadcast %jit3A_1507 : i32 to vector<16xi32>
          %select_n3A_1510 = arith.select %ge3A_1505, %broadcast_in_dim3A_1508, %broadcast_in_dim3A_1509 : vector<16xi1>, vector<16xi32>
          %add3A_1511 = arith.addi %add3A_1494, %select_n3A_1510 : vector<16xi32>
          %mul3A_1512 = arith.constant 8 : i32
          %mul3A_1513 = arith.muli %scan3A_1426, %mul3A_1512 : i32
          %add3A_1514 = arith.constant 5 : i32
          %add3A_1515 = arith.addi %mul3A_1513, %add3A_1514 : i32
          %mul3A_1516 = arith.constant 16 : i32
          %mul3A_1517 = arith.muli %add3A_1515, %mul3A_1516 : i32
          %get3A_1518 = arith.index_cast %mul3A_1517 : i32 to index
          %get3A_1519 = tpu.vector_load %arg7[%get3A_1518] {strides = array<i32>} : memref<8192xi32, #tpu.memory_space<vmem>>, vector<16xi32>,
          %get3A_1520 = vector.shape_cast %get3A_1519 : vector<16xi32> to vector<16xi32>
          %ge3A_1521 = vector.broadcast %min3A_1247 : i32 to vector<16xi32>
          %ge3A_1522 = arith.cmpi uge, %get3A_1520, %ge3A_1521 : vector<16xi32>
          %jit3A_1523 = arith.constant 1 : i32
          %jit3A_1524 = arith.constant 0 : i32
          %broadcast_in_dim3A_1525 = vector.broadcast %jit3A_1523 : i32 to vector<16xi32>
          %broadcast_in_dim3A_1526 = vector.broadcast %jit3A_1524 : i32 to vector<16xi32>
          %select_n3A_1527 = arith.select %ge3A_1522, %broadcast_in_dim3A_1525, %broadcast_in_dim3A_1526 : vector<16xi1>, vector<16xi32>
          %add3A_1528 = arith.addi %add3A_1511, %select_n3A_1527 : vector<16xi32>
          %mul3A_1529 = arith.constant 8 : i32
          %mul3A_1530 = arith.muli %scan3A_1426, %mul3A_1529 : i32
          %add3A_1531 = arith.constant 6 : i32
          %add3A_1532 = arith.addi %mul3A_1530, %add3A_1531 : i32
          %mul3A_1533 = arith.constant 16 : i32
          %mul3A_1534 = arith.muli %add3A_1532, %mul3A_1533 : i32
          %get3A_1535 = arith.index_cast %mul3A_1534 : i32 to index
          %get3A_1536 = tpu.vector_load %arg7[%get3A_1535] {strides = array<i32>} : memref<8192xi32, #tpu.memory_space<vmem>>, vector<16xi32>,
          %get3A_1537 = vector.shape_cast %get3A_1536 : vector<16xi32> to vector<16xi32>
          %ge3A_1538 = vector.broadcast %min3A_1247 : i32 to vector<16xi32>
          %ge3A_1539 = arith.cmpi uge, %get3A_1537, %ge3A_1538 : vector<16xi32>
          %jit3A_1540 = arith.constant 1 : i32
          %jit3A_1541 = arith.constant 0 : i32
          %broadcast_in_dim3A_1542 = vector.broadcast %jit3A_1540 : i32 to vector<16xi32>
          %broadcast_in_dim3A_1543 = vector.broadcast %jit3A_1541 : i32 to vector<16xi32>
          %select_n3A_1544 = arith.select %ge3A_1539, %broadcast_in_dim3A_1542, %broadcast_in_dim3A_1543 : vector<16xi1>, vector<16xi32>
          %add3A_1545 = arith.addi %add3A_1528, %select_n3A_1544 : vector<16xi32>
          %mul3A_1546 = arith.constant 8 : i32
          %mul3A_1547 = arith.muli %scan3A_1426, %mul3A_1546 : i32
          %add3A_1548 = arith.constant 7 : i32
          %add3A_1549 = arith.addi %mul3A_1547, %add3A_1548 : i32
          %mul3A_1550 = arith.constant 16 : i32
          %mul3A_1551 = arith.muli %add3A_1549, %mul3A_1550 : i32
          %get3A_1552 = arith.index_cast %mul3A_1551 : i32 to index
          %get3A_1553 = tpu.vector_load %arg7[%get3A_1552] {strides = array<i32>} : memref<8192xi32, #tpu.memory_space<vmem>>, vector<16xi32>,
          %get3A_1554 = vector.shape_cast %get3A_1553 : vector<16xi32> to vector<16xi32>
          %ge3A_1555 = vector.broadcast %min3A_1247 : i32 to vector<16xi32>
          %ge3A_1556 = arith.cmpi uge, %get3A_1554, %ge3A_1555 : vector<16xi32>
          %jit3A_1557 = arith.constant 1 : i32
          %jit3A_1558 = arith.constant 0 : i32
          %broadcast_in_dim3A_1559 = vector.broadcast %jit3A_1557 : i32 to vector<16xi32>
          %broadcast_in_dim3A_1560 = vector.broadcast %jit3A_1558 : i32 to vector<16xi32>
          %select_n3A_1561 = arith.select %ge3A_1556, %broadcast_in_dim3A_1559, %broadcast_in_dim3A_1560 : vector<16xi1>, vector<16xi32>
          %add3A_1562 = arith.addi %add3A_1545, %select_n3A_1561 : vector<16xi32>
          scf.yield %add3A_1562 : vector<16xi32>
        }
        %scan3A_1255 = arith.constant 64 : i32
        %iota3A_1256 = tpu.iota {dimensions = array<i32: 0>} : vector<16xi32>
        %add3A_1257 = arith.constant 1 : i32
        %add3A_1258 = vector.broadcast %add3A_1257 : i32 to vector<16xi32>
        %add3A_1259 = arith.addi %iota3A_1256, %add3A_1258 : vector<16xi32>
        %jit3A_1260 = arith.constant 16 : i32
        %eq3A_1261 = arith.constant 0 : i32
        %eq3A_1262 = arith.cmpi eq, %jit3A_1260, %eq3A_1261 : i32
        %jit3A_1263 = arith.constant 1 : i32
        %select_n3A_1264 = arith.select %eq3A_1262, %jit3A_1263, %jit3A_1260 : i32
        %rem3A_1265 = vector.broadcast %select_n3A_1264 : i32 to vector<16xi32>
        %rem3A_1266 = arith.remsi %add3A_1259, %rem3A_1265 : vector<16xi32>
        %ne3A_1267 = arith.constant 0 : i32
        %ne3A_1268 = vector.broadcast %ne3A_1267 : i32 to vector<16xi32>
        %ne3A_1269 = arith.cmpi ne, %rem3A_1266, %ne3A_1268 : vector<16xi32>
        %lt3A_1270 = arith.constant 0 : i32
        %lt3A_1271 = vector.broadcast %lt3A_1270 : i32 to vector<16xi32>
        %lt3A_1272 = arith.cmpi slt, %rem3A_1266, %lt3A_1271 : vector<16xi32>
        %lt3A_1273 = arith.constant 0 : i32
        %lt3A_1274 = arith.cmpi slt, %select_n3A_1264, %lt3A_1273 : i32
        %ne3A_1275 = vector.broadcast %lt3A_1274 : i1 to vector<16xi1>
        %ne3A_1276 = vector.broadcast %ne3A_1275 : vector<16xi1> to vector<16xi1>
        %ne3A_1277 = arith.xori %lt3A_1272, %ne3A_1276 : vector<16xi1>
        %and3A_1278 = arith.andi %ne3A_1277, %ne3A_1269 : vector<16xi1>
        %add3A_1279 = vector.broadcast %select_n3A_1264 : i32 to vector<16xi32>
        %add3A_1280 = arith.addi %rem3A_1266, %add3A_1279 : vector<16xi32>
        %select_n3A_1281 = arith.select %and3A_1278, %add3A_1280, %rem3A_1266 : vector<16xi1>, vector<16xi32>
        %lt3A_1282 = arith.constant 0 : i32
        %lt3A_1283 = vector.broadcast %lt3A_1282 : i32 to vector<16xi32>
        %lt3A_1284 = arith.cmpi slt, %select_n3A_1281, %lt3A_1283 : vector<16xi32>
        %add3A_1285 = arith.constant 16 : i32
        %add3A_1286 = vector.broadcast %add3A_1285 : i32 to vector<16xi32>
        %add3A_1287 = arith.addi %select_n3A_1281, %add3A_1286 : vector<16xi32>
        %select_n3A_1288 = arith.select %lt3A_1284, %add3A_1287, %select_n3A_1281 : vector<16xi1>, vector<16xi32>
        %broadcast_in_dim3A_1289 = vector.shape_cast %select_n3A_1288 : vector<16xi32> to vector<16x1xi32>
        %gather3A_1290 = vector.shape_cast %broadcast_in_dim3A_1289 : vector<16x1xi32> to vector<16xi32>
        %gather3A_1291 = tpu.dynamic_gather %scan3A_1254[%gather3A_1290] in [0] : vector<16xi32>, vector<16xi32> -> vector<16xi32>
        %add3A_1292 = arith.addi %scan3A_1254, %gather3A_1291 : vector<16xi32>
        %add3A_1293 = arith.constant 2 : i32
        %add3A_1294 = vector.broadcast %add3A_1293 : i32 to vector<16xi32>
        %add3A_1295 = arith.addi %iota3A_1256, %add3A_1294 : vector<16xi32>
        %jit3A_1296 = arith.constant 16 : i32
        %eq3A_1297 = arith.constant 0 : i32
        %eq3A_1298 = arith.cmpi eq, %jit3A_1296, %eq3A_1297 : i32
        %jit3A_1299 = arith.constant 1 : i32
        %select_n3A_1300 = arith.select %eq3A_1298, %jit3A_1299, %jit3A_1296 : i32
        %rem3A_1301 = vector.broadcast %select_n3A_1300 : i32 to vector<16xi32>
        %rem3A_1302 = arith.remsi %add3A_1295, %rem3A_1301 : vector<16xi32>
        %ne3A_1303 = arith.constant 0 : i32
        %ne3A_1304 = vector.broadcast %ne3A_1303 : i32 to vector<16xi32>
        %ne3A_1305 = arith.cmpi ne, %rem3A_1302, %ne3A_1304 : vector<16xi32>
        %lt3A_1306 = arith.constant 0 : i32
        %lt3A_1307 = vector.broadcast %lt3A_1306 : i32 to vector<16xi32>
        %lt3A_1308 = arith.cmpi slt, %rem3A_1302, %lt3A_1307 : vector<16xi32>
        %lt3A_1309 = arith.constant 0 : i32
        %lt3A_1310 = arith.cmpi slt, %select_n3A_1300, %lt3A_1309 : i32
        %ne3A_1311 = vector.broadcast %lt3A_1310 : i1 to vector<16xi1>
        %ne3A_1312 = vector.broadcast %ne3A_1311 : vector<16xi1> to vector<16xi1>
        %ne3A_1313 = arith.xori %lt3A_1308, %ne3A_1312 : vector<16xi1>
        %and3A_1314 = arith.andi %ne3A_1313, %ne3A_1305 : vector<16xi1>
        %add3A_1315 = vector.broadcast %select_n3A_1300 : i32 to vector<16xi32>
        %add3A_1316 = arith.addi %rem3A_1302, %add3A_1315 : vector<16xi32>
        %select_n3A_1317 = arith.select %and3A_1314, %add3A_1316, %rem3A_1302 : vector<16xi1>, vector<16xi32>
        %lt3A_1318 = arith.constant 0 : i32
        %lt3A_1319 = vector.broadcast %lt3A_1318 : i32 to vector<16xi32>
        %lt3A_1320 = arith.cmpi slt, %select_n3A_1317, %lt3A_1319 : vector<16xi32>
        %add3A_1321 = arith.constant 16 : i32
        %add3A_1322 = vector.broadcast %add3A_1321 : i32 to vector<16xi32>
        %add3A_1323 = arith.addi %select_n3A_1317, %add3A_1322 : vector<16xi32>
        %select_n3A_1324 = arith.select %lt3A_1320, %add3A_1323, %select_n3A_1317 : vector<16xi1>, vector<16xi32>
        %broadcast_in_dim3A_1325 = vector.shape_cast %select_n3A_1324 : vector<16xi32> to vector<16x1xi32>
        %gather3A_1326 = vector.shape_cast %broadcast_in_dim3A_1325 : vector<16x1xi32> to vector<16xi32>
        %gather3A_1327 = tpu.dynamic_gather %add3A_1292[%gather3A_1326] in [0] : vector<16xi32>, vector<16xi32> -> vector<16xi32>
        %add3A_1328 = arith.addi %add3A_1292, %gather3A_1327 : vector<16xi32>
        %add3A_1329 = arith.constant 4 : i32
        %add3A_1330 = vector.broadcast %add3A_1329 : i32 to vector<16xi32>
        %add3A_1331 = arith.addi %iota3A_1256, %add3A_1330 : vector<16xi32>
        %jit3A_1332 = arith.constant 16 : i32
        %eq3A_1333 = arith.constant 0 : i32
        %eq3A_1334 = arith.cmpi eq, %jit3A_1332, %eq3A_1333 : i32
        %jit3A_1335 = arith.constant 1 : i32
        %select_n3A_1336 = arith.select %eq3A_1334, %jit3A_1335, %jit3A_1332 : i32
        %rem3A_1337 = vector.broadcast %select_n3A_1336 : i32 to vector<16xi32>
        %rem3A_1338 = arith.remsi %add3A_1331, %rem3A_1337 : vector<16xi32>
        %ne3A_1339 = arith.constant 0 : i32
        %ne3A_1340 = vector.broadcast %ne3A_1339 : i32 to vector<16xi32>
        %ne3A_1341 = arith.cmpi ne, %rem3A_1338, %ne3A_1340 : vector<16xi32>
        %lt3A_1342 = arith.constant 0 : i32
        %lt3A_1343 = vector.broadcast %lt3A_1342 : i32 to vector<16xi32>
        %lt3A_1344 = arith.cmpi slt, %rem3A_1338, %lt3A_1343 : vector<16xi32>
        %lt3A_1345 = arith.constant 0 : i32
        %lt3A_1346 = arith.cmpi slt, %select_n3A_1336, %lt3A_1345 : i32
        %ne3A_1347 = vector.broadcast %lt3A_1346 : i1 to vector<16xi1>
        %ne3A_1348 = vector.broadcast %ne3A_1347 : vector<16xi1> to vector<16xi1>
        %ne3A_1349 = arith.xori %lt3A_1344, %ne3A_1348 : vector<16xi1>
        %and3A_1350 = arith.andi %ne3A_1349, %ne3A_1341 : vector<16xi1>
        %add3A_1351 = vector.broadcast %select_n3A_1336 : i32 to vector<16xi32>
        %add3A_1352 = arith.addi %rem3A_1338, %add3A_1351 : vector<16xi32>
        %select_n3A_1353 = arith.select %and3A_1350, %add3A_1352, %rem3A_1338 : vector<16xi1>, vector<16xi32>
        %lt3A_1354 = arith.constant 0 : i32
        %lt3A_1355 = vector.broadcast %lt3A_1354 : i32 to vector<16xi32>
        %lt3A_1356 = arith.cmpi slt, %select_n3A_1353, %lt3A_1355 : vector<16xi32>
        %add3A_1357 = arith.constant 16 : i32
        %add3A_1358 = vector.broadcast %add3A_1357 : i32 to vector<16xi32>
        %add3A_1359 = arith.addi %select_n3A_1353, %add3A_1358 : vector<16xi32>
        %select_n3A_1360 = arith.select %lt3A_1356, %add3A_1359, %select_n3A_1353 : vector<16xi1>, vector<16xi32>
        %broadcast_in_dim3A_1361 = vector.shape_cast %select_n3A_1360 : vector<16xi32> to vector<16x1xi32>
        %gather3A_1362 = vector.shape_cast %broadcast_in_dim3A_1361 : vector<16x1xi32> to vector<16xi32>
        %gather3A_1363 = tpu.dynamic_gather %add3A_1328[%gather3A_1362] in [0] : vector<16xi32>, vector<16xi32> -> vector<16xi32>
        %add3A_1364 = arith.addi %add3A_1328, %gather3A_1363 : vector<16xi32>
        %add3A_1365 = arith.constant 8 : i32
        %add3A_1366 = vector.broadcast %add3A_1365 : i32 to vector<16xi32>
        %add3A_1367 = arith.addi %iota3A_1256, %add3A_1366 : vector<16xi32>
        %jit3A_1368 = arith.constant 16 : i32
        %eq3A_1369 = arith.constant 0 : i32
        %eq3A_1370 = arith.cmpi eq, %jit3A_1368, %eq3A_1369 : i32
        %jit3A_1371 = arith.constant 1 : i32
        %select_n3A_1372 = arith.select %eq3A_1370, %jit3A_1371, %jit3A_1368 : i32
        %rem3A_1373 = vector.broadcast %select_n3A_1372 : i32 to vector<16xi32>
        %rem3A_1374 = arith.remsi %add3A_1367, %rem3A_1373 : vector<16xi32>
        %ne3A_1375 = arith.constant 0 : i32
        %ne3A_1376 = vector.broadcast %ne3A_1375 : i32 to vector<16xi32>
        %ne3A_1377 = arith.cmpi ne, %rem3A_1374, %ne3A_1376 : vector<16xi32>
        %lt3A_1378 = arith.constant 0 : i32
        %lt3A_1379 = vector.broadcast %lt3A_1378 : i32 to vector<16xi32>
        %lt3A_1380 = arith.cmpi slt, %rem3A_1374, %lt3A_1379 : vector<16xi32>
        %lt3A_1381 = arith.constant 0 : i32
        %lt3A_1382 = arith.cmpi slt, %select_n3A_1372, %lt3A_1381 : i32
        %ne3A_1383 = vector.broadcast %lt3A_1382 : i1 to vector<16xi1>
        %ne3A_1384 = vector.broadcast %ne3A_1383 : vector<16xi1> to vector<16xi1>
        %ne3A_1385 = arith.xori %lt3A_1380, %ne3A_1384 : vector<16xi1>
        %and3A_1386 = arith.andi %ne3A_1385, %ne3A_1377 : vector<16xi1>
        %add3A_1387 = vector.broadcast %select_n3A_1372 : i32 to vector<16xi32>
        %add3A_1388 = arith.addi %rem3A_1374, %add3A_1387 : vector<16xi32>
        %select_n3A_1389 = arith.select %and3A_1386, %add3A_1388, %rem3A_1374 : vector<16xi1>, vector<16xi32>
        %lt3A_1390 = arith.constant 0 : i32
        %lt3A_1391 = vector.broadcast %lt3A_1390 : i32 to vector<16xi32>
        %lt3A_1392 = arith.cmpi slt, %select_n3A_1389, %lt3A_1391 : vector<16xi32>
        %add3A_1393 = arith.constant 16 : i32
        %add3A_1394 = vector.broadcast %add3A_1393 : i32 to vector<16xi32>
        %add3A_1395 = arith.addi %select_n3A_1389, %add3A_1394 : vector<16xi32>
        %select_n3A_1396 = arith.select %lt3A_1392, %add3A_1395, %select_n3A_1389 : vector<16xi1>, vector<16xi32>
        %broadcast_in_dim3A_1397 = vector.shape_cast %select_n3A_1396 : vector<16xi32> to vector<16x1xi32>
        %gather3A_1398 = vector.shape_cast %broadcast_in_dim3A_1397 : vector<16x1xi32> to vector<16xi32>
        %gather3A_1399 = tpu.dynamic_gather %add3A_1364[%gather3A_1398] in [0] : vector<16xi32>, vector<16xi32> -> vector<16xi32>
        %add3A_1400 = arith.addi %add3A_1364, %gather3A_1399 : vector<16xi32>
        %slice3A_1401 = vector.extract_strided_slice %add3A_1400 {offsets = [0], sizes = [1], strides = [1]} : vector<16xi32> to vector<1xi32>
        %squeeze3A_1402 = vector.extract %slice3A_1401[0] : i32 from vector<1xi32>
        %ge3A_1403 = arith.constant 4096 : i32
        %ge3A_1404 = arith.cmpi sge, %squeeze3A_1402, %ge3A_1403 : i32
        %eq3A_1405 = arith.constant 1 : i32
        %eq3A_1406 = arith.cmpi eq, %scan3A_1154, %eq3A_1405 : i32
        %add3A_1407 = arith.constant 1 : i32
        %add3A_1408 = arith.addi %scan3A_1153, %add3A_1407 : i32
        %jit3A_1409 = arith.constant 0 : i32
        %select_n3A_1410 = arith.select %eq3A_1406, %add3A_1408, %jit3A_1409 : i32
        %select_n3A_1411 = arith.select %ge3A_1404, %select_n3A_1410, %scan3A_1153 : i32
        %eq3A_1412 = arith.constant -1 : i32
        %eq3A_1413 = arith.cmpi eq, %scan3A_1154, %eq3A_1412 : i32
        %add3A_1414 = arith.constant 1 : i32
        %add3A_1415 = arith.addi %scan3A_1152, %add3A_1414 : i32
        %jit3A_1416 = arith.constant 0 : i32
        %select_n3A_1417 = arith.select %eq3A_1413, %add3A_1415, %jit3A_1416 : i32
        %select_n3A_1418 = arith.select %ge3A_1404, %scan3A_1152, %select_n3A_1417 : i32
        %select_n3A_1419 = arith.select %ge3A_1404, %min3A_1247, %scan3A_1148 : i32
        %select_n3A_1420 = arith.select %ge3A_1404, %squeeze3A_1402, %scan3A_1149 : i32
        %select_n3A_1421 = arith.select %ge3A_1404, %scan3A_1150, %min3A_1247 : i32
        %select_n3A_1422 = arith.select %ge3A_1404, %scan3A_1151, %squeeze3A_1402 : i32
        %jit3A_1423 = arith.constant 1 : i32
        %jit3A_1424 = arith.constant -1 : i32
        %select_n3A_1425 = arith.select %ge3A_1404, %jit3A_1423, %jit3A_1424 : i32
        scf.yield %select_n3A_1419, %select_n3A_1420, %select_n3A_1421, %select_n3A_1422, %select_n3A_1418, %select_n3A_1411, %select_n3A_1425 : i32, i32, i32, i32, i32, i32, i32
      }
      scf.yield %cond3A_1165#0, %cond3A_1165#1, %cond3A_1165#2, %cond3A_1165#3, %cond3A_1165#4, %cond3A_1165#5, %cond3A_1165#6 : i32, i32, i32, i32, i32, i32, i32
    }
    %scan3A_982 = arith.constant 45 : i32
    %scan3A_983 = arith.constant false
    %scan3A_984 = arith.constant 0 : i32
    %scan3A_985 = arith.constant 0 : i32
    %scan3A_986 = arith.constant 3 : i32
    %scan3A_987 = arith.addi %scan3A_985, %scan3A_986 : i32
    %scan3A_988 = arith.constant 1 : i32
    %scan3A_989:4 = scf.for %scan3A_1147 = %scan3A_985 to %scan3A_987 step %scan3A_988 iter_args(%scan3A_1148 = %scan3A_981#0, %scan3A_1149 = %scan3A_981#1, %scan3A_1150 = %scan3A_983, %scan3A_1151 = %scan3A_984) -> (i32, i32, i1, i32)  : i32 {
      %le3A = arith.constant 4096 : i32
      %le3A_1152 = arith.cmpi sle, %scan3A_1149, %le3A : i32
      %or3A_1153 = arith.ori %le3A_1152, %scan3A_1150 : i1
      %convert_element_type3A_1154 = arith.extui %or3A_1153 : i1 to i32
      %cond3A_1155 = arith.constant 0 : i32
      %cond3A_1156 = arith.cmpi ne, %convert_element_type3A_1154, %cond3A_1155 : i32
      %cond3A_1157:4 = scf.if %cond3A_1156 -> (i32, i32, i1, i32) {
        scf.yield %scan3A_1148, %scan3A_1149, %scan3A_1150, %scan3A_1151 : i32, i32, i1, i32
      } else {
        %broadcast_in_dim3A_1158 = arith.constant -1 : i32
        %broadcast_in_dim3A_1159 = vector.broadcast %broadcast_in_dim3A_1158 : i32 to vector<16xi32>
        %broadcast_in_dim3A_1160 = arith.constant 0 : i32
        %broadcast_in_dim3A_1161 = vector.broadcast %broadcast_in_dim3A_1160 : i32 to vector<16xi32>
        %scan3A_1162 = arith.constant 0 : i32
        %scan3A_1163 = arith.constant 64 : i32
        %scan3A_1164 = arith.addi %scan3A_1162, %scan3A_1163 : i32
        %scan3A_1165 = arith.constant 1 : i32
        %scan3A_1166:2 = scf.for %scan3A_1470 = %scan3A_1162 to %scan3A_1164 step %scan3A_1165 iter_args(%scan3A_1471 = %broadcast_in_dim3A_1159, %scan3A_1472 = %broadcast_in_dim3A_1161) -> (vector<16xi32>, vector<16xi32>)  : i32 {
          %mul3A_1473 = arith.constant 8 : i32
          %mul3A_1474 = arith.muli %scan3A_1470, %mul3A_1473 : i32
          %add3A_1475 = arith.constant 0 : i32
          %add3A_1476 = arith.addi %mul3A_1474, %add3A_1475 : i32
          %mul3A_1477 = arith.constant 16 : i32
          %mul3A_1478 = arith.muli %add3A_1476, %mul3A_1477 : i32
          %get3A = arith.index_cast %mul3A_1478 : i32 to index
          %get3A_1479 = tpu.vector_load %arg7[%get3A] {strides = array<i32>} : memref<8192xi32, #tpu.memory_space<vmem>>, vector<16xi32>,
          %get3A_1480 = vector.shape_cast %get3A_1479 : vector<16xi32> to vector<16xi32>
          %gt3A_1481 = vector.broadcast %scan3A_1148 : i32 to vector<16xi32>
          %gt3A_1482 = arith.cmpi ugt, %get3A_1480, %gt3A_1481 : vector<16xi32>
          %jit3A_1483 = arith.constant -1 : i32
          %broadcast_in_dim3A_1484 = vector.broadcast %jit3A_1483 : i32 to vector<16xi32>
          %select_n3A_1485 = arith.select %gt3A_1482, %get3A_1480, %broadcast_in_dim3A_1484 : vector<16xi1>, vector<16xi32>
          %min3A_1486 = arith.minui %scan3A_1471, %select_n3A_1485 : vector<16xi32>
          %eq3A_1487 = vector.broadcast %scan3A_1148 : i32 to vector<16xi32>
          %eq3A_1488 = arith.cmpi eq, %get3A_1480, %eq3A_1487 : vector<16xi32>
          %jit3A_1489 = arith.constant 1 : i32
          %jit3A_1490 = arith.constant 0 : i32
          %broadcast_in_dim3A_1491 = vector.broadcast %jit3A_1489 : i32 to vector<16xi32>
          %broadcast_in_dim3A_1492 = vector.broadcast %jit3A_1490 : i32 to vector<16xi32>
          %select_n3A_1493 = arith.select %eq3A_1488, %broadcast_in_dim3A_1491, %broadcast_in_dim3A_1492 : vector<16xi1>, vector<16xi32>
          %add3A_1494 = arith.addi %scan3A_1472, %select_n3A_1493 : vector<16xi32>
          %mul3A_1495 = arith.constant 8 : i32
          %mul3A_1496 = arith.muli %scan3A_1470, %mul3A_1495 : i32
          %add3A_1497 = arith.constant 1 : i32
          %add3A_1498 = arith.addi %mul3A_1496, %add3A_1497 : i32
          %mul3A_1499 = arith.constant 16 : i32
          %mul3A_1500 = arith.muli %add3A_1498, %mul3A_1499 : i32
          %get3A_1501 = arith.index_cast %mul3A_1500 : i32 to index
          %get3A_1502 = tpu.vector_load %arg7[%get3A_1501] {strides = array<i32>} : memref<8192xi32, #tpu.memory_space<vmem>>, vector<16xi32>,
          %get3A_1503 = vector.shape_cast %get3A_1502 : vector<16xi32> to vector<16xi32>
          %gt3A_1504 = vector.broadcast %scan3A_1148 : i32 to vector<16xi32>
          %gt3A_1505 = arith.cmpi ugt, %get3A_1503, %gt3A_1504 : vector<16xi32>
          %jit3A_1506 = arith.constant -1 : i32
          %broadcast_in_dim3A_1507 = vector.broadcast %jit3A_1506 : i32 to vector<16xi32>
          %select_n3A_1508 = arith.select %gt3A_1505, %get3A_1503, %broadcast_in_dim3A_1507 : vector<16xi1>, vector<16xi32>
          %min3A_1509 = arith.minui %min3A_1486, %select_n3A_1508 : vector<16xi32>
          %eq3A_1510 = vector.broadcast %scan3A_1148 : i32 to vector<16xi32>
          %eq3A_1511 = arith.cmpi eq, %get3A_1503, %eq3A_1510 : vector<16xi32>
          %jit3A_1512 = arith.constant 1 : i32
          %jit3A_1513 = arith.constant 0 : i32
          %broadcast_in_dim3A_1514 = vector.broadcast %jit3A_1512 : i32 to vector<16xi32>
          %broadcast_in_dim3A_1515 = vector.broadcast %jit3A_1513 : i32 to vector<16xi32>
          %select_n3A_1516 = arith.select %eq3A_1511, %broadcast_in_dim3A_1514, %broadcast_in_dim3A_1515 : vector<16xi1>, vector<16xi32>
          %add3A_1517 = arith.addi %add3A_1494, %select_n3A_1516 : vector<16xi32>
          %mul3A_1518 = arith.constant 8 : i32
          %mul3A_1519 = arith.muli %scan3A_1470, %mul3A_1518 : i32
          %add3A_1520 = arith.constant 2 : i32
          %add3A_1521 = arith.addi %mul3A_1519, %add3A_1520 : i32
          %mul3A_1522 = arith.constant 16 : i32
          %mul3A_1523 = arith.muli %add3A_1521, %mul3A_1522 : i32
          %get3A_1524 = arith.index_cast %mul3A_1523 : i32 to index
          %get3A_1525 = tpu.vector_load %arg7[%get3A_1524] {strides = array<i32>} : memref<8192xi32, #tpu.memory_space<vmem>>, vector<16xi32>,
          %get3A_1526 = vector.shape_cast %get3A_1525 : vector<16xi32> to vector<16xi32>
          %gt3A_1527 = vector.broadcast %scan3A_1148 : i32 to vector<16xi32>
          %gt3A_1528 = arith.cmpi ugt, %get3A_1526, %gt3A_1527 : vector<16xi32>
          %jit3A_1529 = arith.constant -1 : i32
          %broadcast_in_dim3A_1530 = vector.broadcast %jit3A_1529 : i32 to vector<16xi32>
          %select_n3A_1531 = arith.select %gt3A_1528, %get3A_1526, %broadcast_in_dim3A_1530 : vector<16xi1>, vector<16xi32>
          %min3A_1532 = arith.minui %min3A_1509, %select_n3A_1531 : vector<16xi32>
          %eq3A_1533 = vector.broadcast %scan3A_1148 : i32 to vector<16xi32>
          %eq3A_1534 = arith.cmpi eq, %get3A_1526, %eq3A_1533 : vector<16xi32>
          %jit3A_1535 = arith.constant 1 : i32
          %jit3A_1536 = arith.constant 0 : i32
          %broadcast_in_dim3A_1537 = vector.broadcast %jit3A_1535 : i32 to vector<16xi32>
          %broadcast_in_dim3A_1538 = vector.broadcast %jit3A_1536 : i32 to vector<16xi32>
          %select_n3A_1539 = arith.select %eq3A_1534, %broadcast_in_dim3A_1537, %broadcast_in_dim3A_1538 : vector<16xi1>, vector<16xi32>
          %add3A_1540 = arith.addi %add3A_1517, %select_n3A_1539 : vector<16xi32>
          %mul3A_1541 = arith.constant 8 : i32
          %mul3A_1542 = arith.muli %scan3A_1470, %mul3A_1541 : i32
          %add3A_1543 = arith.constant 3 : i32
          %add3A_1544 = arith.addi %mul3A_1542, %add3A_1543 : i32
          %mul3A_1545 = arith.constant 16 : i32
          %mul3A_1546 = arith.muli %add3A_1544, %mul3A_1545 : i32
          %get3A_1547 = arith.index_cast %mul3A_1546 : i32 to index
          %get3A_1548 = tpu.vector_load %arg7[%get3A_1547] {strides = array<i32>} : memref<8192xi32, #tpu.memory_space<vmem>>, vector<16xi32>,
          %get3A_1549 = vector.shape_cast %get3A_1548 : vector<16xi32> to vector<16xi32>
          %gt3A_1550 = vector.broadcast %scan3A_1148 : i32 to vector<16xi32>
          %gt3A_1551 = arith.cmpi ugt, %get3A_1549, %gt3A_1550 : vector<16xi32>
          %jit3A_1552 = arith.constant -1 : i32
          %broadcast_in_dim3A_1553 = vector.broadcast %jit3A_1552 : i32 to vector<16xi32>
          %select_n3A_1554 = arith.select %gt3A_1551, %get3A_1549, %broadcast_in_dim3A_1553 : vector<16xi1>, vector<16xi32>
          %min3A_1555 = arith.minui %min3A_1532, %select_n3A_1554 : vector<16xi32>
          %eq3A_1556 = vector.broadcast %scan3A_1148 : i32 to vector<16xi32>
          %eq3A_1557 = arith.cmpi eq, %get3A_1549, %eq3A_1556 : vector<16xi32>
          %jit3A_1558 = arith.constant 1 : i32
          %jit3A_1559 = arith.constant 0 : i32
          %broadcast_in_dim3A_1560 = vector.broadcast %jit3A_1558 : i32 to vector<16xi32>
          %broadcast_in_dim3A_1561 = vector.broadcast %jit3A_1559 : i32 to vector<16xi32>
          %select_n3A_1562 = arith.select %eq3A_1557, %broadcast_in_dim3A_1560, %broadcast_in_dim3A_1561 : vector<16xi1>, vector<16xi32>
          %add3A_1563 = arith.addi %add3A_1540, %select_n3A_1562 : vector<16xi32>
          %mul3A_1564 = arith.constant 8 : i32
          %mul3A_1565 = arith.muli %scan3A_1470, %mul3A_1564 : i32
          %add3A_1566 = arith.constant 4 : i32
          %add3A_1567 = arith.addi %mul3A_1565, %add3A_1566 : i32
          %mul3A_1568 = arith.constant 16 : i32
          %mul3A_1569 = arith.muli %add3A_1567, %mul3A_1568 : i32
          %get3A_1570 = arith.index_cast %mul3A_1569 : i32 to index
          %get3A_1571 = tpu.vector_load %arg7[%get3A_1570] {strides = array<i32>} : memref<8192xi32, #tpu.memory_space<vmem>>, vector<16xi32>,
          %get3A_1572 = vector.shape_cast %get3A_1571 : vector<16xi32> to vector<16xi32>
          %gt3A_1573 = vector.broadcast %scan3A_1148 : i32 to vector<16xi32>
          %gt3A_1574 = arith.cmpi ugt, %get3A_1572, %gt3A_1573 : vector<16xi32>
          %jit3A_1575 = arith.constant -1 : i32
          %broadcast_in_dim3A_1576 = vector.broadcast %jit3A_1575 : i32 to vector<16xi32>
          %select_n3A_1577 = arith.select %gt3A_1574, %get3A_1572, %broadcast_in_dim3A_1576 : vector<16xi1>, vector<16xi32>
          %min3A_1578 = arith.minui %min3A_1555, %select_n3A_1577 : vector<16xi32>
          %eq3A_1579 = vector.broadcast %scan3A_1148 : i32 to vector<16xi32>
          %eq3A_1580 = arith.cmpi eq, %get3A_1572, %eq3A_1579 : vector<16xi32>
          %jit3A_1581 = arith.constant 1 : i32
          %jit3A_1582 = arith.constant 0 : i32
          %broadcast_in_dim3A_1583 = vector.broadcast %jit3A_1581 : i32 to vector<16xi32>
          %broadcast_in_dim3A_1584 = vector.broadcast %jit3A_1582 : i32 to vector<16xi32>
          %select_n3A_1585 = arith.select %eq3A_1580, %broadcast_in_dim3A_1583, %broadcast_in_dim3A_1584 : vector<16xi1>, vector<16xi32>
          %add3A_1586 = arith.addi %add3A_1563, %select_n3A_1585 : vector<16xi32>
          %mul3A_1587 = arith.constant 8 : i32
          %mul3A_1588 = arith.muli %scan3A_1470, %mul3A_1587 : i32
          %add3A_1589 = arith.constant 5 : i32
          %add3A_1590 = arith.addi %mul3A_1588, %add3A_1589 : i32
          %mul3A_1591 = arith.constant 16 : i32
          %mul3A_1592 = arith.muli %add3A_1590, %mul3A_1591 : i32
          %get3A_1593 = arith.index_cast %mul3A_1592 : i32 to index
          %get3A_1594 = tpu.vector_load %arg7[%get3A_1593] {strides = array<i32>} : memref<8192xi32, #tpu.memory_space<vmem>>, vector<16xi32>,
          %get3A_1595 = vector.shape_cast %get3A_1594 : vector<16xi32> to vector<16xi32>
          %gt3A_1596 = vector.broadcast %scan3A_1148 : i32 to vector<16xi32>
          %gt3A_1597 = arith.cmpi ugt, %get3A_1595, %gt3A_1596 : vector<16xi32>
          %jit3A_1598 = arith.constant -1 : i32
          %broadcast_in_dim3A_1599 = vector.broadcast %jit3A_1598 : i32 to vector<16xi32>
          %select_n3A_1600 = arith.select %gt3A_1597, %get3A_1595, %broadcast_in_dim3A_1599 : vector<16xi1>, vector<16xi32>
          %min3A_1601 = arith.minui %min3A_1578, %select_n3A_1600 : vector<16xi32>
          %eq3A_1602 = vector.broadcast %scan3A_1148 : i32 to vector<16xi32>
          %eq3A_1603 = arith.cmpi eq, %get3A_1595, %eq3A_1602 : vector<16xi32>
          %jit3A_1604 = arith.constant 1 : i32
          %jit3A_1605 = arith.constant 0 : i32
          %broadcast_in_dim3A_1606 = vector.broadcast %jit3A_1604 : i32 to vector<16xi32>
          %broadcast_in_dim3A_1607 = vector.broadcast %jit3A_1605 : i32 to vector<16xi32>
          %select_n3A_1608 = arith.select %eq3A_1603, %broadcast_in_dim3A_1606, %broadcast_in_dim3A_1607 : vector<16xi1>, vector<16xi32>
          %add3A_1609 = arith.addi %add3A_1586, %select_n3A_1608 : vector<16xi32>
          %mul3A_1610 = arith.constant 8 : i32
          %mul3A_1611 = arith.muli %scan3A_1470, %mul3A_1610 : i32
          %add3A_1612 = arith.constant 6 : i32
          %add3A_1613 = arith.addi %mul3A_1611, %add3A_1612 : i32
          %mul3A_1614 = arith.constant 16 : i32
          %mul3A_1615 = arith.muli %add3A_1613, %mul3A_1614 : i32
          %get3A_1616 = arith.index_cast %mul3A_1615 : i32 to index
          %get3A_1617 = tpu.vector_load %arg7[%get3A_1616] {strides = array<i32>} : memref<8192xi32, #tpu.memory_space<vmem>>, vector<16xi32>,
          %get3A_1618 = vector.shape_cast %get3A_1617 : vector<16xi32> to vector<16xi32>
          %gt3A_1619 = vector.broadcast %scan3A_1148 : i32 to vector<16xi32>
          %gt3A_1620 = arith.cmpi ugt, %get3A_1618, %gt3A_1619 : vector<16xi32>
          %jit3A_1621 = arith.constant -1 : i32
          %broadcast_in_dim3A_1622 = vector.broadcast %jit3A_1621 : i32 to vector<16xi32>
          %select_n3A_1623 = arith.select %gt3A_1620, %get3A_1618, %broadcast_in_dim3A_1622 : vector<16xi1>, vector<16xi32>
          %min3A_1624 = arith.minui %min3A_1601, %select_n3A_1623 : vector<16xi32>
          %eq3A_1625 = vector.broadcast %scan3A_1148 : i32 to vector<16xi32>
          %eq3A_1626 = arith.cmpi eq, %get3A_1618, %eq3A_1625 : vector<16xi32>
          %jit3A_1627 = arith.constant 1 : i32
          %jit3A_1628 = arith.constant 0 : i32
          %broadcast_in_dim3A_1629 = vector.broadcast %jit3A_1627 : i32 to vector<16xi32>
          %broadcast_in_dim3A_1630 = vector.broadcast %jit3A_1628 : i32 to vector<16xi32>
          %select_n3A_1631 = arith.select %eq3A_1626, %broadcast_in_dim3A_1629, %broadcast_in_dim3A_1630 : vector<16xi1>, vector<16xi32>
          %add3A_1632 = arith.addi %add3A_1609, %select_n3A_1631 : vector<16xi32>
          %mul3A_1633 = arith.constant 8 : i32
          %mul3A_1634 = arith.muli %scan3A_1470, %mul3A_1633 : i32
          %add3A_1635 = arith.constant 7 : i32
          %add3A_1636 = arith.addi %mul3A_1634, %add3A_1635 : i32
          %mul3A_1637 = arith.constant 16 : i32
          %mul3A_1638 = arith.muli %add3A_1636, %mul3A_1637 : i32
          %get3A_1639 = arith.index_cast %mul3A_1638 : i32 to index
          %get3A_1640 = tpu.vector_load %arg7[%get3A_1639] {strides = array<i32>} : memref<8192xi32, #tpu.memory_space<vmem>>, vector<16xi32>,
          %get3A_1641 = vector.shape_cast %get3A_1640 : vector<16xi32> to vector<16xi32>
          %gt3A_1642 = vector.broadcast %scan3A_1148 : i32 to vector<16xi32>
          %gt3A_1643 = arith.cmpi ugt, %get3A_1641, %gt3A_1642 : vector<16xi32>
          %jit3A_1644 = arith.constant -1 : i32
          %broadcast_in_dim3A_1645 = vector.broadcast %jit3A_1644 : i32 to vector<16xi32>
          %select_n3A_1646 = arith.select %gt3A_1643, %get3A_1641, %broadcast_in_dim3A_1645 : vector<16xi1>, vector<16xi32>
          %min3A_1647 = arith.minui %min3A_1624, %select_n3A_1646 : vector<16xi32>
          %eq3A_1648 = vector.broadcast %scan3A_1148 : i32 to vector<16xi32>
          %eq3A_1649 = arith.cmpi eq, %get3A_1641, %eq3A_1648 : vector<16xi32>
          %jit3A_1650 = arith.constant 1 : i32
          %jit3A_1651 = arith.constant 0 : i32
          %broadcast_in_dim3A_1652 = vector.broadcast %jit3A_1650 : i32 to vector<16xi32>
          %broadcast_in_dim3A_1653 = vector.broadcast %jit3A_1651 : i32 to vector<16xi32>
          %select_n3A_1654 = arith.select %eq3A_1649, %broadcast_in_dim3A_1652, %broadcast_in_dim3A_1653 : vector<16xi1>, vector<16xi32>
          %add3A_1655 = arith.addi %add3A_1632, %select_n3A_1654 : vector<16xi32>
          scf.yield %min3A_1647, %add3A_1655 : vector<16xi32>, vector<16xi32>
        }
        %scan3A_1167 = arith.constant 64 : i32
        %iota3A_1168 = tpu.iota {dimensions = array<i32: 0>} : vector<16xi32>
        %add3A_1169 = arith.constant 1 : i32
        %add3A_1170 = vector.broadcast %add3A_1169 : i32 to vector<16xi32>
        %add3A_1171 = arith.addi %iota3A_1168, %add3A_1170 : vector<16xi32>
        %jit3A_1172 = arith.constant 16 : i32
        %eq3A_1173 = arith.constant 0 : i32
        %eq3A_1174 = arith.cmpi eq, %jit3A_1172, %eq3A_1173 : i32
        %jit3A_1175 = arith.constant 1 : i32
        %select_n3A_1176 = arith.select %eq3A_1174, %jit3A_1175, %jit3A_1172 : i32
        %rem3A_1177 = vector.broadcast %select_n3A_1176 : i32 to vector<16xi32>
        %rem3A_1178 = arith.remsi %add3A_1171, %rem3A_1177 : vector<16xi32>
        %ne3A_1179 = arith.constant 0 : i32
        %ne3A_1180 = vector.broadcast %ne3A_1179 : i32 to vector<16xi32>
        %ne3A_1181 = arith.cmpi ne, %rem3A_1178, %ne3A_1180 : vector<16xi32>
        %lt3A_1182 = arith.constant 0 : i32
        %lt3A_1183 = vector.broadcast %lt3A_1182 : i32 to vector<16xi32>
        %lt3A_1184 = arith.cmpi slt, %rem3A_1178, %lt3A_1183 : vector<16xi32>
        %lt3A_1185 = arith.constant 0 : i32
        %lt3A_1186 = arith.cmpi slt, %select_n3A_1176, %lt3A_1185 : i32
        %ne3A_1187 = vector.broadcast %lt3A_1186 : i1 to vector<16xi1>
        %ne3A_1188 = vector.broadcast %ne3A_1187 : vector<16xi1> to vector<16xi1>
        %ne3A_1189 = arith.xori %lt3A_1184, %ne3A_1188 : vector<16xi1>
        %and3A_1190 = arith.andi %ne3A_1189, %ne3A_1181 : vector<16xi1>
        %add3A_1191 = vector.broadcast %select_n3A_1176 : i32 to vector<16xi32>
        %add3A_1192 = arith.addi %rem3A_1178, %add3A_1191 : vector<16xi32>
        %select_n3A_1193 = arith.select %and3A_1190, %add3A_1192, %rem3A_1178 : vector<16xi1>, vector<16xi32>
        %lt3A_1194 = arith.constant 0 : i32
        %lt3A_1195 = vector.broadcast %lt3A_1194 : i32 to vector<16xi32>
        %lt3A_1196 = arith.cmpi slt, %select_n3A_1193, %lt3A_1195 : vector<16xi32>
        %add3A_1197 = arith.constant 16 : i32
        %add3A_1198 = vector.broadcast %add3A_1197 : i32 to vector<16xi32>
        %add3A_1199 = arith.addi %select_n3A_1193, %add3A_1198 : vector<16xi32>
        %select_n3A_1200 = arith.select %lt3A_1196, %add3A_1199, %select_n3A_1193 : vector<16xi1>, vector<16xi32>
        %broadcast_in_dim3A_1201 = vector.shape_cast %select_n3A_1200 : vector<16xi32> to vector<16x1xi32>
        %gather3A_1202 = vector.shape_cast %broadcast_in_dim3A_1201 : vector<16x1xi32> to vector<16xi32>
        %gather3A_1203 = tpu.dynamic_gather %scan3A_1166#0[%gather3A_1202] in [0] : vector<16xi32>, vector<16xi32> -> vector<16xi32>
        %min3A_1204 = arith.minui %scan3A_1166#0, %gather3A_1203 : vector<16xi32>
        %add3A_1205 = arith.constant 2 : i32
        %add3A_1206 = vector.broadcast %add3A_1205 : i32 to vector<16xi32>
        %add3A_1207 = arith.addi %iota3A_1168, %add3A_1206 : vector<16xi32>
        %jit3A_1208 = arith.constant 16 : i32
        %eq3A_1209 = arith.constant 0 : i32
        %eq3A_1210 = arith.cmpi eq, %jit3A_1208, %eq3A_1209 : i32
        %jit3A_1211 = arith.constant 1 : i32
        %select_n3A_1212 = arith.select %eq3A_1210, %jit3A_1211, %jit3A_1208 : i32
        %rem3A_1213 = vector.broadcast %select_n3A_1212 : i32 to vector<16xi32>
        %rem3A_1214 = arith.remsi %add3A_1207, %rem3A_1213 : vector<16xi32>
        %ne3A_1215 = arith.constant 0 : i32
        %ne3A_1216 = vector.broadcast %ne3A_1215 : i32 to vector<16xi32>
        %ne3A_1217 = arith.cmpi ne, %rem3A_1214, %ne3A_1216 : vector<16xi32>
        %lt3A_1218 = arith.constant 0 : i32
        %lt3A_1219 = vector.broadcast %lt3A_1218 : i32 to vector<16xi32>
        %lt3A_1220 = arith.cmpi slt, %rem3A_1214, %lt3A_1219 : vector<16xi32>
        %lt3A_1221 = arith.constant 0 : i32
        %lt3A_1222 = arith.cmpi slt, %select_n3A_1212, %lt3A_1221 : i32
        %ne3A_1223 = vector.broadcast %lt3A_1222 : i1 to vector<16xi1>
        %ne3A_1224 = vector.broadcast %ne3A_1223 : vector<16xi1> to vector<16xi1>
        %ne3A_1225 = arith.xori %lt3A_1220, %ne3A_1224 : vector<16xi1>
        %and3A_1226 = arith.andi %ne3A_1225, %ne3A_1217 : vector<16xi1>
        %add3A_1227 = vector.broadcast %select_n3A_1212 : i32 to vector<16xi32>
        %add3A_1228 = arith.addi %rem3A_1214, %add3A_1227 : vector<16xi32>
        %select_n3A_1229 = arith.select %and3A_1226, %add3A_1228, %rem3A_1214 : vector<16xi1>, vector<16xi32>
        %lt3A_1230 = arith.constant 0 : i32
        %lt3A_1231 = vector.broadcast %lt3A_1230 : i32 to vector<16xi32>
        %lt3A_1232 = arith.cmpi slt, %select_n3A_1229, %lt3A_1231 : vector<16xi32>
        %add3A_1233 = arith.constant 16 : i32
        %add3A_1234 = vector.broadcast %add3A_1233 : i32 to vector<16xi32>
        %add3A_1235 = arith.addi %select_n3A_1229, %add3A_1234 : vector<16xi32>
        %select_n3A_1236 = arith.select %lt3A_1232, %add3A_1235, %select_n3A_1229 : vector<16xi1>, vector<16xi32>
        %broadcast_in_dim3A_1237 = vector.shape_cast %select_n3A_1236 : vector<16xi32> to vector<16x1xi32>
        %gather3A_1238 = vector.shape_cast %broadcast_in_dim3A_1237 : vector<16x1xi32> to vector<16xi32>
        %gather3A_1239 = tpu.dynamic_gather %min3A_1204[%gather3A_1238] in [0] : vector<16xi32>, vector<16xi32> -> vector<16xi32>
        %min3A_1240 = arith.minui %min3A_1204, %gather3A_1239 : vector<16xi32>
        %add3A_1241 = arith.constant 4 : i32
        %add3A_1242 = vector.broadcast %add3A_1241 : i32 to vector<16xi32>
        %add3A_1243 = arith.addi %iota3A_1168, %add3A_1242 : vector<16xi32>
        %jit3A_1244 = arith.constant 16 : i32
        %eq3A_1245 = arith.constant 0 : i32
        %eq3A_1246 = arith.cmpi eq, %jit3A_1244, %eq3A_1245 : i32
        %jit3A_1247 = arith.constant 1 : i32
        %select_n3A_1248 = arith.select %eq3A_1246, %jit3A_1247, %jit3A_1244 : i32
        %rem3A_1249 = vector.broadcast %select_n3A_1248 : i32 to vector<16xi32>
        %rem3A_1250 = arith.remsi %add3A_1243, %rem3A_1249 : vector<16xi32>
        %ne3A_1251 = arith.constant 0 : i32
        %ne3A_1252 = vector.broadcast %ne3A_1251 : i32 to vector<16xi32>
        %ne3A_1253 = arith.cmpi ne, %rem3A_1250, %ne3A_1252 : vector<16xi32>
        %lt3A_1254 = arith.constant 0 : i32
        %lt3A_1255 = vector.broadcast %lt3A_1254 : i32 to vector<16xi32>
        %lt3A_1256 = arith.cmpi slt, %rem3A_1250, %lt3A_1255 : vector<16xi32>
        %lt3A_1257 = arith.constant 0 : i32
        %lt3A_1258 = arith.cmpi slt, %select_n3A_1248, %lt3A_1257 : i32
        %ne3A_1259 = vector.broadcast %lt3A_1258 : i1 to vector<16xi1>
        %ne3A_1260 = vector.broadcast %ne3A_1259 : vector<16xi1> to vector<16xi1>
        %ne3A_1261 = arith.xori %lt3A_1256, %ne3A_1260 : vector<16xi1>
        %and3A_1262 = arith.andi %ne3A_1261, %ne3A_1253 : vector<16xi1>
        %add3A_1263 = vector.broadcast %select_n3A_1248 : i32 to vector<16xi32>
        %add3A_1264 = arith.addi %rem3A_1250, %add3A_1263 : vector<16xi32>
        %select_n3A_1265 = arith.select %and3A_1262, %add3A_1264, %rem3A_1250 : vector<16xi1>, vector<16xi32>
        %lt3A_1266 = arith.constant 0 : i32
        %lt3A_1267 = vector.broadcast %lt3A_1266 : i32 to vector<16xi32>
        %lt3A_1268 = arith.cmpi slt, %select_n3A_1265, %lt3A_1267 : vector<16xi32>
        %add3A_1269 = arith.constant 16 : i32
        %add3A_1270 = vector.broadcast %add3A_1269 : i32 to vector<16xi32>
        %add3A_1271 = arith.addi %select_n3A_1265, %add3A_1270 : vector<16xi32>
        %select_n3A_1272 = arith.select %lt3A_1268, %add3A_1271, %select_n3A_1265 : vector<16xi1>, vector<16xi32>
        %broadcast_in_dim3A_1273 = vector.shape_cast %select_n3A_1272 : vector<16xi32> to vector<16x1xi32>
        %gather3A_1274 = vector.shape_cast %broadcast_in_dim3A_1273 : vector<16x1xi32> to vector<16xi32>
        %gather3A_1275 = tpu.dynamic_gather %min3A_1240[%gather3A_1274] in [0] : vector<16xi32>, vector<16xi32> -> vector<16xi32>
        %min3A_1276 = arith.minui %min3A_1240, %gather3A_1275 : vector<16xi32>
        %add3A_1277 = arith.constant 8 : i32
        %add3A_1278 = vector.broadcast %add3A_1277 : i32 to vector<16xi32>
        %add3A_1279 = arith.addi %iota3A_1168, %add3A_1278 : vector<16xi32>
        %jit3A_1280 = arith.constant 16 : i32
        %eq3A_1281 = arith.constant 0 : i32
        %eq3A_1282 = arith.cmpi eq, %jit3A_1280, %eq3A_1281 : i32
        %jit3A_1283 = arith.constant 1 : i32
        %select_n3A_1284 = arith.select %eq3A_1282, %jit3A_1283, %jit3A_1280 : i32
        %rem3A_1285 = vector.broadcast %select_n3A_1284 : i32 to vector<16xi32>
        %rem3A_1286 = arith.remsi %add3A_1279, %rem3A_1285 : vector<16xi32>
        %ne3A_1287 = arith.constant 0 : i32
        %ne3A_1288 = vector.broadcast %ne3A_1287 : i32 to vector<16xi32>
        %ne3A_1289 = arith.cmpi ne, %rem3A_1286, %ne3A_1288 : vector<16xi32>
        %lt3A_1290 = arith.constant 0 : i32
        %lt3A_1291 = vector.broadcast %lt3A_1290 : i32 to vector<16xi32>
        %lt3A_1292 = arith.cmpi slt, %rem3A_1286, %lt3A_1291 : vector<16xi32>
        %lt3A_1293 = arith.constant 0 : i32
        %lt3A_1294 = arith.cmpi slt, %select_n3A_1284, %lt3A_1293 : i32
        %ne3A_1295 = vector.broadcast %lt3A_1294 : i1 to vector<16xi1>
        %ne3A_1296 = vector.broadcast %ne3A_1295 : vector<16xi1> to vector<16xi1>
        %ne3A_1297 = arith.xori %lt3A_1292, %ne3A_1296 : vector<16xi1>
        %and3A_1298 = arith.andi %ne3A_1297, %ne3A_1289 : vector<16xi1>
        %add3A_1299 = vector.broadcast %select_n3A_1284 : i32 to vector<16xi32>
        %add3A_1300 = arith.addi %rem3A_1286, %add3A_1299 : vector<16xi32>
        %select_n3A_1301 = arith.select %and3A_1298, %add3A_1300, %rem3A_1286 : vector<16xi1>, vector<16xi32>
        %lt3A_1302 = arith.constant 0 : i32
        %lt3A_1303 = vector.broadcast %lt3A_1302 : i32 to vector<16xi32>
        %lt3A_1304 = arith.cmpi slt, %select_n3A_1301, %lt3A_1303 : vector<16xi32>
        %add3A_1305 = arith.constant 16 : i32
        %add3A_1306 = vector.broadcast %add3A_1305 : i32 to vector<16xi32>
        %add3A_1307 = arith.addi %select_n3A_1301, %add3A_1306 : vector<16xi32>
        %select_n3A_1308 = arith.select %lt3A_1304, %add3A_1307, %select_n3A_1301 : vector<16xi1>, vector<16xi32>
        %broadcast_in_dim3A_1309 = vector.shape_cast %select_n3A_1308 : vector<16xi32> to vector<16x1xi32>
        %gather3A_1310 = vector.shape_cast %broadcast_in_dim3A_1309 : vector<16x1xi32> to vector<16xi32>
        %gather3A_1311 = tpu.dynamic_gather %min3A_1276[%gather3A_1310] in [0] : vector<16xi32>, vector<16xi32> -> vector<16xi32>
        %min3A_1312 = arith.minui %min3A_1276, %gather3A_1311 : vector<16xi32>
        %slice3A_1313 = vector.extract_strided_slice %min3A_1312 {offsets = [0], sizes = [1], strides = [1]} : vector<16xi32> to vector<1xi32>
        %squeeze3A_1314 = vector.extract %slice3A_1313[0] : i32 from vector<1xi32>
        %iota3A_1315 = tpu.iota {dimensions = array<i32: 0>} : vector<16xi32>
        %add3A_1316 = arith.constant 1 : i32
        %add3A_1317 = vector.broadcast %add3A_1316 : i32 to vector<16xi32>
        %add3A_1318 = arith.addi %iota3A_1315, %add3A_1317 : vector<16xi32>
        %jit3A_1319 = arith.constant 16 : i32
        %eq3A_1320 = arith.constant 0 : i32
        %eq3A_1321 = arith.cmpi eq, %jit3A_1319, %eq3A_1320 : i32
        %jit3A_1322 = arith.constant 1 : i32
        %select_n3A_1323 = arith.select %eq3A_1321, %jit3A_1322, %jit3A_1319 : i32
        %rem3A_1324 = vector.broadcast %select_n3A_1323 : i32 to vector<16xi32>
        %rem3A_1325 = arith.remsi %add3A_1318, %rem3A_1324 : vector<16xi32>
        %ne3A_1326 = arith.constant 0 : i32
        %ne3A_1327 = vector.broadcast %ne3A_1326 : i32 to vector<16xi32>
        %ne3A_1328 = arith.cmpi ne, %rem3A_1325, %ne3A_1327 : vector<16xi32>
        %lt3A_1329 = arith.constant 0 : i32
        %lt3A_1330 = vector.broadcast %lt3A_1329 : i32 to vector<16xi32>
        %lt3A_1331 = arith.cmpi slt, %rem3A_1325, %lt3A_1330 : vector<16xi32>
        %lt3A_1332 = arith.constant 0 : i32
        %lt3A_1333 = arith.cmpi slt, %select_n3A_1323, %lt3A_1332 : i32
        %ne3A_1334 = vector.broadcast %lt3A_1333 : i1 to vector<16xi1>
        %ne3A_1335 = vector.broadcast %ne3A_1334 : vector<16xi1> to vector<16xi1>
        %ne3A_1336 = arith.xori %lt3A_1331, %ne3A_1335 : vector<16xi1>
        %and3A_1337 = arith.andi %ne3A_1336, %ne3A_1328 : vector<16xi1>
        %add3A_1338 = vector.broadcast %select_n3A_1323 : i32 to vector<16xi32>
        %add3A_1339 = arith.addi %rem3A_1325, %add3A_1338 : vector<16xi32>
        %select_n3A_1340 = arith.select %and3A_1337, %add3A_1339, %rem3A_1325 : vector<16xi1>, vector<16xi32>
        %lt3A_1341 = arith.constant 0 : i32
        %lt3A_1342 = vector.broadcast %lt3A_1341 : i32 to vector<16xi32>
        %lt3A_1343 = arith.cmpi slt, %select_n3A_1340, %lt3A_1342 : vector<16xi32>
        %add3A_1344 = arith.constant 16 : i32
        %add3A_1345 = vector.broadcast %add3A_1344 : i32 to vector<16xi32>
        %add3A_1346 = arith.addi %select_n3A_1340, %add3A_1345 : vector<16xi32>
        %select_n3A_1347 = arith.select %lt3A_1343, %add3A_1346, %select_n3A_1340 : vector<16xi1>, vector<16xi32>
        %broadcast_in_dim3A_1348 = vector.shape_cast %select_n3A_1347 : vector<16xi32> to vector<16x1xi32>
        %gather3A_1349 = vector.shape_cast %broadcast_in_dim3A_1348 : vector<16x1xi32> to vector<16xi32>
        %gather3A_1350 = tpu.dynamic_gather %scan3A_1166#1[%gather3A_1349] in [0] : vector<16xi32>, vector<16xi32> -> vector<16xi32>
        %add3A_1351 = arith.addi %scan3A_1166#1, %gather3A_1350 : vector<16xi32>
        %add3A_1352 = arith.constant 2 : i32
        %add3A_1353 = vector.broadcast %add3A_1352 : i32 to vector<16xi32>
        %add3A_1354 = arith.addi %iota3A_1315, %add3A_1353 : vector<16xi32>
        %jit3A_1355 = arith.constant 16 : i32
        %eq3A_1356 = arith.constant 0 : i32
        %eq3A_1357 = arith.cmpi eq, %jit3A_1355, %eq3A_1356 : i32
        %jit3A_1358 = arith.constant 1 : i32
        %select_n3A_1359 = arith.select %eq3A_1357, %jit3A_1358, %jit3A_1355 : i32
        %rem3A_1360 = vector.broadcast %select_n3A_1359 : i32 to vector<16xi32>
        %rem3A_1361 = arith.remsi %add3A_1354, %rem3A_1360 : vector<16xi32>
        %ne3A_1362 = arith.constant 0 : i32
        %ne3A_1363 = vector.broadcast %ne3A_1362 : i32 to vector<16xi32>
        %ne3A_1364 = arith.cmpi ne, %rem3A_1361, %ne3A_1363 : vector<16xi32>
        %lt3A_1365 = arith.constant 0 : i32
        %lt3A_1366 = vector.broadcast %lt3A_1365 : i32 to vector<16xi32>
        %lt3A_1367 = arith.cmpi slt, %rem3A_1361, %lt3A_1366 : vector<16xi32>
        %lt3A_1368 = arith.constant 0 : i32
        %lt3A_1369 = arith.cmpi slt, %select_n3A_1359, %lt3A_1368 : i32
        %ne3A_1370 = vector.broadcast %lt3A_1369 : i1 to vector<16xi1>
        %ne3A_1371 = vector.broadcast %ne3A_1370 : vector<16xi1> to vector<16xi1>
        %ne3A_1372 = arith.xori %lt3A_1367, %ne3A_1371 : vector<16xi1>
        %and3A_1373 = arith.andi %ne3A_1372, %ne3A_1364 : vector<16xi1>
        %add3A_1374 = vector.broadcast %select_n3A_1359 : i32 to vector<16xi32>
        %add3A_1375 = arith.addi %rem3A_1361, %add3A_1374 : vector<16xi32>
        %select_n3A_1376 = arith.select %and3A_1373, %add3A_1375, %rem3A_1361 : vector<16xi1>, vector<16xi32>
        %lt3A_1377 = arith.constant 0 : i32
        %lt3A_1378 = vector.broadcast %lt3A_1377 : i32 to vector<16xi32>
        %lt3A_1379 = arith.cmpi slt, %select_n3A_1376, %lt3A_1378 : vector<16xi32>
        %add3A_1380 = arith.constant 16 : i32
        %add3A_1381 = vector.broadcast %add3A_1380 : i32 to vector<16xi32>
        %add3A_1382 = arith.addi %select_n3A_1376, %add3A_1381 : vector<16xi32>
        %select_n3A_1383 = arith.select %lt3A_1379, %add3A_1382, %select_n3A_1376 : vector<16xi1>, vector<16xi32>
        %broadcast_in_dim3A_1384 = vector.shape_cast %select_n3A_1383 : vector<16xi32> to vector<16x1xi32>
        %gather3A_1385 = vector.shape_cast %broadcast_in_dim3A_1384 : vector<16x1xi32> to vector<16xi32>
        %gather3A_1386 = tpu.dynamic_gather %add3A_1351[%gather3A_1385] in [0] : vector<16xi32>, vector<16xi32> -> vector<16xi32>
        %add3A_1387 = arith.addi %add3A_1351, %gather3A_1386 : vector<16xi32>
        %add3A_1388 = arith.constant 4 : i32
        %add3A_1389 = vector.broadcast %add3A_1388 : i32 to vector<16xi32>
        %add3A_1390 = arith.addi %iota3A_1315, %add3A_1389 : vector<16xi32>
        %jit3A_1391 = arith.constant 16 : i32
        %eq3A_1392 = arith.constant 0 : i32
        %eq3A_1393 = arith.cmpi eq, %jit3A_1391, %eq3A_1392 : i32
        %jit3A_1394 = arith.constant 1 : i32
        %select_n3A_1395 = arith.select %eq3A_1393, %jit3A_1394, %jit3A_1391 : i32
        %rem3A_1396 = vector.broadcast %select_n3A_1395 : i32 to vector<16xi32>
        %rem3A_1397 = arith.remsi %add3A_1390, %rem3A_1396 : vector<16xi32>
        %ne3A_1398 = arith.constant 0 : i32
        %ne3A_1399 = vector.broadcast %ne3A_1398 : i32 to vector<16xi32>
        %ne3A_1400 = arith.cmpi ne, %rem3A_1397, %ne3A_1399 : vector<16xi32>
        %lt3A_1401 = arith.constant 0 : i32
        %lt3A_1402 = vector.broadcast %lt3A_1401 : i32 to vector<16xi32>
        %lt3A_1403 = arith.cmpi slt, %rem3A_1397, %lt3A_1402 : vector<16xi32>
        %lt3A_1404 = arith.constant 0 : i32
        %lt3A_1405 = arith.cmpi slt, %select_n3A_1395, %lt3A_1404 : i32
        %ne3A_1406 = vector.broadcast %lt3A_1405 : i1 to vector<16xi1>
        %ne3A_1407 = vector.broadcast %ne3A_1406 : vector<16xi1> to vector<16xi1>
        %ne3A_1408 = arith.xori %lt3A_1403, %ne3A_1407 : vector<16xi1>
        %and3A_1409 = arith.andi %ne3A_1408, %ne3A_1400 : vector<16xi1>
        %add3A_1410 = vector.broadcast %select_n3A_1395 : i32 to vector<16xi32>
        %add3A_1411 = arith.addi %rem3A_1397, %add3A_1410 : vector<16xi32>
        %select_n3A_1412 = arith.select %and3A_1409, %add3A_1411, %rem3A_1397 : vector<16xi1>, vector<16xi32>
        %lt3A_1413 = arith.constant 0 : i32
        %lt3A_1414 = vector.broadcast %lt3A_1413 : i32 to vector<16xi32>
        %lt3A_1415 = arith.cmpi slt, %select_n3A_1412, %lt3A_1414 : vector<16xi32>
        %add3A_1416 = arith.constant 16 : i32
        %add3A_1417 = vector.broadcast %add3A_1416 : i32 to vector<16xi32>
        %add3A_1418 = arith.addi %select_n3A_1412, %add3A_1417 : vector<16xi32>
        %select_n3A_1419 = arith.select %lt3A_1415, %add3A_1418, %select_n3A_1412 : vector<16xi1>, vector<16xi32>
        %broadcast_in_dim3A_1420 = vector.shape_cast %select_n3A_1419 : vector<16xi32> to vector<16x1xi32>
        %gather3A_1421 = vector.shape_cast %broadcast_in_dim3A_1420 : vector<16x1xi32> to vector<16xi32>
        %gather3A_1422 = tpu.dynamic_gather %add3A_1387[%gather3A_1421] in [0] : vector<16xi32>, vector<16xi32> -> vector<16xi32>
        %add3A_1423 = arith.addi %add3A_1387, %gather3A_1422 : vector<16xi32>
        %add3A_1424 = arith.constant 8 : i32
        %add3A_1425 = vector.broadcast %add3A_1424 : i32 to vector<16xi32>
        %add3A_1426 = arith.addi %iota3A_1315, %add3A_1425 : vector<16xi32>
        %jit3A_1427 = arith.constant 16 : i32
        %eq3A_1428 = arith.constant 0 : i32
        %eq3A_1429 = arith.cmpi eq, %jit3A_1427, %eq3A_1428 : i32
        %jit3A_1430 = arith.constant 1 : i32
        %select_n3A_1431 = arith.select %eq3A_1429, %jit3A_1430, %jit3A_1427 : i32
        %rem3A_1432 = vector.broadcast %select_n3A_1431 : i32 to vector<16xi32>
        %rem3A_1433 = arith.remsi %add3A_1426, %rem3A_1432 : vector<16xi32>
        %ne3A_1434 = arith.constant 0 : i32
        %ne3A_1435 = vector.broadcast %ne3A_1434 : i32 to vector<16xi32>
        %ne3A_1436 = arith.cmpi ne, %rem3A_1433, %ne3A_1435 : vector<16xi32>
        %lt3A_1437 = arith.constant 0 : i32
        %lt3A_1438 = vector.broadcast %lt3A_1437 : i32 to vector<16xi32>
        %lt3A_1439 = arith.cmpi slt, %rem3A_1433, %lt3A_1438 : vector<16xi32>
        %lt3A_1440 = arith.constant 0 : i32
        %lt3A_1441 = arith.cmpi slt, %select_n3A_1431, %lt3A_1440 : i32
        %ne3A_1442 = vector.broadcast %lt3A_1441 : i1 to vector<16xi1>
        %ne3A_1443 = vector.broadcast %ne3A_1442 : vector<16xi1> to vector<16xi1>
        %ne3A_1444 = arith.xori %lt3A_1439, %ne3A_1443 : vector<16xi1>
        %and3A_1445 = arith.andi %ne3A_1444, %ne3A_1436 : vector<16xi1>
        %add3A_1446 = vector.broadcast %select_n3A_1431 : i32 to vector<16xi32>
        %add3A_1447 = arith.addi %rem3A_1433, %add3A_1446 : vector<16xi32>
        %select_n3A_1448 = arith.select %and3A_1445, %add3A_1447, %rem3A_1433 : vector<16xi1>, vector<16xi32>
        %lt3A_1449 = arith.constant 0 : i32
        %lt3A_1450 = vector.broadcast %lt3A_1449 : i32 to vector<16xi32>
        %lt3A_1451 = arith.cmpi slt, %select_n3A_1448, %lt3A_1450 : vector<16xi32>
        %add3A_1452 = arith.constant 16 : i32
        %add3A_1453 = vector.broadcast %add3A_1452 : i32 to vector<16xi32>
        %add3A_1454 = arith.addi %select_n3A_1448, %add3A_1453 : vector<16xi32>
        %select_n3A_1455 = arith.select %lt3A_1451, %add3A_1454, %select_n3A_1448 : vector<16xi1>, vector<16xi32>
        %broadcast_in_dim3A_1456 = vector.shape_cast %select_n3A_1455 : vector<16xi32> to vector<16x1xi32>
        %gather3A_1457 = vector.shape_cast %broadcast_in_dim3A_1456 : vector<16x1xi32> to vector<16xi32>
        %gather3A_1458 = tpu.dynamic_gather %add3A_1423[%gather3A_1457] in [0] : vector<16xi32>, vector<16xi32> -> vector<16xi32>
        %add3A_1459 = arith.addi %add3A_1423, %gather3A_1458 : vector<16xi32>
        %slice3A_1460 = vector.extract_strided_slice %add3A_1459 {offsets = [0], sizes = [1], strides = [1]} : vector<16xi32> to vector<1xi32>
        %squeeze3A_1461 = vector.extract %slice3A_1460[0] : i32 from vector<1xi32>
        %sub3A_1462 = arith.subi %scan3A_1149, %squeeze3A_1461 : i32
        %lt3A_1463 = arith.constant 4096 : i32
        %lt3A_1464 = arith.cmpi slt, %sub3A_1462, %lt3A_1463 : i32
        %select_n3A_1465 = arith.select %lt3A_1464, %scan3A_1148, %squeeze3A_1314 : i32
        %select_n3A_1466 = arith.select %lt3A_1464, %scan3A_1149, %sub3A_1462 : i32
        %sub3A_1467 = arith.constant 4096 : i32
        %sub3A_1468 = arith.subi %sub3A_1467, %sub3A_1462 : i32
        %select_n3A_1469 = arith.select %lt3A_1464, %sub3A_1468, %scan3A_1151 : i32
        scf.yield %select_n3A_1465, %select_n3A_1466, %lt3A_1464, %select_n3A_1469 : i32, i32, i1, i32
      }
      scf.yield %cond3A_1157#0, %cond3A_1157#1, %cond3A_1157#2, %cond3A_1157#3 : i32, i32, i1, i32
    }
    %scan3A_990 = arith.constant 3 : i32
    %broadcast_in_dim3A_991 = arith.constant 0 : i32
    %broadcast_in_dim3A_992 = vector.broadcast %broadcast_in_dim3A_991 : i32 to vector<16xi32>
    %parallel_loop3A_993 = arith.constant 0 : i32
    %parallel_loop3A_994 = arith.constant 512 : i32
    %parallel_loop3A_995 = arith.constant 1 : i32
    %parallel_loop3A_996 = scf.for %parallel_loop3A_1147 = %parallel_loop3A_993 to %parallel_loop3A_994 step %parallel_loop3A_995 iter_args(%parallel_loop3A_1148 = %broadcast_in_dim3A_992) -> (vector<16xi32>)  : i32 {
      %parallel_loop3A_1149 = arith.constant 16 : i32
      %parallel_loop3A_1150 = arith.muli %parallel_loop3A_1147, %parallel_loop3A_1149 : i32
      %parallel_loop3A_1151 = arith.index_cast %parallel_loop3A_1150 : i32 to index
      %parallel_loop3A_1152 = tpu.vector_load %arg7[%parallel_loop3A_1151] {strides = array<i32>} : memref<8192xi32, #tpu.memory_space<vmem>>, vector<16xi32>,
      %parallel_loop3A_1153 = vector.shape_cast %parallel_loop3A_1152 : vector<16xi32> to vector<16xi32>
      %parallel_loop3A_1154 = vector.broadcast %scan3A_989#0 : i32 to vector<16xi32>
      %parallel_loop3A_1155 = arith.cmpi uge, %parallel_loop3A_1153, %parallel_loop3A_1154 : vector<16xi32>
      %parallel_loop3A_1156 = arith.constant 1.000000e+00 : f32
      %parallel_loop3A_1157 = arith.constant 0.000000e+00 : f32
      %parallel_loop3A_1158 = vector.broadcast %parallel_loop3A_1156 : f32 to vector<16xf32>
      %parallel_loop3A_1159 = vector.broadcast %parallel_loop3A_1157 : f32 to vector<16xf32>
      %parallel_loop3A_1160 = arith.select %parallel_loop3A_1155, %parallel_loop3A_1158, %parallel_loop3A_1159 : vector<16xi1>, vector<16xf32>
      %parallel_loop3A_1161 = arith.index_cast %parallel_loop3A_1150 : i32 to index
      %parallel_loop3A_1162 = tpu.vector_load %arg8[%parallel_loop3A_1161] {strides = array<i32>} : memref<8192xf32, #tpu.memory_space<vmem>>, vector<16xf32>,
      %parallel_loop3A_1163 = vector.shape_cast %parallel_loop3A_1162 : vector<16xf32> to vector<16xf32>
      %parallel_loop3A_1164 = vector.shape_cast %parallel_loop3A_1160 : vector<16xf32> to vector<16xf32>
      tpu.vector_store %arg8[%parallel_loop3A_1161], %parallel_loop3A_1164 {strides = array<i32>} : memref<8192xf32, #tpu.memory_space<vmem>>, vector<16xf32>,
      %parallel_loop3A_1165 = vector.broadcast %scan3A_989#0 : i32 to vector<16xi32>
      %parallel_loop3A_1166 = arith.cmpi eq, %parallel_loop3A_1153, %parallel_loop3A_1165 : vector<16xi32>
      %parallel_loop3A_1167 = arith.constant 1 : i32
      %parallel_loop3A_1168 = arith.constant 0 : i32
      %parallel_loop3A_1169 = vector.broadcast %parallel_loop3A_1167 : i32 to vector<16xi32>
      %parallel_loop3A_1170 = vector.broadcast %parallel_loop3A_1168 : i32 to vector<16xi32>
      %parallel_loop3A_1171 = arith.select %parallel_loop3A_1166, %parallel_loop3A_1169, %parallel_loop3A_1170 : vector<16xi1>, vector<16xi32>
      %parallel_loop3A_1172 = arith.addi %parallel_loop3A_1148, %parallel_loop3A_1171 : vector<16xi32>
      scf.yield %parallel_loop3A_1172 : vector<16xi32>
    } {sc.loop_unroll_factor = 8 : i64, sc.parallel_access}
    %iota3A_997 = tpu.iota {dimensions = array<i32: 0>} : vector<16xi32>
    %add3A_998 = arith.constant 1 : i32
    %add3A_999 = vector.broadcast %add3A_998 : i32 to vector<16xi32>
    %add3A_1000 = arith.addi %iota3A_997, %add3A_999 : vector<16xi32>
    %jit3A_1001 = arith.constant 16 : i32
    %eq3A_1002 = arith.constant 0 : i32
    %eq3A_1003 = arith.cmpi eq, %jit3A_1001, %eq3A_1002 : i32
    %jit3A_1004 = arith.constant 1 : i32
    %select_n3A_1005 = arith.select %eq3A_1003, %jit3A_1004, %jit3A_1001 : i32
    %rem3A_1006 = vector.broadcast %select_n3A_1005 : i32 to vector<16xi32>
    %rem3A_1007 = arith.remsi %add3A_1000, %rem3A_1006 : vector<16xi32>
    %ne3A_1008 = arith.constant 0 : i32
    %ne3A_1009 = vector.broadcast %ne3A_1008 : i32 to vector<16xi32>
    %ne3A_1010 = arith.cmpi ne, %rem3A_1007, %ne3A_1009 : vector<16xi32>
    %lt3A_1011 = arith.constant 0 : i32
    %lt3A_1012 = vector.broadcast %lt3A_1011 : i32 to vector<16xi32>
    %lt3A_1013 = arith.cmpi slt, %rem3A_1007, %lt3A_1012 : vector<16xi32>
    %lt3A_1014 = arith.constant 0 : i32
    %lt3A_1015 = arith.cmpi slt, %select_n3A_1005, %lt3A_1014 : i32
    %ne3A_1016 = vector.broadcast %lt3A_1015 : i1 to vector<16xi1>
    %ne3A_1017 = vector.broadcast %ne3A_1016 : vector<16xi1> to vector<16xi1>
    %ne3A_1018 = arith.xori %lt3A_1013, %ne3A_1017 : vector<16xi1>
    %and3A_1019 = arith.andi %ne3A_1018, %ne3A_1010 : vector<16xi1>
    %add3A_1020 = vector.broadcast %select_n3A_1005 : i32 to vector<16xi32>
    %add3A_1021 = arith.addi %rem3A_1007, %add3A_1020 : vector<16xi32>
    %select_n3A_1022 = arith.select %and3A_1019, %add3A_1021, %rem3A_1007 : vector<16xi1>, vector<16xi32>
    %lt3A_1023 = arith.constant 0 : i32
    %lt3A_1024 = vector.broadcast %lt3A_1023 : i32 to vector<16xi32>
    %lt3A_1025 = arith.cmpi slt, %select_n3A_1022, %lt3A_1024 : vector<16xi32>
    %add3A_1026 = arith.constant 16 : i32
    %add3A_1027 = vector.broadcast %add3A_1026 : i32 to vector<16xi32>
    %add3A_1028 = arith.addi %select_n3A_1022, %add3A_1027 : vector<16xi32>
    %select_n3A_1029 = arith.select %lt3A_1025, %add3A_1028, %select_n3A_1022 : vector<16xi1>, vector<16xi32>
    %broadcast_in_dim3A_1030 = vector.shape_cast %select_n3A_1029 : vector<16xi32> to vector<16x1xi32>
    %gather3A_1031 = vector.shape_cast %broadcast_in_dim3A_1030 : vector<16x1xi32> to vector<16xi32>
    %gather3A_1032 = tpu.dynamic_gather %parallel_loop3A_996[%gather3A_1031] in [0] : vector<16xi32>, vector<16xi32> -> vector<16xi32>
    %add3A_1033 = arith.addi %parallel_loop3A_996, %gather3A_1032 : vector<16xi32>
    %add3A_1034 = arith.constant 2 : i32
    %add3A_1035 = vector.broadcast %add3A_1034 : i32 to vector<16xi32>
    %add3A_1036 = arith.addi %iota3A_997, %add3A_1035 : vector<16xi32>
    %jit3A_1037 = arith.constant 16 : i32
    %eq3A_1038 = arith.constant 0 : i32
    %eq3A_1039 = arith.cmpi eq, %jit3A_1037, %eq3A_1038 : i32
    %jit3A_1040 = arith.constant 1 : i32
    %select_n3A_1041 = arith.select %eq3A_1039, %jit3A_1040, %jit3A_1037 : i32
    %rem3A_1042 = vector.broadcast %select_n3A_1041 : i32 to vector<16xi32>
    %rem3A_1043 = arith.remsi %add3A_1036, %rem3A_1042 : vector<16xi32>
    %ne3A_1044 = arith.constant 0 : i32
    %ne3A_1045 = vector.broadcast %ne3A_1044 : i32 to vector<16xi32>
    %ne3A_1046 = arith.cmpi ne, %rem3A_1043, %ne3A_1045 : vector<16xi32>
    %lt3A_1047 = arith.constant 0 : i32
    %lt3A_1048 = vector.broadcast %lt3A_1047 : i32 to vector<16xi32>
    %lt3A_1049 = arith.cmpi slt, %rem3A_1043, %lt3A_1048 : vector<16xi32>
    %lt3A_1050 = arith.constant 0 : i32
    %lt3A_1051 = arith.cmpi slt, %select_n3A_1041, %lt3A_1050 : i32
    %ne3A_1052 = vector.broadcast %lt3A_1051 : i1 to vector<16xi1>
    %ne3A_1053 = vector.broadcast %ne3A_1052 : vector<16xi1> to vector<16xi1>
    %ne3A_1054 = arith.xori %lt3A_1049, %ne3A_1053 : vector<16xi1>
    %and3A_1055 = arith.andi %ne3A_1054, %ne3A_1046 : vector<16xi1>
    %add3A_1056 = vector.broadcast %select_n3A_1041 : i32 to vector<16xi32>
    %add3A_1057 = arith.addi %rem3A_1043, %add3A_1056 : vector<16xi32>
    %select_n3A_1058 = arith.select %and3A_1055, %add3A_1057, %rem3A_1043 : vector<16xi1>, vector<16xi32>
    %lt3A_1059 = arith.constant 0 : i32
    %lt3A_1060 = vector.broadcast %lt3A_1059 : i32 to vector<16xi32>
    %lt3A_1061 = arith.cmpi slt, %select_n3A_1058, %lt3A_1060 : vector<16xi32>
    %add3A_1062 = arith.constant 16 : i32
    %add3A_1063 = vector.broadcast %add3A_1062 : i32 to vector<16xi32>
    %add3A_1064 = arith.addi %select_n3A_1058, %add3A_1063 : vector<16xi32>
    %select_n3A_1065 = arith.select %lt3A_1061, %add3A_1064, %select_n3A_1058 : vector<16xi1>, vector<16xi32>
    %broadcast_in_dim3A_1066 = vector.shape_cast %select_n3A_1065 : vector<16xi32> to vector<16x1xi32>
    %gather3A_1067 = vector.shape_cast %broadcast_in_dim3A_1066 : vector<16x1xi32> to vector<16xi32>
    %gather3A_1068 = tpu.dynamic_gather %add3A_1033[%gather3A_1067] in [0] : vector<16xi32>, vector<16xi32> -> vector<16xi32>
    %add3A_1069 = arith.addi %add3A_1033, %gather3A_1068 : vector<16xi32>
    %add3A_1070 = arith.constant 4 : i32
    %add3A_1071 = vector.broadcast %add3A_1070 : i32 to vector<16xi32>
    %add3A_1072 = arith.addi %iota3A_997, %add3A_1071 : vector<16xi32>
    %jit3A_1073 = arith.constant 16 : i32
    %eq3A_1074 = arith.constant 0 : i32
    %eq3A_1075 = arith.cmpi eq, %jit3A_1073, %eq3A_1074 : i32
    %jit3A_1076 = arith.constant 1 : i32
    %select_n3A_1077 = arith.select %eq3A_1075, %jit3A_1076, %jit3A_1073 : i32
    %rem3A_1078 = vector.broadcast %select_n3A_1077 : i32 to vector<16xi32>
    %rem3A_1079 = arith.remsi %add3A_1072, %rem3A_1078 : vector<16xi32>
    %ne3A_1080 = arith.constant 0 : i32
    %ne3A_1081 = vector.broadcast %ne3A_1080 : i32 to vector<16xi32>
    %ne3A_1082 = arith.cmpi ne, %rem3A_1079, %ne3A_1081 : vector<16xi32>
    %lt3A_1083 = arith.constant 0 : i32
    %lt3A_1084 = vector.broadcast %lt3A_1083 : i32 to vector<16xi32>
    %lt3A_1085 = arith.cmpi slt, %rem3A_1079, %lt3A_1084 : vector<16xi32>
    %lt3A_1086 = arith.constant 0 : i32
    %lt3A_1087 = arith.cmpi slt, %select_n3A_1077, %lt3A_1086 : i32
    %ne3A_1088 = vector.broadcast %lt3A_1087 : i1 to vector<16xi1>
    %ne3A_1089 = vector.broadcast %ne3A_1088 : vector<16xi1> to vector<16xi1>
    %ne3A_1090 = arith.xori %lt3A_1085, %ne3A_1089 : vector<16xi1>
    %and3A_1091 = arith.andi %ne3A_1090, %ne3A_1082 : vector<16xi1>
    %add3A_1092 = vector.broadcast %select_n3A_1077 : i32 to vector<16xi32>
    %add3A_1093 = arith.addi %rem3A_1079, %add3A_1092 : vector<16xi32>
    %select_n3A_1094 = arith.select %and3A_1091, %add3A_1093, %rem3A_1079 : vector<16xi1>, vector<16xi32>
    %lt3A_1095 = arith.constant 0 : i32
    %lt3A_1096 = vector.broadcast %lt3A_1095 : i32 to vector<16xi32>
    %lt3A_1097 = arith.cmpi slt, %select_n3A_1094, %lt3A_1096 : vector<16xi32>
    %add3A_1098 = arith.constant 16 : i32
    %add3A_1099 = vector.broadcast %add3A_1098 : i32 to vector<16xi32>
    %add3A_1100 = arith.addi %select_n3A_1094, %add3A_1099 : vector<16xi32>
    %select_n3A_1101 = arith.select %lt3A_1097, %add3A_1100, %select_n3A_1094 : vector<16xi1>, vector<16xi32>
    %broadcast_in_dim3A_1102 = vector.shape_cast %select_n3A_1101 : vector<16xi32> to vector<16x1xi32>
    %gather3A_1103 = vector.shape_cast %broadcast_in_dim3A_1102 : vector<16x1xi32> to vector<16xi32>
    %gather3A_1104 = tpu.dynamic_gather %add3A_1069[%gather3A_1103] in [0] : vector<16xi32>, vector<16xi32> -> vector<16xi32>
    %add3A_1105 = arith.addi %add3A_1069, %gather3A_1104 : vector<16xi32>
    %add3A_1106 = arith.constant 8 : i32
    %add3A_1107 = vector.broadcast %add3A_1106 : i32 to vector<16xi32>
    %add3A_1108 = arith.addi %iota3A_997, %add3A_1107 : vector<16xi32>
    %jit3A_1109 = arith.constant 16 : i32
    %eq3A_1110 = arith.constant 0 : i32
    %eq3A_1111 = arith.cmpi eq, %jit3A_1109, %eq3A_1110 : i32
    %jit3A_1112 = arith.constant 1 : i32
    %select_n3A_1113 = arith.select %eq3A_1111, %jit3A_1112, %jit3A_1109 : i32
    %rem3A_1114 = vector.broadcast %select_n3A_1113 : i32 to vector<16xi32>
    %rem3A_1115 = arith.remsi %add3A_1108, %rem3A_1114 : vector<16xi32>
    %ne3A_1116 = arith.constant 0 : i32
    %ne3A_1117 = vector.broadcast %ne3A_1116 : i32 to vector<16xi32>
    %ne3A_1118 = arith.cmpi ne, %rem3A_1115, %ne3A_1117 : vector<16xi32>
    %lt3A_1119 = arith.constant 0 : i32
    %lt3A_1120 = vector.broadcast %lt3A_1119 : i32 to vector<16xi32>
    %lt3A_1121 = arith.cmpi slt, %rem3A_1115, %lt3A_1120 : vector<16xi32>
    %lt3A_1122 = arith.constant 0 : i32
    %lt3A_1123 = arith.cmpi slt, %select_n3A_1113, %lt3A_1122 : i32
    %ne3A_1124 = vector.broadcast %lt3A_1123 : i1 to vector<16xi1>
    %ne3A_1125 = vector.broadcast %ne3A_1124 : vector<16xi1> to vector<16xi1>
    %ne3A_1126 = arith.xori %lt3A_1121, %ne3A_1125 : vector<16xi1>
    %and3A_1127 = arith.andi %ne3A_1126, %ne3A_1118 : vector<16xi1>
    %add3A_1128 = vector.broadcast %select_n3A_1113 : i32 to vector<16xi32>
    %add3A_1129 = arith.addi %rem3A_1115, %add3A_1128 : vector<16xi32>
    %select_n3A_1130 = arith.select %and3A_1127, %add3A_1129, %rem3A_1115 : vector<16xi1>, vector<16xi32>
    %lt3A_1131 = arith.constant 0 : i32
    %lt3A_1132 = vector.broadcast %lt3A_1131 : i32 to vector<16xi32>
    %lt3A_1133 = arith.cmpi slt, %select_n3A_1130, %lt3A_1132 : vector<16xi32>
    %add3A_1134 = arith.constant 16 : i32
    %add3A_1135 = vector.broadcast %add3A_1134 : i32 to vector<16xi32>
    %add3A_1136 = arith.addi %select_n3A_1130, %add3A_1135 : vector<16xi32>
    %select_n3A_1137 = arith.select %lt3A_1133, %add3A_1136, %select_n3A_1130 : vector<16xi1>, vector<16xi32>
    %broadcast_in_dim3A_1138 = vector.shape_cast %select_n3A_1137 : vector<16xi32> to vector<16x1xi32>
    %gather3A_1139 = vector.shape_cast %broadcast_in_dim3A_1138 : vector<16x1xi32> to vector<16xi32>
    %gather3A_1140 = tpu.dynamic_gather %add3A_1105[%gather3A_1139] in [0] : vector<16xi32>, vector<16xi32> -> vector<16xi32>
    %add3A_1141 = arith.addi %add3A_1105, %gather3A_1140 : vector<16xi32>
    %slice3A_1142 = vector.extract_strided_slice %add3A_1141 {offsets = [0], sizes = [1], strides = [1]} : vector<16xi32> to vector<1xi32>
    %squeeze3A_1143 = vector.extract %slice3A_1142[0] : i32 from vector<1xi32>
    %select_n3A_1144 = arith.select %scan3A_989#2, %scan3A_989#3, %squeeze3A_1143 : i32
    %ne3A_1145 = arith.cmpi ne, %squeeze3A_1143, %select_n3A_1144 : i32
    %convert_element_type3A = arith.extui %ne3A_1145 : i1 to i32
    %cond3A = arith.constant 0 : i32
    %cond3A_1146 = arith.cmpi ne, %convert_element_type3A, %cond3A : i32
    scf.if %cond3A_1146 {
      %iota3A_1147 = tpu.iota {dimensions = array<i32: 0>} : vector<16xi32>
      %scan3A_1148 = arith.constant 0 : i32
      %scan3A_1149 = arith.constant 0 : i32
      %scan3A_1150 = arith.constant 512 : i32
      %scan3A_1151 = arith.addi %scan3A_1149, %scan3A_1150 : i32
      %scan3A_1152 = arith.constant 1 : i32
      %scan3A_1153 = scf.for %scan3A_1155 = %scan3A_1149 to %scan3A_1151 step %scan3A_1152 iter_args(%scan3A_1156 = %scan3A_1148) -> (i32)  : i32 {
        %mul3A_1157 = arith.constant 16 : i32
        %mul3A_1158 = arith.muli %scan3A_1155, %mul3A_1157 : i32
        %get3A = arith.index_cast %mul3A_1158 : i32 to index
        %get3A_1159 = tpu.vector_load %arg7[%get3A] {strides = array<i32>} : memref<8192xi32, #tpu.memory_space<vmem>>, vector<16xi32>,
        %get3A_1160 = vector.shape_cast %get3A_1159 : vector<16xi32> to vector<16xi32>
        %eq3A_1161 = vector.broadcast %scan3A_989#0 : i32 to vector<16xi32>
        %eq3A_1162 = arith.cmpi eq, %get3A_1160, %eq3A_1161 : vector<16xi32>
        %jit3A_1163 = arith.constant 1 : i32
        %jit3A_1164 = arith.constant 0 : i32
        %broadcast_in_dim3A_1165 = vector.broadcast %jit3A_1163 : i32 to vector<16xi32>
        %broadcast_in_dim3A_1166 = vector.broadcast %jit3A_1164 : i32 to vector<16xi32>
        %select_n3A_1167 = arith.select %eq3A_1162, %broadcast_in_dim3A_1165, %broadcast_in_dim3A_1166 : vector<16xi1>, vector<16xi32>
        %sub3A_1168 = arith.constant 1 : i32
        %sub3A_1169 = vector.broadcast %sub3A_1168 : i32 to vector<16xi32>
        %sub3A_1170 = arith.subi %iota3A_1147, %sub3A_1169 : vector<16xi32>
        %max3A_1171 = arith.constant 0 : i32
        %max3A_1172 = vector.broadcast %max3A_1171 : i32 to vector<16xi32>
        %max3A_1173 = arith.maxsi %sub3A_1170, %max3A_1172 : vector<16xi32>
        %lt3A_1174 = arith.constant 0 : i32
        %lt3A_1175 = vector.broadcast %lt3A_1174 : i32 to vector<16xi32>
        %lt3A_1176 = arith.cmpi slt, %max3A_1173, %lt3A_1175 : vector<16xi32>
        %add3A_1177 = arith.constant 16 : i32
        %add3A_1178 = vector.broadcast %add3A_1177 : i32 to vector<16xi32>
        %add3A_1179 = arith.addi %max3A_1173, %add3A_1178 : vector<16xi32>
        %select_n3A_1180 = arith.select %lt3A_1176, %add3A_1179, %max3A_1173 : vector<16xi1>, vector<16xi32>
        %broadcast_in_dim3A_1181 = vector.shape_cast %select_n3A_1180 : vector<16xi32> to vector<16x1xi32>
        %gather3A_1182 = vector.shape_cast %broadcast_in_dim3A_1181 : vector<16x1xi32> to vector<16xi32>
        %gather3A_1183 = tpu.dynamic_gather %select_n3A_1167[%gather3A_1182] in [0] : vector<16xi32>, vector<16xi32> -> vector<16xi32>
        %ge3A_1184 = arith.constant 1 : i32
        %ge3A_1185 = vector.broadcast %ge3A_1184 : i32 to vector<16xi32>
        %ge3A_1186 = arith.cmpi sge, %iota3A_1147, %ge3A_1185 : vector<16xi32>
        %jit3A_1187 = arith.constant 0 : i32
        %broadcast_in_dim3A_1188 = vector.broadcast %jit3A_1187 : i32 to vector<16xi32>
        %select_n3A_1189 = arith.select %ge3A_1186, %gather3A_1183, %broadcast_in_dim3A_1188 : vector<16xi1>, vector<16xi32>
        %add3A_1190 = arith.addi %select_n3A_1167, %select_n3A_1189 : vector<16xi32>
        %sub3A_1191 = arith.constant 2 : i32
        %sub3A_1192 = vector.broadcast %sub3A_1191 : i32 to vector<16xi32>
        %sub3A_1193 = arith.subi %iota3A_1147, %sub3A_1192 : vector<16xi32>
        %max3A_1194 = arith.constant 0 : i32
        %max3A_1195 = vector.broadcast %max3A_1194 : i32 to vector<16xi32>
        %max3A_1196 = arith.maxsi %sub3A_1193, %max3A_1195 : vector<16xi32>
        %lt3A_1197 = arith.constant 0 : i32
        %lt3A_1198 = vector.broadcast %lt3A_1197 : i32 to vector<16xi32>
        %lt3A_1199 = arith.cmpi slt, %max3A_1196, %lt3A_1198 : vector<16xi32>
        %add3A_1200 = arith.constant 16 : i32
        %add3A_1201 = vector.broadcast %add3A_1200 : i32 to vector<16xi32>
        %add3A_1202 = arith.addi %max3A_1196, %add3A_1201 : vector<16xi32>
        %select_n3A_1203 = arith.select %lt3A_1199, %add3A_1202, %max3A_1196 : vector<16xi1>, vector<16xi32>
        %broadcast_in_dim3A_1204 = vector.shape_cast %select_n3A_1203 : vector<16xi32> to vector<16x1xi32>
        %gather3A_1205 = vector.shape_cast %broadcast_in_dim3A_1204 : vector<16x1xi32> to vector<16xi32>
        %gather3A_1206 = tpu.dynamic_gather %add3A_1190[%gather3A_1205] in [0] : vector<16xi32>, vector<16xi32> -> vector<16xi32>
        %ge3A_1207 = arith.constant 2 : i32
        %ge3A_1208 = vector.broadcast %ge3A_1207 : i32 to vector<16xi32>
        %ge3A_1209 = arith.cmpi sge, %iota3A_1147, %ge3A_1208 : vector<16xi32>
        %jit3A_1210 = arith.constant 0 : i32
        %broadcast_in_dim3A_1211 = vector.broadcast %jit3A_1210 : i32 to vector<16xi32>
        %select_n3A_1212 = arith.select %ge3A_1209, %gather3A_1206, %broadcast_in_dim3A_1211 : vector<16xi1>, vector<16xi32>
        %add3A_1213 = arith.addi %add3A_1190, %select_n3A_1212 : vector<16xi32>
        %sub3A_1214 = arith.constant 4 : i32
        %sub3A_1215 = vector.broadcast %sub3A_1214 : i32 to vector<16xi32>
        %sub3A_1216 = arith.subi %iota3A_1147, %sub3A_1215 : vector<16xi32>
        %max3A_1217 = arith.constant 0 : i32
        %max3A_1218 = vector.broadcast %max3A_1217 : i32 to vector<16xi32>
        %max3A_1219 = arith.maxsi %sub3A_1216, %max3A_1218 : vector<16xi32>
        %lt3A_1220 = arith.constant 0 : i32
        %lt3A_1221 = vector.broadcast %lt3A_1220 : i32 to vector<16xi32>
        %lt3A_1222 = arith.cmpi slt, %max3A_1219, %lt3A_1221 : vector<16xi32>
        %add3A_1223 = arith.constant 16 : i32
        %add3A_1224 = vector.broadcast %add3A_1223 : i32 to vector<16xi32>
        %add3A_1225 = arith.addi %max3A_1219, %add3A_1224 : vector<16xi32>
        %select_n3A_1226 = arith.select %lt3A_1222, %add3A_1225, %max3A_1219 : vector<16xi1>, vector<16xi32>
        %broadcast_in_dim3A_1227 = vector.shape_cast %select_n3A_1226 : vector<16xi32> to vector<16x1xi32>
        %gather3A_1228 = vector.shape_cast %broadcast_in_dim3A_1227 : vector<16x1xi32> to vector<16xi32>
        %gather3A_1229 = tpu.dynamic_gather %add3A_1213[%gather3A_1228] in [0] : vector<16xi32>, vector<16xi32> -> vector<16xi32>
        %ge3A_1230 = arith.constant 4 : i32
        %ge3A_1231 = vector.broadcast %ge3A_1230 : i32 to vector<16xi32>
        %ge3A_1232 = arith.cmpi sge, %iota3A_1147, %ge3A_1231 : vector<16xi32>
        %jit3A_1233 = arith.constant 0 : i32
        %broadcast_in_dim3A_1234 = vector.broadcast %jit3A_1233 : i32 to vector<16xi32>
        %select_n3A_1235 = arith.select %ge3A_1232, %gather3A_1229, %broadcast_in_dim3A_1234 : vector<16xi1>, vector<16xi32>
        %add3A_1236 = arith.addi %add3A_1213, %select_n3A_1235 : vector<16xi32>
        %sub3A_1237 = arith.constant 8 : i32
        %sub3A_1238 = vector.broadcast %sub3A_1237 : i32 to vector<16xi32>
        %sub3A_1239 = arith.subi %iota3A_1147, %sub3A_1238 : vector<16xi32>
        %max3A_1240 = arith.constant 0 : i32
        %max3A_1241 = vector.broadcast %max3A_1240 : i32 to vector<16xi32>
        %max3A_1242 = arith.maxsi %sub3A_1239, %max3A_1241 : vector<16xi32>
        %lt3A_1243 = arith.constant 0 : i32
        %lt3A_1244 = vector.broadcast %lt3A_1243 : i32 to vector<16xi32>
        %lt3A_1245 = arith.cmpi slt, %max3A_1242, %lt3A_1244 : vector<16xi32>
        %add3A_1246 = arith.constant 16 : i32
        %add3A_1247 = vector.broadcast %add3A_1246 : i32 to vector<16xi32>
        %add3A_1248 = arith.addi %max3A_1242, %add3A_1247 : vector<16xi32>
        %select_n3A_1249 = arith.select %lt3A_1245, %add3A_1248, %max3A_1242 : vector<16xi1>, vector<16xi32>
        %broadcast_in_dim3A_1250 = vector.shape_cast %select_n3A_1249 : vector<16xi32> to vector<16x1xi32>
        %gather3A_1251 = vector.shape_cast %broadcast_in_dim3A_1250 : vector<16x1xi32> to vector<16xi32>
        %gather3A_1252 = tpu.dynamic_gather %add3A_1236[%gather3A_1251] in [0] : vector<16xi32>, vector<16xi32> -> vector<16xi32>
        %ge3A_1253 = arith.constant 8 : i32
        %ge3A_1254 = vector.broadcast %ge3A_1253 : i32 to vector<16xi32>
        %ge3A_1255 = arith.cmpi sge, %iota3A_1147, %ge3A_1254 : vector<16xi32>
        %jit3A_1256 = arith.constant 0 : i32
        %broadcast_in_dim3A_1257 = vector.broadcast %jit3A_1256 : i32 to vector<16xi32>
        %select_n3A_1258 = arith.select %ge3A_1255, %gather3A_1252, %broadcast_in_dim3A_1257 : vector<16xi1>, vector<16xi32>
        %add3A_1259 = arith.addi %add3A_1236, %select_n3A_1258 : vector<16xi32>
        %gt3A_1260 = vector.broadcast %scan3A_989#0 : i32 to vector<16xi32>
        %gt3A_1261 = arith.cmpi ugt, %get3A_1160, %gt3A_1260 : vector<16xi32>
        %add3A_1262 = vector.broadcast %scan3A_1156 : i32 to vector<16xi32>
        %add3A_1263 = arith.addi %add3A_1262, %add3A_1259 : vector<16xi32>
        %le3A = vector.broadcast %select_n3A_1144 : i32 to vector<16xi32>
        %le3A_1264 = arith.cmpi sle, %add3A_1263, %le3A : vector<16xi32>
        %or3A_1265 = arith.ori %gt3A_1261, %le3A_1264 : vector<16xi1>
        %ge3A_1266 = vector.broadcast %scan3A_989#0 : i32 to vector<16xi32>
        %ge3A_1267 = arith.cmpi uge, %get3A_1160, %ge3A_1266 : vector<16xi32>
        %and3A_1268 = arith.andi %or3A_1265, %ge3A_1267 : vector<16xi1>
        %jit3A_1269 = arith.constant 1.000000e+00 : f32
        %jit3A_1270 = arith.constant 0.000000e+00 : f32
        %broadcast_in_dim3A_1271 = vector.broadcast %jit3A_1269 : f32 to vector<16xf32>
        %broadcast_in_dim3A_1272 = vector.broadcast %jit3A_1270 : f32 to vector<16xf32>
        %select_n3A_1273 = arith.select %and3A_1268, %broadcast_in_dim3A_1271, %broadcast_in_dim3A_1272 : vector<16xi1>, vector<16xf32>
        %swap3A = arith.index_cast %mul3A_1158 : i32 to index
        %swap3A_1274 = tpu.vector_load %arg8[%swap3A] {strides = array<i32>} : memref<8192xf32, #tpu.memory_space<vmem>>, vector<16xf32>,
        %swap3A_1275 = vector.shape_cast %swap3A_1274 : vector<16xf32> to vector<16xf32>
        %swap3A_1276 = vector.shape_cast %select_n3A_1273 : vector<16xf32> to vector<16xf32>
        tpu.vector_store %arg8[%swap3A], %swap3A_1276 {strides = array<i32>} : memref<8192xf32, #tpu.memory_space<vmem>>, vector<16xf32>,
        %slice3A_1277 = vector.extract_strided_slice %add3A_1259 {offsets = [15], sizes = [1], strides = [1]} : vector<16xi32> to vector<1xi32>
        %squeeze3A_1278 = vector.extract %slice3A_1277[0] : i32 from vector<1xi32>
        %add3A_1279 = arith.addi %scan3A_1156, %squeeze3A_1278 : i32
        scf.yield %add3A_1279 : i32
      }
      %scan3A_1154 = arith.constant 512 : i32
    } else {
    }
    "tpu.region"() ({
      %run_scoped3A = tpu.sem_alloc : memref<!tpu.dma_semaphore, #tpu.memory_space<semaphore_mem>>
      %dma_start3A = arith.constant 0 : i32
      %dma_start3A_1147 = tpu.memref_slice %arg4[%arg1, %dma_start3A] : memref<16x8192xf32, #tpu.memory_space<hbm>> -> memref<1x8192xf32, #tpu.memory_space<hbm>>
      %dma_start3A_1148 = tpu.memref_squeeze %dma_start3A_1147 : memref<1x8192xf32, #tpu.memory_space<hbm>> -> memref<8192xf32, #tpu.memory_space<hbm>>
      %dma_start3A_1149 = arith.constant 0 : i32
      %dma_start3A_1150 = tpu.memref_slice %arg4[%arg1, %dma_start3A_1149] : memref<16x8192xf32, #tpu.memory_space<hbm>> -> memref<1x8192xf32, #tpu.memory_space<hbm>>
      %dma_start3A_1151 = tpu.memref_squeeze %dma_start3A_1150 : memref<1x8192xf32, #tpu.memory_space<hbm>> -> memref<8192xf32, #tpu.memory_space<hbm>>
      tpu.enqueue_dma source(%arg8 : memref<8192xf32, #tpu.memory_space<vmem>>) target(%dma_start3A_1151 : memref<8192xf32, #tpu.memory_space<hbm>>) target_semaphore(%run_scoped3A : memref<!tpu.dma_semaphore, #tpu.memory_space<semaphore_mem>>)
      %dma_wait3A = arith.constant 0 : i32
      %dma_wait3A_1152 = tpu.memref_slice %arg4[%arg1, %dma_wait3A] : memref<16x8192xf32, #tpu.memory_space<hbm>> -> memref<1x8192xf32, #tpu.memory_space<hbm>>
      %dma_wait3A_1153 = tpu.memref_squeeze %dma_wait3A_1152 : memref<1x8192xf32, #tpu.memory_space<hbm>> -> memref<8192xf32, #tpu.memory_space<hbm>>
      %dma_wait3A_1154 = arith.constant 0 : i32
      %dma_wait3A_1155 = tpu.memref_slice %arg4[%arg1, %dma_wait3A_1154] : memref<16x8192xf32, #tpu.memory_space<hbm>> -> memref<1x8192xf32, #tpu.memory_space<hbm>>
      %dma_wait3A_1156 = tpu.memref_squeeze %dma_wait3A_1155 : memref<1x8192xf32, #tpu.memory_space<hbm>> -> memref<8192xf32, #tpu.memory_space<hbm>>
      tpu.wait_dma2 semaphore(%run_scoped3A : memref<!tpu.dma_semaphore, #tpu.memory_space<semaphore_mem>>) src(%arg8 : memref<8192xf32, #tpu.memory_space<vmem>>) dst(%dma_wait3A_1156 : memref<8192xf32, #tpu.memory_space<hbm>>)
      tpu.yield
    }) : () -> ()
    return
  }
}

#map = affine_map<(d0, d1) -> (0, 0)>
module attributes {stable_mosaic.version = 14 : i64} {
  func.func @_tec_body(%arg0: i32, %arg1: i32, %arg2: memref<32x8192xf32, #tpu.memory_space<hbm>>, %arg3: memref<32x8192xf32, #tpu.memory_space<hbm>>, %arg4: memref<16x8192xf32, #tpu.memory_space<hbm>>, %arg5: memref<8192xf32, #tpu.memory_space<vmem>>, %arg6: memref<8192xf32, #tpu.memory_space<vmem>>, %arg7: memref<8192xi32, #tpu.memory_space<vmem>>, %arg8: memref<8192xf32, #tpu.memory_space<vmem>>) attributes {dimension_semantics = [#tpu.dimension_semantics<core_parallel>, #tpu.dimension_semantics<subcore_parallel>], iteration_bounds = array<i64: 1, 16>, scalar_prefetch = 0 : i64, scratch_operands = 4 : i64, tpu.core_type = #tpu.core_type<sc_vector_subcore>, window_params = [{transform_indices = #map}, {transform_indices = #map}, {transform_indices = #map}]} {
    %add3A = arith.constant 0 : i32
    %add3A_0 = arith.addi %add3A, %arg1 : i32
    "tpu.region"() ({
      %run_scoped3A = tpu.sem_alloc : memref<!tpu.dma_semaphore, #tpu.memory_space<semaphore_mem>>
      %dma_start3A = arith.constant 0 : i32
      %dma_start3A_1147 = tpu.memref_slice %arg2[%add3A_0, %dma_start3A] : memref<32x8192xf32, #tpu.memory_space<hbm>> -> memref<1x8192xf32, #tpu.memory_space<hbm>>
      %dma_start3A_1148 = tpu.memref_squeeze %dma_start3A_1147 : memref<1x8192xf32, #tpu.memory_space<hbm>> -> memref<8192xf32, #tpu.memory_space<hbm>>
      %dma_start3A_1149 = arith.constant 0 : i32
      %dma_start3A_1150 = tpu.memref_slice %arg2[%add3A_0, %dma_start3A_1149] : memref<32x8192xf32, #tpu.memory_space<hbm>> -> memref<1x8192xf32, #tpu.memory_space<hbm>>
      %dma_start3A_1151 = tpu.memref_squeeze %dma_start3A_1150 : memref<1x8192xf32, #tpu.memory_space<hbm>> -> memref<8192xf32, #tpu.memory_space<hbm>>
      tpu.enqueue_dma source(%dma_start3A_1151 : memref<8192xf32, #tpu.memory_space<hbm>>) target(%arg5 : memref<8192xf32, #tpu.memory_space<vmem>>) target_semaphore(%run_scoped3A : memref<!tpu.dma_semaphore, #tpu.memory_space<semaphore_mem>>)
      %dma_wait3A = arith.constant 0 : i32
      %dma_wait3A_1152 = tpu.memref_slice %arg2[%add3A_0, %dma_wait3A] : memref<32x8192xf32, #tpu.memory_space<hbm>> -> memref<1x8192xf32, #tpu.memory_space<hbm>>
      %dma_wait3A_1153 = tpu.memref_squeeze %dma_wait3A_1152 : memref<1x8192xf32, #tpu.memory_space<hbm>> -> memref<8192xf32, #tpu.memory_space<hbm>>
      %dma_wait3A_1154 = arith.constant 0 : i32
      %dma_wait3A_1155 = tpu.memref_slice %arg2[%add3A_0, %dma_wait3A_1154] : memref<32x8192xf32, #tpu.memory_space<hbm>> -> memref<1x8192xf32, #tpu.memory_space<hbm>>
      %dma_wait3A_1156 = tpu.memref_squeeze %dma_wait3A_1155 : memref<1x8192xf32, #tpu.memory_space<hbm>> -> memref<8192xf32, #tpu.memory_space<hbm>>
      tpu.wait_dma2 semaphore(%run_scoped3A : memref<!tpu.dma_semaphore, #tpu.memory_space<semaphore_mem>>) src(%dma_wait3A_1156 : memref<8192xf32, #tpu.memory_space<hbm>>) dst(%arg5 : memref<8192xf32, #tpu.memory_space<vmem>>)
      tpu.yield
    }) : () -> ()
    %add3A_1 = arith.constant 0 : i32
    %add3A_2 = arith.addi %add3A_1, %arg1 : i32
    "tpu.region"() ({
      %run_scoped3A = tpu.sem_alloc : memref<!tpu.dma_semaphore, #tpu.memory_space<semaphore_mem>>
      %dma_start3A = arith.constant 0 : i32
      %dma_start3A_1147 = tpu.memref_slice %arg3[%add3A_2, %dma_start3A] : memref<32x8192xf32, #tpu.memory_space<hbm>> -> memref<1x8192xf32, #tpu.memory_space<hbm>>
      %dma_start3A_1148 = tpu.memref_squeeze %dma_start3A_1147 : memref<1x8192xf32, #tpu.memory_space<hbm>> -> memref<8192xf32, #tpu.memory_space<hbm>>
      %dma_start3A_1149 = arith.constant 0 : i32
      %dma_start3A_1150 = tpu.memref_slice %arg3[%add3A_2, %dma_start3A_1149] : memref<32x8192xf32, #tpu.memory_space<hbm>> -> memref<1x8192xf32, #tpu.memory_space<hbm>>
      %dma_start3A_1151 = tpu.memref_squeeze %dma_start3A_1150 : memref<1x8192xf32, #tpu.memory_space<hbm>> -> memref<8192xf32, #tpu.memory_space<hbm>>
      tpu.enqueue_dma source(%dma_start3A_1151 : memref<8192xf32, #tpu.memory_space<hbm>>) target(%arg6 : memref<8192xf32, #tpu.memory_space<vmem>>) target_semaphore(%run_scoped3A : memref<!tpu.dma_semaphore, #tpu.memory_space<semaphore_mem>>)
      %dma_wait3A = arith.constant 0 : i32
      %dma_wait3A_1152 = tpu.memref_slice %arg3[%add3A_2, %dma_wait3A] : memref<32x8192xf32, #tpu.memory_space<hbm>> -> memref<1x8192xf32, #tpu.memory_space<hbm>>
      %dma_wait3A_1153 = tpu.memref_squeeze %dma_wait3A_1152 : memref<1x8192xf32, #tpu.memory_space<hbm>> -> memref<8192xf32, #tpu.memory_space<hbm>>
      %dma_wait3A_1154 = arith.constant 0 : i32
      %dma_wait3A_1155 = tpu.memref_slice %arg3[%add3A_2, %dma_wait3A_1154] : memref<32x8192xf32, #tpu.memory_space<hbm>> -> memref<1x8192xf32, #tpu.memory_space<hbm>>
      %dma_wait3A_1156 = tpu.memref_squeeze %dma_wait3A_1155 : memref<1x8192xf32, #tpu.memory_space<hbm>> -> memref<8192xf32, #tpu.memory_space<hbm>>
      tpu.wait_dma2 semaphore(%run_scoped3A : memref<!tpu.dma_semaphore, #tpu.memory_space<semaphore_mem>>) src(%dma_wait3A_1156 : memref<8192xf32, #tpu.memory_space<hbm>>) dst(%arg6 : memref<8192xf32, #tpu.memory_space<vmem>>)
      tpu.yield
    }) : () -> ()
    %broadcast_in_dim3A = arith.constant 0.000000e+00 : f32
    %broadcast_in_dim3A_3 = vector.broadcast %broadcast_in_dim3A : f32 to vector<16xf32>
    %broadcast_in_dim3A_4 = arith.constant -1 : i32
    %broadcast_in_dim3A_5 = vector.broadcast %broadcast_in_dim3A_4 : i32 to vector<16xi32>
    %broadcast_in_dim3A_6 = arith.constant 0 : i32
    %broadcast_in_dim3A_7 = vector.broadcast %broadcast_in_dim3A_6 : i32 to vector<16xi32>
    %parallel_loop3A = arith.constant 0 : i32
    %parallel_loop3A_8 = arith.constant 512 : i32
    %parallel_loop3A_9 = arith.constant 1 : i32
    %parallel_loop3A_10:3 = scf.for %parallel_loop3A_1147 = %parallel_loop3A to %parallel_loop3A_8 step %parallel_loop3A_9 iter_args(%parallel_loop3A_1148 = %broadcast_in_dim3A_3, %parallel_loop3A_1149 = %broadcast_in_dim3A_5, %parallel_loop3A_1150 = %broadcast_in_dim3A_7) -> (vector<16xf32>, vector<16xi32>, vector<16xi32>)  : i32 {
      %parallel_loop3A_1151 = arith.constant 16 : i32
      %parallel_loop3A_1152 = arith.muli %parallel_loop3A_1147, %parallel_loop3A_1151 : i32
      %parallel_loop3A_1153 = arith.index_cast %parallel_loop3A_1152 : i32 to index
      %parallel_loop3A_1154 = tpu.vector_load %arg5[%parallel_loop3A_1153] {strides = array<i32>} : memref<8192xf32, #tpu.memory_space<vmem>>, vector<16xf32>,
      %parallel_loop3A_1155 = vector.shape_cast %parallel_loop3A_1154 : vector<16xf32> to vector<16xf32>
      %parallel_loop3A_1156 = arith.index_cast %parallel_loop3A_1152 : i32 to index
      %parallel_loop3A_1157 = tpu.vector_load %arg6[%parallel_loop3A_1156] {strides = array<i32>} : memref<8192xf32, #tpu.memory_space<vmem>>, vector<16xf32>,
      %parallel_loop3A_1158 = vector.shape_cast %parallel_loop3A_1157 : vector<16xf32> to vector<16xf32>
      %parallel_loop3A_1159 = arith.addf %parallel_loop3A_1155, %parallel_loop3A_1158 : vector<16xf32>
      %parallel_loop3A_1160 = tpu.bitcast %parallel_loop3A_1159 : vector<16xf32> -> vector<16xi32>
      %parallel_loop3A_1161 = arith.constant -2147483648 : i32
      %parallel_loop3A_1162 = vector.broadcast %parallel_loop3A_1161 : i32 to vector<16xi32>
      %parallel_loop3A_1163 = arith.cmpi uge, %parallel_loop3A_1160, %parallel_loop3A_1162 : vector<16xi32>
      %parallel_loop3A_1164 = arith.constant dense<-1> : vector<16xi32>
      %parallel_loop3A_1165 = arith.xori %parallel_loop3A_1160, %parallel_loop3A_1164 : vector<16xi32>
      %parallel_loop3A_1166 = arith.constant -2147483648 : i32
      %parallel_loop3A_1167 = vector.broadcast %parallel_loop3A_1166 : i32 to vector<16xi32>
      %parallel_loop3A_1168 = arith.ori %parallel_loop3A_1160, %parallel_loop3A_1167 : vector<16xi32>
      %parallel_loop3A_1169 = arith.select %parallel_loop3A_1163, %parallel_loop3A_1165, %parallel_loop3A_1168 : vector<16xi1>, vector<16xi32>
      %parallel_loop3A_1170 = arith.index_cast %parallel_loop3A_1152 : i32 to index
      %parallel_loop3A_1171 = tpu.vector_load %arg7[%parallel_loop3A_1170] {strides = array<i32>} : memref<8192xi32, #tpu.memory_space<vmem>>, vector<16xi32>,
      %parallel_loop3A_1172 = vector.shape_cast %parallel_loop3A_1171 : vector<16xi32> to vector<16xi32>
      %parallel_loop3A_1173 = vector.shape_cast %parallel_loop3A_1169 : vector<16xi32> to vector<16xi32>
      tpu.vector_store %arg7[%parallel_loop3A_1170], %parallel_loop3A_1173 {strides = array<i32>} : memref<8192xi32, #tpu.memory_space<vmem>>, vector<16xi32>,
      %parallel_loop3A_1174 = arith.addf %parallel_loop3A_1148, %parallel_loop3A_1159 : vector<16xf32>
      %parallel_loop3A_1175 = arith.minui %parallel_loop3A_1149, %parallel_loop3A_1169 : vector<16xi32>
      %parallel_loop3A_1176 = arith.maxui %parallel_loop3A_1150, %parallel_loop3A_1169 : vector<16xi32>
      scf.yield %parallel_loop3A_1174, %parallel_loop3A_1175, %parallel_loop3A_1176 : vector<16xf32>, vector<16xi32>, vector<16xi32>
    } {sc.loop_unroll_factor = 8 : i64, sc.parallel_access}
    %iota3A = tpu.iota {dimensions = array<i32: 0>} : vector<16xi32>
    %add3A_11 = arith.constant 1 : i32
    %add3A_12 = vector.broadcast %add3A_11 : i32 to vector<16xi32>
    %add3A_13 = arith.addi %iota3A, %add3A_12 : vector<16xi32>
    %jit3A = arith.constant 16 : i32
    %eq3A = arith.constant 0 : i32
    %eq3A_14 = arith.cmpi eq, %jit3A, %eq3A : i32
    %jit3A_15 = arith.constant 1 : i32
    %select_n3A = arith.select %eq3A_14, %jit3A_15, %jit3A : i32
    %rem3A = vector.broadcast %select_n3A : i32 to vector<16xi32>
    %rem3A_16 = arith.remsi %add3A_13, %rem3A : vector<16xi32>
    %ne3A = arith.constant 0 : i32
    %ne3A_17 = vector.broadcast %ne3A : i32 to vector<16xi32>
    %ne3A_18 = arith.cmpi ne, %rem3A_16, %ne3A_17 : vector<16xi32>
    %lt3A = arith.constant 0 : i32
    %lt3A_19 = vector.broadcast %lt3A : i32 to vector<16xi32>
    %lt3A_20 = arith.cmpi slt, %rem3A_16, %lt3A_19 : vector<16xi32>
    %lt3A_21 = arith.constant 0 : i32
    %lt3A_22 = arith.cmpi slt, %select_n3A, %lt3A_21 : i32
    %ne3A_23 = vector.broadcast %lt3A_22 : i1 to vector<16xi1>
    %ne3A_24 = vector.broadcast %ne3A_23 : vector<16xi1> to vector<16xi1>
    %ne3A_25 = arith.xori %lt3A_20, %ne3A_24 : vector<16xi1>
    %and3A = arith.andi %ne3A_25, %ne3A_18 : vector<16xi1>
    %add3A_26 = vector.broadcast %select_n3A : i32 to vector<16xi32>
    %add3A_27 = arith.addi %rem3A_16, %add3A_26 : vector<16xi32>
    %select_n3A_28 = arith.select %and3A, %add3A_27, %rem3A_16 : vector<16xi1>, vector<16xi32>
    %lt3A_29 = arith.constant 0 : i32
    %lt3A_30 = vector.broadcast %lt3A_29 : i32 to vector<16xi32>
    %lt3A_31 = arith.cmpi slt, %select_n3A_28, %lt3A_30 : vector<16xi32>
    %add3A_32 = arith.constant 16 : i32
    %add3A_33 = vector.broadcast %add3A_32 : i32 to vector<16xi32>
    %add3A_34 = arith.addi %select_n3A_28, %add3A_33 : vector<16xi32>
    %select_n3A_35 = arith.select %lt3A_31, %add3A_34, %select_n3A_28 : vector<16xi1>, vector<16xi32>
    %broadcast_in_dim3A_36 = vector.shape_cast %select_n3A_35 : vector<16xi32> to vector<16x1xi32>
    %gather3A = vector.shape_cast %broadcast_in_dim3A_36 : vector<16x1xi32> to vector<16xi32>
    %gather3A_37 = tpu.dynamic_gather %parallel_loop3A_10#0[%gather3A] in [0] : vector<16xf32>, vector<16xi32> -> vector<16xf32>
    %add3A_38 = arith.addf %parallel_loop3A_10#0, %gather3A_37 : vector<16xf32>
    %add3A_39 = arith.constant 2 : i32
    %add3A_40 = vector.broadcast %add3A_39 : i32 to vector<16xi32>
    %add3A_41 = arith.addi %iota3A, %add3A_40 : vector<16xi32>
    %jit3A_42 = arith.constant 16 : i32
    %eq3A_43 = arith.constant 0 : i32
    %eq3A_44 = arith.cmpi eq, %jit3A_42, %eq3A_43 : i32
    %jit3A_45 = arith.constant 1 : i32
    %select_n3A_46 = arith.select %eq3A_44, %jit3A_45, %jit3A_42 : i32
    %rem3A_47 = vector.broadcast %select_n3A_46 : i32 to vector<16xi32>
    %rem3A_48 = arith.remsi %add3A_41, %rem3A_47 : vector<16xi32>
    %ne3A_49 = arith.constant 0 : i32
    %ne3A_50 = vector.broadcast %ne3A_49 : i32 to vector<16xi32>
    %ne3A_51 = arith.cmpi ne, %rem3A_48, %ne3A_50 : vector<16xi32>
    %lt3A_52 = arith.constant 0 : i32
    %lt3A_53 = vector.broadcast %lt3A_52 : i32 to vector<16xi32>
    %lt3A_54 = arith.cmpi slt, %rem3A_48, %lt3A_53 : vector<16xi32>
    %lt3A_55 = arith.constant 0 : i32
    %lt3A_56 = arith.cmpi slt, %select_n3A_46, %lt3A_55 : i32
    %ne3A_57 = vector.broadcast %lt3A_56 : i1 to vector<16xi1>
    %ne3A_58 = vector.broadcast %ne3A_57 : vector<16xi1> to vector<16xi1>
    %ne3A_59 = arith.xori %lt3A_54, %ne3A_58 : vector<16xi1>
    %and3A_60 = arith.andi %ne3A_59, %ne3A_51 : vector<16xi1>
    %add3A_61 = vector.broadcast %select_n3A_46 : i32 to vector<16xi32>
    %add3A_62 = arith.addi %rem3A_48, %add3A_61 : vector<16xi32>
    %select_n3A_63 = arith.select %and3A_60, %add3A_62, %rem3A_48 : vector<16xi1>, vector<16xi32>
    %lt3A_64 = arith.constant 0 : i32
    %lt3A_65 = vector.broadcast %lt3A_64 : i32 to vector<16xi32>
    %lt3A_66 = arith.cmpi slt, %select_n3A_63, %lt3A_65 : vector<16xi32>
    %add3A_67 = arith.constant 16 : i32
    %add3A_68 = vector.broadcast %add3A_67 : i32 to vector<16xi32>
    %add3A_69 = arith.addi %select_n3A_63, %add3A_68 : vector<16xi32>
    %select_n3A_70 = arith.select %lt3A_66, %add3A_69, %select_n3A_63 : vector<16xi1>, vector<16xi32>
    %broadcast_in_dim3A_71 = vector.shape_cast %select_n3A_70 : vector<16xi32> to vector<16x1xi32>
    %gather3A_72 = vector.shape_cast %broadcast_in_dim3A_71 : vector<16x1xi32> to vector<16xi32>
    %gather3A_73 = tpu.dynamic_gather %add3A_38[%gather3A_72] in [0] : vector<16xf32>, vector<16xi32> -> vector<16xf32>
    %add3A_74 = arith.addf %add3A_38, %gather3A_73 : vector<16xf32>
    %add3A_75 = arith.constant 4 : i32
    %add3A_76 = vector.broadcast %add3A_75 : i32 to vector<16xi32>
    %add3A_77 = arith.addi %iota3A, %add3A_76 : vector<16xi32>
    %jit3A_78 = arith.constant 16 : i32
    %eq3A_79 = arith.constant 0 : i32
    %eq3A_80 = arith.cmpi eq, %jit3A_78, %eq3A_79 : i32
    %jit3A_81 = arith.constant 1 : i32
    %select_n3A_82 = arith.select %eq3A_80, %jit3A_81, %jit3A_78 : i32
    %rem3A_83 = vector.broadcast %select_n3A_82 : i32 to vector<16xi32>
    %rem3A_84 = arith.remsi %add3A_77, %rem3A_83 : vector<16xi32>
    %ne3A_85 = arith.constant 0 : i32
    %ne3A_86 = vector.broadcast %ne3A_85 : i32 to vector<16xi32>
    %ne3A_87 = arith.cmpi ne, %rem3A_84, %ne3A_86 : vector<16xi32>
    %lt3A_88 = arith.constant 0 : i32
    %lt3A_89 = vector.broadcast %lt3A_88 : i32 to vector<16xi32>
    %lt3A_90 = arith.cmpi slt, %rem3A_84, %lt3A_89 : vector<16xi32>
    %lt3A_91 = arith.constant 0 : i32
    %lt3A_92 = arith.cmpi slt, %select_n3A_82, %lt3A_91 : i32
    %ne3A_93 = vector.broadcast %lt3A_92 : i1 to vector<16xi1>
    %ne3A_94 = vector.broadcast %ne3A_93 : vector<16xi1> to vector<16xi1>
    %ne3A_95 = arith.xori %lt3A_90, %ne3A_94 : vector<16xi1>
    %and3A_96 = arith.andi %ne3A_95, %ne3A_87 : vector<16xi1>
    %add3A_97 = vector.broadcast %select_n3A_82 : i32 to vector<16xi32>
    %add3A_98 = arith.addi %rem3A_84, %add3A_97 : vector<16xi32>
    %select_n3A_99 = arith.select %and3A_96, %add3A_98, %rem3A_84 : vector<16xi1>, vector<16xi32>
    %lt3A_100 = arith.constant 0 : i32
    %lt3A_101 = vector.broadcast %lt3A_100 : i32 to vector<16xi32>
    %lt3A_102 = arith.cmpi slt, %select_n3A_99, %lt3A_101 : vector<16xi32>
    %add3A_103 = arith.constant 16 : i32
    %add3A_104 = vector.broadcast %add3A_103 : i32 to vector<16xi32>
    %add3A_105 = arith.addi %select_n3A_99, %add3A_104 : vector<16xi32>
    %select_n3A_106 = arith.select %lt3A_102, %add3A_105, %select_n3A_99 : vector<16xi1>, vector<16xi32>
    %broadcast_in_dim3A_107 = vector.shape_cast %select_n3A_106 : vector<16xi32> to vector<16x1xi32>
    %gather3A_108 = vector.shape_cast %broadcast_in_dim3A_107 : vector<16x1xi32> to vector<16xi32>
    %gather3A_109 = tpu.dynamic_gather %add3A_74[%gather3A_108] in [0] : vector<16xf32>, vector<16xi32> -> vector<16xf32>
    %add3A_110 = arith.addf %add3A_74, %gather3A_109 : vector<16xf32>
    %add3A_111 = arith.constant 8 : i32
    %add3A_112 = vector.broadcast %add3A_111 : i32 to vector<16xi32>
    %add3A_113 = arith.addi %iota3A, %add3A_112 : vector<16xi32>
    %jit3A_114 = arith.constant 16 : i32
    %eq3A_115 = arith.constant 0 : i32
    %eq3A_116 = arith.cmpi eq, %jit3A_114, %eq3A_115 : i32
    %jit3A_117 = arith.constant 1 : i32
    %select_n3A_118 = arith.select %eq3A_116, %jit3A_117, %jit3A_114 : i32
    %rem3A_119 = vector.broadcast %select_n3A_118 : i32 to vector<16xi32>
    %rem3A_120 = arith.remsi %add3A_113, %rem3A_119 : vector<16xi32>
    %ne3A_121 = arith.constant 0 : i32
    %ne3A_122 = vector.broadcast %ne3A_121 : i32 to vector<16xi32>
    %ne3A_123 = arith.cmpi ne, %rem3A_120, %ne3A_122 : vector<16xi32>
    %lt3A_124 = arith.constant 0 : i32
    %lt3A_125 = vector.broadcast %lt3A_124 : i32 to vector<16xi32>
    %lt3A_126 = arith.cmpi slt, %rem3A_120, %lt3A_125 : vector<16xi32>
    %lt3A_127 = arith.constant 0 : i32
    %lt3A_128 = arith.cmpi slt, %select_n3A_118, %lt3A_127 : i32
    %ne3A_129 = vector.broadcast %lt3A_128 : i1 to vector<16xi1>
    %ne3A_130 = vector.broadcast %ne3A_129 : vector<16xi1> to vector<16xi1>
    %ne3A_131 = arith.xori %lt3A_126, %ne3A_130 : vector<16xi1>
    %and3A_132 = arith.andi %ne3A_131, %ne3A_123 : vector<16xi1>
    %add3A_133 = vector.broadcast %select_n3A_118 : i32 to vector<16xi32>
    %add3A_134 = arith.addi %rem3A_120, %add3A_133 : vector<16xi32>
    %select_n3A_135 = arith.select %and3A_132, %add3A_134, %rem3A_120 : vector<16xi1>, vector<16xi32>
    %lt3A_136 = arith.constant 0 : i32
    %lt3A_137 = vector.broadcast %lt3A_136 : i32 to vector<16xi32>
    %lt3A_138 = arith.cmpi slt, %select_n3A_135, %lt3A_137 : vector<16xi32>
    %add3A_139 = arith.constant 16 : i32
    %add3A_140 = vector.broadcast %add3A_139 : i32 to vector<16xi32>
    %add3A_141 = arith.addi %select_n3A_135, %add3A_140 : vector<16xi32>
    %select_n3A_142 = arith.select %lt3A_138, %add3A_141, %select_n3A_135 : vector<16xi1>, vector<16xi32>
    %broadcast_in_dim3A_143 = vector.shape_cast %select_n3A_142 : vector<16xi32> to vector<16x1xi32>
    %gather3A_144 = vector.shape_cast %broadcast_in_dim3A_143 : vector<16x1xi32> to vector<16xi32>
    %gather3A_145 = tpu.dynamic_gather %add3A_110[%gather3A_144] in [0] : vector<16xf32>, vector<16xi32> -> vector<16xf32>
    %add3A_146 = arith.addf %add3A_110, %gather3A_145 : vector<16xf32>
    %slice3A = vector.extract_strided_slice %add3A_146 {offsets = [0], sizes = [1], strides = [1]} : vector<16xf32> to vector<1xf32>
    %squeeze3A = vector.extract %slice3A[0] : f32 from vector<1xf32>
    %mul3A = arith.constant 1.22070313E-4 : f32
    %mul3A_147 = arith.mulf %squeeze3A, %mul3A : f32
    %sub3A = arith.constant 1.242000e-01 : f32
    %sub3A_148 = arith.subf %mul3A_147, %sub3A : f32
    %iota3A_149 = tpu.iota {dimensions = array<i32: 0>} : vector<16xi32>
    %add3A_150 = arith.constant 1 : i32
    %add3A_151 = vector.broadcast %add3A_150 : i32 to vector<16xi32>
    %add3A_152 = arith.addi %iota3A_149, %add3A_151 : vector<16xi32>
    %jit3A_153 = arith.constant 16 : i32
    %eq3A_154 = arith.constant 0 : i32
    %eq3A_155 = arith.cmpi eq, %jit3A_153, %eq3A_154 : i32
    %jit3A_156 = arith.constant 1 : i32
    %select_n3A_157 = arith.select %eq3A_155, %jit3A_156, %jit3A_153 : i32
    %rem3A_158 = vector.broadcast %select_n3A_157 : i32 to vector<16xi32>
    %rem3A_159 = arith.remsi %add3A_152, %rem3A_158 : vector<16xi32>
    %ne3A_160 = arith.constant 0 : i32
    %ne3A_161 = vector.broadcast %ne3A_160 : i32 to vector<16xi32>
    %ne3A_162 = arith.cmpi ne, %rem3A_159, %ne3A_161 : vector<16xi32>
    %lt3A_163 = arith.constant 0 : i32
    %lt3A_164 = vector.broadcast %lt3A_163 : i32 to vector<16xi32>
    %lt3A_165 = arith.cmpi slt, %rem3A_159, %lt3A_164 : vector<16xi32>
    %lt3A_166 = arith.constant 0 : i32
    %lt3A_167 = arith.cmpi slt, %select_n3A_157, %lt3A_166 : i32
    %ne3A_168 = vector.broadcast %lt3A_167 : i1 to vector<16xi1>
    %ne3A_169 = vector.broadcast %ne3A_168 : vector<16xi1> to vector<16xi1>
    %ne3A_170 = arith.xori %lt3A_165, %ne3A_169 : vector<16xi1>
    %and3A_171 = arith.andi %ne3A_170, %ne3A_162 : vector<16xi1>
    %add3A_172 = vector.broadcast %select_n3A_157 : i32 to vector<16xi32>
    %add3A_173 = arith.addi %rem3A_159, %add3A_172 : vector<16xi32>
    %select_n3A_174 = arith.select %and3A_171, %add3A_173, %rem3A_159 : vector<16xi1>, vector<16xi32>
    %lt3A_175 = arith.constant 0 : i32
    %lt3A_176 = vector.broadcast %lt3A_175 : i32 to vector<16xi32>
    %lt3A_177 = arith.cmpi slt, %select_n3A_174, %lt3A_176 : vector<16xi32>
    %add3A_178 = arith.constant 16 : i32
    %add3A_179 = vector.broadcast %add3A_178 : i32 to vector<16xi32>
    %add3A_180 = arith.addi %select_n3A_174, %add3A_179 : vector<16xi32>
    %select_n3A_181 = arith.select %lt3A_177, %add3A_180, %select_n3A_174 : vector<16xi1>, vector<16xi32>
    %broadcast_in_dim3A_182 = vector.shape_cast %select_n3A_181 : vector<16xi32> to vector<16x1xi32>
    %gather3A_183 = vector.shape_cast %broadcast_in_dim3A_182 : vector<16x1xi32> to vector<16xi32>
    %gather3A_184 = tpu.dynamic_gather %parallel_loop3A_10#1[%gather3A_183] in [0] : vector<16xi32>, vector<16xi32> -> vector<16xi32>
    %min3A = arith.minui %parallel_loop3A_10#1, %gather3A_184 : vector<16xi32>
    %add3A_185 = arith.constant 2 : i32
    %add3A_186 = vector.broadcast %add3A_185 : i32 to vector<16xi32>
    %add3A_187 = arith.addi %iota3A_149, %add3A_186 : vector<16xi32>
    %jit3A_188 = arith.constant 16 : i32
    %eq3A_189 = arith.constant 0 : i32
    %eq3A_190 = arith.cmpi eq, %jit3A_188, %eq3A_189 : i32
    %jit3A_191 = arith.constant 1 : i32
    %select_n3A_192 = arith.select %eq3A_190, %jit3A_191, %jit3A_188 : i32
    %rem3A_193 = vector.broadcast %select_n3A_192 : i32 to vector<16xi32>
    %rem3A_194 = arith.remsi %add3A_187, %rem3A_193 : vector<16xi32>
    %ne3A_195 = arith.constant 0 : i32
    %ne3A_196 = vector.broadcast %ne3A_195 : i32 to vector<16xi32>
    %ne3A_197 = arith.cmpi ne, %rem3A_194, %ne3A_196 : vector<16xi32>
    %lt3A_198 = arith.constant 0 : i32
    %lt3A_199 = vector.broadcast %lt3A_198 : i32 to vector<16xi32>
    %lt3A_200 = arith.cmpi slt, %rem3A_194, %lt3A_199 : vector<16xi32>
    %lt3A_201 = arith.constant 0 : i32
    %lt3A_202 = arith.cmpi slt, %select_n3A_192, %lt3A_201 : i32
    %ne3A_203 = vector.broadcast %lt3A_202 : i1 to vector<16xi1>
    %ne3A_204 = vector.broadcast %ne3A_203 : vector<16xi1> to vector<16xi1>
    %ne3A_205 = arith.xori %lt3A_200, %ne3A_204 : vector<16xi1>
    %and3A_206 = arith.andi %ne3A_205, %ne3A_197 : vector<16xi1>
    %add3A_207 = vector.broadcast %select_n3A_192 : i32 to vector<16xi32>
    %add3A_208 = arith.addi %rem3A_194, %add3A_207 : vector<16xi32>
    %select_n3A_209 = arith.select %and3A_206, %add3A_208, %rem3A_194 : vector<16xi1>, vector<16xi32>
    %lt3A_210 = arith.constant 0 : i32
    %lt3A_211 = vector.broadcast %lt3A_210 : i32 to vector<16xi32>
    %lt3A_212 = arith.cmpi slt, %select_n3A_209, %lt3A_211 : vector<16xi32>
    %add3A_213 = arith.constant 16 : i32
    %add3A_214 = vector.broadcast %add3A_213 : i32 to vector<16xi32>
    %add3A_215 = arith.addi %select_n3A_209, %add3A_214 : vector<16xi32>
    %select_n3A_216 = arith.select %lt3A_212, %add3A_215, %select_n3A_209 : vector<16xi1>, vector<16xi32>
    %broadcast_in_dim3A_217 = vector.shape_cast %select_n3A_216 : vector<16xi32> to vector<16x1xi32>
    %gather3A_218 = vector.shape_cast %broadcast_in_dim3A_217 : vector<16x1xi32> to vector<16xi32>
    %gather3A_219 = tpu.dynamic_gather %min3A[%gather3A_218] in [0] : vector<16xi32>, vector<16xi32> -> vector<16xi32>
    %min3A_220 = arith.minui %min3A, %gather3A_219 : vector<16xi32>
    %add3A_221 = arith.constant 4 : i32
    %add3A_222 = vector.broadcast %add3A_221 : i32 to vector<16xi32>
    %add3A_223 = arith.addi %iota3A_149, %add3A_222 : vector<16xi32>
    %jit3A_224 = arith.constant 16 : i32
    %eq3A_225 = arith.constant 0 : i32
    %eq3A_226 = arith.cmpi eq, %jit3A_224, %eq3A_225 : i32
    %jit3A_227 = arith.constant 1 : i32
    %select_n3A_228 = arith.select %eq3A_226, %jit3A_227, %jit3A_224 : i32
    %rem3A_229 = vector.broadcast %select_n3A_228 : i32 to vector<16xi32>
    %rem3A_230 = arith.remsi %add3A_223, %rem3A_229 : vector<16xi32>
    %ne3A_231 = arith.constant 0 : i32
    %ne3A_232 = vector.broadcast %ne3A_231 : i32 to vector<16xi32>
    %ne3A_233 = arith.cmpi ne, %rem3A_230, %ne3A_232 : vector<16xi32>
    %lt3A_234 = arith.constant 0 : i32
    %lt3A_235 = vector.broadcast %lt3A_234 : i32 to vector<16xi32>
    %lt3A_236 = arith.cmpi slt, %rem3A_230, %lt3A_235 : vector<16xi32>
    %lt3A_237 = arith.constant 0 : i32
    %lt3A_238 = arith.cmpi slt, %select_n3A_228, %lt3A_237 : i32
    %ne3A_239 = vector.broadcast %lt3A_238 : i1 to vector<16xi1>
    %ne3A_240 = vector.broadcast %ne3A_239 : vector<16xi1> to vector<16xi1>
    %ne3A_241 = arith.xori %lt3A_236, %ne3A_240 : vector<16xi1>
    %and3A_242 = arith.andi %ne3A_241, %ne3A_233 : vector<16xi1>
    %add3A_243 = vector.broadcast %select_n3A_228 : i32 to vector<16xi32>
    %add3A_244 = arith.addi %rem3A_230, %add3A_243 : vector<16xi32>
    %select_n3A_245 = arith.select %and3A_242, %add3A_244, %rem3A_230 : vector<16xi1>, vector<16xi32>
    %lt3A_246 = arith.constant 0 : i32
    %lt3A_247 = vector.broadcast %lt3A_246 : i32 to vector<16xi32>
    %lt3A_248 = arith.cmpi slt, %select_n3A_245, %lt3A_247 : vector<16xi32>
    %add3A_249 = arith.constant 16 : i32
    %add3A_250 = vector.broadcast %add3A_249 : i32 to vector<16xi32>
    %add3A_251 = arith.addi %select_n3A_245, %add3A_250 : vector<16xi32>
    %select_n3A_252 = arith.select %lt3A_248, %add3A_251, %select_n3A_245 : vector<16xi1>, vector<16xi32>
    %broadcast_in_dim3A_253 = vector.shape_cast %select_n3A_252 : vector<16xi32> to vector<16x1xi32>
    %gather3A_254 = vector.shape_cast %broadcast_in_dim3A_253 : vector<16x1xi32> to vector<16xi32>
    %gather3A_255 = tpu.dynamic_gather %min3A_220[%gather3A_254] in [0] : vector<16xi32>, vector<16xi32> -> vector<16xi32>
    %min3A_256 = arith.minui %min3A_220, %gather3A_255 : vector<16xi32>
    %add3A_257 = arith.constant 8 : i32
    %add3A_258 = vector.broadcast %add3A_257 : i32 to vector<16xi32>
    %add3A_259 = arith.addi %iota3A_149, %add3A_258 : vector<16xi32>
    %jit3A_260 = arith.constant 16 : i32
    %eq3A_261 = arith.constant 0 : i32
    %eq3A_262 = arith.cmpi eq, %jit3A_260, %eq3A_261 : i32
    %jit3A_263 = arith.constant 1 : i32
    %select_n3A_264 = arith.select %eq3A_262, %jit3A_263, %jit3A_260 : i32
    %rem3A_265 = vector.broadcast %select_n3A_264 : i32 to vector<16xi32>
    %rem3A_266 = arith.remsi %add3A_259, %rem3A_265 : vector<16xi32>
    %ne3A_267 = arith.constant 0 : i32
    %ne3A_268 = vector.broadcast %ne3A_267 : i32 to vector<16xi32>
    %ne3A_269 = arith.cmpi ne, %rem3A_266, %ne3A_268 : vector<16xi32>
    %lt3A_270 = arith.constant 0 : i32
    %lt3A_271 = vector.broadcast %lt3A_270 : i32 to vector<16xi32>
    %lt3A_272 = arith.cmpi slt, %rem3A_266, %lt3A_271 : vector<16xi32>
    %lt3A_273 = arith.constant 0 : i32
    %lt3A_274 = arith.cmpi slt, %select_n3A_264, %lt3A_273 : i32
    %ne3A_275 = vector.broadcast %lt3A_274 : i1 to vector<16xi1>
    %ne3A_276 = vector.broadcast %ne3A_275 : vector<16xi1> to vector<16xi1>
    %ne3A_277 = arith.xori %lt3A_272, %ne3A_276 : vector<16xi1>
    %and3A_278 = arith.andi %ne3A_277, %ne3A_269 : vector<16xi1>
    %add3A_279 = vector.broadcast %select_n3A_264 : i32 to vector<16xi32>
    %add3A_280 = arith.addi %rem3A_266, %add3A_279 : vector<16xi32>
    %select_n3A_281 = arith.select %and3A_278, %add3A_280, %rem3A_266 : vector<16xi1>, vector<16xi32>
    %lt3A_282 = arith.constant 0 : i32
    %lt3A_283 = vector.broadcast %lt3A_282 : i32 to vector<16xi32>
    %lt3A_284 = arith.cmpi slt, %select_n3A_281, %lt3A_283 : vector<16xi32>
    %add3A_285 = arith.constant 16 : i32
    %add3A_286 = vector.broadcast %add3A_285 : i32 to vector<16xi32>
    %add3A_287 = arith.addi %select_n3A_281, %add3A_286 : vector<16xi32>
    %select_n3A_288 = arith.select %lt3A_284, %add3A_287, %select_n3A_281 : vector<16xi1>, vector<16xi32>
    %broadcast_in_dim3A_289 = vector.shape_cast %select_n3A_288 : vector<16xi32> to vector<16x1xi32>
    %gather3A_290 = vector.shape_cast %broadcast_in_dim3A_289 : vector<16x1xi32> to vector<16xi32>
    %gather3A_291 = tpu.dynamic_gather %min3A_256[%gather3A_290] in [0] : vector<16xi32>, vector<16xi32> -> vector<16xi32>
    %min3A_292 = arith.minui %min3A_256, %gather3A_291 : vector<16xi32>
    %slice3A_293 = vector.extract_strided_slice %min3A_292 {offsets = [0], sizes = [1], strides = [1]} : vector<16xi32> to vector<1xi32>
    %squeeze3A_294 = vector.extract %slice3A_293[0] : i32 from vector<1xi32>
    %iota3A_295 = tpu.iota {dimensions = array<i32: 0>} : vector<16xi32>
    %add3A_296 = arith.constant 1 : i32
    %add3A_297 = vector.broadcast %add3A_296 : i32 to vector<16xi32>
    %add3A_298 = arith.addi %iota3A_295, %add3A_297 : vector<16xi32>
    %jit3A_299 = arith.constant 16 : i32
    %eq3A_300 = arith.constant 0 : i32
    %eq3A_301 = arith.cmpi eq, %jit3A_299, %eq3A_300 : i32
    %jit3A_302 = arith.constant 1 : i32
    %select_n3A_303 = arith.select %eq3A_301, %jit3A_302, %jit3A_299 : i32
    %rem3A_304 = vector.broadcast %select_n3A_303 : i32 to vector<16xi32>
    %rem3A_305 = arith.remsi %add3A_298, %rem3A_304 : vector<16xi32>
    %ne3A_306 = arith.constant 0 : i32
    %ne3A_307 = vector.broadcast %ne3A_306 : i32 to vector<16xi32>
    %ne3A_308 = arith.cmpi ne, %rem3A_305, %ne3A_307 : vector<16xi32>
    %lt3A_309 = arith.constant 0 : i32
    %lt3A_310 = vector.broadcast %lt3A_309 : i32 to vector<16xi32>
    %lt3A_311 = arith.cmpi slt, %rem3A_305, %lt3A_310 : vector<16xi32>
    %lt3A_312 = arith.constant 0 : i32
    %lt3A_313 = arith.cmpi slt, %select_n3A_303, %lt3A_312 : i32
    %ne3A_314 = vector.broadcast %lt3A_313 : i1 to vector<16xi1>
    %ne3A_315 = vector.broadcast %ne3A_314 : vector<16xi1> to vector<16xi1>
    %ne3A_316 = arith.xori %lt3A_311, %ne3A_315 : vector<16xi1>
    %and3A_317 = arith.andi %ne3A_316, %ne3A_308 : vector<16xi1>
    %add3A_318 = vector.broadcast %select_n3A_303 : i32 to vector<16xi32>
    %add3A_319 = arith.addi %rem3A_305, %add3A_318 : vector<16xi32>
    %select_n3A_320 = arith.select %and3A_317, %add3A_319, %rem3A_305 : vector<16xi1>, vector<16xi32>
    %lt3A_321 = arith.constant 0 : i32
    %lt3A_322 = vector.broadcast %lt3A_321 : i32 to vector<16xi32>
    %lt3A_323 = arith.cmpi slt, %select_n3A_320, %lt3A_322 : vector<16xi32>
    %add3A_324 = arith.constant 16 : i32
    %add3A_325 = vector.broadcast %add3A_324 : i32 to vector<16xi32>
    %add3A_326 = arith.addi %select_n3A_320, %add3A_325 : vector<16xi32>
    %select_n3A_327 = arith.select %lt3A_323, %add3A_326, %select_n3A_320 : vector<16xi1>, vector<16xi32>
    %broadcast_in_dim3A_328 = vector.shape_cast %select_n3A_327 : vector<16xi32> to vector<16x1xi32>
    %gather3A_329 = vector.shape_cast %broadcast_in_dim3A_328 : vector<16x1xi32> to vector<16xi32>
    %gather3A_330 = tpu.dynamic_gather %parallel_loop3A_10#2[%gather3A_329] in [0] : vector<16xi32>, vector<16xi32> -> vector<16xi32>
    %max3A = arith.maxui %parallel_loop3A_10#2, %gather3A_330 : vector<16xi32>
    %add3A_331 = arith.constant 2 : i32
    %add3A_332 = vector.broadcast %add3A_331 : i32 to vector<16xi32>
    %add3A_333 = arith.addi %iota3A_295, %add3A_332 : vector<16xi32>
    %jit3A_334 = arith.constant 16 : i32
    %eq3A_335 = arith.constant 0 : i32
    %eq3A_336 = arith.cmpi eq, %jit3A_334, %eq3A_335 : i32
    %jit3A_337 = arith.constant 1 : i32
    %select_n3A_338 = arith.select %eq3A_336, %jit3A_337, %jit3A_334 : i32
    %rem3A_339 = vector.broadcast %select_n3A_338 : i32 to vector<16xi32>
    %rem3A_340 = arith.remsi %add3A_333, %rem3A_339 : vector<16xi32>
    %ne3A_341 = arith.constant 0 : i32
    %ne3A_342 = vector.broadcast %ne3A_341 : i32 to vector<16xi32>
    %ne3A_343 = arith.cmpi ne, %rem3A_340, %ne3A_342 : vector<16xi32>
    %lt3A_344 = arith.constant 0 : i32
    %lt3A_345 = vector.broadcast %lt3A_344 : i32 to vector<16xi32>
    %lt3A_346 = arith.cmpi slt, %rem3A_340, %lt3A_345 : vector<16xi32>
    %lt3A_347 = arith.constant 0 : i32
    %lt3A_348 = arith.cmpi slt, %select_n3A_338, %lt3A_347 : i32
    %ne3A_349 = vector.broadcast %lt3A_348 : i1 to vector<16xi1>
    %ne3A_350 = vector.broadcast %ne3A_349 : vector<16xi1> to vector<16xi1>
    %ne3A_351 = arith.xori %lt3A_346, %ne3A_350 : vector<16xi1>
    %and3A_352 = arith.andi %ne3A_351, %ne3A_343 : vector<16xi1>
    %add3A_353 = vector.broadcast %select_n3A_338 : i32 to vector<16xi32>
    %add3A_354 = arith.addi %rem3A_340, %add3A_353 : vector<16xi32>
    %select_n3A_355 = arith.select %and3A_352, %add3A_354, %rem3A_340 : vector<16xi1>, vector<16xi32>
    %lt3A_356 = arith.constant 0 : i32
    %lt3A_357 = vector.broadcast %lt3A_356 : i32 to vector<16xi32>
    %lt3A_358 = arith.cmpi slt, %select_n3A_355, %lt3A_357 : vector<16xi32>
    %add3A_359 = arith.constant 16 : i32
    %add3A_360 = vector.broadcast %add3A_359 : i32 to vector<16xi32>
    %add3A_361 = arith.addi %select_n3A_355, %add3A_360 : vector<16xi32>
    %select_n3A_362 = arith.select %lt3A_358, %add3A_361, %select_n3A_355 : vector<16xi1>, vector<16xi32>
    %broadcast_in_dim3A_363 = vector.shape_cast %select_n3A_362 : vector<16xi32> to vector<16x1xi32>
    %gather3A_364 = vector.shape_cast %broadcast_in_dim3A_363 : vector<16x1xi32> to vector<16xi32>
    %gather3A_365 = tpu.dynamic_gather %max3A[%gather3A_364] in [0] : vector<16xi32>, vector<16xi32> -> vector<16xi32>
    %max3A_366 = arith.maxui %max3A, %gather3A_365 : vector<16xi32>
    %add3A_367 = arith.constant 4 : i32
    %add3A_368 = vector.broadcast %add3A_367 : i32 to vector<16xi32>
    %add3A_369 = arith.addi %iota3A_295, %add3A_368 : vector<16xi32>
    %jit3A_370 = arith.constant 16 : i32
    %eq3A_371 = arith.constant 0 : i32
    %eq3A_372 = arith.cmpi eq, %jit3A_370, %eq3A_371 : i32
    %jit3A_373 = arith.constant 1 : i32
    %select_n3A_374 = arith.select %eq3A_372, %jit3A_373, %jit3A_370 : i32
    %rem3A_375 = vector.broadcast %select_n3A_374 : i32 to vector<16xi32>
    %rem3A_376 = arith.remsi %add3A_369, %rem3A_375 : vector<16xi32>
    %ne3A_377 = arith.constant 0 : i32
    %ne3A_378 = vector.broadcast %ne3A_377 : i32 to vector<16xi32>
    %ne3A_379 = arith.cmpi ne, %rem3A_376, %ne3A_378 : vector<16xi32>
    %lt3A_380 = arith.constant 0 : i32
    %lt3A_381 = vector.broadcast %lt3A_380 : i32 to vector<16xi32>
    %lt3A_382 = arith.cmpi slt, %rem3A_376, %lt3A_381 : vector<16xi32>
    %lt3A_383 = arith.constant 0 : i32
    %lt3A_384 = arith.cmpi slt, %select_n3A_374, %lt3A_383 : i32
    %ne3A_385 = vector.broadcast %lt3A_384 : i1 to vector<16xi1>
    %ne3A_386 = vector.broadcast %ne3A_385 : vector<16xi1> to vector<16xi1>
    %ne3A_387 = arith.xori %lt3A_382, %ne3A_386 : vector<16xi1>
    %and3A_388 = arith.andi %ne3A_387, %ne3A_379 : vector<16xi1>
    %add3A_389 = vector.broadcast %select_n3A_374 : i32 to vector<16xi32>
    %add3A_390 = arith.addi %rem3A_376, %add3A_389 : vector<16xi32>
    %select_n3A_391 = arith.select %and3A_388, %add3A_390, %rem3A_376 : vector<16xi1>, vector<16xi32>
    %lt3A_392 = arith.constant 0 : i32
    %lt3A_393 = vector.broadcast %lt3A_392 : i32 to vector<16xi32>
    %lt3A_394 = arith.cmpi slt, %select_n3A_391, %lt3A_393 : vector<16xi32>
    %add3A_395 = arith.constant 16 : i32
    %add3A_396 = vector.broadcast %add3A_395 : i32 to vector<16xi32>
    %add3A_397 = arith.addi %select_n3A_391, %add3A_396 : vector<16xi32>
    %select_n3A_398 = arith.select %lt3A_394, %add3A_397, %select_n3A_391 : vector<16xi1>, vector<16xi32>
    %broadcast_in_dim3A_399 = vector.shape_cast %select_n3A_398 : vector<16xi32> to vector<16x1xi32>
    %gather3A_400 = vector.shape_cast %broadcast_in_dim3A_399 : vector<16x1xi32> to vector<16xi32>
    %gather3A_401 = tpu.dynamic_gather %max3A_366[%gather3A_400] in [0] : vector<16xi32>, vector<16xi32> -> vector<16xi32>
    %max3A_402 = arith.maxui %max3A_366, %gather3A_401 : vector<16xi32>
    %add3A_403 = arith.constant 8 : i32
    %add3A_404 = vector.broadcast %add3A_403 : i32 to vector<16xi32>
    %add3A_405 = arith.addi %iota3A_295, %add3A_404 : vector<16xi32>
    %jit3A_406 = arith.constant 16 : i32
    %eq3A_407 = arith.constant 0 : i32
    %eq3A_408 = arith.cmpi eq, %jit3A_406, %eq3A_407 : i32
    %jit3A_409 = arith.constant 1 : i32
    %select_n3A_410 = arith.select %eq3A_408, %jit3A_409, %jit3A_406 : i32
    %rem3A_411 = vector.broadcast %select_n3A_410 : i32 to vector<16xi32>
    %rem3A_412 = arith.remsi %add3A_405, %rem3A_411 : vector<16xi32>
    %ne3A_413 = arith.constant 0 : i32
    %ne3A_414 = vector.broadcast %ne3A_413 : i32 to vector<16xi32>
    %ne3A_415 = arith.cmpi ne, %rem3A_412, %ne3A_414 : vector<16xi32>
    %lt3A_416 = arith.constant 0 : i32
    %lt3A_417 = vector.broadcast %lt3A_416 : i32 to vector<16xi32>
    %lt3A_418 = arith.cmpi slt, %rem3A_412, %lt3A_417 : vector<16xi32>
    %lt3A_419 = arith.constant 0 : i32
    %lt3A_420 = arith.cmpi slt, %select_n3A_410, %lt3A_419 : i32
    %ne3A_421 = vector.broadcast %lt3A_420 : i1 to vector<16xi1>
    %ne3A_422 = vector.broadcast %ne3A_421 : vector<16xi1> to vector<16xi1>
    %ne3A_423 = arith.xori %lt3A_418, %ne3A_422 : vector<16xi1>
    %and3A_424 = arith.andi %ne3A_423, %ne3A_415 : vector<16xi1>
    %add3A_425 = vector.broadcast %select_n3A_410 : i32 to vector<16xi32>
    %add3A_426 = arith.addi %rem3A_412, %add3A_425 : vector<16xi32>
    %select_n3A_427 = arith.select %and3A_424, %add3A_426, %rem3A_412 : vector<16xi1>, vector<16xi32>
    %lt3A_428 = arith.constant 0 : i32
    %lt3A_429 = vector.broadcast %lt3A_428 : i32 to vector<16xi32>
    %lt3A_430 = arith.cmpi slt, %select_n3A_427, %lt3A_429 : vector<16xi32>
    %add3A_431 = arith.constant 16 : i32
    %add3A_432 = vector.broadcast %add3A_431 : i32 to vector<16xi32>
    %add3A_433 = arith.addi %select_n3A_427, %add3A_432 : vector<16xi32>
    %select_n3A_434 = arith.select %lt3A_430, %add3A_433, %select_n3A_427 : vector<16xi1>, vector<16xi32>
    %broadcast_in_dim3A_435 = vector.shape_cast %select_n3A_434 : vector<16xi32> to vector<16x1xi32>
    %gather3A_436 = vector.shape_cast %broadcast_in_dim3A_435 : vector<16x1xi32> to vector<16xi32>
    %gather3A_437 = tpu.dynamic_gather %max3A_402[%gather3A_436] in [0] : vector<16xi32>, vector<16xi32> -> vector<16xi32>
    %max3A_438 = arith.maxui %max3A_402, %gather3A_437 : vector<16xi32>
    %slice3A_439 = vector.extract_strided_slice %max3A_438 {offsets = [0], sizes = [1], strides = [1]} : vector<16xi32> to vector<1xi32>
    %squeeze3A_440 = vector.extract %slice3A_439[0] : i32 from vector<1xi32>
    %add3A_441 = arith.constant 1 : i32
    %add3A_442 = arith.addi %squeeze3A_440, %add3A_441 : i32
    %add3A_443 = arith.constant -4.000000e-02 : f32
    %add3A_444 = arith.addf %sub3A_148, %add3A_443 : f32
    %bitcast_convert_type3A = arith.bitcast %add3A_444 : f32 to i32
    %ge3A = arith.constant -2147483648 : i32
    %ge3A_445 = arith.cmpi uge, %bitcast_convert_type3A, %ge3A : i32
    %not3A = arith.constant -1 : i32
    %not3A_446 = arith.xori %bitcast_convert_type3A, %not3A : i32
    %or3A = arith.constant -2147483648 : i32
    %or3A_447 = arith.ori %bitcast_convert_type3A, %or3A : i32
    %select_n3A_448 = arith.select %ge3A_445, %not3A_446, %or3A_447 : i32
    %add3A_449 = arith.constant 1 : i32
    %add3A_450 = arith.addi %squeeze3A_294, %add3A_449 : i32
    %max3A_451 = arith.maxui %select_n3A_448, %add3A_450 : i32
    %sub3A_452 = arith.constant 1 : i32
    %sub3A_453 = arith.subi %add3A_442, %sub3A_452 : i32
    %min3A_454 = arith.minui %max3A_451, %sub3A_453 : i32
    %add3A_455 = arith.constant 0.000000e+00 : f32
    %add3A_456 = arith.addf %sub3A_148, %add3A_455 : f32
    %bitcast_convert_type3A_457 = arith.bitcast %add3A_456 : f32 to i32
    %ge3A_458 = arith.constant -2147483648 : i32
    %ge3A_459 = arith.cmpi uge, %bitcast_convert_type3A_457, %ge3A_458 : i32
    %not3A_460 = arith.constant -1 : i32
    %not3A_461 = arith.xori %bitcast_convert_type3A_457, %not3A_460 : i32
    %or3A_462 = arith.constant -2147483648 : i32
    %or3A_463 = arith.ori %bitcast_convert_type3A_457, %or3A_462 : i32
    %select_n3A_464 = arith.select %ge3A_459, %not3A_461, %or3A_463 : i32
    %add3A_465 = arith.constant 1 : i32
    %add3A_466 = arith.addi %squeeze3A_294, %add3A_465 : i32
    %max3A_467 = arith.maxui %select_n3A_464, %add3A_466 : i32
    %sub3A_468 = arith.constant 1 : i32
    %sub3A_469 = arith.subi %add3A_442, %sub3A_468 : i32
    %min3A_470 = arith.minui %max3A_467, %sub3A_469 : i32
    %add3A_471 = arith.constant 4.000000e-02 : f32
    %add3A_472 = arith.addf %sub3A_148, %add3A_471 : f32
    %bitcast_convert_type3A_473 = arith.bitcast %add3A_472 : f32 to i32
    %ge3A_474 = arith.constant -2147483648 : i32
    %ge3A_475 = arith.cmpi uge, %bitcast_convert_type3A_473, %ge3A_474 : i32
    %not3A_476 = arith.constant -1 : i32
    %not3A_477 = arith.xori %bitcast_convert_type3A_473, %not3A_476 : i32
    %or3A_478 = arith.constant -2147483648 : i32
    %or3A_479 = arith.ori %bitcast_convert_type3A_473, %or3A_478 : i32
    %select_n3A_480 = arith.select %ge3A_475, %not3A_477, %or3A_479 : i32
    %add3A_481 = arith.constant 1 : i32
    %add3A_482 = arith.addi %squeeze3A_294, %add3A_481 : i32
    %max3A_483 = arith.maxui %select_n3A_480, %add3A_482 : i32
    %sub3A_484 = arith.constant 1 : i32
    %sub3A_485 = arith.subi %add3A_442, %sub3A_484 : i32
    %min3A_486 = arith.minui %max3A_483, %sub3A_485 : i32
    %broadcast_in_dim3A_487 = arith.constant 0 : i32
    %broadcast_in_dim3A_488 = vector.broadcast %broadcast_in_dim3A_487 : i32 to vector<16xi32>
    %broadcast_in_dim3A_489 = arith.constant 0 : i32
    %broadcast_in_dim3A_490 = vector.broadcast %broadcast_in_dim3A_489 : i32 to vector<16xi32>
    %broadcast_in_dim3A_491 = arith.constant 0 : i32
    %broadcast_in_dim3A_492 = vector.broadcast %broadcast_in_dim3A_491 : i32 to vector<16xi32>
    %parallel_loop3A_493 = arith.constant 0 : i32
    %parallel_loop3A_494 = arith.constant 512 : i32
    %parallel_loop3A_495 = arith.constant 1 : i32
    %parallel_loop3A_496:3 = scf.for %parallel_loop3A_1147 = %parallel_loop3A_493 to %parallel_loop3A_494 step %parallel_loop3A_495 iter_args(%parallel_loop3A_1148 = %broadcast_in_dim3A_488, %parallel_loop3A_1149 = %broadcast_in_dim3A_490, %parallel_loop3A_1150 = %broadcast_in_dim3A_492) -> (vector<16xi32>, vector<16xi32>, vector<16xi32>)  : i32 {
      %parallel_loop3A_1151 = arith.constant 16 : i32
      %parallel_loop3A_1152 = arith.muli %parallel_loop3A_1147, %parallel_loop3A_1151 : i32
      %parallel_loop3A_1153 = arith.index_cast %parallel_loop3A_1152 : i32 to index
      %parallel_loop3A_1154 = tpu.vector_load %arg7[%parallel_loop3A_1153] {strides = array<i32>} : memref<8192xi32, #tpu.memory_space<vmem>>, vector<16xi32>,
      %parallel_loop3A_1155 = vector.shape_cast %parallel_loop3A_1154 : vector<16xi32> to vector<16xi32>
      %parallel_loop3A_1156 = vector.broadcast %min3A_454 : i32 to vector<16xi32>
      %parallel_loop3A_1157 = arith.cmpi uge, %parallel_loop3A_1155, %parallel_loop3A_1156 : vector<16xi32>
      %parallel_loop3A_1158 = arith.constant 1 : i32
      %parallel_loop3A_1159 = arith.constant 0 : i32
      %parallel_loop3A_1160 = vector.broadcast %parallel_loop3A_1158 : i32 to vector<16xi32>
      %parallel_loop3A_1161 = vector.broadcast %parallel_loop3A_1159 : i32 to vector<16xi32>
      %parallel_loop3A_1162 = arith.select %parallel_loop3A_1157, %parallel_loop3A_1160, %parallel_loop3A_1161 : vector<16xi1>, vector<16xi32>
      %parallel_loop3A_1163 = arith.addi %parallel_loop3A_1148, %parallel_loop3A_1162 : vector<16xi32>
      %parallel_loop3A_1164 = vector.broadcast %min3A_470 : i32 to vector<16xi32>
      %parallel_loop3A_1165 = arith.cmpi uge, %parallel_loop3A_1155, %parallel_loop3A_1164 : vector<16xi32>
      %parallel_loop3A_1166 = arith.constant 1 : i32
      %parallel_loop3A_1167 = arith.constant 0 : i32
      %parallel_loop3A_1168 = vector.broadcast %parallel_loop3A_1166 : i32 to vector<16xi32>
      %parallel_loop3A_1169 = vector.broadcast %parallel_loop3A_1167 : i32 to vector<16xi32>
      %parallel_loop3A_1170 = arith.select %parallel_loop3A_1165, %parallel_loop3A_1168, %parallel_loop3A_1169 : vector<16xi1>, vector<16xi32>
      %parallel_loop3A_1171 = arith.addi %parallel_loop3A_1149, %parallel_loop3A_1170 : vector<16xi32>
      %parallel_loop3A_1172 = vector.broadcast %min3A_486 : i32 to vector<16xi32>
      %parallel_loop3A_1173 = arith.cmpi uge, %parallel_loop3A_1155, %parallel_loop3A_1172 : vector<16xi32>
      %parallel_loop3A_1174 = arith.constant 1 : i32
      %parallel_loop3A_1175 = arith.constant 0 : i32
      %parallel_loop3A_1176 = vector.broadcast %parallel_loop3A_1174 : i32 to vector<16xi32>
      %parallel_loop3A_1177 = vector.broadcast %parallel_loop3A_1175 : i32 to vector<16xi32>
      %parallel_loop3A_1178 = arith.select %parallel_loop3A_1173, %parallel_loop3A_1176, %parallel_loop3A_1177 : vector<16xi1>, vector<16xi32>
      %parallel_loop3A_1179 = arith.addi %parallel_loop3A_1150, %parallel_loop3A_1178 : vector<16xi32>
      scf.yield %parallel_loop3A_1163, %parallel_loop3A_1171, %parallel_loop3A_1179 : vector<16xi32>, vector<16xi32>, vector<16xi32>
    } {sc.loop_unroll_factor = 8 : i64, sc.parallel_access}
    %iota3A_497 = tpu.iota {dimensions = array<i32: 0>} : vector<16xi32>
    %add3A_498 = arith.constant 1 : i32
    %add3A_499 = vector.broadcast %add3A_498 : i32 to vector<16xi32>
    %add3A_500 = arith.addi %iota3A_497, %add3A_499 : vector<16xi32>
    %jit3A_501 = arith.constant 16 : i32
    %eq3A_502 = arith.constant 0 : i32
    %eq3A_503 = arith.cmpi eq, %jit3A_501, %eq3A_502 : i32
    %jit3A_504 = arith.constant 1 : i32
    %select_n3A_505 = arith.select %eq3A_503, %jit3A_504, %jit3A_501 : i32
    %rem3A_506 = vector.broadcast %select_n3A_505 : i32 to vector<16xi32>
    %rem3A_507 = arith.remsi %add3A_500, %rem3A_506 : vector<16xi32>
    %ne3A_508 = arith.constant 0 : i32
    %ne3A_509 = vector.broadcast %ne3A_508 : i32 to vector<16xi32>
    %ne3A_510 = arith.cmpi ne, %rem3A_507, %ne3A_509 : vector<16xi32>
    %lt3A_511 = arith.constant 0 : i32
    %lt3A_512 = vector.broadcast %lt3A_511 : i32 to vector<16xi32>
    %lt3A_513 = arith.cmpi slt, %rem3A_507, %lt3A_512 : vector<16xi32>
    %lt3A_514 = arith.constant 0 : i32
    %lt3A_515 = arith.cmpi slt, %select_n3A_505, %lt3A_514 : i32
    %ne3A_516 = vector.broadcast %lt3A_515 : i1 to vector<16xi1>
    %ne3A_517 = vector.broadcast %ne3A_516 : vector<16xi1> to vector<16xi1>
    %ne3A_518 = arith.xori %lt3A_513, %ne3A_517 : vector<16xi1>
    %and3A_519 = arith.andi %ne3A_518, %ne3A_510 : vector<16xi1>
    %add3A_520 = vector.broadcast %select_n3A_505 : i32 to vector<16xi32>
    %add3A_521 = arith.addi %rem3A_507, %add3A_520 : vector<16xi32>
    %select_n3A_522 = arith.select %and3A_519, %add3A_521, %rem3A_507 : vector<16xi1>, vector<16xi32>
    %lt3A_523 = arith.constant 0 : i32
    %lt3A_524 = vector.broadcast %lt3A_523 : i32 to vector<16xi32>
    %lt3A_525 = arith.cmpi slt, %select_n3A_522, %lt3A_524 : vector<16xi32>
    %add3A_526 = arith.constant 16 : i32
    %add3A_527 = vector.broadcast %add3A_526 : i32 to vector<16xi32>
    %add3A_528 = arith.addi %select_n3A_522, %add3A_527 : vector<16xi32>
    %select_n3A_529 = arith.select %lt3A_525, %add3A_528, %select_n3A_522 : vector<16xi1>, vector<16xi32>
    %broadcast_in_dim3A_530 = vector.shape_cast %select_n3A_529 : vector<16xi32> to vector<16x1xi32>
    %gather3A_531 = vector.shape_cast %broadcast_in_dim3A_530 : vector<16x1xi32> to vector<16xi32>
    %gather3A_532 = tpu.dynamic_gather %parallel_loop3A_496#0[%gather3A_531] in [0] : vector<16xi32>, vector<16xi32> -> vector<16xi32>
    %add3A_533 = arith.addi %parallel_loop3A_496#0, %gather3A_532 : vector<16xi32>
    %add3A_534 = arith.constant 2 : i32
    %add3A_535 = vector.broadcast %add3A_534 : i32 to vector<16xi32>
    %add3A_536 = arith.addi %iota3A_497, %add3A_535 : vector<16xi32>
    %jit3A_537 = arith.constant 16 : i32
    %eq3A_538 = arith.constant 0 : i32
    %eq3A_539 = arith.cmpi eq, %jit3A_537, %eq3A_538 : i32
    %jit3A_540 = arith.constant 1 : i32
    %select_n3A_541 = arith.select %eq3A_539, %jit3A_540, %jit3A_537 : i32
    %rem3A_542 = vector.broadcast %select_n3A_541 : i32 to vector<16xi32>
    %rem3A_543 = arith.remsi %add3A_536, %rem3A_542 : vector<16xi32>
    %ne3A_544 = arith.constant 0 : i32
    %ne3A_545 = vector.broadcast %ne3A_544 : i32 to vector<16xi32>
    %ne3A_546 = arith.cmpi ne, %rem3A_543, %ne3A_545 : vector<16xi32>
    %lt3A_547 = arith.constant 0 : i32
    %lt3A_548 = vector.broadcast %lt3A_547 : i32 to vector<16xi32>
    %lt3A_549 = arith.cmpi slt, %rem3A_543, %lt3A_548 : vector<16xi32>
    %lt3A_550 = arith.constant 0 : i32
    %lt3A_551 = arith.cmpi slt, %select_n3A_541, %lt3A_550 : i32
    %ne3A_552 = vector.broadcast %lt3A_551 : i1 to vector<16xi1>
    %ne3A_553 = vector.broadcast %ne3A_552 : vector<16xi1> to vector<16xi1>
    %ne3A_554 = arith.xori %lt3A_549, %ne3A_553 : vector<16xi1>
    %and3A_555 = arith.andi %ne3A_554, %ne3A_546 : vector<16xi1>
    %add3A_556 = vector.broadcast %select_n3A_541 : i32 to vector<16xi32>
    %add3A_557 = arith.addi %rem3A_543, %add3A_556 : vector<16xi32>
    %select_n3A_558 = arith.select %and3A_555, %add3A_557, %rem3A_543 : vector<16xi1>, vector<16xi32>
    %lt3A_559 = arith.constant 0 : i32
    %lt3A_560 = vector.broadcast %lt3A_559 : i32 to vector<16xi32>
    %lt3A_561 = arith.cmpi slt, %select_n3A_558, %lt3A_560 : vector<16xi32>
    %add3A_562 = arith.constant 16 : i32
    %add3A_563 = vector.broadcast %add3A_562 : i32 to vector<16xi32>
    %add3A_564 = arith.addi %select_n3A_558, %add3A_563 : vector<16xi32>
    %select_n3A_565 = arith.select %lt3A_561, %add3A_564, %select_n3A_558 : vector<16xi1>, vector<16xi32>
    %broadcast_in_dim3A_566 = vector.shape_cast %select_n3A_565 : vector<16xi32> to vector<16x1xi32>
    %gather3A_567 = vector.shape_cast %broadcast_in_dim3A_566 : vector<16x1xi32> to vector<16xi32>
    %gather3A_568 = tpu.dynamic_gather %add3A_533[%gather3A_567] in [0] : vector<16xi32>, vector<16xi32> -> vector<16xi32>
    %add3A_569 = arith.addi %add3A_533, %gather3A_568 : vector<16xi32>
    %add3A_570 = arith.constant 4 : i32
    %add3A_571 = vector.broadcast %add3A_570 : i32 to vector<16xi32>
    %add3A_572 = arith.addi %iota3A_497, %add3A_571 : vector<16xi32>
    %jit3A_573 = arith.constant 16 : i32
    %eq3A_574 = arith.constant 0 : i32
    %eq3A_575 = arith.cmpi eq, %jit3A_573, %eq3A_574 : i32
    %jit3A_576 = arith.constant 1 : i32
    %select_n3A_577 = arith.select %eq3A_575, %jit3A_576, %jit3A_573 : i32
    %rem3A_578 = vector.broadcast %select_n3A_577 : i32 to vector<16xi32>
    %rem3A_579 = arith.remsi %add3A_572, %rem3A_578 : vector<16xi32>
    %ne3A_580 = arith.constant 0 : i32
    %ne3A_581 = vector.broadcast %ne3A_580 : i32 to vector<16xi32>
    %ne3A_582 = arith.cmpi ne, %rem3A_579, %ne3A_581 : vector<16xi32>
    %lt3A_583 = arith.constant 0 : i32
    %lt3A_584 = vector.broadcast %lt3A_583 : i32 to vector<16xi32>
    %lt3A_585 = arith.cmpi slt, %rem3A_579, %lt3A_584 : vector<16xi32>
    %lt3A_586 = arith.constant 0 : i32
    %lt3A_587 = arith.cmpi slt, %select_n3A_577, %lt3A_586 : i32
    %ne3A_588 = vector.broadcast %lt3A_587 : i1 to vector<16xi1>
    %ne3A_589 = vector.broadcast %ne3A_588 : vector<16xi1> to vector<16xi1>
    %ne3A_590 = arith.xori %lt3A_585, %ne3A_589 : vector<16xi1>
    %and3A_591 = arith.andi %ne3A_590, %ne3A_582 : vector<16xi1>
    %add3A_592 = vector.broadcast %select_n3A_577 : i32 to vector<16xi32>
    %add3A_593 = arith.addi %rem3A_579, %add3A_592 : vector<16xi32>
    %select_n3A_594 = arith.select %and3A_591, %add3A_593, %rem3A_579 : vector<16xi1>, vector<16xi32>
    %lt3A_595 = arith.constant 0 : i32
    %lt3A_596 = vector.broadcast %lt3A_595 : i32 to vector<16xi32>
    %lt3A_597 = arith.cmpi slt, %select_n3A_594, %lt3A_596 : vector<16xi32>
    %add3A_598 = arith.constant 16 : i32
    %add3A_599 = vector.broadcast %add3A_598 : i32 to vector<16xi32>
    %add3A_600 = arith.addi %select_n3A_594, %add3A_599 : vector<16xi32>
    %select_n3A_601 = arith.select %lt3A_597, %add3A_600, %select_n3A_594 : vector<16xi1>, vector<16xi32>
    %broadcast_in_dim3A_602 = vector.shape_cast %select_n3A_601 : vector<16xi32> to vector<16x1xi32>
    %gather3A_603 = vector.shape_cast %broadcast_in_dim3A_602 : vector<16x1xi32> to vector<16xi32>
    %gather3A_604 = tpu.dynamic_gather %add3A_569[%gather3A_603] in [0] : vector<16xi32>, vector<16xi32> -> vector<16xi32>
    %add3A_605 = arith.addi %add3A_569, %gather3A_604 : vector<16xi32>
    %add3A_606 = arith.constant 8 : i32
    %add3A_607 = vector.broadcast %add3A_606 : i32 to vector<16xi32>
    %add3A_608 = arith.addi %iota3A_497, %add3A_607 : vector<16xi32>
    %jit3A_609 = arith.constant 16 : i32
    %eq3A_610 = arith.constant 0 : i32
    %eq3A_611 = arith.cmpi eq, %jit3A_609, %eq3A_610 : i32
    %jit3A_612 = arith.constant 1 : i32
    %select_n3A_613 = arith.select %eq3A_611, %jit3A_612, %jit3A_609 : i32
    %rem3A_614 = vector.broadcast %select_n3A_613 : i32 to vector<16xi32>
    %rem3A_615 = arith.remsi %add3A_608, %rem3A_614 : vector<16xi32>
    %ne3A_616 = arith.constant 0 : i32
    %ne3A_617 = vector.broadcast %ne3A_616 : i32 to vector<16xi32>
    %ne3A_618 = arith.cmpi ne, %rem3A_615, %ne3A_617 : vector<16xi32>
    %lt3A_619 = arith.constant 0 : i32
    %lt3A_620 = vector.broadcast %lt3A_619 : i32 to vector<16xi32>
    %lt3A_621 = arith.cmpi slt, %rem3A_615, %lt3A_620 : vector<16xi32>
    %lt3A_622 = arith.constant 0 : i32
    %lt3A_623 = arith.cmpi slt, %select_n3A_613, %lt3A_622 : i32
    %ne3A_624 = vector.broadcast %lt3A_623 : i1 to vector<16xi1>
    %ne3A_625 = vector.broadcast %ne3A_624 : vector<16xi1> to vector<16xi1>
    %ne3A_626 = arith.xori %lt3A_621, %ne3A_625 : vector<16xi1>
    %and3A_627 = arith.andi %ne3A_626, %ne3A_618 : vector<16xi1>
    %add3A_628 = vector.broadcast %select_n3A_613 : i32 to vector<16xi32>
    %add3A_629 = arith.addi %rem3A_615, %add3A_628 : vector<16xi32>
    %select_n3A_630 = arith.select %and3A_627, %add3A_629, %rem3A_615 : vector<16xi1>, vector<16xi32>
    %lt3A_631 = arith.constant 0 : i32
    %lt3A_632 = vector.broadcast %lt3A_631 : i32 to vector<16xi32>
    %lt3A_633 = arith.cmpi slt, %select_n3A_630, %lt3A_632 : vector<16xi32>
    %add3A_634 = arith.constant 16 : i32
    %add3A_635 = vector.broadcast %add3A_634 : i32 to vector<16xi32>
    %add3A_636 = arith.addi %select_n3A_630, %add3A_635 : vector<16xi32>
    %select_n3A_637 = arith.select %lt3A_633, %add3A_636, %select_n3A_630 : vector<16xi1>, vector<16xi32>
    %broadcast_in_dim3A_638 = vector.shape_cast %select_n3A_637 : vector<16xi32> to vector<16x1xi32>
    %gather3A_639 = vector.shape_cast %broadcast_in_dim3A_638 : vector<16x1xi32> to vector<16xi32>
    %gather3A_640 = tpu.dynamic_gather %add3A_605[%gather3A_639] in [0] : vector<16xi32>, vector<16xi32> -> vector<16xi32>
    %add3A_641 = arith.addi %add3A_605, %gather3A_640 : vector<16xi32>
    %slice3A_642 = vector.extract_strided_slice %add3A_641 {offsets = [0], sizes = [1], strides = [1]} : vector<16xi32> to vector<1xi32>
    %squeeze3A_643 = vector.extract %slice3A_642[0] : i32 from vector<1xi32>
    %ge3A_644 = arith.constant 4096 : i32
    %ge3A_645 = arith.cmpi sge, %squeeze3A_643, %ge3A_644 : i32
    %gt3A = arith.cmpi ugt, %min3A_454, %squeeze3A_294 : i32
    %and3A_646 = arith.andi %ge3A_645, %gt3A : i1
    %select_n3A_647 = arith.select %and3A_646, %min3A_454, %squeeze3A_294 : i32
    %jit3A_648 = arith.constant 8192 : i32
    %select_n3A_649 = arith.select %and3A_646, %squeeze3A_643, %jit3A_648 : i32
    %lt3A_650 = arith.constant 4096 : i32
    %lt3A_651 = arith.cmpi slt, %squeeze3A_643, %lt3A_650 : i32
    %lt3A_652 = arith.cmpi ult, %min3A_454, %add3A_442 : i32
    %and3A_653 = arith.andi %lt3A_651, %lt3A_652 : i1
    %select_n3A_654 = arith.select %and3A_653, %min3A_454, %add3A_442 : i32
    %jit3A_655 = arith.constant 0 : i32
    %select_n3A_656 = arith.select %and3A_653, %squeeze3A_643, %jit3A_655 : i32
    %iota3A_657 = tpu.iota {dimensions = array<i32: 0>} : vector<16xi32>
    %add3A_658 = arith.constant 1 : i32
    %add3A_659 = vector.broadcast %add3A_658 : i32 to vector<16xi32>
    %add3A_660 = arith.addi %iota3A_657, %add3A_659 : vector<16xi32>
    %jit3A_661 = arith.constant 16 : i32
    %eq3A_662 = arith.constant 0 : i32
    %eq3A_663 = arith.cmpi eq, %jit3A_661, %eq3A_662 : i32
    %jit3A_664 = arith.constant 1 : i32
    %select_n3A_665 = arith.select %eq3A_663, %jit3A_664, %jit3A_661 : i32
    %rem3A_666 = vector.broadcast %select_n3A_665 : i32 to vector<16xi32>
    %rem3A_667 = arith.remsi %add3A_660, %rem3A_666 : vector<16xi32>
    %ne3A_668 = arith.constant 0 : i32
    %ne3A_669 = vector.broadcast %ne3A_668 : i32 to vector<16xi32>
    %ne3A_670 = arith.cmpi ne, %rem3A_667, %ne3A_669 : vector<16xi32>
    %lt3A_671 = arith.constant 0 : i32
    %lt3A_672 = vector.broadcast %lt3A_671 : i32 to vector<16xi32>
    %lt3A_673 = arith.cmpi slt, %rem3A_667, %lt3A_672 : vector<16xi32>
    %lt3A_674 = arith.constant 0 : i32
    %lt3A_675 = arith.cmpi slt, %select_n3A_665, %lt3A_674 : i32
    %ne3A_676 = vector.broadcast %lt3A_675 : i1 to vector<16xi1>
    %ne3A_677 = vector.broadcast %ne3A_676 : vector<16xi1> to vector<16xi1>
    %ne3A_678 = arith.xori %lt3A_673, %ne3A_677 : vector<16xi1>
    %and3A_679 = arith.andi %ne3A_678, %ne3A_670 : vector<16xi1>
    %add3A_680 = vector.broadcast %select_n3A_665 : i32 to vector<16xi32>
    %add3A_681 = arith.addi %rem3A_667, %add3A_680 : vector<16xi32>
    %select_n3A_682 = arith.select %and3A_679, %add3A_681, %rem3A_667 : vector<16xi1>, vector<16xi32>
    %lt3A_683 = arith.constant 0 : i32
    %lt3A_684 = vector.broadcast %lt3A_683 : i32 to vector<16xi32>
    %lt3A_685 = arith.cmpi slt, %select_n3A_682, %lt3A_684 : vector<16xi32>
    %add3A_686 = arith.constant 16 : i32
    %add3A_687 = vector.broadcast %add3A_686 : i32 to vector<16xi32>
    %add3A_688 = arith.addi %select_n3A_682, %add3A_687 : vector<16xi32>
    %select_n3A_689 = arith.select %lt3A_685, %add3A_688, %select_n3A_682 : vector<16xi1>, vector<16xi32>
    %broadcast_in_dim3A_690 = vector.shape_cast %select_n3A_689 : vector<16xi32> to vector<16x1xi32>
    %gather3A_691 = vector.shape_cast %broadcast_in_dim3A_690 : vector<16x1xi32> to vector<16xi32>
    %gather3A_692 = tpu.dynamic_gather %parallel_loop3A_496#1[%gather3A_691] in [0] : vector<16xi32>, vector<16xi32> -> vector<16xi32>
    %add3A_693 = arith.addi %parallel_loop3A_496#1, %gather3A_692 : vector<16xi32>
    %add3A_694 = arith.constant 2 : i32
    %add3A_695 = vector.broadcast %add3A_694 : i32 to vector<16xi32>
    %add3A_696 = arith.addi %iota3A_657, %add3A_695 : vector<16xi32>
    %jit3A_697 = arith.constant 16 : i32
    %eq3A_698 = arith.constant 0 : i32
    %eq3A_699 = arith.cmpi eq, %jit3A_697, %eq3A_698 : i32
    %jit3A_700 = arith.constant 1 : i32
    %select_n3A_701 = arith.select %eq3A_699, %jit3A_700, %jit3A_697 : i32
    %rem3A_702 = vector.broadcast %select_n3A_701 : i32 to vector<16xi32>
    %rem3A_703 = arith.remsi %add3A_696, %rem3A_702 : vector<16xi32>
    %ne3A_704 = arith.constant 0 : i32
    %ne3A_705 = vector.broadcast %ne3A_704 : i32 to vector<16xi32>
    %ne3A_706 = arith.cmpi ne, %rem3A_703, %ne3A_705 : vector<16xi32>
    %lt3A_707 = arith.constant 0 : i32
    %lt3A_708 = vector.broadcast %lt3A_707 : i32 to vector<16xi32>
    %lt3A_709 = arith.cmpi slt, %rem3A_703, %lt3A_708 : vector<16xi32>
    %lt3A_710 = arith.constant 0 : i32
    %lt3A_711 = arith.cmpi slt, %select_n3A_701, %lt3A_710 : i32
    %ne3A_712 = vector.broadcast %lt3A_711 : i1 to vector<16xi1>
    %ne3A_713 = vector.broadcast %ne3A_712 : vector<16xi1> to vector<16xi1>
    %ne3A_714 = arith.xori %lt3A_709, %ne3A_713 : vector<16xi1>
    %and3A_715 = arith.andi %ne3A_714, %ne3A_706 : vector<16xi1>
    %add3A_716 = vector.broadcast %select_n3A_701 : i32 to vector<16xi32>
    %add3A_717 = arith.addi %rem3A_703, %add3A_716 : vector<16xi32>
    %select_n3A_718 = arith.select %and3A_715, %add3A_717, %rem3A_703 : vector<16xi1>, vector<16xi32>
    %lt3A_719 = arith.constant 0 : i32
    %lt3A_720 = vector.broadcast %lt3A_719 : i32 to vector<16xi32>
    %lt3A_721 = arith.cmpi slt, %select_n3A_718, %lt3A_720 : vector<16xi32>
    %add3A_722 = arith.constant 16 : i32
    %add3A_723 = vector.broadcast %add3A_722 : i32 to vector<16xi32>
    %add3A_724 = arith.addi %select_n3A_718, %add3A_723 : vector<16xi32>
    %select_n3A_725 = arith.select %lt3A_721, %add3A_724, %select_n3A_718 : vector<16xi1>, vector<16xi32>
    %broadcast_in_dim3A_726 = vector.shape_cast %select_n3A_725 : vector<16xi32> to vector<16x1xi32>
    %gather3A_727 = vector.shape_cast %broadcast_in_dim3A_726 : vector<16x1xi32> to vector<16xi32>
    %gather3A_728 = tpu.dynamic_gather %add3A_693[%gather3A_727] in [0] : vector<16xi32>, vector<16xi32> -> vector<16xi32>
    %add3A_729 = arith.addi %add3A_693, %gather3A_728 : vector<16xi32>
    %add3A_730 = arith.constant 4 : i32
    %add3A_731 = vector.broadcast %add3A_730 : i32 to vector<16xi32>
    %add3A_732 = arith.addi %iota3A_657, %add3A_731 : vector<16xi32>
    %jit3A_733 = arith.constant 16 : i32
    %eq3A_734 = arith.constant 0 : i32
    %eq3A_735 = arith.cmpi eq, %jit3A_733, %eq3A_734 : i32
    %jit3A_736 = arith.constant 1 : i32
    %select_n3A_737 = arith.select %eq3A_735, %jit3A_736, %jit3A_733 : i32
    %rem3A_738 = vector.broadcast %select_n3A_737 : i32 to vector<16xi32>
    %rem3A_739 = arith.remsi %add3A_732, %rem3A_738 : vector<16xi32>
    %ne3A_740 = arith.constant 0 : i32
    %ne3A_741 = vector.broadcast %ne3A_740 : i32 to vector<16xi32>
    %ne3A_742 = arith.cmpi ne, %rem3A_739, %ne3A_741 : vector<16xi32>
    %lt3A_743 = arith.constant 0 : i32
    %lt3A_744 = vector.broadcast %lt3A_743 : i32 to vector<16xi32>
    %lt3A_745 = arith.cmpi slt, %rem3A_739, %lt3A_744 : vector<16xi32>
    %lt3A_746 = arith.constant 0 : i32
    %lt3A_747 = arith.cmpi slt, %select_n3A_737, %lt3A_746 : i32
    %ne3A_748 = vector.broadcast %lt3A_747 : i1 to vector<16xi1>
    %ne3A_749 = vector.broadcast %ne3A_748 : vector<16xi1> to vector<16xi1>
    %ne3A_750 = arith.xori %lt3A_745, %ne3A_749 : vector<16xi1>
    %and3A_751 = arith.andi %ne3A_750, %ne3A_742 : vector<16xi1>
    %add3A_752 = vector.broadcast %select_n3A_737 : i32 to vector<16xi32>
    %add3A_753 = arith.addi %rem3A_739, %add3A_752 : vector<16xi32>
    %select_n3A_754 = arith.select %and3A_751, %add3A_753, %rem3A_739 : vector<16xi1>, vector<16xi32>
    %lt3A_755 = arith.constant 0 : i32
    %lt3A_756 = vector.broadcast %lt3A_755 : i32 to vector<16xi32>
    %lt3A_757 = arith.cmpi slt, %select_n3A_754, %lt3A_756 : vector<16xi32>
    %add3A_758 = arith.constant 16 : i32
    %add3A_759 = vector.broadcast %add3A_758 : i32 to vector<16xi32>
    %add3A_760 = arith.addi %select_n3A_754, %add3A_759 : vector<16xi32>
    %select_n3A_761 = arith.select %lt3A_757, %add3A_760, %select_n3A_754 : vector<16xi1>, vector<16xi32>
    %broadcast_in_dim3A_762 = vector.shape_cast %select_n3A_761 : vector<16xi32> to vector<16x1xi32>
    %gather3A_763 = vector.shape_cast %broadcast_in_dim3A_762 : vector<16x1xi32> to vector<16xi32>
    %gather3A_764 = tpu.dynamic_gather %add3A_729[%gather3A_763] in [0] : vector<16xi32>, vector<16xi32> -> vector<16xi32>
    %add3A_765 = arith.addi %add3A_729, %gather3A_764 : vector<16xi32>
    %add3A_766 = arith.constant 8 : i32
    %add3A_767 = vector.broadcast %add3A_766 : i32 to vector<16xi32>
    %add3A_768 = arith.addi %iota3A_657, %add3A_767 : vector<16xi32>
    %jit3A_769 = arith.constant 16 : i32
    %eq3A_770 = arith.constant 0 : i32
    %eq3A_771 = arith.cmpi eq, %jit3A_769, %eq3A_770 : i32
    %jit3A_772 = arith.constant 1 : i32
    %select_n3A_773 = arith.select %eq3A_771, %jit3A_772, %jit3A_769 : i32
    %rem3A_774 = vector.broadcast %select_n3A_773 : i32 to vector<16xi32>
    %rem3A_775 = arith.remsi %add3A_768, %rem3A_774 : vector<16xi32>
    %ne3A_776 = arith.constant 0 : i32
    %ne3A_777 = vector.broadcast %ne3A_776 : i32 to vector<16xi32>
    %ne3A_778 = arith.cmpi ne, %rem3A_775, %ne3A_777 : vector<16xi32>
    %lt3A_779 = arith.constant 0 : i32
    %lt3A_780 = vector.broadcast %lt3A_779 : i32 to vector<16xi32>
    %lt3A_781 = arith.cmpi slt, %rem3A_775, %lt3A_780 : vector<16xi32>
    %lt3A_782 = arith.constant 0 : i32
    %lt3A_783 = arith.cmpi slt, %select_n3A_773, %lt3A_782 : i32
    %ne3A_784 = vector.broadcast %lt3A_783 : i1 to vector<16xi1>
    %ne3A_785 = vector.broadcast %ne3A_784 : vector<16xi1> to vector<16xi1>
    %ne3A_786 = arith.xori %lt3A_781, %ne3A_785 : vector<16xi1>
    %and3A_787 = arith.andi %ne3A_786, %ne3A_778 : vector<16xi1>
    %add3A_788 = vector.broadcast %select_n3A_773 : i32 to vector<16xi32>
    %add3A_789 = arith.addi %rem3A_775, %add3A_788 : vector<16xi32>
    %select_n3A_790 = arith.select %and3A_787, %add3A_789, %rem3A_775 : vector<16xi1>, vector<16xi32>
    %lt3A_791 = arith.constant 0 : i32
    %lt3A_792 = vector.broadcast %lt3A_791 : i32 to vector<16xi32>
    %lt3A_793 = arith.cmpi slt, %select_n3A_790, %lt3A_792 : vector<16xi32>
    %add3A_794 = arith.constant 16 : i32
    %add3A_795 = vector.broadcast %add3A_794 : i32 to vector<16xi32>
    %add3A_796 = arith.addi %select_n3A_790, %add3A_795 : vector<16xi32>
    %select_n3A_797 = arith.select %lt3A_793, %add3A_796, %select_n3A_790 : vector<16xi1>, vector<16xi32>
    %broadcast_in_dim3A_798 = vector.shape_cast %select_n3A_797 : vector<16xi32> to vector<16x1xi32>
    %gather3A_799 = vector.shape_cast %broadcast_in_dim3A_798 : vector<16x1xi32> to vector<16xi32>
    %gather3A_800 = tpu.dynamic_gather %add3A_765[%gather3A_799] in [0] : vector<16xi32>, vector<16xi32> -> vector<16xi32>
    %add3A_801 = arith.addi %add3A_765, %gather3A_800 : vector<16xi32>
    %slice3A_802 = vector.extract_strided_slice %add3A_801 {offsets = [0], sizes = [1], strides = [1]} : vector<16xi32> to vector<1xi32>
    %squeeze3A_803 = vector.extract %slice3A_802[0] : i32 from vector<1xi32>
    %ge3A_804 = arith.constant 4096 : i32
    %ge3A_805 = arith.cmpi sge, %squeeze3A_803, %ge3A_804 : i32
    %gt3A_806 = arith.cmpi ugt, %min3A_470, %select_n3A_647 : i32
    %and3A_807 = arith.andi %ge3A_805, %gt3A_806 : i1
    %select_n3A_808 = arith.select %and3A_807, %min3A_470, %select_n3A_647 : i32
    %select_n3A_809 = arith.select %and3A_807, %squeeze3A_803, %select_n3A_649 : i32
    %lt3A_810 = arith.constant 4096 : i32
    %lt3A_811 = arith.cmpi slt, %squeeze3A_803, %lt3A_810 : i32
    %lt3A_812 = arith.cmpi ult, %min3A_470, %select_n3A_654 : i32
    %and3A_813 = arith.andi %lt3A_811, %lt3A_812 : i1
    %select_n3A_814 = arith.select %and3A_813, %min3A_470, %select_n3A_654 : i32
    %select_n3A_815 = arith.select %and3A_813, %squeeze3A_803, %select_n3A_656 : i32
    %iota3A_816 = tpu.iota {dimensions = array<i32: 0>} : vector<16xi32>
    %add3A_817 = arith.constant 1 : i32
    %add3A_818 = vector.broadcast %add3A_817 : i32 to vector<16xi32>
    %add3A_819 = arith.addi %iota3A_816, %add3A_818 : vector<16xi32>
    %jit3A_820 = arith.constant 16 : i32
    %eq3A_821 = arith.constant 0 : i32
    %eq3A_822 = arith.cmpi eq, %jit3A_820, %eq3A_821 : i32
    %jit3A_823 = arith.constant 1 : i32
    %select_n3A_824 = arith.select %eq3A_822, %jit3A_823, %jit3A_820 : i32
    %rem3A_825 = vector.broadcast %select_n3A_824 : i32 to vector<16xi32>
    %rem3A_826 = arith.remsi %add3A_819, %rem3A_825 : vector<16xi32>
    %ne3A_827 = arith.constant 0 : i32
    %ne3A_828 = vector.broadcast %ne3A_827 : i32 to vector<16xi32>
    %ne3A_829 = arith.cmpi ne, %rem3A_826, %ne3A_828 : vector<16xi32>
    %lt3A_830 = arith.constant 0 : i32
    %lt3A_831 = vector.broadcast %lt3A_830 : i32 to vector<16xi32>
    %lt3A_832 = arith.cmpi slt, %rem3A_826, %lt3A_831 : vector<16xi32>
    %lt3A_833 = arith.constant 0 : i32
    %lt3A_834 = arith.cmpi slt, %select_n3A_824, %lt3A_833 : i32
    %ne3A_835 = vector.broadcast %lt3A_834 : i1 to vector<16xi1>
    %ne3A_836 = vector.broadcast %ne3A_835 : vector<16xi1> to vector<16xi1>
    %ne3A_837 = arith.xori %lt3A_832, %ne3A_836 : vector<16xi1>
    %and3A_838 = arith.andi %ne3A_837, %ne3A_829 : vector<16xi1>
    %add3A_839 = vector.broadcast %select_n3A_824 : i32 to vector<16xi32>
    %add3A_840 = arith.addi %rem3A_826, %add3A_839 : vector<16xi32>
    %select_n3A_841 = arith.select %and3A_838, %add3A_840, %rem3A_826 : vector<16xi1>, vector<16xi32>
    %lt3A_842 = arith.constant 0 : i32
    %lt3A_843 = vector.broadcast %lt3A_842 : i32 to vector<16xi32>
    %lt3A_844 = arith.cmpi slt, %select_n3A_841, %lt3A_843 : vector<16xi32>
    %add3A_845 = arith.constant 16 : i32
    %add3A_846 = vector.broadcast %add3A_845 : i32 to vector<16xi32>
    %add3A_847 = arith.addi %select_n3A_841, %add3A_846 : vector<16xi32>
    %select_n3A_848 = arith.select %lt3A_844, %add3A_847, %select_n3A_841 : vector<16xi1>, vector<16xi32>
    %broadcast_in_dim3A_849 = vector.shape_cast %select_n3A_848 : vector<16xi32> to vector<16x1xi32>
    %gather3A_850 = vector.shape_cast %broadcast_in_dim3A_849 : vector<16x1xi32> to vector<16xi32>
    %gather3A_851 = tpu.dynamic_gather %parallel_loop3A_496#2[%gather3A_850] in [0] : vector<16xi32>, vector<16xi32> -> vector<16xi32>
    %add3A_852 = arith.addi %parallel_loop3A_496#2, %gather3A_851 : vector<16xi32>
    %add3A_853 = arith.constant 2 : i32
    %add3A_854 = vector.broadcast %add3A_853 : i32 to vector<16xi32>
    %add3A_855 = arith.addi %iota3A_816, %add3A_854 : vector<16xi32>
    %jit3A_856 = arith.constant 16 : i32
    %eq3A_857 = arith.constant 0 : i32
    %eq3A_858 = arith.cmpi eq, %jit3A_856, %eq3A_857 : i32
    %jit3A_859 = arith.constant 1 : i32
    %select_n3A_860 = arith.select %eq3A_858, %jit3A_859, %jit3A_856 : i32
    %rem3A_861 = vector.broadcast %select_n3A_860 : i32 to vector<16xi32>
    %rem3A_862 = arith.remsi %add3A_855, %rem3A_861 : vector<16xi32>
    %ne3A_863 = arith.constant 0 : i32
    %ne3A_864 = vector.broadcast %ne3A_863 : i32 to vector<16xi32>
    %ne3A_865 = arith.cmpi ne, %rem3A_862, %ne3A_864 : vector<16xi32>
    %lt3A_866 = arith.constant 0 : i32
    %lt3A_867 = vector.broadcast %lt3A_866 : i32 to vector<16xi32>
    %lt3A_868 = arith.cmpi slt, %rem3A_862, %lt3A_867 : vector<16xi32>
    %lt3A_869 = arith.constant 0 : i32
    %lt3A_870 = arith.cmpi slt, %select_n3A_860, %lt3A_869 : i32
    %ne3A_871 = vector.broadcast %lt3A_870 : i1 to vector<16xi1>
    %ne3A_872 = vector.broadcast %ne3A_871 : vector<16xi1> to vector<16xi1>
    %ne3A_873 = arith.xori %lt3A_868, %ne3A_872 : vector<16xi1>
    %and3A_874 = arith.andi %ne3A_873, %ne3A_865 : vector<16xi1>
    %add3A_875 = vector.broadcast %select_n3A_860 : i32 to vector<16xi32>
    %add3A_876 = arith.addi %rem3A_862, %add3A_875 : vector<16xi32>
    %select_n3A_877 = arith.select %and3A_874, %add3A_876, %rem3A_862 : vector<16xi1>, vector<16xi32>
    %lt3A_878 = arith.constant 0 : i32
    %lt3A_879 = vector.broadcast %lt3A_878 : i32 to vector<16xi32>
    %lt3A_880 = arith.cmpi slt, %select_n3A_877, %lt3A_879 : vector<16xi32>
    %add3A_881 = arith.constant 16 : i32
    %add3A_882 = vector.broadcast %add3A_881 : i32 to vector<16xi32>
    %add3A_883 = arith.addi %select_n3A_877, %add3A_882 : vector<16xi32>
    %select_n3A_884 = arith.select %lt3A_880, %add3A_883, %select_n3A_877 : vector<16xi1>, vector<16xi32>
    %broadcast_in_dim3A_885 = vector.shape_cast %select_n3A_884 : vector<16xi32> to vector<16x1xi32>
    %gather3A_886 = vector.shape_cast %broadcast_in_dim3A_885 : vector<16x1xi32> to vector<16xi32>
    %gather3A_887 = tpu.dynamic_gather %add3A_852[%gather3A_886] in [0] : vector<16xi32>, vector<16xi32> -> vector<16xi32>
    %add3A_888 = arith.addi %add3A_852, %gather3A_887 : vector<16xi32>
    %add3A_889 = arith.constant 4 : i32
    %add3A_890 = vector.broadcast %add3A_889 : i32 to vector<16xi32>
    %add3A_891 = arith.addi %iota3A_816, %add3A_890 : vector<16xi32>
    %jit3A_892 = arith.constant 16 : i32
    %eq3A_893 = arith.constant 0 : i32
    %eq3A_894 = arith.cmpi eq, %jit3A_892, %eq3A_893 : i32
    %jit3A_895 = arith.constant 1 : i32
    %select_n3A_896 = arith.select %eq3A_894, %jit3A_895, %jit3A_892 : i32
    %rem3A_897 = vector.broadcast %select_n3A_896 : i32 to vector<16xi32>
    %rem3A_898 = arith.remsi %add3A_891, %rem3A_897 : vector<16xi32>
    %ne3A_899 = arith.constant 0 : i32
    %ne3A_900 = vector.broadcast %ne3A_899 : i32 to vector<16xi32>
    %ne3A_901 = arith.cmpi ne, %rem3A_898, %ne3A_900 : vector<16xi32>
    %lt3A_902 = arith.constant 0 : i32
    %lt3A_903 = vector.broadcast %lt3A_902 : i32 to vector<16xi32>
    %lt3A_904 = arith.cmpi slt, %rem3A_898, %lt3A_903 : vector<16xi32>
    %lt3A_905 = arith.constant 0 : i32
    %lt3A_906 = arith.cmpi slt, %select_n3A_896, %lt3A_905 : i32
    %ne3A_907 = vector.broadcast %lt3A_906 : i1 to vector<16xi1>
    %ne3A_908 = vector.broadcast %ne3A_907 : vector<16xi1> to vector<16xi1>
    %ne3A_909 = arith.xori %lt3A_904, %ne3A_908 : vector<16xi1>
    %and3A_910 = arith.andi %ne3A_909, %ne3A_901 : vector<16xi1>
    %add3A_911 = vector.broadcast %select_n3A_896 : i32 to vector<16xi32>
    %add3A_912 = arith.addi %rem3A_898, %add3A_911 : vector<16xi32>
    %select_n3A_913 = arith.select %and3A_910, %add3A_912, %rem3A_898 : vector<16xi1>, vector<16xi32>
    %lt3A_914 = arith.constant 0 : i32
    %lt3A_915 = vector.broadcast %lt3A_914 : i32 to vector<16xi32>
    %lt3A_916 = arith.cmpi slt, %select_n3A_913, %lt3A_915 : vector<16xi32>
    %add3A_917 = arith.constant 16 : i32
    %add3A_918 = vector.broadcast %add3A_917 : i32 to vector<16xi32>
    %add3A_919 = arith.addi %select_n3A_913, %add3A_918 : vector<16xi32>
    %select_n3A_920 = arith.select %lt3A_916, %add3A_919, %select_n3A_913 : vector<16xi1>, vector<16xi32>
    %broadcast_in_dim3A_921 = vector.shape_cast %select_n3A_920 : vector<16xi32> to vector<16x1xi32>
    %gather3A_922 = vector.shape_cast %broadcast_in_dim3A_921 : vector<16x1xi32> to vector<16xi32>
    %gather3A_923 = tpu.dynamic_gather %add3A_888[%gather3A_922] in [0] : vector<16xi32>, vector<16xi32> -> vector<16xi32>
    %add3A_924 = arith.addi %add3A_888, %gather3A_923 : vector<16xi32>
    %add3A_925 = arith.constant 8 : i32
    %add3A_926 = vector.broadcast %add3A_925 : i32 to vector<16xi32>
    %add3A_927 = arith.addi %iota3A_816, %add3A_926 : vector<16xi32>
    %jit3A_928 = arith.constant 16 : i32
    %eq3A_929 = arith.constant 0 : i32
    %eq3A_930 = arith.cmpi eq, %jit3A_928, %eq3A_929 : i32
    %jit3A_931 = arith.constant 1 : i32
    %select_n3A_932 = arith.select %eq3A_930, %jit3A_931, %jit3A_928 : i32
    %rem3A_933 = vector.broadcast %select_n3A_932 : i32 to vector<16xi32>
    %rem3A_934 = arith.remsi %add3A_927, %rem3A_933 : vector<16xi32>
    %ne3A_935 = arith.constant 0 : i32
    %ne3A_936 = vector.broadcast %ne3A_935 : i32 to vector<16xi32>
    %ne3A_937 = arith.cmpi ne, %rem3A_934, %ne3A_936 : vector<16xi32>
    %lt3A_938 = arith.constant 0 : i32
    %lt3A_939 = vector.broadcast %lt3A_938 : i32 to vector<16xi32>
    %lt3A_940 = arith.cmpi slt, %rem3A_934, %lt3A_939 : vector<16xi32>
    %lt3A_941 = arith.constant 0 : i32
    %lt3A_942 = arith.cmpi slt, %select_n3A_932, %lt3A_941 : i32
    %ne3A_943 = vector.broadcast %lt3A_942 : i1 to vector<16xi1>
    %ne3A_944 = vector.broadcast %ne3A_943 : vector<16xi1> to vector<16xi1>
    %ne3A_945 = arith.xori %lt3A_940, %ne3A_944 : vector<16xi1>
    %and3A_946 = arith.andi %ne3A_945, %ne3A_937 : vector<16xi1>
    %add3A_947 = vector.broadcast %select_n3A_932 : i32 to vector<16xi32>
    %add3A_948 = arith.addi %rem3A_934, %add3A_947 : vector<16xi32>
    %select_n3A_949 = arith.select %and3A_946, %add3A_948, %rem3A_934 : vector<16xi1>, vector<16xi32>
    %lt3A_950 = arith.constant 0 : i32
    %lt3A_951 = vector.broadcast %lt3A_950 : i32 to vector<16xi32>
    %lt3A_952 = arith.cmpi slt, %select_n3A_949, %lt3A_951 : vector<16xi32>
    %add3A_953 = arith.constant 16 : i32
    %add3A_954 = vector.broadcast %add3A_953 : i32 to vector<16xi32>
    %add3A_955 = arith.addi %select_n3A_949, %add3A_954 : vector<16xi32>
    %select_n3A_956 = arith.select %lt3A_952, %add3A_955, %select_n3A_949 : vector<16xi1>, vector<16xi32>
    %broadcast_in_dim3A_957 = vector.shape_cast %select_n3A_956 : vector<16xi32> to vector<16x1xi32>
    %gather3A_958 = vector.shape_cast %broadcast_in_dim3A_957 : vector<16x1xi32> to vector<16xi32>
    %gather3A_959 = tpu.dynamic_gather %add3A_924[%gather3A_958] in [0] : vector<16xi32>, vector<16xi32> -> vector<16xi32>
    %add3A_960 = arith.addi %add3A_924, %gather3A_959 : vector<16xi32>
    %slice3A_961 = vector.extract_strided_slice %add3A_960 {offsets = [0], sizes = [1], strides = [1]} : vector<16xi32> to vector<1xi32>
    %squeeze3A_962 = vector.extract %slice3A_961[0] : i32 from vector<1xi32>
    %ge3A_963 = arith.constant 4096 : i32
    %ge3A_964 = arith.cmpi sge, %squeeze3A_962, %ge3A_963 : i32
    %gt3A_965 = arith.cmpi ugt, %min3A_486, %select_n3A_808 : i32
    %and3A_966 = arith.andi %ge3A_964, %gt3A_965 : i1
    %select_n3A_967 = arith.select %and3A_966, %min3A_486, %select_n3A_808 : i32
    %select_n3A_968 = arith.select %and3A_966, %squeeze3A_962, %select_n3A_809 : i32
    %lt3A_969 = arith.constant 4096 : i32
    %lt3A_970 = arith.cmpi slt, %squeeze3A_962, %lt3A_969 : i32
    %lt3A_971 = arith.cmpi ult, %min3A_486, %select_n3A_814 : i32
    %and3A_972 = arith.andi %lt3A_970, %lt3A_971 : i1
    %select_n3A_973 = arith.select %and3A_972, %min3A_486, %select_n3A_814 : i32
    %select_n3A_974 = arith.select %and3A_972, %squeeze3A_962, %select_n3A_815 : i32
    %scan3A = arith.constant 0 : i32
    %scan3A_975 = arith.constant 0 : i32
    %scan3A_976 = arith.constant 0 : i32
    %scan3A_977 = arith.constant 0 : i32
    %scan3A_978 = arith.constant 45 : i32
    %scan3A_979 = arith.addi %scan3A_977, %scan3A_978 : i32
    %scan3A_980 = arith.constant 1 : i32
    %scan3A_981:7 = scf.for %scan3A_1147 = %scan3A_977 to %scan3A_979 step %scan3A_980 iter_args(%scan3A_1148 = %select_n3A_967, %scan3A_1149 = %select_n3A_968, %scan3A_1150 = %select_n3A_973, %scan3A_1151 = %select_n3A_974, %scan3A_1152 = %scan3A, %scan3A_1153 = %scan3A_975, %scan3A_1154 = %scan3A_976) -> (i32, i32, i32, i32, i32, i32, i32)  : i32 {
      %sub3A_1155 = arith.constant 4096 : i32
      %sub3A_1156 = arith.subi %scan3A_1149, %sub3A_1155 : i32
      %le3A = arith.constant 2 : i32
      %le3A_1157 = arith.cmpi sle, %sub3A_1156, %le3A : i32
      %sub3A_1158 = arith.subi %scan3A_1150, %scan3A_1148 : i32
      %le3A_1159 = arith.constant 1 : i32
      %le3A_1160 = arith.cmpi ule, %sub3A_1158, %le3A_1159 : i32
      %or3A_1161 = arith.ori %le3A_1157, %le3A_1160 : i1
      %convert_element_type3A_1162 = arith.extui %or3A_1161 : i1 to i32
      %cond3A_1163 = arith.constant 0 : i32
      %cond3A_1164 = arith.cmpi ne, %convert_element_type3A_1162, %cond3A_1163 : i32
      %cond3A_1165:7 = scf.if %cond3A_1164 -> (i32, i32, i32, i32, i32, i32, i32) {
        scf.yield %scan3A_1148, %scan3A_1149, %scan3A_1150, %scan3A_1151, %scan3A_1152, %scan3A_1153, %scan3A_1154 : i32, i32, i32, i32, i32, i32, i32
      } else {
        %ge3A_1166 = arith.constant -2147483648 : i32
        %ge3A_1167 = arith.cmpi uge, %scan3A_1148, %ge3A_1166 : i32
        %and3A_1168 = arith.constant 2147483647 : i32
        %and3A_1169 = arith.andi %scan3A_1148, %and3A_1168 : i32
        %not3A_1170 = arith.constant -1 : i32
        %not3A_1171 = arith.xori %scan3A_1148, %not3A_1170 : i32
        %select_n3A_1172 = arith.select %ge3A_1167, %and3A_1169, %not3A_1171 : i32
        %bitcast_convert_type3A_1173 = arith.bitcast %select_n3A_1172 : i32 to f32
        %sub3A_1174 = arith.constant 1 : i32
        %sub3A_1175 = arith.subi %scan3A_1150, %sub3A_1174 : i32
        %ge3A_1176 = arith.constant -2147483648 : i32
        %ge3A_1177 = arith.cmpi uge, %sub3A_1175, %ge3A_1176 : i32
        %and3A_1178 = arith.constant 2147483647 : i32
        %and3A_1179 = arith.andi %sub3A_1175, %and3A_1178 : i32
        %not3A_1180 = arith.constant -1 : i32
        %not3A_1181 = arith.xori %sub3A_1175, %not3A_1180 : i32
        %select_n3A_1182 = arith.select %ge3A_1177, %and3A_1179, %not3A_1181 : i32
        %bitcast_convert_type3A_1183 = arith.bitcast %select_n3A_1182 : i32 to f32
        %sub3A_1184 = arith.constant 4096 : i32
        %sub3A_1185 = arith.subi %scan3A_1149, %sub3A_1184 : i32
        %convert_element_type3A_1186 = arith.sitofp %sub3A_1185 : i32 to f32
        %min3A_1187 = arith.constant 60 : i32
        %min3A_1188 = arith.minsi %scan3A_1152, %min3A_1187 : i32
        %sub3A_1189 = arith.constant 127 : i32
        %sub3A_1190 = arith.subi %sub3A_1189, %min3A_1188 : i32
        %shift_left3A = arith.constant 23 : i32
        %shift_left3A_1191 = arith.shli %sub3A_1190, %shift_left3A : i32
        %bitcast_convert_type3A_1192 = arith.bitcast %shift_left3A_1191 : i32 to f32
        %mul3A_1193 = arith.mulf %convert_element_type3A_1186, %bitcast_convert_type3A_1192 : f32
        %sub3A_1194 = arith.constant 4096 : i32
        %sub3A_1195 = arith.subi %scan3A_1151, %sub3A_1194 : i32
        %convert_element_type3A_1196 = arith.sitofp %sub3A_1195 : i32 to f32
        %min3A_1197 = arith.constant 60 : i32
        %min3A_1198 = arith.minsi %scan3A_1153, %min3A_1197 : i32
        %sub3A_1199 = arith.constant 127 : i32
        %sub3A_1200 = arith.subi %sub3A_1199, %min3A_1198 : i32
        %shift_left3A_1201 = arith.constant 23 : i32
        %shift_left3A_1202 = arith.shli %sub3A_1200, %shift_left3A_1201 : i32
        %bitcast_convert_type3A_1203 = arith.bitcast %shift_left3A_1202 : i32 to f32
        %mul3A_1204 = arith.mulf %convert_element_type3A_1196, %bitcast_convert_type3A_1203 : f32
        %sub3A_1205 = arith.subf %mul3A_1193, %mul3A_1204 : f32
        %max3A_1206 = arith.constant 1.000000e-30 : f32
        %max3A_1207 = arith.maximumf %sub3A_1205, %max3A_1206 : f32
        %bitcast_convert_type3A_1208 = arith.bitcast %max3A_1207 : f32 to i32
        %sub3A_1209 = arith.constant 2129950677 : i32
        %sub3A_1210 = arith.subi %sub3A_1209, %bitcast_convert_type3A_1208 : i32
        %bitcast_convert_type3A_1211 = arith.bitcast %sub3A_1210 : i32 to f32
        %mul3A_1212 = arith.mulf %max3A_1207, %bitcast_convert_type3A_1211 : f32
        %sub3A_1213 = arith.constant 2.000000e+00 : f32
        %sub3A_1214 = arith.subf %sub3A_1213, %mul3A_1212 : f32
        %mul3A_1215 = arith.mulf %bitcast_convert_type3A_1211, %sub3A_1214 : f32
        %mul3A_1216 = arith.mulf %max3A_1207, %mul3A_1215 : f32
        %sub3A_1217 = arith.constant 2.000000e+00 : f32
        %sub3A_1218 = arith.subf %sub3A_1217, %mul3A_1216 : f32
        %mul3A_1219 = arith.mulf %mul3A_1215, %sub3A_1218 : f32
        %mul3A_1220 = arith.mulf %mul3A_1193, %mul3A_1219 : f32
        %max3A_1221 = arith.constant 0.000000e+00 : f32
        %max3A_1222 = arith.maximumf %mul3A_1220, %max3A_1221 : f32
        %min3A_1223 = arith.constant 1.000000e+00 : f32
        %min3A_1224 = arith.minimumf %max3A_1222, %min3A_1223 : f32
        %sub3A_1225 = arith.subf %bitcast_convert_type3A_1183, %bitcast_convert_type3A_1173 : f32
        %mul3A_1226 = arith.mulf %sub3A_1225, %min3A_1224 : f32
        %add3A_1227 = arith.addf %bitcast_convert_type3A_1173, %mul3A_1226 : f32
        %bitcast_convert_type3A_1228 = arith.bitcast %add3A_1227 : f32 to i32
        %ge3A_1229 = arith.constant -2147483648 : i32
        %ge3A_1230 = arith.cmpi uge, %bitcast_convert_type3A_1228, %ge3A_1229 : i32
        %not3A_1231 = arith.constant -1 : i32
        %not3A_1232 = arith.xori %bitcast_convert_type3A_1228, %not3A_1231 : i32
        %or3A_1233 = arith.constant -2147483648 : i32
        %or3A_1234 = arith.ori %bitcast_convert_type3A_1228, %or3A_1233 : i32
        %select_n3A_1235 = arith.select %ge3A_1230, %not3A_1232, %or3A_1234 : i32
        %sub3A_1236 = arith.subi %scan3A_1150, %scan3A_1148 : i32
        %shift_right_logical3A = arith.constant 1 : i32
        %shift_right_logical3A_1237 = arith.shrui %sub3A_1236, %shift_right_logical3A : i32
        %add3A_1238 = arith.addi %scan3A_1148, %shift_right_logical3A_1237 : i32
        %lt3A_1239 = arith.constant 12 : i32
        %lt3A_1240 = arith.cmpi slt, %scan3A_1147, %lt3A_1239 : i32
        %select_n3A_1241 = arith.select %lt3A_1240, %select_n3A_1235, %add3A_1238 : i32
        %add3A_1242 = arith.constant 1 : i32
        %add3A_1243 = arith.addi %scan3A_1148, %add3A_1242 : i32
        %max3A_1244 = arith.maxui %select_n3A_1241, %add3A_1243 : i32
        %sub3A_1245 = arith.constant 1 : i32
        %sub3A_1246 = arith.subi %scan3A_1150, %sub3A_1245 : i32
        %min3A_1247 = arith.minui %max3A_1244, %sub3A_1246 : i32
        %broadcast_in_dim3A_1248 = arith.constant 0 : i32
        %broadcast_in_dim3A_1249 = vector.broadcast %broadcast_in_dim3A_1248 : i32 to vector<16xi32>
        %scan3A_1250 = arith.constant 0 : i32
        %scan3A_1251 = arith.constant 64 : i32
        %scan3A_1252 = arith.addi %scan3A_1250, %scan3A_1251 : i32
        %scan3A_1253 = arith.constant 1 : i32
        %scan3A_1254 = scf.for %scan3A_1426 = %scan3A_1250 to %scan3A_1252 step %scan3A_1253 iter_args(%scan3A_1427 = %broadcast_in_dim3A_1249) -> (vector<16xi32>)  : i32 {
          %mul3A_1428 = arith.constant 8 : i32
          %mul3A_1429 = arith.muli %scan3A_1426, %mul3A_1428 : i32
          %add3A_1430 = arith.constant 0 : i32
          %add3A_1431 = arith.addi %mul3A_1429, %add3A_1430 : i32
          %mul3A_1432 = arith.constant 16 : i32
          %mul3A_1433 = arith.muli %add3A_1431, %mul3A_1432 : i32
          %get3A = arith.index_cast %mul3A_1433 : i32 to index
          %get3A_1434 = tpu.vector_load %arg7[%get3A] {strides = array<i32>} : memref<8192xi32, #tpu.memory_space<vmem>>, vector<16xi32>,
          %get3A_1435 = vector.shape_cast %get3A_1434 : vector<16xi32> to vector<16xi32>
          %ge3A_1436 = vector.broadcast %min3A_1247 : i32 to vector<16xi32>
          %ge3A_1437 = arith.cmpi uge, %get3A_1435, %ge3A_1436 : vector<16xi32>
          %jit3A_1438 = arith.constant 1 : i32
          %jit3A_1439 = arith.constant 0 : i32
          %broadcast_in_dim3A_1440 = vector.broadcast %jit3A_1438 : i32 to vector<16xi32>
          %broadcast_in_dim3A_1441 = vector.broadcast %jit3A_1439 : i32 to vector<16xi32>
          %select_n3A_1442 = arith.select %ge3A_1437, %broadcast_in_dim3A_1440, %broadcast_in_dim3A_1441 : vector<16xi1>, vector<16xi32>
          %add3A_1443 = arith.addi %scan3A_1427, %select_n3A_1442 : vector<16xi32>
          %mul3A_1444 = arith.constant 8 : i32
          %mul3A_1445 = arith.muli %scan3A_1426, %mul3A_1444 : i32
          %add3A_1446 = arith.constant 1 : i32
          %add3A_1447 = arith.addi %mul3A_1445, %add3A_1446 : i32
          %mul3A_1448 = arith.constant 16 : i32
          %mul3A_1449 = arith.muli %add3A_1447, %mul3A_1448 : i32
          %get3A_1450 = arith.index_cast %mul3A_1449 : i32 to index
          %get3A_1451 = tpu.vector_load %arg7[%get3A_1450] {strides = array<i32>} : memref<8192xi32, #tpu.memory_space<vmem>>, vector<16xi32>,
          %get3A_1452 = vector.shape_cast %get3A_1451 : vector<16xi32> to vector<16xi32>
          %ge3A_1453 = vector.broadcast %min3A_1247 : i32 to vector<16xi32>
          %ge3A_1454 = arith.cmpi uge, %get3A_1452, %ge3A_1453 : vector<16xi32>
          %jit3A_1455 = arith.constant 1 : i32
          %jit3A_1456 = arith.constant 0 : i32
          %broadcast_in_dim3A_1457 = vector.broadcast %jit3A_1455 : i32 to vector<16xi32>
          %broadcast_in_dim3A_1458 = vector.broadcast %jit3A_1456 : i32 to vector<16xi32>
          %select_n3A_1459 = arith.select %ge3A_1454, %broadcast_in_dim3A_1457, %broadcast_in_dim3A_1458 : vector<16xi1>, vector<16xi32>
          %add3A_1460 = arith.addi %add3A_1443, %select_n3A_1459 : vector<16xi32>
          %mul3A_1461 = arith.constant 8 : i32
          %mul3A_1462 = arith.muli %scan3A_1426, %mul3A_1461 : i32
          %add3A_1463 = arith.constant 2 : i32
          %add3A_1464 = arith.addi %mul3A_1462, %add3A_1463 : i32
          %mul3A_1465 = arith.constant 16 : i32
          %mul3A_1466 = arith.muli %add3A_1464, %mul3A_1465 : i32
          %get3A_1467 = arith.index_cast %mul3A_1466 : i32 to index
          %get3A_1468 = tpu.vector_load %arg7[%get3A_1467] {strides = array<i32>} : memref<8192xi32, #tpu.memory_space<vmem>>, vector<16xi32>,
          %get3A_1469 = vector.shape_cast %get3A_1468 : vector<16xi32> to vector<16xi32>
          %ge3A_1470 = vector.broadcast %min3A_1247 : i32 to vector<16xi32>
          %ge3A_1471 = arith.cmpi uge, %get3A_1469, %ge3A_1470 : vector<16xi32>
          %jit3A_1472 = arith.constant 1 : i32
          %jit3A_1473 = arith.constant 0 : i32
          %broadcast_in_dim3A_1474 = vector.broadcast %jit3A_1472 : i32 to vector<16xi32>
          %broadcast_in_dim3A_1475 = vector.broadcast %jit3A_1473 : i32 to vector<16xi32>
          %select_n3A_1476 = arith.select %ge3A_1471, %broadcast_in_dim3A_1474, %broadcast_in_dim3A_1475 : vector<16xi1>, vector<16xi32>
          %add3A_1477 = arith.addi %add3A_1460, %select_n3A_1476 : vector<16xi32>
          %mul3A_1478 = arith.constant 8 : i32
          %mul3A_1479 = arith.muli %scan3A_1426, %mul3A_1478 : i32
          %add3A_1480 = arith.constant 3 : i32
          %add3A_1481 = arith.addi %mul3A_1479, %add3A_1480 : i32
          %mul3A_1482 = arith.constant 16 : i32
          %mul3A_1483 = arith.muli %add3A_1481, %mul3A_1482 : i32
          %get3A_1484 = arith.index_cast %mul3A_1483 : i32 to index
          %get3A_1485 = tpu.vector_load %arg7[%get3A_1484] {strides = array<i32>} : memref<8192xi32, #tpu.memory_space<vmem>>, vector<16xi32>,
          %get3A_1486 = vector.shape_cast %get3A_1485 : vector<16xi32> to vector<16xi32>
          %ge3A_1487 = vector.broadcast %min3A_1247 : i32 to vector<16xi32>
          %ge3A_1488 = arith.cmpi uge, %get3A_1486, %ge3A_1487 : vector<16xi32>
          %jit3A_1489 = arith.constant 1 : i32
          %jit3A_1490 = arith.constant 0 : i32
          %broadcast_in_dim3A_1491 = vector.broadcast %jit3A_1489 : i32 to vector<16xi32>
          %broadcast_in_dim3A_1492 = vector.broadcast %jit3A_1490 : i32 to vector<16xi32>
          %select_n3A_1493 = arith.select %ge3A_1488, %broadcast_in_dim3A_1491, %broadcast_in_dim3A_1492 : vector<16xi1>, vector<16xi32>
          %add3A_1494 = arith.addi %add3A_1477, %select_n3A_1493 : vector<16xi32>
          %mul3A_1495 = arith.constant 8 : i32
          %mul3A_1496 = arith.muli %scan3A_1426, %mul3A_1495 : i32
          %add3A_1497 = arith.constant 4 : i32
          %add3A_1498 = arith.addi %mul3A_1496, %add3A_1497 : i32
          %mul3A_1499 = arith.constant 16 : i32
          %mul3A_1500 = arith.muli %add3A_1498, %mul3A_1499 : i32
          %get3A_1501 = arith.index_cast %mul3A_1500 : i32 to index
          %get3A_1502 = tpu.vector_load %arg7[%get3A_1501] {strides = array<i32>} : memref<8192xi32, #tpu.memory_space<vmem>>, vector<16xi32>,
          %get3A_1503 = vector.shape_cast %get3A_1502 : vector<16xi32> to vector<16xi32>
          %ge3A_1504 = vector.broadcast %min3A_1247 : i32 to vector<16xi32>
          %ge3A_1505 = arith.cmpi uge, %get3A_1503, %ge3A_1504 : vector<16xi32>
          %jit3A_1506 = arith.constant 1 : i32
          %jit3A_1507 = arith.constant 0 : i32
          %broadcast_in_dim3A_1508 = vector.broadcast %jit3A_1506 : i32 to vector<16xi32>
          %broadcast_in_dim3A_1509 = vector.broadcast %jit3A_1507 : i32 to vector<16xi32>
          %select_n3A_1510 = arith.select %ge3A_1505, %broadcast_in_dim3A_1508, %broadcast_in_dim3A_1509 : vector<16xi1>, vector<16xi32>
          %add3A_1511 = arith.addi %add3A_1494, %select_n3A_1510 : vector<16xi32>
          %mul3A_1512 = arith.constant 8 : i32
          %mul3A_1513 = arith.muli %scan3A_1426, %mul3A_1512 : i32
          %add3A_1514 = arith.constant 5 : i32
          %add3A_1515 = arith.addi %mul3A_1513, %add3A_1514 : i32
          %mul3A_1516 = arith.constant 16 : i32
          %mul3A_1517 = arith.muli %add3A_1515, %mul3A_1516 : i32
          %get3A_1518 = arith.index_cast %mul3A_1517 : i32 to index
          %get3A_1519 = tpu.vector_load %arg7[%get3A_1518] {strides = array<i32>} : memref<8192xi32, #tpu.memory_space<vmem>>, vector<16xi32>,
          %get3A_1520 = vector.shape_cast %get3A_1519 : vector<16xi32> to vector<16xi32>
          %ge3A_1521 = vector.broadcast %min3A_1247 : i32 to vector<16xi32>
          %ge3A_1522 = arith.cmpi uge, %get3A_1520, %ge3A_1521 : vector<16xi32>
          %jit3A_1523 = arith.constant 1 : i32
          %jit3A_1524 = arith.constant 0 : i32
          %broadcast_in_dim3A_1525 = vector.broadcast %jit3A_1523 : i32 to vector<16xi32>
          %broadcast_in_dim3A_1526 = vector.broadcast %jit3A_1524 : i32 to vector<16xi32>
          %select_n3A_1527 = arith.select %ge3A_1522, %broadcast_in_dim3A_1525, %broadcast_in_dim3A_1526 : vector<16xi1>, vector<16xi32>
          %add3A_1528 = arith.addi %add3A_1511, %select_n3A_1527 : vector<16xi32>
          %mul3A_1529 = arith.constant 8 : i32
          %mul3A_1530 = arith.muli %scan3A_1426, %mul3A_1529 : i32
          %add3A_1531 = arith.constant 6 : i32
          %add3A_1532 = arith.addi %mul3A_1530, %add3A_1531 : i32
          %mul3A_1533 = arith.constant 16 : i32
          %mul3A_1534 = arith.muli %add3A_1532, %mul3A_1533 : i32
          %get3A_1535 = arith.index_cast %mul3A_1534 : i32 to index
          %get3A_1536 = tpu.vector_load %arg7[%get3A_1535] {strides = array<i32>} : memref<8192xi32, #tpu.memory_space<vmem>>, vector<16xi32>,
          %get3A_1537 = vector.shape_cast %get3A_1536 : vector<16xi32> to vector<16xi32>
          %ge3A_1538 = vector.broadcast %min3A_1247 : i32 to vector<16xi32>
          %ge3A_1539 = arith.cmpi uge, %get3A_1537, %ge3A_1538 : vector<16xi32>
          %jit3A_1540 = arith.constant 1 : i32
          %jit3A_1541 = arith.constant 0 : i32
          %broadcast_in_dim3A_1542 = vector.broadcast %jit3A_1540 : i32 to vector<16xi32>
          %broadcast_in_dim3A_1543 = vector.broadcast %jit3A_1541 : i32 to vector<16xi32>
          %select_n3A_1544 = arith.select %ge3A_1539, %broadcast_in_dim3A_1542, %broadcast_in_dim3A_1543 : vector<16xi1>, vector<16xi32>
          %add3A_1545 = arith.addi %add3A_1528, %select_n3A_1544 : vector<16xi32>
          %mul3A_1546 = arith.constant 8 : i32
          %mul3A_1547 = arith.muli %scan3A_1426, %mul3A_1546 : i32
          %add3A_1548 = arith.constant 7 : i32
          %add3A_1549 = arith.addi %mul3A_1547, %add3A_1548 : i32
          %mul3A_1550 = arith.constant 16 : i32
          %mul3A_1551 = arith.muli %add3A_1549, %mul3A_1550 : i32
          %get3A_1552 = arith.index_cast %mul3A_1551 : i32 to index
          %get3A_1553 = tpu.vector_load %arg7[%get3A_1552] {strides = array<i32>} : memref<8192xi32, #tpu.memory_space<vmem>>, vector<16xi32>,
          %get3A_1554 = vector.shape_cast %get3A_1553 : vector<16xi32> to vector<16xi32>
          %ge3A_1555 = vector.broadcast %min3A_1247 : i32 to vector<16xi32>
          %ge3A_1556 = arith.cmpi uge, %get3A_1554, %ge3A_1555 : vector<16xi32>
          %jit3A_1557 = arith.constant 1 : i32
          %jit3A_1558 = arith.constant 0 : i32
          %broadcast_in_dim3A_1559 = vector.broadcast %jit3A_1557 : i32 to vector<16xi32>
          %broadcast_in_dim3A_1560 = vector.broadcast %jit3A_1558 : i32 to vector<16xi32>
          %select_n3A_1561 = arith.select %ge3A_1556, %broadcast_in_dim3A_1559, %broadcast_in_dim3A_1560 : vector<16xi1>, vector<16xi32>
          %add3A_1562 = arith.addi %add3A_1545, %select_n3A_1561 : vector<16xi32>
          scf.yield %add3A_1562 : vector<16xi32>
        }
        %scan3A_1255 = arith.constant 64 : i32
        %iota3A_1256 = tpu.iota {dimensions = array<i32: 0>} : vector<16xi32>
        %add3A_1257 = arith.constant 1 : i32
        %add3A_1258 = vector.broadcast %add3A_1257 : i32 to vector<16xi32>
        %add3A_1259 = arith.addi %iota3A_1256, %add3A_1258 : vector<16xi32>
        %jit3A_1260 = arith.constant 16 : i32
        %eq3A_1261 = arith.constant 0 : i32
        %eq3A_1262 = arith.cmpi eq, %jit3A_1260, %eq3A_1261 : i32
        %jit3A_1263 = arith.constant 1 : i32
        %select_n3A_1264 = arith.select %eq3A_1262, %jit3A_1263, %jit3A_1260 : i32
        %rem3A_1265 = vector.broadcast %select_n3A_1264 : i32 to vector<16xi32>
        %rem3A_1266 = arith.remsi %add3A_1259, %rem3A_1265 : vector<16xi32>
        %ne3A_1267 = arith.constant 0 : i32
        %ne3A_1268 = vector.broadcast %ne3A_1267 : i32 to vector<16xi32>
        %ne3A_1269 = arith.cmpi ne, %rem3A_1266, %ne3A_1268 : vector<16xi32>
        %lt3A_1270 = arith.constant 0 : i32
        %lt3A_1271 = vector.broadcast %lt3A_1270 : i32 to vector<16xi32>
        %lt3A_1272 = arith.cmpi slt, %rem3A_1266, %lt3A_1271 : vector<16xi32>
        %lt3A_1273 = arith.constant 0 : i32
        %lt3A_1274 = arith.cmpi slt, %select_n3A_1264, %lt3A_1273 : i32
        %ne3A_1275 = vector.broadcast %lt3A_1274 : i1 to vector<16xi1>
        %ne3A_1276 = vector.broadcast %ne3A_1275 : vector<16xi1> to vector<16xi1>
        %ne3A_1277 = arith.xori %lt3A_1272, %ne3A_1276 : vector<16xi1>
        %and3A_1278 = arith.andi %ne3A_1277, %ne3A_1269 : vector<16xi1>
        %add3A_1279 = vector.broadcast %select_n3A_1264 : i32 to vector<16xi32>
        %add3A_1280 = arith.addi %rem3A_1266, %add3A_1279 : vector<16xi32>
        %select_n3A_1281 = arith.select %and3A_1278, %add3A_1280, %rem3A_1266 : vector<16xi1>, vector<16xi32>
        %lt3A_1282 = arith.constant 0 : i32
        %lt3A_1283 = vector.broadcast %lt3A_1282 : i32 to vector<16xi32>
        %lt3A_1284 = arith.cmpi slt, %select_n3A_1281, %lt3A_1283 : vector<16xi32>
        %add3A_1285 = arith.constant 16 : i32
        %add3A_1286 = vector.broadcast %add3A_1285 : i32 to vector<16xi32>
        %add3A_1287 = arith.addi %select_n3A_1281, %add3A_1286 : vector<16xi32>
        %select_n3A_1288 = arith.select %lt3A_1284, %add3A_1287, %select_n3A_1281 : vector<16xi1>, vector<16xi32>
        %broadcast_in_dim3A_1289 = vector.shape_cast %select_n3A_1288 : vector<16xi32> to vector<16x1xi32>
        %gather3A_1290 = vector.shape_cast %broadcast_in_dim3A_1289 : vector<16x1xi32> to vector<16xi32>
        %gather3A_1291 = tpu.dynamic_gather %scan3A_1254[%gather3A_1290] in [0] : vector<16xi32>, vector<16xi32> -> vector<16xi32>
        %add3A_1292 = arith.addi %scan3A_1254, %gather3A_1291 : vector<16xi32>
        %add3A_1293 = arith.constant 2 : i32
        %add3A_1294 = vector.broadcast %add3A_1293 : i32 to vector<16xi32>
        %add3A_1295 = arith.addi %iota3A_1256, %add3A_1294 : vector<16xi32>
        %jit3A_1296 = arith.constant 16 : i32
        %eq3A_1297 = arith.constant 0 : i32
        %eq3A_1298 = arith.cmpi eq, %jit3A_1296, %eq3A_1297 : i32
        %jit3A_1299 = arith.constant 1 : i32
        %select_n3A_1300 = arith.select %eq3A_1298, %jit3A_1299, %jit3A_1296 : i32
        %rem3A_1301 = vector.broadcast %select_n3A_1300 : i32 to vector<16xi32>
        %rem3A_1302 = arith.remsi %add3A_1295, %rem3A_1301 : vector<16xi32>
        %ne3A_1303 = arith.constant 0 : i32
        %ne3A_1304 = vector.broadcast %ne3A_1303 : i32 to vector<16xi32>
        %ne3A_1305 = arith.cmpi ne, %rem3A_1302, %ne3A_1304 : vector<16xi32>
        %lt3A_1306 = arith.constant 0 : i32
        %lt3A_1307 = vector.broadcast %lt3A_1306 : i32 to vector<16xi32>
        %lt3A_1308 = arith.cmpi slt, %rem3A_1302, %lt3A_1307 : vector<16xi32>
        %lt3A_1309 = arith.constant 0 : i32
        %lt3A_1310 = arith.cmpi slt, %select_n3A_1300, %lt3A_1309 : i32
        %ne3A_1311 = vector.broadcast %lt3A_1310 : i1 to vector<16xi1>
        %ne3A_1312 = vector.broadcast %ne3A_1311 : vector<16xi1> to vector<16xi1>
        %ne3A_1313 = arith.xori %lt3A_1308, %ne3A_1312 : vector<16xi1>
        %and3A_1314 = arith.andi %ne3A_1313, %ne3A_1305 : vector<16xi1>
        %add3A_1315 = vector.broadcast %select_n3A_1300 : i32 to vector<16xi32>
        %add3A_1316 = arith.addi %rem3A_1302, %add3A_1315 : vector<16xi32>
        %select_n3A_1317 = arith.select %and3A_1314, %add3A_1316, %rem3A_1302 : vector<16xi1>, vector<16xi32>
        %lt3A_1318 = arith.constant 0 : i32
        %lt3A_1319 = vector.broadcast %lt3A_1318 : i32 to vector<16xi32>
        %lt3A_1320 = arith.cmpi slt, %select_n3A_1317, %lt3A_1319 : vector<16xi32>
        %add3A_1321 = arith.constant 16 : i32
        %add3A_1322 = vector.broadcast %add3A_1321 : i32 to vector<16xi32>
        %add3A_1323 = arith.addi %select_n3A_1317, %add3A_1322 : vector<16xi32>
        %select_n3A_1324 = arith.select %lt3A_1320, %add3A_1323, %select_n3A_1317 : vector<16xi1>, vector<16xi32>
        %broadcast_in_dim3A_1325 = vector.shape_cast %select_n3A_1324 : vector<16xi32> to vector<16x1xi32>
        %gather3A_1326 = vector.shape_cast %broadcast_in_dim3A_1325 : vector<16x1xi32> to vector<16xi32>
        %gather3A_1327 = tpu.dynamic_gather %add3A_1292[%gather3A_1326] in [0] : vector<16xi32>, vector<16xi32> -> vector<16xi32>
        %add3A_1328 = arith.addi %add3A_1292, %gather3A_1327 : vector<16xi32>
        %add3A_1329 = arith.constant 4 : i32
        %add3A_1330 = vector.broadcast %add3A_1329 : i32 to vector<16xi32>
        %add3A_1331 = arith.addi %iota3A_1256, %add3A_1330 : vector<16xi32>
        %jit3A_1332 = arith.constant 16 : i32
        %eq3A_1333 = arith.constant 0 : i32
        %eq3A_1334 = arith.cmpi eq, %jit3A_1332, %eq3A_1333 : i32
        %jit3A_1335 = arith.constant 1 : i32
        %select_n3A_1336 = arith.select %eq3A_1334, %jit3A_1335, %jit3A_1332 : i32
        %rem3A_1337 = vector.broadcast %select_n3A_1336 : i32 to vector<16xi32>
        %rem3A_1338 = arith.remsi %add3A_1331, %rem3A_1337 : vector<16xi32>
        %ne3A_1339 = arith.constant 0 : i32
        %ne3A_1340 = vector.broadcast %ne3A_1339 : i32 to vector<16xi32>
        %ne3A_1341 = arith.cmpi ne, %rem3A_1338, %ne3A_1340 : vector<16xi32>
        %lt3A_1342 = arith.constant 0 : i32
        %lt3A_1343 = vector.broadcast %lt3A_1342 : i32 to vector<16xi32>
        %lt3A_1344 = arith.cmpi slt, %rem3A_1338, %lt3A_1343 : vector<16xi32>
        %lt3A_1345 = arith.constant 0 : i32
        %lt3A_1346 = arith.cmpi slt, %select_n3A_1336, %lt3A_1345 : i32
        %ne3A_1347 = vector.broadcast %lt3A_1346 : i1 to vector<16xi1>
        %ne3A_1348 = vector.broadcast %ne3A_1347 : vector<16xi1> to vector<16xi1>
        %ne3A_1349 = arith.xori %lt3A_1344, %ne3A_1348 : vector<16xi1>
        %and3A_1350 = arith.andi %ne3A_1349, %ne3A_1341 : vector<16xi1>
        %add3A_1351 = vector.broadcast %select_n3A_1336 : i32 to vector<16xi32>
        %add3A_1352 = arith.addi %rem3A_1338, %add3A_1351 : vector<16xi32>
        %select_n3A_1353 = arith.select %and3A_1350, %add3A_1352, %rem3A_1338 : vector<16xi1>, vector<16xi32>
        %lt3A_1354 = arith.constant 0 : i32
        %lt3A_1355 = vector.broadcast %lt3A_1354 : i32 to vector<16xi32>
        %lt3A_1356 = arith.cmpi slt, %select_n3A_1353, %lt3A_1355 : vector<16xi32>
        %add3A_1357 = arith.constant 16 : i32
        %add3A_1358 = vector.broadcast %add3A_1357 : i32 to vector<16xi32>
        %add3A_1359 = arith.addi %select_n3A_1353, %add3A_1358 : vector<16xi32>
        %select_n3A_1360 = arith.select %lt3A_1356, %add3A_1359, %select_n3A_1353 : vector<16xi1>, vector<16xi32>
        %broadcast_in_dim3A_1361 = vector.shape_cast %select_n3A_1360 : vector<16xi32> to vector<16x1xi32>
        %gather3A_1362 = vector.shape_cast %broadcast_in_dim3A_1361 : vector<16x1xi32> to vector<16xi32>
        %gather3A_1363 = tpu.dynamic_gather %add3A_1328[%gather3A_1362] in [0] : vector<16xi32>, vector<16xi32> -> vector<16xi32>
        %add3A_1364 = arith.addi %add3A_1328, %gather3A_1363 : vector<16xi32>
        %add3A_1365 = arith.constant 8 : i32
        %add3A_1366 = vector.broadcast %add3A_1365 : i32 to vector<16xi32>
        %add3A_1367 = arith.addi %iota3A_1256, %add3A_1366 : vector<16xi32>
        %jit3A_1368 = arith.constant 16 : i32
        %eq3A_1369 = arith.constant 0 : i32
        %eq3A_1370 = arith.cmpi eq, %jit3A_1368, %eq3A_1369 : i32
        %jit3A_1371 = arith.constant 1 : i32
        %select_n3A_1372 = arith.select %eq3A_1370, %jit3A_1371, %jit3A_1368 : i32
        %rem3A_1373 = vector.broadcast %select_n3A_1372 : i32 to vector<16xi32>
        %rem3A_1374 = arith.remsi %add3A_1367, %rem3A_1373 : vector<16xi32>
        %ne3A_1375 = arith.constant 0 : i32
        %ne3A_1376 = vector.broadcast %ne3A_1375 : i32 to vector<16xi32>
        %ne3A_1377 = arith.cmpi ne, %rem3A_1374, %ne3A_1376 : vector<16xi32>
        %lt3A_1378 = arith.constant 0 : i32
        %lt3A_1379 = vector.broadcast %lt3A_1378 : i32 to vector<16xi32>
        %lt3A_1380 = arith.cmpi slt, %rem3A_1374, %lt3A_1379 : vector<16xi32>
        %lt3A_1381 = arith.constant 0 : i32
        %lt3A_1382 = arith.cmpi slt, %select_n3A_1372, %lt3A_1381 : i32
        %ne3A_1383 = vector.broadcast %lt3A_1382 : i1 to vector<16xi1>
        %ne3A_1384 = vector.broadcast %ne3A_1383 : vector<16xi1> to vector<16xi1>
        %ne3A_1385 = arith.xori %lt3A_1380, %ne3A_1384 : vector<16xi1>
        %and3A_1386 = arith.andi %ne3A_1385, %ne3A_1377 : vector<16xi1>
        %add3A_1387 = vector.broadcast %select_n3A_1372 : i32 to vector<16xi32>
        %add3A_1388 = arith.addi %rem3A_1374, %add3A_1387 : vector<16xi32>
        %select_n3A_1389 = arith.select %and3A_1386, %add3A_1388, %rem3A_1374 : vector<16xi1>, vector<16xi32>
        %lt3A_1390 = arith.constant 0 : i32
        %lt3A_1391 = vector.broadcast %lt3A_1390 : i32 to vector<16xi32>
        %lt3A_1392 = arith.cmpi slt, %select_n3A_1389, %lt3A_1391 : vector<16xi32>
        %add3A_1393 = arith.constant 16 : i32
        %add3A_1394 = vector.broadcast %add3A_1393 : i32 to vector<16xi32>
        %add3A_1395 = arith.addi %select_n3A_1389, %add3A_1394 : vector<16xi32>
        %select_n3A_1396 = arith.select %lt3A_1392, %add3A_1395, %select_n3A_1389 : vector<16xi1>, vector<16xi32>
        %broadcast_in_dim3A_1397 = vector.shape_cast %select_n3A_1396 : vector<16xi32> to vector<16x1xi32>
        %gather3A_1398 = vector.shape_cast %broadcast_in_dim3A_1397 : vector<16x1xi32> to vector<16xi32>
        %gather3A_1399 = tpu.dynamic_gather %add3A_1364[%gather3A_1398] in [0] : vector<16xi32>, vector<16xi32> -> vector<16xi32>
        %add3A_1400 = arith.addi %add3A_1364, %gather3A_1399 : vector<16xi32>
        %slice3A_1401 = vector.extract_strided_slice %add3A_1400 {offsets = [0], sizes = [1], strides = [1]} : vector<16xi32> to vector<1xi32>
        %squeeze3A_1402 = vector.extract %slice3A_1401[0] : i32 from vector<1xi32>
        %ge3A_1403 = arith.constant 4096 : i32
        %ge3A_1404 = arith.cmpi sge, %squeeze3A_1402, %ge3A_1403 : i32
        %eq3A_1405 = arith.constant 1 : i32
        %eq3A_1406 = arith.cmpi eq, %scan3A_1154, %eq3A_1405 : i32
        %add3A_1407 = arith.constant 1 : i32
        %add3A_1408 = arith.addi %scan3A_1153, %add3A_1407 : i32
        %jit3A_1409 = arith.constant 0 : i32
        %select_n3A_1410 = arith.select %eq3A_1406, %add3A_1408, %jit3A_1409 : i32
        %select_n3A_1411 = arith.select %ge3A_1404, %select_n3A_1410, %scan3A_1153 : i32
        %eq3A_1412 = arith.constant -1 : i32
        %eq3A_1413 = arith.cmpi eq, %scan3A_1154, %eq3A_1412 : i32
        %add3A_1414 = arith.constant 1 : i32
        %add3A_1415 = arith.addi %scan3A_1152, %add3A_1414 : i32
        %jit3A_1416 = arith.constant 0 : i32
        %select_n3A_1417 = arith.select %eq3A_1413, %add3A_1415, %jit3A_1416 : i32
        %select_n3A_1418 = arith.select %ge3A_1404, %scan3A_1152, %select_n3A_1417 : i32
        %select_n3A_1419 = arith.select %ge3A_1404, %min3A_1247, %scan3A_1148 : i32
        %select_n3A_1420 = arith.select %ge3A_1404, %squeeze3A_1402, %scan3A_1149 : i32
        %select_n3A_1421 = arith.select %ge3A_1404, %scan3A_1150, %min3A_1247 : i32
        %select_n3A_1422 = arith.select %ge3A_1404, %scan3A_1151, %squeeze3A_1402 : i32
        %jit3A_1423 = arith.constant 1 : i32
        %jit3A_1424 = arith.constant -1 : i32
        %select_n3A_1425 = arith.select %ge3A_1404, %jit3A_1423, %jit3A_1424 : i32
        scf.yield %select_n3A_1419, %select_n3A_1420, %select_n3A_1421, %select_n3A_1422, %select_n3A_1418, %select_n3A_1411, %select_n3A_1425 : i32, i32, i32, i32, i32, i32, i32
      }
      scf.yield %cond3A_1165#0, %cond3A_1165#1, %cond3A_1165#2, %cond3A_1165#3, %cond3A_1165#4, %cond3A_1165#5, %cond3A_1165#6 : i32, i32, i32, i32, i32, i32, i32
    }
    %scan3A_982 = arith.constant 45 : i32
    %scan3A_983 = arith.constant false
    %scan3A_984 = arith.constant 0 : i32
    %scan3A_985 = arith.constant 0 : i32
    %scan3A_986 = arith.constant 3 : i32
    %scan3A_987 = arith.addi %scan3A_985, %scan3A_986 : i32
    %scan3A_988 = arith.constant 1 : i32
    %scan3A_989:4 = scf.for %scan3A_1147 = %scan3A_985 to %scan3A_987 step %scan3A_988 iter_args(%scan3A_1148 = %scan3A_981#0, %scan3A_1149 = %scan3A_981#1, %scan3A_1150 = %scan3A_983, %scan3A_1151 = %scan3A_984) -> (i32, i32, i1, i32)  : i32 {
      %le3A = arith.constant 4096 : i32
      %le3A_1152 = arith.cmpi sle, %scan3A_1149, %le3A : i32
      %or3A_1153 = arith.ori %le3A_1152, %scan3A_1150 : i1
      %convert_element_type3A_1154 = arith.extui %or3A_1153 : i1 to i32
      %cond3A_1155 = arith.constant 0 : i32
      %cond3A_1156 = arith.cmpi ne, %convert_element_type3A_1154, %cond3A_1155 : i32
      %cond3A_1157:4 = scf.if %cond3A_1156 -> (i32, i32, i1, i32) {
        scf.yield %scan3A_1148, %scan3A_1149, %scan3A_1150, %scan3A_1151 : i32, i32, i1, i32
      } else {
        %broadcast_in_dim3A_1158 = arith.constant -1 : i32
        %broadcast_in_dim3A_1159 = vector.broadcast %broadcast_in_dim3A_1158 : i32 to vector<16xi32>
        %broadcast_in_dim3A_1160 = arith.constant 0 : i32
        %broadcast_in_dim3A_1161 = vector.broadcast %broadcast_in_dim3A_1160 : i32 to vector<16xi32>
        %scan3A_1162 = arith.constant 0 : i32
        %scan3A_1163 = arith.constant 64 : i32
        %scan3A_1164 = arith.addi %scan3A_1162, %scan3A_1163 : i32
        %scan3A_1165 = arith.constant 1 : i32
        %scan3A_1166:2 = scf.for %scan3A_1470 = %scan3A_1162 to %scan3A_1164 step %scan3A_1165 iter_args(%scan3A_1471 = %broadcast_in_dim3A_1159, %scan3A_1472 = %broadcast_in_dim3A_1161) -> (vector<16xi32>, vector<16xi32>)  : i32 {
          %mul3A_1473 = arith.constant 8 : i32
          %mul3A_1474 = arith.muli %scan3A_1470, %mul3A_1473 : i32
          %add3A_1475 = arith.constant 0 : i32
          %add3A_1476 = arith.addi %mul3A_1474, %add3A_1475 : i32
          %mul3A_1477 = arith.constant 16 : i32
          %mul3A_1478 = arith.muli %add3A_1476, %mul3A_1477 : i32
          %get3A = arith.index_cast %mul3A_1478 : i32 to index
          %get3A_1479 = tpu.vector_load %arg7[%get3A] {strides = array<i32>} : memref<8192xi32, #tpu.memory_space<vmem>>, vector<16xi32>,
          %get3A_1480 = vector.shape_cast %get3A_1479 : vector<16xi32> to vector<16xi32>
          %gt3A_1481 = vector.broadcast %scan3A_1148 : i32 to vector<16xi32>
          %gt3A_1482 = arith.cmpi ugt, %get3A_1480, %gt3A_1481 : vector<16xi32>
          %jit3A_1483 = arith.constant -1 : i32
          %broadcast_in_dim3A_1484 = vector.broadcast %jit3A_1483 : i32 to vector<16xi32>
          %select_n3A_1485 = arith.select %gt3A_1482, %get3A_1480, %broadcast_in_dim3A_1484 : vector<16xi1>, vector<16xi32>
          %min3A_1486 = arith.minui %scan3A_1471, %select_n3A_1485 : vector<16xi32>
          %eq3A_1487 = vector.broadcast %scan3A_1148 : i32 to vector<16xi32>
          %eq3A_1488 = arith.cmpi eq, %get3A_1480, %eq3A_1487 : vector<16xi32>
          %jit3A_1489 = arith.constant 1 : i32
          %jit3A_1490 = arith.constant 0 : i32
          %broadcast_in_dim3A_1491 = vector.broadcast %jit3A_1489 : i32 to vector<16xi32>
          %broadcast_in_dim3A_1492 = vector.broadcast %jit3A_1490 : i32 to vector<16xi32>
          %select_n3A_1493 = arith.select %eq3A_1488, %broadcast_in_dim3A_1491, %broadcast_in_dim3A_1492 : vector<16xi1>, vector<16xi32>
          %add3A_1494 = arith.addi %scan3A_1472, %select_n3A_1493 : vector<16xi32>
          %mul3A_1495 = arith.constant 8 : i32
          %mul3A_1496 = arith.muli %scan3A_1470, %mul3A_1495 : i32
          %add3A_1497 = arith.constant 1 : i32
          %add3A_1498 = arith.addi %mul3A_1496, %add3A_1497 : i32
          %mul3A_1499 = arith.constant 16 : i32
          %mul3A_1500 = arith.muli %add3A_1498, %mul3A_1499 : i32
          %get3A_1501 = arith.index_cast %mul3A_1500 : i32 to index
          %get3A_1502 = tpu.vector_load %arg7[%get3A_1501] {strides = array<i32>} : memref<8192xi32, #tpu.memory_space<vmem>>, vector<16xi32>,
          %get3A_1503 = vector.shape_cast %get3A_1502 : vector<16xi32> to vector<16xi32>
          %gt3A_1504 = vector.broadcast %scan3A_1148 : i32 to vector<16xi32>
          %gt3A_1505 = arith.cmpi ugt, %get3A_1503, %gt3A_1504 : vector<16xi32>
          %jit3A_1506 = arith.constant -1 : i32
          %broadcast_in_dim3A_1507 = vector.broadcast %jit3A_1506 : i32 to vector<16xi32>
          %select_n3A_1508 = arith.select %gt3A_1505, %get3A_1503, %broadcast_in_dim3A_1507 : vector<16xi1>, vector<16xi32>
          %min3A_1509 = arith.minui %min3A_1486, %select_n3A_1508 : vector<16xi32>
          %eq3A_1510 = vector.broadcast %scan3A_1148 : i32 to vector<16xi32>
          %eq3A_1511 = arith.cmpi eq, %get3A_1503, %eq3A_1510 : vector<16xi32>
          %jit3A_1512 = arith.constant 1 : i32
          %jit3A_1513 = arith.constant 0 : i32
          %broadcast_in_dim3A_1514 = vector.broadcast %jit3A_1512 : i32 to vector<16xi32>
          %broadcast_in_dim3A_1515 = vector.broadcast %jit3A_1513 : i32 to vector<16xi32>
          %select_n3A_1516 = arith.select %eq3A_1511, %broadcast_in_dim3A_1514, %broadcast_in_dim3A_1515 : vector<16xi1>, vector<16xi32>
          %add3A_1517 = arith.addi %add3A_1494, %select_n3A_1516 : vector<16xi32>
          %mul3A_1518 = arith.constant 8 : i32
          %mul3A_1519 = arith.muli %scan3A_1470, %mul3A_1518 : i32
          %add3A_1520 = arith.constant 2 : i32
          %add3A_1521 = arith.addi %mul3A_1519, %add3A_1520 : i32
          %mul3A_1522 = arith.constant 16 : i32
          %mul3A_1523 = arith.muli %add3A_1521, %mul3A_1522 : i32
          %get3A_1524 = arith.index_cast %mul3A_1523 : i32 to index
          %get3A_1525 = tpu.vector_load %arg7[%get3A_1524] {strides = array<i32>} : memref<8192xi32, #tpu.memory_space<vmem>>, vector<16xi32>,
          %get3A_1526 = vector.shape_cast %get3A_1525 : vector<16xi32> to vector<16xi32>
          %gt3A_1527 = vector.broadcast %scan3A_1148 : i32 to vector<16xi32>
          %gt3A_1528 = arith.cmpi ugt, %get3A_1526, %gt3A_1527 : vector<16xi32>
          %jit3A_1529 = arith.constant -1 : i32
          %broadcast_in_dim3A_1530 = vector.broadcast %jit3A_1529 : i32 to vector<16xi32>
          %select_n3A_1531 = arith.select %gt3A_1528, %get3A_1526, %broadcast_in_dim3A_1530 : vector<16xi1>, vector<16xi32>
          %min3A_1532 = arith.minui %min3A_1509, %select_n3A_1531 : vector<16xi32>
          %eq3A_1533 = vector.broadcast %scan3A_1148 : i32 to vector<16xi32>
          %eq3A_1534 = arith.cmpi eq, %get3A_1526, %eq3A_1533 : vector<16xi32>
          %jit3A_1535 = arith.constant 1 : i32
          %jit3A_1536 = arith.constant 0 : i32
          %broadcast_in_dim3A_1537 = vector.broadcast %jit3A_1535 : i32 to vector<16xi32>
          %broadcast_in_dim3A_1538 = vector.broadcast %jit3A_1536 : i32 to vector<16xi32>
          %select_n3A_1539 = arith.select %eq3A_1534, %broadcast_in_dim3A_1537, %broadcast_in_dim3A_1538 : vector<16xi1>, vector<16xi32>
          %add3A_1540 = arith.addi %add3A_1517, %select_n3A_1539 : vector<16xi32>
          %mul3A_1541 = arith.constant 8 : i32
          %mul3A_1542 = arith.muli %scan3A_1470, %mul3A_1541 : i32
          %add3A_1543 = arith.constant 3 : i32
          %add3A_1544 = arith.addi %mul3A_1542, %add3A_1543 : i32
          %mul3A_1545 = arith.constant 16 : i32
          %mul3A_1546 = arith.muli %add3A_1544, %mul3A_1545 : i32
          %get3A_1547 = arith.index_cast %mul3A_1546 : i32 to index
          %get3A_1548 = tpu.vector_load %arg7[%get3A_1547] {strides = array<i32>} : memref<8192xi32, #tpu.memory_space<vmem>>, vector<16xi32>,
          %get3A_1549 = vector.shape_cast %get3A_1548 : vector<16xi32> to vector<16xi32>
          %gt3A_1550 = vector.broadcast %scan3A_1148 : i32 to vector<16xi32>
          %gt3A_1551 = arith.cmpi ugt, %get3A_1549, %gt3A_1550 : vector<16xi32>
          %jit3A_1552 = arith.constant -1 : i32
          %broadcast_in_dim3A_1553 = vector.broadcast %jit3A_1552 : i32 to vector<16xi32>
          %select_n3A_1554 = arith.select %gt3A_1551, %get3A_1549, %broadcast_in_dim3A_1553 : vector<16xi1>, vector<16xi32>
          %min3A_1555 = arith.minui %min3A_1532, %select_n3A_1554 : vector<16xi32>
          %eq3A_1556 = vector.broadcast %scan3A_1148 : i32 to vector<16xi32>
          %eq3A_1557 = arith.cmpi eq, %get3A_1549, %eq3A_1556 : vector<16xi32>
          %jit3A_1558 = arith.constant 1 : i32
          %jit3A_1559 = arith.constant 0 : i32
          %broadcast_in_dim3A_1560 = vector.broadcast %jit3A_1558 : i32 to vector<16xi32>
          %broadcast_in_dim3A_1561 = vector.broadcast %jit3A_1559 : i32 to vector<16xi32>
          %select_n3A_1562 = arith.select %eq3A_1557, %broadcast_in_dim3A_1560, %broadcast_in_dim3A_1561 : vector<16xi1>, vector<16xi32>
          %add3A_1563 = arith.addi %add3A_1540, %select_n3A_1562 : vector<16xi32>
          %mul3A_1564 = arith.constant 8 : i32
          %mul3A_1565 = arith.muli %scan3A_1470, %mul3A_1564 : i32
          %add3A_1566 = arith.constant 4 : i32
          %add3A_1567 = arith.addi %mul3A_1565, %add3A_1566 : i32
          %mul3A_1568 = arith.constant 16 : i32
          %mul3A_1569 = arith.muli %add3A_1567, %mul3A_1568 : i32
          %get3A_1570 = arith.index_cast %mul3A_1569 : i32 to index
          %get3A_1571 = tpu.vector_load %arg7[%get3A_1570] {strides = array<i32>} : memref<8192xi32, #tpu.memory_space<vmem>>, vector<16xi32>,
          %get3A_1572 = vector.shape_cast %get3A_1571 : vector<16xi32> to vector<16xi32>
          %gt3A_1573 = vector.broadcast %scan3A_1148 : i32 to vector<16xi32>
          %gt3A_1574 = arith.cmpi ugt, %get3A_1572, %gt3A_1573 : vector<16xi32>
          %jit3A_1575 = arith.constant -1 : i32
          %broadcast_in_dim3A_1576 = vector.broadcast %jit3A_1575 : i32 to vector<16xi32>
          %select_n3A_1577 = arith.select %gt3A_1574, %get3A_1572, %broadcast_in_dim3A_1576 : vector<16xi1>, vector<16xi32>
          %min3A_1578 = arith.minui %min3A_1555, %select_n3A_1577 : vector<16xi32>
          %eq3A_1579 = vector.broadcast %scan3A_1148 : i32 to vector<16xi32>
          %eq3A_1580 = arith.cmpi eq, %get3A_1572, %eq3A_1579 : vector<16xi32>
          %jit3A_1581 = arith.constant 1 : i32
          %jit3A_1582 = arith.constant 0 : i32
          %broadcast_in_dim3A_1583 = vector.broadcast %jit3A_1581 : i32 to vector<16xi32>
          %broadcast_in_dim3A_1584 = vector.broadcast %jit3A_1582 : i32 to vector<16xi32>
          %select_n3A_1585 = arith.select %eq3A_1580, %broadcast_in_dim3A_1583, %broadcast_in_dim3A_1584 : vector<16xi1>, vector<16xi32>
          %add3A_1586 = arith.addi %add3A_1563, %select_n3A_1585 : vector<16xi32>
          %mul3A_1587 = arith.constant 8 : i32
          %mul3A_1588 = arith.muli %scan3A_1470, %mul3A_1587 : i32
          %add3A_1589 = arith.constant 5 : i32
          %add3A_1590 = arith.addi %mul3A_1588, %add3A_1589 : i32
          %mul3A_1591 = arith.constant 16 : i32
          %mul3A_1592 = arith.muli %add3A_1590, %mul3A_1591 : i32
          %get3A_1593 = arith.index_cast %mul3A_1592 : i32 to index
          %get3A_1594 = tpu.vector_load %arg7[%get3A_1593] {strides = array<i32>} : memref<8192xi32, #tpu.memory_space<vmem>>, vector<16xi32>,
          %get3A_1595 = vector.shape_cast %get3A_1594 : vector<16xi32> to vector<16xi32>
          %gt3A_1596 = vector.broadcast %scan3A_1148 : i32 to vector<16xi32>
          %gt3A_1597 = arith.cmpi ugt, %get3A_1595, %gt3A_1596 : vector<16xi32>
          %jit3A_1598 = arith.constant -1 : i32
          %broadcast_in_dim3A_1599 = vector.broadcast %jit3A_1598 : i32 to vector<16xi32>
          %select_n3A_1600 = arith.select %gt3A_1597, %get3A_1595, %broadcast_in_dim3A_1599 : vector<16xi1>, vector<16xi32>
          %min3A_1601 = arith.minui %min3A_1578, %select_n3A_1600 : vector<16xi32>
          %eq3A_1602 = vector.broadcast %scan3A_1148 : i32 to vector<16xi32>
          %eq3A_1603 = arith.cmpi eq, %get3A_1595, %eq3A_1602 : vector<16xi32>
          %jit3A_1604 = arith.constant 1 : i32
          %jit3A_1605 = arith.constant 0 : i32
          %broadcast_in_dim3A_1606 = vector.broadcast %jit3A_1604 : i32 to vector<16xi32>
          %broadcast_in_dim3A_1607 = vector.broadcast %jit3A_1605 : i32 to vector<16xi32>
          %select_n3A_1608 = arith.select %eq3A_1603, %broadcast_in_dim3A_1606, %broadcast_in_dim3A_1607 : vector<16xi1>, vector<16xi32>
          %add3A_1609 = arith.addi %add3A_1586, %select_n3A_1608 : vector<16xi32>
          %mul3A_1610 = arith.constant 8 : i32
          %mul3A_1611 = arith.muli %scan3A_1470, %mul3A_1610 : i32
          %add3A_1612 = arith.constant 6 : i32
          %add3A_1613 = arith.addi %mul3A_1611, %add3A_1612 : i32
          %mul3A_1614 = arith.constant 16 : i32
          %mul3A_1615 = arith.muli %add3A_1613, %mul3A_1614 : i32
          %get3A_1616 = arith.index_cast %mul3A_1615 : i32 to index
          %get3A_1617 = tpu.vector_load %arg7[%get3A_1616] {strides = array<i32>} : memref<8192xi32, #tpu.memory_space<vmem>>, vector<16xi32>,
          %get3A_1618 = vector.shape_cast %get3A_1617 : vector<16xi32> to vector<16xi32>
          %gt3A_1619 = vector.broadcast %scan3A_1148 : i32 to vector<16xi32>
          %gt3A_1620 = arith.cmpi ugt, %get3A_1618, %gt3A_1619 : vector<16xi32>
          %jit3A_1621 = arith.constant -1 : i32
          %broadcast_in_dim3A_1622 = vector.broadcast %jit3A_1621 : i32 to vector<16xi32>
          %select_n3A_1623 = arith.select %gt3A_1620, %get3A_1618, %broadcast_in_dim3A_1622 : vector<16xi1>, vector<16xi32>
          %min3A_1624 = arith.minui %min3A_1601, %select_n3A_1623 : vector<16xi32>
          %eq3A_1625 = vector.broadcast %scan3A_1148 : i32 to vector<16xi32>
          %eq3A_1626 = arith.cmpi eq, %get3A_1618, %eq3A_1625 : vector<16xi32>
          %jit3A_1627 = arith.constant 1 : i32
          %jit3A_1628 = arith.constant 0 : i32
          %broadcast_in_dim3A_1629 = vector.broadcast %jit3A_1627 : i32 to vector<16xi32>
          %broadcast_in_dim3A_1630 = vector.broadcast %jit3A_1628 : i32 to vector<16xi32>
          %select_n3A_1631 = arith.select %eq3A_1626, %broadcast_in_dim3A_1629, %broadcast_in_dim3A_1630 : vector<16xi1>, vector<16xi32>
          %add3A_1632 = arith.addi %add3A_1609, %select_n3A_1631 : vector<16xi32>
          %mul3A_1633 = arith.constant 8 : i32
          %mul3A_1634 = arith.muli %scan3A_1470, %mul3A_1633 : i32
          %add3A_1635 = arith.constant 7 : i32
          %add3A_1636 = arith.addi %mul3A_1634, %add3A_1635 : i32
          %mul3A_1637 = arith.constant 16 : i32
          %mul3A_1638 = arith.muli %add3A_1636, %mul3A_1637 : i32
          %get3A_1639 = arith.index_cast %mul3A_1638 : i32 to index
          %get3A_1640 = tpu.vector_load %arg7[%get3A_1639] {strides = array<i32>} : memref<8192xi32, #tpu.memory_space<vmem>>, vector<16xi32>,
          %get3A_1641 = vector.shape_cast %get3A_1640 : vector<16xi32> to vector<16xi32>
          %gt3A_1642 = vector.broadcast %scan3A_1148 : i32 to vector<16xi32>
          %gt3A_1643 = arith.cmpi ugt, %get3A_1641, %gt3A_1642 : vector<16xi32>
          %jit3A_1644 = arith.constant -1 : i32
          %broadcast_in_dim3A_1645 = vector.broadcast %jit3A_1644 : i32 to vector<16xi32>
          %select_n3A_1646 = arith.select %gt3A_1643, %get3A_1641, %broadcast_in_dim3A_1645 : vector<16xi1>, vector<16xi32>
          %min3A_1647 = arith.minui %min3A_1624, %select_n3A_1646 : vector<16xi32>
          %eq3A_1648 = vector.broadcast %scan3A_1148 : i32 to vector<16xi32>
          %eq3A_1649 = arith.cmpi eq, %get3A_1641, %eq3A_1648 : vector<16xi32>
          %jit3A_1650 = arith.constant 1 : i32
          %jit3A_1651 = arith.constant 0 : i32
          %broadcast_in_dim3A_1652 = vector.broadcast %jit3A_1650 : i32 to vector<16xi32>
          %broadcast_in_dim3A_1653 = vector.broadcast %jit3A_1651 : i32 to vector<16xi32>
          %select_n3A_1654 = arith.select %eq3A_1649, %broadcast_in_dim3A_1652, %broadcast_in_dim3A_1653 : vector<16xi1>, vector<16xi32>
          %add3A_1655 = arith.addi %add3A_1632, %select_n3A_1654 : vector<16xi32>
          scf.yield %min3A_1647, %add3A_1655 : vector<16xi32>, vector<16xi32>
        }
        %scan3A_1167 = arith.constant 64 : i32
        %iota3A_1168 = tpu.iota {dimensions = array<i32: 0>} : vector<16xi32>
        %add3A_1169 = arith.constant 1 : i32
        %add3A_1170 = vector.broadcast %add3A_1169 : i32 to vector<16xi32>
        %add3A_1171 = arith.addi %iota3A_1168, %add3A_1170 : vector<16xi32>
        %jit3A_1172 = arith.constant 16 : i32
        %eq3A_1173 = arith.constant 0 : i32
        %eq3A_1174 = arith.cmpi eq, %jit3A_1172, %eq3A_1173 : i32
        %jit3A_1175 = arith.constant 1 : i32
        %select_n3A_1176 = arith.select %eq3A_1174, %jit3A_1175, %jit3A_1172 : i32
        %rem3A_1177 = vector.broadcast %select_n3A_1176 : i32 to vector<16xi32>
        %rem3A_1178 = arith.remsi %add3A_1171, %rem3A_1177 : vector<16xi32>
        %ne3A_1179 = arith.constant 0 : i32
        %ne3A_1180 = vector.broadcast %ne3A_1179 : i32 to vector<16xi32>
        %ne3A_1181 = arith.cmpi ne, %rem3A_1178, %ne3A_1180 : vector<16xi32>
        %lt3A_1182 = arith.constant 0 : i32
        %lt3A_1183 = vector.broadcast %lt3A_1182 : i32 to vector<16xi32>
        %lt3A_1184 = arith.cmpi slt, %rem3A_1178, %lt3A_1183 : vector<16xi32>
        %lt3A_1185 = arith.constant 0 : i32
        %lt3A_1186 = arith.cmpi slt, %select_n3A_1176, %lt3A_1185 : i32
        %ne3A_1187 = vector.broadcast %lt3A_1186 : i1 to vector<16xi1>
        %ne3A_1188 = vector.broadcast %ne3A_1187 : vector<16xi1> to vector<16xi1>
        %ne3A_1189 = arith.xori %lt3A_1184, %ne3A_1188 : vector<16xi1>
        %and3A_1190 = arith.andi %ne3A_1189, %ne3A_1181 : vector<16xi1>
        %add3A_1191 = vector.broadcast %select_n3A_1176 : i32 to vector<16xi32>
        %add3A_1192 = arith.addi %rem3A_1178, %add3A_1191 : vector<16xi32>
        %select_n3A_1193 = arith.select %and3A_1190, %add3A_1192, %rem3A_1178 : vector<16xi1>, vector<16xi32>
        %lt3A_1194 = arith.constant 0 : i32
        %lt3A_1195 = vector.broadcast %lt3A_1194 : i32 to vector<16xi32>
        %lt3A_1196 = arith.cmpi slt, %select_n3A_1193, %lt3A_1195 : vector<16xi32>
        %add3A_1197 = arith.constant 16 : i32
        %add3A_1198 = vector.broadcast %add3A_1197 : i32 to vector<16xi32>
        %add3A_1199 = arith.addi %select_n3A_1193, %add3A_1198 : vector<16xi32>
        %select_n3A_1200 = arith.select %lt3A_1196, %add3A_1199, %select_n3A_1193 : vector<16xi1>, vector<16xi32>
        %broadcast_in_dim3A_1201 = vector.shape_cast %select_n3A_1200 : vector<16xi32> to vector<16x1xi32>
        %gather3A_1202 = vector.shape_cast %broadcast_in_dim3A_1201 : vector<16x1xi32> to vector<16xi32>
        %gather3A_1203 = tpu.dynamic_gather %scan3A_1166#0[%gather3A_1202] in [0] : vector<16xi32>, vector<16xi32> -> vector<16xi32>
        %min3A_1204 = arith.minui %scan3A_1166#0, %gather3A_1203 : vector<16xi32>
        %add3A_1205 = arith.constant 2 : i32
        %add3A_1206 = vector.broadcast %add3A_1205 : i32 to vector<16xi32>
        %add3A_1207 = arith.addi %iota3A_1168, %add3A_1206 : vector<16xi32>
        %jit3A_1208 = arith.constant 16 : i32
        %eq3A_1209 = arith.constant 0 : i32
        %eq3A_1210 = arith.cmpi eq, %jit3A_1208, %eq3A_1209 : i32
        %jit3A_1211 = arith.constant 1 : i32
        %select_n3A_1212 = arith.select %eq3A_1210, %jit3A_1211, %jit3A_1208 : i32
        %rem3A_1213 = vector.broadcast %select_n3A_1212 : i32 to vector<16xi32>
        %rem3A_1214 = arith.remsi %add3A_1207, %rem3A_1213 : vector<16xi32>
        %ne3A_1215 = arith.constant 0 : i32
        %ne3A_1216 = vector.broadcast %ne3A_1215 : i32 to vector<16xi32>
        %ne3A_1217 = arith.cmpi ne, %rem3A_1214, %ne3A_1216 : vector<16xi32>
        %lt3A_1218 = arith.constant 0 : i32
        %lt3A_1219 = vector.broadcast %lt3A_1218 : i32 to vector<16xi32>
        %lt3A_1220 = arith.cmpi slt, %rem3A_1214, %lt3A_1219 : vector<16xi32>
        %lt3A_1221 = arith.constant 0 : i32
        %lt3A_1222 = arith.cmpi slt, %select_n3A_1212, %lt3A_1221 : i32
        %ne3A_1223 = vector.broadcast %lt3A_1222 : i1 to vector<16xi1>
        %ne3A_1224 = vector.broadcast %ne3A_1223 : vector<16xi1> to vector<16xi1>
        %ne3A_1225 = arith.xori %lt3A_1220, %ne3A_1224 : vector<16xi1>
        %and3A_1226 = arith.andi %ne3A_1225, %ne3A_1217 : vector<16xi1>
        %add3A_1227 = vector.broadcast %select_n3A_1212 : i32 to vector<16xi32>
        %add3A_1228 = arith.addi %rem3A_1214, %add3A_1227 : vector<16xi32>
        %select_n3A_1229 = arith.select %and3A_1226, %add3A_1228, %rem3A_1214 : vector<16xi1>, vector<16xi32>
        %lt3A_1230 = arith.constant 0 : i32
        %lt3A_1231 = vector.broadcast %lt3A_1230 : i32 to vector<16xi32>
        %lt3A_1232 = arith.cmpi slt, %select_n3A_1229, %lt3A_1231 : vector<16xi32>
        %add3A_1233 = arith.constant 16 : i32
        %add3A_1234 = vector.broadcast %add3A_1233 : i32 to vector<16xi32>
        %add3A_1235 = arith.addi %select_n3A_1229, %add3A_1234 : vector<16xi32>
        %select_n3A_1236 = arith.select %lt3A_1232, %add3A_1235, %select_n3A_1229 : vector<16xi1>, vector<16xi32>
        %broadcast_in_dim3A_1237 = vector.shape_cast %select_n3A_1236 : vector<16xi32> to vector<16x1xi32>
        %gather3A_1238 = vector.shape_cast %broadcast_in_dim3A_1237 : vector<16x1xi32> to vector<16xi32>
        %gather3A_1239 = tpu.dynamic_gather %min3A_1204[%gather3A_1238] in [0] : vector<16xi32>, vector<16xi32> -> vector<16xi32>
        %min3A_1240 = arith.minui %min3A_1204, %gather3A_1239 : vector<16xi32>
        %add3A_1241 = arith.constant 4 : i32
        %add3A_1242 = vector.broadcast %add3A_1241 : i32 to vector<16xi32>
        %add3A_1243 = arith.addi %iota3A_1168, %add3A_1242 : vector<16xi32>
        %jit3A_1244 = arith.constant 16 : i32
        %eq3A_1245 = arith.constant 0 : i32
        %eq3A_1246 = arith.cmpi eq, %jit3A_1244, %eq3A_1245 : i32
        %jit3A_1247 = arith.constant 1 : i32
        %select_n3A_1248 = arith.select %eq3A_1246, %jit3A_1247, %jit3A_1244 : i32
        %rem3A_1249 = vector.broadcast %select_n3A_1248 : i32 to vector<16xi32>
        %rem3A_1250 = arith.remsi %add3A_1243, %rem3A_1249 : vector<16xi32>
        %ne3A_1251 = arith.constant 0 : i32
        %ne3A_1252 = vector.broadcast %ne3A_1251 : i32 to vector<16xi32>
        %ne3A_1253 = arith.cmpi ne, %rem3A_1250, %ne3A_1252 : vector<16xi32>
        %lt3A_1254 = arith.constant 0 : i32
        %lt3A_1255 = vector.broadcast %lt3A_1254 : i32 to vector<16xi32>
        %lt3A_1256 = arith.cmpi slt, %rem3A_1250, %lt3A_1255 : vector<16xi32>
        %lt3A_1257 = arith.constant 0 : i32
        %lt3A_1258 = arith.cmpi slt, %select_n3A_1248, %lt3A_1257 : i32
        %ne3A_1259 = vector.broadcast %lt3A_1258 : i1 to vector<16xi1>
        %ne3A_1260 = vector.broadcast %ne3A_1259 : vector<16xi1> to vector<16xi1>
        %ne3A_1261 = arith.xori %lt3A_1256, %ne3A_1260 : vector<16xi1>
        %and3A_1262 = arith.andi %ne3A_1261, %ne3A_1253 : vector<16xi1>
        %add3A_1263 = vector.broadcast %select_n3A_1248 : i32 to vector<16xi32>
        %add3A_1264 = arith.addi %rem3A_1250, %add3A_1263 : vector<16xi32>
        %select_n3A_1265 = arith.select %and3A_1262, %add3A_1264, %rem3A_1250 : vector<16xi1>, vector<16xi32>
        %lt3A_1266 = arith.constant 0 : i32
        %lt3A_1267 = vector.broadcast %lt3A_1266 : i32 to vector<16xi32>
        %lt3A_1268 = arith.cmpi slt, %select_n3A_1265, %lt3A_1267 : vector<16xi32>
        %add3A_1269 = arith.constant 16 : i32
        %add3A_1270 = vector.broadcast %add3A_1269 : i32 to vector<16xi32>
        %add3A_1271 = arith.addi %select_n3A_1265, %add3A_1270 : vector<16xi32>
        %select_n3A_1272 = arith.select %lt3A_1268, %add3A_1271, %select_n3A_1265 : vector<16xi1>, vector<16xi32>
        %broadcast_in_dim3A_1273 = vector.shape_cast %select_n3A_1272 : vector<16xi32> to vector<16x1xi32>
        %gather3A_1274 = vector.shape_cast %broadcast_in_dim3A_1273 : vector<16x1xi32> to vector<16xi32>
        %gather3A_1275 = tpu.dynamic_gather %min3A_1240[%gather3A_1274] in [0] : vector<16xi32>, vector<16xi32> -> vector<16xi32>
        %min3A_1276 = arith.minui %min3A_1240, %gather3A_1275 : vector<16xi32>
        %add3A_1277 = arith.constant 8 : i32
        %add3A_1278 = vector.broadcast %add3A_1277 : i32 to vector<16xi32>
        %add3A_1279 = arith.addi %iota3A_1168, %add3A_1278 : vector<16xi32>
        %jit3A_1280 = arith.constant 16 : i32
        %eq3A_1281 = arith.constant 0 : i32
        %eq3A_1282 = arith.cmpi eq, %jit3A_1280, %eq3A_1281 : i32
        %jit3A_1283 = arith.constant 1 : i32
        %select_n3A_1284 = arith.select %eq3A_1282, %jit3A_1283, %jit3A_1280 : i32
        %rem3A_1285 = vector.broadcast %select_n3A_1284 : i32 to vector<16xi32>
        %rem3A_1286 = arith.remsi %add3A_1279, %rem3A_1285 : vector<16xi32>
        %ne3A_1287 = arith.constant 0 : i32
        %ne3A_1288 = vector.broadcast %ne3A_1287 : i32 to vector<16xi32>
        %ne3A_1289 = arith.cmpi ne, %rem3A_1286, %ne3A_1288 : vector<16xi32>
        %lt3A_1290 = arith.constant 0 : i32
        %lt3A_1291 = vector.broadcast %lt3A_1290 : i32 to vector<16xi32>
        %lt3A_1292 = arith.cmpi slt, %rem3A_1286, %lt3A_1291 : vector<16xi32>
        %lt3A_1293 = arith.constant 0 : i32
        %lt3A_1294 = arith.cmpi slt, %select_n3A_1284, %lt3A_1293 : i32
        %ne3A_1295 = vector.broadcast %lt3A_1294 : i1 to vector<16xi1>
        %ne3A_1296 = vector.broadcast %ne3A_1295 : vector<16xi1> to vector<16xi1>
        %ne3A_1297 = arith.xori %lt3A_1292, %ne3A_1296 : vector<16xi1>
        %and3A_1298 = arith.andi %ne3A_1297, %ne3A_1289 : vector<16xi1>
        %add3A_1299 = vector.broadcast %select_n3A_1284 : i32 to vector<16xi32>
        %add3A_1300 = arith.addi %rem3A_1286, %add3A_1299 : vector<16xi32>
        %select_n3A_1301 = arith.select %and3A_1298, %add3A_1300, %rem3A_1286 : vector<16xi1>, vector<16xi32>
        %lt3A_1302 = arith.constant 0 : i32
        %lt3A_1303 = vector.broadcast %lt3A_1302 : i32 to vector<16xi32>
        %lt3A_1304 = arith.cmpi slt, %select_n3A_1301, %lt3A_1303 : vector<16xi32>
        %add3A_1305 = arith.constant 16 : i32
        %add3A_1306 = vector.broadcast %add3A_1305 : i32 to vector<16xi32>
        %add3A_1307 = arith.addi %select_n3A_1301, %add3A_1306 : vector<16xi32>
        %select_n3A_1308 = arith.select %lt3A_1304, %add3A_1307, %select_n3A_1301 : vector<16xi1>, vector<16xi32>
        %broadcast_in_dim3A_1309 = vector.shape_cast %select_n3A_1308 : vector<16xi32> to vector<16x1xi32>
        %gather3A_1310 = vector.shape_cast %broadcast_in_dim3A_1309 : vector<16x1xi32> to vector<16xi32>
        %gather3A_1311 = tpu.dynamic_gather %min3A_1276[%gather3A_1310] in [0] : vector<16xi32>, vector<16xi32> -> vector<16xi32>
        %min3A_1312 = arith.minui %min3A_1276, %gather3A_1311 : vector<16xi32>
        %slice3A_1313 = vector.extract_strided_slice %min3A_1312 {offsets = [0], sizes = [1], strides = [1]} : vector<16xi32> to vector<1xi32>
        %squeeze3A_1314 = vector.extract %slice3A_1313[0] : i32 from vector<1xi32>
        %iota3A_1315 = tpu.iota {dimensions = array<i32: 0>} : vector<16xi32>
        %add3A_1316 = arith.constant 1 : i32
        %add3A_1317 = vector.broadcast %add3A_1316 : i32 to vector<16xi32>
        %add3A_1318 = arith.addi %iota3A_1315, %add3A_1317 : vector<16xi32>
        %jit3A_1319 = arith.constant 16 : i32
        %eq3A_1320 = arith.constant 0 : i32
        %eq3A_1321 = arith.cmpi eq, %jit3A_1319, %eq3A_1320 : i32
        %jit3A_1322 = arith.constant 1 : i32
        %select_n3A_1323 = arith.select %eq3A_1321, %jit3A_1322, %jit3A_1319 : i32
        %rem3A_1324 = vector.broadcast %select_n3A_1323 : i32 to vector<16xi32>
        %rem3A_1325 = arith.remsi %add3A_1318, %rem3A_1324 : vector<16xi32>
        %ne3A_1326 = arith.constant 0 : i32
        %ne3A_1327 = vector.broadcast %ne3A_1326 : i32 to vector<16xi32>
        %ne3A_1328 = arith.cmpi ne, %rem3A_1325, %ne3A_1327 : vector<16xi32>
        %lt3A_1329 = arith.constant 0 : i32
        %lt3A_1330 = vector.broadcast %lt3A_1329 : i32 to vector<16xi32>
        %lt3A_1331 = arith.cmpi slt, %rem3A_1325, %lt3A_1330 : vector<16xi32>
        %lt3A_1332 = arith.constant 0 : i32
        %lt3A_1333 = arith.cmpi slt, %select_n3A_1323, %lt3A_1332 : i32
        %ne3A_1334 = vector.broadcast %lt3A_1333 : i1 to vector<16xi1>
        %ne3A_1335 = vector.broadcast %ne3A_1334 : vector<16xi1> to vector<16xi1>
        %ne3A_1336 = arith.xori %lt3A_1331, %ne3A_1335 : vector<16xi1>
        %and3A_1337 = arith.andi %ne3A_1336, %ne3A_1328 : vector<16xi1>
        %add3A_1338 = vector.broadcast %select_n3A_1323 : i32 to vector<16xi32>
        %add3A_1339 = arith.addi %rem3A_1325, %add3A_1338 : vector<16xi32>
        %select_n3A_1340 = arith.select %and3A_1337, %add3A_1339, %rem3A_1325 : vector<16xi1>, vector<16xi32>
        %lt3A_1341 = arith.constant 0 : i32
        %lt3A_1342 = vector.broadcast %lt3A_1341 : i32 to vector<16xi32>
        %lt3A_1343 = arith.cmpi slt, %select_n3A_1340, %lt3A_1342 : vector<16xi32>
        %add3A_1344 = arith.constant 16 : i32
        %add3A_1345 = vector.broadcast %add3A_1344 : i32 to vector<16xi32>
        %add3A_1346 = arith.addi %select_n3A_1340, %add3A_1345 : vector<16xi32>
        %select_n3A_1347 = arith.select %lt3A_1343, %add3A_1346, %select_n3A_1340 : vector<16xi1>, vector<16xi32>
        %broadcast_in_dim3A_1348 = vector.shape_cast %select_n3A_1347 : vector<16xi32> to vector<16x1xi32>
        %gather3A_1349 = vector.shape_cast %broadcast_in_dim3A_1348 : vector<16x1xi32> to vector<16xi32>
        %gather3A_1350 = tpu.dynamic_gather %scan3A_1166#1[%gather3A_1349] in [0] : vector<16xi32>, vector<16xi32> -> vector<16xi32>
        %add3A_1351 = arith.addi %scan3A_1166#1, %gather3A_1350 : vector<16xi32>
        %add3A_1352 = arith.constant 2 : i32
        %add3A_1353 = vector.broadcast %add3A_1352 : i32 to vector<16xi32>
        %add3A_1354 = arith.addi %iota3A_1315, %add3A_1353 : vector<16xi32>
        %jit3A_1355 = arith.constant 16 : i32
        %eq3A_1356 = arith.constant 0 : i32
        %eq3A_1357 = arith.cmpi eq, %jit3A_1355, %eq3A_1356 : i32
        %jit3A_1358 = arith.constant 1 : i32
        %select_n3A_1359 = arith.select %eq3A_1357, %jit3A_1358, %jit3A_1355 : i32
        %rem3A_1360 = vector.broadcast %select_n3A_1359 : i32 to vector<16xi32>
        %rem3A_1361 = arith.remsi %add3A_1354, %rem3A_1360 : vector<16xi32>
        %ne3A_1362 = arith.constant 0 : i32
        %ne3A_1363 = vector.broadcast %ne3A_1362 : i32 to vector<16xi32>
        %ne3A_1364 = arith.cmpi ne, %rem3A_1361, %ne3A_1363 : vector<16xi32>
        %lt3A_1365 = arith.constant 0 : i32
        %lt3A_1366 = vector.broadcast %lt3A_1365 : i32 to vector<16xi32>
        %lt3A_1367 = arith.cmpi slt, %rem3A_1361, %lt3A_1366 : vector<16xi32>
        %lt3A_1368 = arith.constant 0 : i32
        %lt3A_1369 = arith.cmpi slt, %select_n3A_1359, %lt3A_1368 : i32
        %ne3A_1370 = vector.broadcast %lt3A_1369 : i1 to vector<16xi1>
        %ne3A_1371 = vector.broadcast %ne3A_1370 : vector<16xi1> to vector<16xi1>
        %ne3A_1372 = arith.xori %lt3A_1367, %ne3A_1371 : vector<16xi1>
        %and3A_1373 = arith.andi %ne3A_1372, %ne3A_1364 : vector<16xi1>
        %add3A_1374 = vector.broadcast %select_n3A_1359 : i32 to vector<16xi32>
        %add3A_1375 = arith.addi %rem3A_1361, %add3A_1374 : vector<16xi32>
        %select_n3A_1376 = arith.select %and3A_1373, %add3A_1375, %rem3A_1361 : vector<16xi1>, vector<16xi32>
        %lt3A_1377 = arith.constant 0 : i32
        %lt3A_1378 = vector.broadcast %lt3A_1377 : i32 to vector<16xi32>
        %lt3A_1379 = arith.cmpi slt, %select_n3A_1376, %lt3A_1378 : vector<16xi32>
        %add3A_1380 = arith.constant 16 : i32
        %add3A_1381 = vector.broadcast %add3A_1380 : i32 to vector<16xi32>
        %add3A_1382 = arith.addi %select_n3A_1376, %add3A_1381 : vector<16xi32>
        %select_n3A_1383 = arith.select %lt3A_1379, %add3A_1382, %select_n3A_1376 : vector<16xi1>, vector<16xi32>
        %broadcast_in_dim3A_1384 = vector.shape_cast %select_n3A_1383 : vector<16xi32> to vector<16x1xi32>
        %gather3A_1385 = vector.shape_cast %broadcast_in_dim3A_1384 : vector<16x1xi32> to vector<16xi32>
        %gather3A_1386 = tpu.dynamic_gather %add3A_1351[%gather3A_1385] in [0] : vector<16xi32>, vector<16xi32> -> vector<16xi32>
        %add3A_1387 = arith.addi %add3A_1351, %gather3A_1386 : vector<16xi32>
        %add3A_1388 = arith.constant 4 : i32
        %add3A_1389 = vector.broadcast %add3A_1388 : i32 to vector<16xi32>
        %add3A_1390 = arith.addi %iota3A_1315, %add3A_1389 : vector<16xi32>
        %jit3A_1391 = arith.constant 16 : i32
        %eq3A_1392 = arith.constant 0 : i32
        %eq3A_1393 = arith.cmpi eq, %jit3A_1391, %eq3A_1392 : i32
        %jit3A_1394 = arith.constant 1 : i32
        %select_n3A_1395 = arith.select %eq3A_1393, %jit3A_1394, %jit3A_1391 : i32
        %rem3A_1396 = vector.broadcast %select_n3A_1395 : i32 to vector<16xi32>
        %rem3A_1397 = arith.remsi %add3A_1390, %rem3A_1396 : vector<16xi32>
        %ne3A_1398 = arith.constant 0 : i32
        %ne3A_1399 = vector.broadcast %ne3A_1398 : i32 to vector<16xi32>
        %ne3A_1400 = arith.cmpi ne, %rem3A_1397, %ne3A_1399 : vector<16xi32>
        %lt3A_1401 = arith.constant 0 : i32
        %lt3A_1402 = vector.broadcast %lt3A_1401 : i32 to vector<16xi32>
        %lt3A_1403 = arith.cmpi slt, %rem3A_1397, %lt3A_1402 : vector<16xi32>
        %lt3A_1404 = arith.constant 0 : i32
        %lt3A_1405 = arith.cmpi slt, %select_n3A_1395, %lt3A_1404 : i32
        %ne3A_1406 = vector.broadcast %lt3A_1405 : i1 to vector<16xi1>
        %ne3A_1407 = vector.broadcast %ne3A_1406 : vector<16xi1> to vector<16xi1>
        %ne3A_1408 = arith.xori %lt3A_1403, %ne3A_1407 : vector<16xi1>
        %and3A_1409 = arith.andi %ne3A_1408, %ne3A_1400 : vector<16xi1>
        %add3A_1410 = vector.broadcast %select_n3A_1395 : i32 to vector<16xi32>
        %add3A_1411 = arith.addi %rem3A_1397, %add3A_1410 : vector<16xi32>
        %select_n3A_1412 = arith.select %and3A_1409, %add3A_1411, %rem3A_1397 : vector<16xi1>, vector<16xi32>
        %lt3A_1413 = arith.constant 0 : i32
        %lt3A_1414 = vector.broadcast %lt3A_1413 : i32 to vector<16xi32>
        %lt3A_1415 = arith.cmpi slt, %select_n3A_1412, %lt3A_1414 : vector<16xi32>
        %add3A_1416 = arith.constant 16 : i32
        %add3A_1417 = vector.broadcast %add3A_1416 : i32 to vector<16xi32>
        %add3A_1418 = arith.addi %select_n3A_1412, %add3A_1417 : vector<16xi32>
        %select_n3A_1419 = arith.select %lt3A_1415, %add3A_1418, %select_n3A_1412 : vector<16xi1>, vector<16xi32>
        %broadcast_in_dim3A_1420 = vector.shape_cast %select_n3A_1419 : vector<16xi32> to vector<16x1xi32>
        %gather3A_1421 = vector.shape_cast %broadcast_in_dim3A_1420 : vector<16x1xi32> to vector<16xi32>
        %gather3A_1422 = tpu.dynamic_gather %add3A_1387[%gather3A_1421] in [0] : vector<16xi32>, vector<16xi32> -> vector<16xi32>
        %add3A_1423 = arith.addi %add3A_1387, %gather3A_1422 : vector<16xi32>
        %add3A_1424 = arith.constant 8 : i32
        %add3A_1425 = vector.broadcast %add3A_1424 : i32 to vector<16xi32>
        %add3A_1426 = arith.addi %iota3A_1315, %add3A_1425 : vector<16xi32>
        %jit3A_1427 = arith.constant 16 : i32
        %eq3A_1428 = arith.constant 0 : i32
        %eq3A_1429 = arith.cmpi eq, %jit3A_1427, %eq3A_1428 : i32
        %jit3A_1430 = arith.constant 1 : i32
        %select_n3A_1431 = arith.select %eq3A_1429, %jit3A_1430, %jit3A_1427 : i32
        %rem3A_1432 = vector.broadcast %select_n3A_1431 : i32 to vector<16xi32>
        %rem3A_1433 = arith.remsi %add3A_1426, %rem3A_1432 : vector<16xi32>
        %ne3A_1434 = arith.constant 0 : i32
        %ne3A_1435 = vector.broadcast %ne3A_1434 : i32 to vector<16xi32>
        %ne3A_1436 = arith.cmpi ne, %rem3A_1433, %ne3A_1435 : vector<16xi32>
        %lt3A_1437 = arith.constant 0 : i32
        %lt3A_1438 = vector.broadcast %lt3A_1437 : i32 to vector<16xi32>
        %lt3A_1439 = arith.cmpi slt, %rem3A_1433, %lt3A_1438 : vector<16xi32>
        %lt3A_1440 = arith.constant 0 : i32
        %lt3A_1441 = arith.cmpi slt, %select_n3A_1431, %lt3A_1440 : i32
        %ne3A_1442 = vector.broadcast %lt3A_1441 : i1 to vector<16xi1>
        %ne3A_1443 = vector.broadcast %ne3A_1442 : vector<16xi1> to vector<16xi1>
        %ne3A_1444 = arith.xori %lt3A_1439, %ne3A_1443 : vector<16xi1>
        %and3A_1445 = arith.andi %ne3A_1444, %ne3A_1436 : vector<16xi1>
        %add3A_1446 = vector.broadcast %select_n3A_1431 : i32 to vector<16xi32>
        %add3A_1447 = arith.addi %rem3A_1433, %add3A_1446 : vector<16xi32>
        %select_n3A_1448 = arith.select %and3A_1445, %add3A_1447, %rem3A_1433 : vector<16xi1>, vector<16xi32>
        %lt3A_1449 = arith.constant 0 : i32
        %lt3A_1450 = vector.broadcast %lt3A_1449 : i32 to vector<16xi32>
        %lt3A_1451 = arith.cmpi slt, %select_n3A_1448, %lt3A_1450 : vector<16xi32>
        %add3A_1452 = arith.constant 16 : i32
        %add3A_1453 = vector.broadcast %add3A_1452 : i32 to vector<16xi32>
        %add3A_1454 = arith.addi %select_n3A_1448, %add3A_1453 : vector<16xi32>
        %select_n3A_1455 = arith.select %lt3A_1451, %add3A_1454, %select_n3A_1448 : vector<16xi1>, vector<16xi32>
        %broadcast_in_dim3A_1456 = vector.shape_cast %select_n3A_1455 : vector<16xi32> to vector<16x1xi32>
        %gather3A_1457 = vector.shape_cast %broadcast_in_dim3A_1456 : vector<16x1xi32> to vector<16xi32>
        %gather3A_1458 = tpu.dynamic_gather %add3A_1423[%gather3A_1457] in [0] : vector<16xi32>, vector<16xi32> -> vector<16xi32>
        %add3A_1459 = arith.addi %add3A_1423, %gather3A_1458 : vector<16xi32>
        %slice3A_1460 = vector.extract_strided_slice %add3A_1459 {offsets = [0], sizes = [1], strides = [1]} : vector<16xi32> to vector<1xi32>
        %squeeze3A_1461 = vector.extract %slice3A_1460[0] : i32 from vector<1xi32>
        %sub3A_1462 = arith.subi %scan3A_1149, %squeeze3A_1461 : i32
        %lt3A_1463 = arith.constant 4096 : i32
        %lt3A_1464 = arith.cmpi slt, %sub3A_1462, %lt3A_1463 : i32
        %select_n3A_1465 = arith.select %lt3A_1464, %scan3A_1148, %squeeze3A_1314 : i32
        %select_n3A_1466 = arith.select %lt3A_1464, %scan3A_1149, %sub3A_1462 : i32
        %sub3A_1467 = arith.constant 4096 : i32
        %sub3A_1468 = arith.subi %sub3A_1467, %sub3A_1462 : i32
        %select_n3A_1469 = arith.select %lt3A_1464, %sub3A_1468, %scan3A_1151 : i32
        scf.yield %select_n3A_1465, %select_n3A_1466, %lt3A_1464, %select_n3A_1469 : i32, i32, i1, i32
      }
      scf.yield %cond3A_1157#0, %cond3A_1157#1, %cond3A_1157#2, %cond3A_1157#3 : i32, i32, i1, i32
    }
    %scan3A_990 = arith.constant 3 : i32
    %broadcast_in_dim3A_991 = arith.constant 0 : i32
    %broadcast_in_dim3A_992 = vector.broadcast %broadcast_in_dim3A_991 : i32 to vector<16xi32>
    %parallel_loop3A_993 = arith.constant 0 : i32
    %parallel_loop3A_994 = arith.constant 512 : i32
    %parallel_loop3A_995 = arith.constant 1 : i32
    %parallel_loop3A_996 = scf.for %parallel_loop3A_1147 = %parallel_loop3A_993 to %parallel_loop3A_994 step %parallel_loop3A_995 iter_args(%parallel_loop3A_1148 = %broadcast_in_dim3A_992) -> (vector<16xi32>)  : i32 {
      %parallel_loop3A_1149 = arith.constant 16 : i32
      %parallel_loop3A_1150 = arith.muli %parallel_loop3A_1147, %parallel_loop3A_1149 : i32
      %parallel_loop3A_1151 = arith.index_cast %parallel_loop3A_1150 : i32 to index
      %parallel_loop3A_1152 = tpu.vector_load %arg7[%parallel_loop3A_1151] {strides = array<i32>} : memref<8192xi32, #tpu.memory_space<vmem>>, vector<16xi32>,
      %parallel_loop3A_1153 = vector.shape_cast %parallel_loop3A_1152 : vector<16xi32> to vector<16xi32>
      %parallel_loop3A_1154 = vector.broadcast %scan3A_989#0 : i32 to vector<16xi32>
      %parallel_loop3A_1155 = arith.cmpi uge, %parallel_loop3A_1153, %parallel_loop3A_1154 : vector<16xi32>
      %parallel_loop3A_1156 = arith.constant 1.000000e+00 : f32
      %parallel_loop3A_1157 = arith.constant 0.000000e+00 : f32
      %parallel_loop3A_1158 = vector.broadcast %parallel_loop3A_1156 : f32 to vector<16xf32>
      %parallel_loop3A_1159 = vector.broadcast %parallel_loop3A_1157 : f32 to vector<16xf32>
      %parallel_loop3A_1160 = arith.select %parallel_loop3A_1155, %parallel_loop3A_1158, %parallel_loop3A_1159 : vector<16xi1>, vector<16xf32>
      %parallel_loop3A_1161 = arith.index_cast %parallel_loop3A_1150 : i32 to index
      %parallel_loop3A_1162 = tpu.vector_load %arg8[%parallel_loop3A_1161] {strides = array<i32>} : memref<8192xf32, #tpu.memory_space<vmem>>, vector<16xf32>,
      %parallel_loop3A_1163 = vector.shape_cast %parallel_loop3A_1162 : vector<16xf32> to vector<16xf32>
      %parallel_loop3A_1164 = vector.shape_cast %parallel_loop3A_1160 : vector<16xf32> to vector<16xf32>
      tpu.vector_store %arg8[%parallel_loop3A_1161], %parallel_loop3A_1164 {strides = array<i32>} : memref<8192xf32, #tpu.memory_space<vmem>>, vector<16xf32>,
      %parallel_loop3A_1165 = vector.broadcast %scan3A_989#0 : i32 to vector<16xi32>
      %parallel_loop3A_1166 = arith.cmpi eq, %parallel_loop3A_1153, %parallel_loop3A_1165 : vector<16xi32>
      %parallel_loop3A_1167 = arith.constant 1 : i32
      %parallel_loop3A_1168 = arith.constant 0 : i32
      %parallel_loop3A_1169 = vector.broadcast %parallel_loop3A_1167 : i32 to vector<16xi32>
      %parallel_loop3A_1170 = vector.broadcast %parallel_loop3A_1168 : i32 to vector<16xi32>
      %parallel_loop3A_1171 = arith.select %parallel_loop3A_1166, %parallel_loop3A_1169, %parallel_loop3A_1170 : vector<16xi1>, vector<16xi32>
      %parallel_loop3A_1172 = arith.addi %parallel_loop3A_1148, %parallel_loop3A_1171 : vector<16xi32>
      scf.yield %parallel_loop3A_1172 : vector<16xi32>
    } {sc.loop_unroll_factor = 8 : i64, sc.parallel_access}
    %iota3A_997 = tpu.iota {dimensions = array<i32: 0>} : vector<16xi32>
    %add3A_998 = arith.constant 1 : i32
    %add3A_999 = vector.broadcast %add3A_998 : i32 to vector<16xi32>
    %add3A_1000 = arith.addi %iota3A_997, %add3A_999 : vector<16xi32>
    %jit3A_1001 = arith.constant 16 : i32
    %eq3A_1002 = arith.constant 0 : i32
    %eq3A_1003 = arith.cmpi eq, %jit3A_1001, %eq3A_1002 : i32
    %jit3A_1004 = arith.constant 1 : i32
    %select_n3A_1005 = arith.select %eq3A_1003, %jit3A_1004, %jit3A_1001 : i32
    %rem3A_1006 = vector.broadcast %select_n3A_1005 : i32 to vector<16xi32>
    %rem3A_1007 = arith.remsi %add3A_1000, %rem3A_1006 : vector<16xi32>
    %ne3A_1008 = arith.constant 0 : i32
    %ne3A_1009 = vector.broadcast %ne3A_1008 : i32 to vector<16xi32>
    %ne3A_1010 = arith.cmpi ne, %rem3A_1007, %ne3A_1009 : vector<16xi32>
    %lt3A_1011 = arith.constant 0 : i32
    %lt3A_1012 = vector.broadcast %lt3A_1011 : i32 to vector<16xi32>
    %lt3A_1013 = arith.cmpi slt, %rem3A_1007, %lt3A_1012 : vector<16xi32>
    %lt3A_1014 = arith.constant 0 : i32
    %lt3A_1015 = arith.cmpi slt, %select_n3A_1005, %lt3A_1014 : i32
    %ne3A_1016 = vector.broadcast %lt3A_1015 : i1 to vector<16xi1>
    %ne3A_1017 = vector.broadcast %ne3A_1016 : vector<16xi1> to vector<16xi1>
    %ne3A_1018 = arith.xori %lt3A_1013, %ne3A_1017 : vector<16xi1>
    %and3A_1019 = arith.andi %ne3A_1018, %ne3A_1010 : vector<16xi1>
    %add3A_1020 = vector.broadcast %select_n3A_1005 : i32 to vector<16xi32>
    %add3A_1021 = arith.addi %rem3A_1007, %add3A_1020 : vector<16xi32>
    %select_n3A_1022 = arith.select %and3A_1019, %add3A_1021, %rem3A_1007 : vector<16xi1>, vector<16xi32>
    %lt3A_1023 = arith.constant 0 : i32
    %lt3A_1024 = vector.broadcast %lt3A_1023 : i32 to vector<16xi32>
    %lt3A_1025 = arith.cmpi slt, %select_n3A_1022, %lt3A_1024 : vector<16xi32>
    %add3A_1026 = arith.constant 16 : i32
    %add3A_1027 = vector.broadcast %add3A_1026 : i32 to vector<16xi32>
    %add3A_1028 = arith.addi %select_n3A_1022, %add3A_1027 : vector<16xi32>
    %select_n3A_1029 = arith.select %lt3A_1025, %add3A_1028, %select_n3A_1022 : vector<16xi1>, vector<16xi32>
    %broadcast_in_dim3A_1030 = vector.shape_cast %select_n3A_1029 : vector<16xi32> to vector<16x1xi32>
    %gather3A_1031 = vector.shape_cast %broadcast_in_dim3A_1030 : vector<16x1xi32> to vector<16xi32>
    %gather3A_1032 = tpu.dynamic_gather %parallel_loop3A_996[%gather3A_1031] in [0] : vector<16xi32>, vector<16xi32> -> vector<16xi32>
    %add3A_1033 = arith.addi %parallel_loop3A_996, %gather3A_1032 : vector<16xi32>
    %add3A_1034 = arith.constant 2 : i32
    %add3A_1035 = vector.broadcast %add3A_1034 : i32 to vector<16xi32>
    %add3A_1036 = arith.addi %iota3A_997, %add3A_1035 : vector<16xi32>
    %jit3A_1037 = arith.constant 16 : i32
    %eq3A_1038 = arith.constant 0 : i32
    %eq3A_1039 = arith.cmpi eq, %jit3A_1037, %eq3A_1038 : i32
    %jit3A_1040 = arith.constant 1 : i32
    %select_n3A_1041 = arith.select %eq3A_1039, %jit3A_1040, %jit3A_1037 : i32
    %rem3A_1042 = vector.broadcast %select_n3A_1041 : i32 to vector<16xi32>
    %rem3A_1043 = arith.remsi %add3A_1036, %rem3A_1042 : vector<16xi32>
    %ne3A_1044 = arith.constant 0 : i32
    %ne3A_1045 = vector.broadcast %ne3A_1044 : i32 to vector<16xi32>
    %ne3A_1046 = arith.cmpi ne, %rem3A_1043, %ne3A_1045 : vector<16xi32>
    %lt3A_1047 = arith.constant 0 : i32
    %lt3A_1048 = vector.broadcast %lt3A_1047 : i32 to vector<16xi32>
    %lt3A_1049 = arith.cmpi slt, %rem3A_1043, %lt3A_1048 : vector<16xi32>
    %lt3A_1050 = arith.constant 0 : i32
    %lt3A_1051 = arith.cmpi slt, %select_n3A_1041, %lt3A_1050 : i32
    %ne3A_1052 = vector.broadcast %lt3A_1051 : i1 to vector<16xi1>
    %ne3A_1053 = vector.broadcast %ne3A_1052 : vector<16xi1> to vector<16xi1>
    %ne3A_1054 = arith.xori %lt3A_1049, %ne3A_1053 : vector<16xi1>
    %and3A_1055 = arith.andi %ne3A_1054, %ne3A_1046 : vector<16xi1>
    %add3A_1056 = vector.broadcast %select_n3A_1041 : i32 to vector<16xi32>
    %add3A_1057 = arith.addi %rem3A_1043, %add3A_1056 : vector<16xi32>
    %select_n3A_1058 = arith.select %and3A_1055, %add3A_1057, %rem3A_1043 : vector<16xi1>, vector<16xi32>
    %lt3A_1059 = arith.constant 0 : i32
    %lt3A_1060 = vector.broadcast %lt3A_1059 : i32 to vector<16xi32>
    %lt3A_1061 = arith.cmpi slt, %select_n3A_1058, %lt3A_1060 : vector<16xi32>
    %add3A_1062 = arith.constant 16 : i32
    %add3A_1063 = vector.broadcast %add3A_1062 : i32 to vector<16xi32>
    %add3A_1064 = arith.addi %select_n3A_1058, %add3A_1063 : vector<16xi32>
    %select_n3A_1065 = arith.select %lt3A_1061, %add3A_1064, %select_n3A_1058 : vector<16xi1>, vector<16xi32>
    %broadcast_in_dim3A_1066 = vector.shape_cast %select_n3A_1065 : vector<16xi32> to vector<16x1xi32>
    %gather3A_1067 = vector.shape_cast %broadcast_in_dim3A_1066 : vector<16x1xi32> to vector<16xi32>
    %gather3A_1068 = tpu.dynamic_gather %add3A_1033[%gather3A_1067] in [0] : vector<16xi32>, vector<16xi32> -> vector<16xi32>
    %add3A_1069 = arith.addi %add3A_1033, %gather3A_1068 : vector<16xi32>
    %add3A_1070 = arith.constant 4 : i32
    %add3A_1071 = vector.broadcast %add3A_1070 : i32 to vector<16xi32>
    %add3A_1072 = arith.addi %iota3A_997, %add3A_1071 : vector<16xi32>
    %jit3A_1073 = arith.constant 16 : i32
    %eq3A_1074 = arith.constant 0 : i32
    %eq3A_1075 = arith.cmpi eq, %jit3A_1073, %eq3A_1074 : i32
    %jit3A_1076 = arith.constant 1 : i32
    %select_n3A_1077 = arith.select %eq3A_1075, %jit3A_1076, %jit3A_1073 : i32
    %rem3A_1078 = vector.broadcast %select_n3A_1077 : i32 to vector<16xi32>
    %rem3A_1079 = arith.remsi %add3A_1072, %rem3A_1078 : vector<16xi32>
    %ne3A_1080 = arith.constant 0 : i32
    %ne3A_1081 = vector.broadcast %ne3A_1080 : i32 to vector<16xi32>
    %ne3A_1082 = arith.cmpi ne, %rem3A_1079, %ne3A_1081 : vector<16xi32>
    %lt3A_1083 = arith.constant 0 : i32
    %lt3A_1084 = vector.broadcast %lt3A_1083 : i32 to vector<16xi32>
    %lt3A_1085 = arith.cmpi slt, %rem3A_1079, %lt3A_1084 : vector<16xi32>
    %lt3A_1086 = arith.constant 0 : i32
    %lt3A_1087 = arith.cmpi slt, %select_n3A_1077, %lt3A_1086 : i32
    %ne3A_1088 = vector.broadcast %lt3A_1087 : i1 to vector<16xi1>
    %ne3A_1089 = vector.broadcast %ne3A_1088 : vector<16xi1> to vector<16xi1>
    %ne3A_1090 = arith.xori %lt3A_1085, %ne3A_1089 : vector<16xi1>
    %and3A_1091 = arith.andi %ne3A_1090, %ne3A_1082 : vector<16xi1>
    %add3A_1092 = vector.broadcast %select_n3A_1077 : i32 to vector<16xi32>
    %add3A_1093 = arith.addi %rem3A_1079, %add3A_1092 : vector<16xi32>
    %select_n3A_1094 = arith.select %and3A_1091, %add3A_1093, %rem3A_1079 : vector<16xi1>, vector<16xi32>
    %lt3A_1095 = arith.constant 0 : i32
    %lt3A_1096 = vector.broadcast %lt3A_1095 : i32 to vector<16xi32>
    %lt3A_1097 = arith.cmpi slt, %select_n3A_1094, %lt3A_1096 : vector<16xi32>
    %add3A_1098 = arith.constant 16 : i32
    %add3A_1099 = vector.broadcast %add3A_1098 : i32 to vector<16xi32>
    %add3A_1100 = arith.addi %select_n3A_1094, %add3A_1099 : vector<16xi32>
    %select_n3A_1101 = arith.select %lt3A_1097, %add3A_1100, %select_n3A_1094 : vector<16xi1>, vector<16xi32>
    %broadcast_in_dim3A_1102 = vector.shape_cast %select_n3A_1101 : vector<16xi32> to vector<16x1xi32>
    %gather3A_1103 = vector.shape_cast %broadcast_in_dim3A_1102 : vector<16x1xi32> to vector<16xi32>
    %gather3A_1104 = tpu.dynamic_gather %add3A_1069[%gather3A_1103] in [0] : vector<16xi32>, vector<16xi32> -> vector<16xi32>
    %add3A_1105 = arith.addi %add3A_1069, %gather3A_1104 : vector<16xi32>
    %add3A_1106 = arith.constant 8 : i32
    %add3A_1107 = vector.broadcast %add3A_1106 : i32 to vector<16xi32>
    %add3A_1108 = arith.addi %iota3A_997, %add3A_1107 : vector<16xi32>
    %jit3A_1109 = arith.constant 16 : i32
    %eq3A_1110 = arith.constant 0 : i32
    %eq3A_1111 = arith.cmpi eq, %jit3A_1109, %eq3A_1110 : i32
    %jit3A_1112 = arith.constant 1 : i32
    %select_n3A_1113 = arith.select %eq3A_1111, %jit3A_1112, %jit3A_1109 : i32
    %rem3A_1114 = vector.broadcast %select_n3A_1113 : i32 to vector<16xi32>
    %rem3A_1115 = arith.remsi %add3A_1108, %rem3A_1114 : vector<16xi32>
    %ne3A_1116 = arith.constant 0 : i32
    %ne3A_1117 = vector.broadcast %ne3A_1116 : i32 to vector<16xi32>
    %ne3A_1118 = arith.cmpi ne, %rem3A_1115, %ne3A_1117 : vector<16xi32>
    %lt3A_1119 = arith.constant 0 : i32
    %lt3A_1120 = vector.broadcast %lt3A_1119 : i32 to vector<16xi32>
    %lt3A_1121 = arith.cmpi slt, %rem3A_1115, %lt3A_1120 : vector<16xi32>
    %lt3A_1122 = arith.constant 0 : i32
    %lt3A_1123 = arith.cmpi slt, %select_n3A_1113, %lt3A_1122 : i32
    %ne3A_1124 = vector.broadcast %lt3A_1123 : i1 to vector<16xi1>
    %ne3A_1125 = vector.broadcast %ne3A_1124 : vector<16xi1> to vector<16xi1>
    %ne3A_1126 = arith.xori %lt3A_1121, %ne3A_1125 : vector<16xi1>
    %and3A_1127 = arith.andi %ne3A_1126, %ne3A_1118 : vector<16xi1>
    %add3A_1128 = vector.broadcast %select_n3A_1113 : i32 to vector<16xi32>
    %add3A_1129 = arith.addi %rem3A_1115, %add3A_1128 : vector<16xi32>
    %select_n3A_1130 = arith.select %and3A_1127, %add3A_1129, %rem3A_1115 : vector<16xi1>, vector<16xi32>
    %lt3A_1131 = arith.constant 0 : i32
    %lt3A_1132 = vector.broadcast %lt3A_1131 : i32 to vector<16xi32>
    %lt3A_1133 = arith.cmpi slt, %select_n3A_1130, %lt3A_1132 : vector<16xi32>
    %add3A_1134 = arith.constant 16 : i32
    %add3A_1135 = vector.broadcast %add3A_1134 : i32 to vector<16xi32>
    %add3A_1136 = arith.addi %select_n3A_1130, %add3A_1135 : vector<16xi32>
    %select_n3A_1137 = arith.select %lt3A_1133, %add3A_1136, %select_n3A_1130 : vector<16xi1>, vector<16xi32>
    %broadcast_in_dim3A_1138 = vector.shape_cast %select_n3A_1137 : vector<16xi32> to vector<16x1xi32>
    %gather3A_1139 = vector.shape_cast %broadcast_in_dim3A_1138 : vector<16x1xi32> to vector<16xi32>
    %gather3A_1140 = tpu.dynamic_gather %add3A_1105[%gather3A_1139] in [0] : vector<16xi32>, vector<16xi32> -> vector<16xi32>
    %add3A_1141 = arith.addi %add3A_1105, %gather3A_1140 : vector<16xi32>
    %slice3A_1142 = vector.extract_strided_slice %add3A_1141 {offsets = [0], sizes = [1], strides = [1]} : vector<16xi32> to vector<1xi32>
    %squeeze3A_1143 = vector.extract %slice3A_1142[0] : i32 from vector<1xi32>
    %select_n3A_1144 = arith.select %scan3A_989#2, %scan3A_989#3, %squeeze3A_1143 : i32
    %ne3A_1145 = arith.cmpi ne, %squeeze3A_1143, %select_n3A_1144 : i32
    %convert_element_type3A = arith.extui %ne3A_1145 : i1 to i32
    %cond3A = arith.constant 0 : i32
    %cond3A_1146 = arith.cmpi ne, %convert_element_type3A, %cond3A : i32
    scf.if %cond3A_1146 {
      %iota3A_1147 = tpu.iota {dimensions = array<i32: 0>} : vector<16xi32>
      %scan3A_1148 = arith.constant 0 : i32
      %scan3A_1149 = arith.constant 0 : i32
      %scan3A_1150 = arith.constant 512 : i32
      %scan3A_1151 = arith.addi %scan3A_1149, %scan3A_1150 : i32
      %scan3A_1152 = arith.constant 1 : i32
      %scan3A_1153 = scf.for %scan3A_1155 = %scan3A_1149 to %scan3A_1151 step %scan3A_1152 iter_args(%scan3A_1156 = %scan3A_1148) -> (i32)  : i32 {
        %mul3A_1157 = arith.constant 16 : i32
        %mul3A_1158 = arith.muli %scan3A_1155, %mul3A_1157 : i32
        %get3A = arith.index_cast %mul3A_1158 : i32 to index
        %get3A_1159 = tpu.vector_load %arg7[%get3A] {strides = array<i32>} : memref<8192xi32, #tpu.memory_space<vmem>>, vector<16xi32>,
        %get3A_1160 = vector.shape_cast %get3A_1159 : vector<16xi32> to vector<16xi32>
        %eq3A_1161 = vector.broadcast %scan3A_989#0 : i32 to vector<16xi32>
        %eq3A_1162 = arith.cmpi eq, %get3A_1160, %eq3A_1161 : vector<16xi32>
        %jit3A_1163 = arith.constant 1 : i32
        %jit3A_1164 = arith.constant 0 : i32
        %broadcast_in_dim3A_1165 = vector.broadcast %jit3A_1163 : i32 to vector<16xi32>
        %broadcast_in_dim3A_1166 = vector.broadcast %jit3A_1164 : i32 to vector<16xi32>
        %select_n3A_1167 = arith.select %eq3A_1162, %broadcast_in_dim3A_1165, %broadcast_in_dim3A_1166 : vector<16xi1>, vector<16xi32>
        %sub3A_1168 = arith.constant 1 : i32
        %sub3A_1169 = vector.broadcast %sub3A_1168 : i32 to vector<16xi32>
        %sub3A_1170 = arith.subi %iota3A_1147, %sub3A_1169 : vector<16xi32>
        %max3A_1171 = arith.constant 0 : i32
        %max3A_1172 = vector.broadcast %max3A_1171 : i32 to vector<16xi32>
        %max3A_1173 = arith.maxsi %sub3A_1170, %max3A_1172 : vector<16xi32>
        %lt3A_1174 = arith.constant 0 : i32
        %lt3A_1175 = vector.broadcast %lt3A_1174 : i32 to vector<16xi32>
        %lt3A_1176 = arith.cmpi slt, %max3A_1173, %lt3A_1175 : vector<16xi32>
        %add3A_1177 = arith.constant 16 : i32
        %add3A_1178 = vector.broadcast %add3A_1177 : i32 to vector<16xi32>
        %add3A_1179 = arith.addi %max3A_1173, %add3A_1178 : vector<16xi32>
        %select_n3A_1180 = arith.select %lt3A_1176, %add3A_1179, %max3A_1173 : vector<16xi1>, vector<16xi32>
        %broadcast_in_dim3A_1181 = vector.shape_cast %select_n3A_1180 : vector<16xi32> to vector<16x1xi32>
        %gather3A_1182 = vector.shape_cast %broadcast_in_dim3A_1181 : vector<16x1xi32> to vector<16xi32>
        %gather3A_1183 = tpu.dynamic_gather %select_n3A_1167[%gather3A_1182] in [0] : vector<16xi32>, vector<16xi32> -> vector<16xi32>
        %ge3A_1184 = arith.constant 1 : i32
        %ge3A_1185 = vector.broadcast %ge3A_1184 : i32 to vector<16xi32>
        %ge3A_1186 = arith.cmpi sge, %iota3A_1147, %ge3A_1185 : vector<16xi32>
        %jit3A_1187 = arith.constant 0 : i32
        %broadcast_in_dim3A_1188 = vector.broadcast %jit3A_1187 : i32 to vector<16xi32>
        %select_n3A_1189 = arith.select %ge3A_1186, %gather3A_1183, %broadcast_in_dim3A_1188 : vector<16xi1>, vector<16xi32>
        %add3A_1190 = arith.addi %select_n3A_1167, %select_n3A_1189 : vector<16xi32>
        %sub3A_1191 = arith.constant 2 : i32
        %sub3A_1192 = vector.broadcast %sub3A_1191 : i32 to vector<16xi32>
        %sub3A_1193 = arith.subi %iota3A_1147, %sub3A_1192 : vector<16xi32>
        %max3A_1194 = arith.constant 0 : i32
        %max3A_1195 = vector.broadcast %max3A_1194 : i32 to vector<16xi32>
        %max3A_1196 = arith.maxsi %sub3A_1193, %max3A_1195 : vector<16xi32>
        %lt3A_1197 = arith.constant 0 : i32
        %lt3A_1198 = vector.broadcast %lt3A_1197 : i32 to vector<16xi32>
        %lt3A_1199 = arith.cmpi slt, %max3A_1196, %lt3A_1198 : vector<16xi32>
        %add3A_1200 = arith.constant 16 : i32
        %add3A_1201 = vector.broadcast %add3A_1200 : i32 to vector<16xi32>
        %add3A_1202 = arith.addi %max3A_1196, %add3A_1201 : vector<16xi32>
        %select_n3A_1203 = arith.select %lt3A_1199, %add3A_1202, %max3A_1196 : vector<16xi1>, vector<16xi32>
        %broadcast_in_dim3A_1204 = vector.shape_cast %select_n3A_1203 : vector<16xi32> to vector<16x1xi32>
        %gather3A_1205 = vector.shape_cast %broadcast_in_dim3A_1204 : vector<16x1xi32> to vector<16xi32>
        %gather3A_1206 = tpu.dynamic_gather %add3A_1190[%gather3A_1205] in [0] : vector<16xi32>, vector<16xi32> -> vector<16xi32>
        %ge3A_1207 = arith.constant 2 : i32
        %ge3A_1208 = vector.broadcast %ge3A_1207 : i32 to vector<16xi32>
        %ge3A_1209 = arith.cmpi sge, %iota3A_1147, %ge3A_1208 : vector<16xi32>
        %jit3A_1210 = arith.constant 0 : i32
        %broadcast_in_dim3A_1211 = vector.broadcast %jit3A_1210 : i32 to vector<16xi32>
        %select_n3A_1212 = arith.select %ge3A_1209, %gather3A_1206, %broadcast_in_dim3A_1211 : vector<16xi1>, vector<16xi32>
        %add3A_1213 = arith.addi %add3A_1190, %select_n3A_1212 : vector<16xi32>
        %sub3A_1214 = arith.constant 4 : i32
        %sub3A_1215 = vector.broadcast %sub3A_1214 : i32 to vector<16xi32>
        %sub3A_1216 = arith.subi %iota3A_1147, %sub3A_1215 : vector<16xi32>
        %max3A_1217 = arith.constant 0 : i32
        %max3A_1218 = vector.broadcast %max3A_1217 : i32 to vector<16xi32>
        %max3A_1219 = arith.maxsi %sub3A_1216, %max3A_1218 : vector<16xi32>
        %lt3A_1220 = arith.constant 0 : i32
        %lt3A_1221 = vector.broadcast %lt3A_1220 : i32 to vector<16xi32>
        %lt3A_1222 = arith.cmpi slt, %max3A_1219, %lt3A_1221 : vector<16xi32>
        %add3A_1223 = arith.constant 16 : i32
        %add3A_1224 = vector.broadcast %add3A_1223 : i32 to vector<16xi32>
        %add3A_1225 = arith.addi %max3A_1219, %add3A_1224 : vector<16xi32>
        %select_n3A_1226 = arith.select %lt3A_1222, %add3A_1225, %max3A_1219 : vector<16xi1>, vector<16xi32>
        %broadcast_in_dim3A_1227 = vector.shape_cast %select_n3A_1226 : vector<16xi32> to vector<16x1xi32>
        %gather3A_1228 = vector.shape_cast %broadcast_in_dim3A_1227 : vector<16x1xi32> to vector<16xi32>
        %gather3A_1229 = tpu.dynamic_gather %add3A_1213[%gather3A_1228] in [0] : vector<16xi32>, vector<16xi32> -> vector<16xi32>
        %ge3A_1230 = arith.constant 4 : i32
        %ge3A_1231 = vector.broadcast %ge3A_1230 : i32 to vector<16xi32>
        %ge3A_1232 = arith.cmpi sge, %iota3A_1147, %ge3A_1231 : vector<16xi32>
        %jit3A_1233 = arith.constant 0 : i32
        %broadcast_in_dim3A_1234 = vector.broadcast %jit3A_1233 : i32 to vector<16xi32>
        %select_n3A_1235 = arith.select %ge3A_1232, %gather3A_1229, %broadcast_in_dim3A_1234 : vector<16xi1>, vector<16xi32>
        %add3A_1236 = arith.addi %add3A_1213, %select_n3A_1235 : vector<16xi32>
        %sub3A_1237 = arith.constant 8 : i32
        %sub3A_1238 = vector.broadcast %sub3A_1237 : i32 to vector<16xi32>
        %sub3A_1239 = arith.subi %iota3A_1147, %sub3A_1238 : vector<16xi32>
        %max3A_1240 = arith.constant 0 : i32
        %max3A_1241 = vector.broadcast %max3A_1240 : i32 to vector<16xi32>
        %max3A_1242 = arith.maxsi %sub3A_1239, %max3A_1241 : vector<16xi32>
        %lt3A_1243 = arith.constant 0 : i32
        %lt3A_1244 = vector.broadcast %lt3A_1243 : i32 to vector<16xi32>
        %lt3A_1245 = arith.cmpi slt, %max3A_1242, %lt3A_1244 : vector<16xi32>
        %add3A_1246 = arith.constant 16 : i32
        %add3A_1247 = vector.broadcast %add3A_1246 : i32 to vector<16xi32>
        %add3A_1248 = arith.addi %max3A_1242, %add3A_1247 : vector<16xi32>
        %select_n3A_1249 = arith.select %lt3A_1245, %add3A_1248, %max3A_1242 : vector<16xi1>, vector<16xi32>
        %broadcast_in_dim3A_1250 = vector.shape_cast %select_n3A_1249 : vector<16xi32> to vector<16x1xi32>
        %gather3A_1251 = vector.shape_cast %broadcast_in_dim3A_1250 : vector<16x1xi32> to vector<16xi32>
        %gather3A_1252 = tpu.dynamic_gather %add3A_1236[%gather3A_1251] in [0] : vector<16xi32>, vector<16xi32> -> vector<16xi32>
        %ge3A_1253 = arith.constant 8 : i32
        %ge3A_1254 = vector.broadcast %ge3A_1253 : i32 to vector<16xi32>
        %ge3A_1255 = arith.cmpi sge, %iota3A_1147, %ge3A_1254 : vector<16xi32>
        %jit3A_1256 = arith.constant 0 : i32
        %broadcast_in_dim3A_1257 = vector.broadcast %jit3A_1256 : i32 to vector<16xi32>
        %select_n3A_1258 = arith.select %ge3A_1255, %gather3A_1252, %broadcast_in_dim3A_1257 : vector<16xi1>, vector<16xi32>
        %add3A_1259 = arith.addi %add3A_1236, %select_n3A_1258 : vector<16xi32>
        %gt3A_1260 = vector.broadcast %scan3A_989#0 : i32 to vector<16xi32>
        %gt3A_1261 = arith.cmpi ugt, %get3A_1160, %gt3A_1260 : vector<16xi32>
        %add3A_1262 = vector.broadcast %scan3A_1156 : i32 to vector<16xi32>
        %add3A_1263 = arith.addi %add3A_1262, %add3A_1259 : vector<16xi32>
        %le3A = vector.broadcast %select_n3A_1144 : i32 to vector<16xi32>
        %le3A_1264 = arith.cmpi sle, %add3A_1263, %le3A : vector<16xi32>
        %or3A_1265 = arith.ori %gt3A_1261, %le3A_1264 : vector<16xi1>
        %ge3A_1266 = vector.broadcast %scan3A_989#0 : i32 to vector<16xi32>
        %ge3A_1267 = arith.cmpi uge, %get3A_1160, %ge3A_1266 : vector<16xi32>
        %and3A_1268 = arith.andi %or3A_1265, %ge3A_1267 : vector<16xi1>
        %jit3A_1269 = arith.constant 1.000000e+00 : f32
        %jit3A_1270 = arith.constant 0.000000e+00 : f32
        %broadcast_in_dim3A_1271 = vector.broadcast %jit3A_1269 : f32 to vector<16xf32>
        %broadcast_in_dim3A_1272 = vector.broadcast %jit3A_1270 : f32 to vector<16xf32>
        %select_n3A_1273 = arith.select %and3A_1268, %broadcast_in_dim3A_1271, %broadcast_in_dim3A_1272 : vector<16xi1>, vector<16xf32>
        %swap3A = arith.index_cast %mul3A_1158 : i32 to index
        %swap3A_1274 = tpu.vector_load %arg8[%swap3A] {strides = array<i32>} : memref<8192xf32, #tpu.memory_space<vmem>>, vector<16xf32>,
        %swap3A_1275 = vector.shape_cast %swap3A_1274 : vector<16xf32> to vector<16xf32>
        %swap3A_1276 = vector.shape_cast %select_n3A_1273 : vector<16xf32> to vector<16xf32>
        tpu.vector_store %arg8[%swap3A], %swap3A_1276 {strides = array<i32>} : memref<8192xf32, #tpu.memory_space<vmem>>, vector<16xf32>,
        %slice3A_1277 = vector.extract_strided_slice %add3A_1259 {offsets = [15], sizes = [1], strides = [1]} : vector<16xi32> to vector<1xi32>
        %squeeze3A_1278 = vector.extract %slice3A_1277[0] : i32 from vector<1xi32>
        %add3A_1279 = arith.addi %scan3A_1156, %squeeze3A_1278 : i32
        scf.yield %add3A_1279 : i32
      }
      %scan3A_1154 = arith.constant 512 : i32
    } else {
    }
    "tpu.region"() ({
      %run_scoped3A = tpu.sem_alloc : memref<!tpu.dma_semaphore, #tpu.memory_space<semaphore_mem>>
      %dma_start3A = arith.constant 0 : i32
      %dma_start3A_1147 = tpu.memref_slice %arg4[%arg1, %dma_start3A] : memref<16x8192xf32, #tpu.memory_space<hbm>> -> memref<1x8192xf32, #tpu.memory_space<hbm>>
      %dma_start3A_1148 = tpu.memref_squeeze %dma_start3A_1147 : memref<1x8192xf32, #tpu.memory_space<hbm>> -> memref<8192xf32, #tpu.memory_space<hbm>>
      %dma_start3A_1149 = arith.constant 0 : i32
      %dma_start3A_1150 = tpu.memref_slice %arg4[%arg1, %dma_start3A_1149] : memref<16x8192xf32, #tpu.memory_space<hbm>> -> memref<1x8192xf32, #tpu.memory_space<hbm>>
      %dma_start3A_1151 = tpu.memref_squeeze %dma_start3A_1150 : memref<1x8192xf32, #tpu.memory_space<hbm>> -> memref<8192xf32, #tpu.memory_space<hbm>>
      tpu.enqueue_dma source(%arg8 : memref<8192xf32, #tpu.memory_space<vmem>>) target(%dma_start3A_1151 : memref<8192xf32, #tpu.memory_space<hbm>>) target_semaphore(%run_scoped3A : memref<!tpu.dma_semaphore, #tpu.memory_space<semaphore_mem>>)
      %dma_wait3A = arith.constant 0 : i32
      %dma_wait3A_1152 = tpu.memref_slice %arg4[%arg1, %dma_wait3A] : memref<16x8192xf32, #tpu.memory_space<hbm>> -> memref<1x8192xf32, #tpu.memory_space<hbm>>
      %dma_wait3A_1153 = tpu.memref_squeeze %dma_wait3A_1152 : memref<1x8192xf32, #tpu.memory_space<hbm>> -> memref<8192xf32, #tpu.memory_space<hbm>>
      %dma_wait3A_1154 = arith.constant 0 : i32
      %dma_wait3A_1155 = tpu.memref_slice %arg4[%arg1, %dma_wait3A_1154] : memref<16x8192xf32, #tpu.memory_space<hbm>> -> memref<1x8192xf32, #tpu.memory_space<hbm>>
      %dma_wait3A_1156 = tpu.memref_squeeze %dma_wait3A_1155 : memref<1x8192xf32, #tpu.memory_space<hbm>> -> memref<8192xf32, #tpu.memory_space<hbm>>
      tpu.wait_dma2 semaphore(%run_scoped3A : memref<!tpu.dma_semaphore, #tpu.memory_space<semaphore_mem>>) src(%arg8 : memref<8192xf32, #tpu.memory_space<vmem>>) dst(%dma_wait3A_1156 : memref<8192xf32, #tpu.memory_space<hbm>>)
      tpu.yield
    }) : () -> ()
    return
  }
}

</mosaic_0001>

<sc_bundles>
// kernel: kernel.4.cloned.1.call-start
scs
__scs_entry_jumppad:
0x0: {  	(pc) =	sbr.rel $0x88, $3  }
0x1: {  	(tag) =	ssettag $0x0;
	lr =	simm.s32 $0x1  }
0x2: {  	[smem:$0x3FA0] =	sst lr;
	_ =	strace $0xD0000000  }
0x3: {  	_ = 	snop  }
0x4: {  	_ = 	snop  }
0x5: {  	_ = 	snop  }
0x6: {  	_ = 	snop  }
0x7: {  	_ = 	snop  }
__scs_overlays_trampoline_lowered:
0x8: {  	[smem:$0x3FAF] =	sst s0  }
0x9: {  	[smem:$0x3FB0] =	sst s1  }
0xa: {  	[smem:$0x3FB1] =	sst s2  }
0xb: {  	[smem:$0x3FB2] =	sst s3  }
0xc: {  	[smem:$0x3FB3] =	sst s4  }
0xd: {  	[smem:$0x3FB4] =	sst s5  }
0xe: {  	[smem:$0x3FB5] =	sst s6  }
0xf: {  	[smem:$0x3FB6] =	sst s7  }
0x10: {  	[smem:$0x3FB7] =	sst s8  }
0x11: {  	[smem:$0x3FB8] =	sst s9;
	s0 =	simm.s32 @!p0 $0x0  }
0x12: {  	s1 =	sld [smem:$0x3F9E];
	s0 =	simm.s32 @p0 $0x1  }
0x13: {  	[smem:$0x3FB9] =	sst s0;
	s0 =	simm.s32 @!p1 $0x0  }
0x14: {  	s2 =	sld [smem:$0x3F9D];
	s0 =	simm.s32 @p1 $0x1  }
0x15: {  	[smem:$0x3FBA] =	sst s0;
	s0 =	simm.s32 @!p2 $0x0  }
0x16: {  	s3 =	sld [smem:$0x3FDB];
	s0 =	simm.s32 @p2 $0x1  }
0x17: {  	s4 =	simm.s32 $0x1BF5;
	[smem:$0x3FBC] =	sst s0  }
0x18: {  	s0 =	sld [smem:$0x3F9F];
	_ =	swait.ge [sflag:s4], $0x0  }
0x19: {  	s7 =	sld [smem:$0x3FA0]  }
0x1a: {  	s8 =	sadd.s32 $0xFFFFE003, lr  }
0x1b: {  	s9 =	sadd.s32 $0xFFFFFEF7, lr;
	s5 =	simm.s32 $0xFFFFFFFF;
	p2 =	slt.u32 s8, $0xFFFFF086  }
0x1c: {  	p1 =	slt.u32 s9, $0xF7A;
	s5 =	simm.s32 @!p2 $0x0  }
0x1d: {  	s5 =	simm.s32 @p1 $0x1;
	p0 =	seq.s32 s7, s2  }
0x1e: {  	s7 =	smul.u32 @!p0 $0xF7A, s2;
	p2 =	seq.s32 @!p0 s5, $0x0  }
0x1f: {  	s9 =	smul.u32 $0xF7A, s1;
	s8 =	simm.s32 @!p0 $0x1BF5;
	p2 =	por !p2, p0  }
0x20: {  	[sflag:s8] =	ssyncset.s32 @!p0 $0xFFFFF086;
	s6 =	sadd.s32 @!p0 s3, s7;
	s7 =	simm.s32 @!p0 $0x108  }
0x21: {  	s3 =	sadd.s32 s3, s9;
	s6 =	sadd.s32 @!p0 $0x88, s6;
	s7 =	simm.s32 @p2 $0x1082  }
0x22: {  	[simem:s7], [sflag:s8] =	dma.local @!p0 [hbm:s6], $0xF7A  }
0x23: {  	s9 =	sor.u32 $0xD0000000, s2;
	s6 =	simm.s32 $0x108;
	_ =	swait.ge @!p0 [sflag:s8], $0x0  }
0x24: {  	s3 =	sadd.s32 $0x88, s3;
	s6 =	simm.s32 @!p1 $0x1082;
	[sflag:s4] =	ssyncset.s32 $0xFFFFF086  }
0x25: {  	[simem:s6], [sflag:s4] =	dma.local [hbm:s3], $0xF7A  }
0x26: {  	[smem:$0x3FA0] =	sst s1;
	(tag) =	ssettag s2;
	_ =	strace s9  }
0x27: {  	s1 =	sld [smem:$0x3FB0]  }
0x28: {  	s2 =	sld [smem:$0x3FB1]  }
0x29: {  	s4 =	sld [smem:$0x3FB3]  }
0x2a: {  	p0 =	seq.s32 s5, $0x0;
	s5 =	sld [smem:$0x3FB4]  }
0x2b: {  	s6 =	sld [smem:$0x3FB5]  }
0x2c: {  	s7 =	sld [smem:$0x3FB6]  }
0x2d: {  	s3 =	simm.s32 $0x108;
	s8 =	sld [smem:$0x3FB7]  }
0x2e: {  	s3 =	simm.s32 @!p0 $0x1082;
	s9 =	sld [smem:$0x3FB8]  }
0x2f: {  	lr =	sadd.s32 s0, s3;
	s0 =	sld [smem:$0x3FAF]  }
0x30: {  	s3 =	sld [smem:$0x3FB2]  }
0x31: {  	[smem:$0x3FBB] =	sst s10  }
0x32: {  	s10 =	sld [smem:$0x3FB9];
	_ =	sdelay $0x3  }
0x33: {  	p0 =	seq.s32 s10, $0x1;
	s10 =	sld [smem:$0x3FBB];
	_ =	sdelay $0x3  }
0x34: {  	[smem:$0x3FBB] =	sst s10  }
0x35: {  	s10 =	sld [smem:$0x3FBA];
	_ =	sdelay $0x3  }
0x36: {  	p1 =	seq.s32 s10, $0x1;
	s10 =	sld [smem:$0x3FBB];
	_ =	sdelay $0x3  }
0x37: {  	[smem:$0x3FBB] =	sst s10  }
0x38: {  	s10 =	sld [smem:$0x3FBC]  }
0x39: {  	_ = 	snop;
	(pc) =	sbr.ind lr, $3  }
0x3a: {  	_ = 	snop  }
0x3b: {  	_ = 	snop  }
0x3c: {  	p2 =	seq.s32 s10, $0x1;
	s10 =	sld [smem:$0x3FBB]  }
0x3d: {  	_ =	shalt  }
0x3e: {  	_ =	shalt  }
0x3f: {  	_ =	shalt  }
0x40: {  	_ =	shalt  }
0x41: {  	_ =	shalt  }
0x42: {  	_ =	shalt  }
0x43: {  	_ =	shalt  }
0x44: {  	_ =	shalt  }
0x45: {  	_ =	shalt  }
0x46: {  	_ =	shalt  }
0x47: {  	_ =	shalt  }
0x48: {  	_ =	shalt  }
0x49: {  	_ =	shalt  }
0x4a: {  	_ =	shalt  }
0x4b: {  	_ =	shalt  }
0x4c: {  	_ =	shalt  }
0x4d: {  	_ =	shalt  }
0x4e: {  	_ =	shalt  }
0x4f: {  	_ =	shalt  }
0x50: {  	_ =	shalt  }
0x51: {  	_ =	shalt  }
0x52: {  	_ =	shalt  }
0x53: {  	_ =	shalt  }
0x54: {  	_ =	shalt  }
0x55: {  	_ =	shalt  }
0x56: {  	_ =	shalt  }
0x57: {  	_ =	shalt  }
0x58: {  	_ =	shalt  }
0x59: {  	_ =	shalt  }
0x5a: {  	_ =	shalt  }
0x5b: {  	_ =	shalt  }
0x5c: {  	_ =	shalt  }
0x5d: {  	_ =	shalt  }
0x5e: {  	_ =	shalt  }
0x5f: {  	_ =	shalt  }
0x60: {  	_ =	shalt  }
0x61: {  	_ =	shalt  }
0x62: {  	_ =	shalt  }
0x63: {  	_ =	shalt  }
0x64: {  	_ =	shalt  }
0x65: {  	_ =	shalt  }
0x66: {  	_ =	shalt  }
0x67: {  	_ =	shalt  }
0x68: {  	_ =	shalt  }
0x69: {  	_ =	shalt  }
0x6a: {  	_ =	shalt  }
0x6b: {  	_ =	shalt  }
0x6c: {  	_ =	shalt  }
0x6d: {  	_ =	shalt  }
0x6e: {  	_ =	shalt  }
0x6f: {  	_ =	shalt  }
0x70: {  	_ =	shalt  }
0x71: {  	_ =	shalt  }
0x72: {  	_ =	shalt  }
0x73: {  	_ =	shalt  }
0x74: {  	_ =	shalt  }
0x75: {  	_ =	shalt  }
0x76: {  	_ =	shalt  }
0x77: {  	_ =	shalt  }
0x78: {  	_ =	shalt  }
0x79: {  	_ =	shalt  }
0x7a: {  	_ =	shalt  }
0x7b: {  	_ =	shalt  }
0x7c: {  	_ =	shalt  }
0x7d: {  	_ =	shalt  }
0x7e: {  	_ =	shalt  }
0x7f: {  	_ =	shalt  }
0x80: {  	_ =	shalt  }
0x81: {  	_ =	shalt  }
0x82: {  	_ =	shalt  }
0x83: {  	_ =	shalt  }
0x84: {  	_ =	shalt  }
0x85: {  	_ =	shalt  }
0x86: {  	_ =	shalt  }
0x87: {  	_ =	shalt  }
.Lfunc_end0:
.L_simem_size_0:
called_computation_lowered:
.L_overlay_start_0:
0x88: {  	s0 =	sld [smem:$0x3FD9]  }
0x89: {  	s1 =	sld [smem:$0x3FFE];
	_ =	sdelay $0x3  }
0x8a: {  	s0 =	sadd.s32 s1, s0  }
0x8b: {  	[smem:$0x3FC7] =	sst s0  }
0x8c: {  	_ = 	snop  }
0x8d: {  	s0 =	sld [smem:$0x3FC9]  }
0x8e: {  	s16 =	sld [smem:$0x3FD0];
	(tm) =	ssettm $0x1  }
0x8f: {  	s2 =	sld [smem:$0x3FFB];
	_ =	sdelay $0x3  }
0x90: {  	_ =	strace s2  }
0x91: {  	s2 =	sld [smem:$0x3FFC];
	_ =	sdelay $0x3  }
0x92: {  	_ =	strace s2  }
0x93: {  	s2 =	sld [smem:$0x3FFD];
	_ =	sdelay $0x3  }
0x94: {  	_ =	strace s2  }
0x95: {  	_ =	strace $0x8FFFFFFF  }
0x96: {  	s17 =	sld [smem:$0x3FDB];
	_ =	sdelay $0x1  }
0x97: {  	s3 =	simm.s32 $_scs_section_size  }
0x98: {  	s4 =	simm.s32 $_size__tile_overlayer_lowered;
	s5 =	simm.s32 $_tile_overlayer_lowered  }
0x99: {  	s20 =	simm.s32 $0x1BFF;
	s19 =	sshll.u32 s5, $0x1;
	s2 =	sadd.s32 s3, s17  }
0x9a: {  	s6 =	simm.s32 $0x0;
	s18 =	sshll.u32 s4, $0x1;
	s4 =	sadd.s32 s19, s2  }
0x9b: {  	[timem:s6], [sflag:s20] =	dma.local [hbm:s4], s18  }
0x9c: {  	_ =	swait.ge [sflag:s20], s18  }
0x9d: {  	s3 =	ssub.s32 $0x0, s18;
	[sflag:s20] =	ssyncset.done $0x0  }
0x9e: {  	[sflag:s20] =	ssyncadd.s32 s3;
	_ =	sdelay $0x1  }
0x9f: {  	s21 =	simm.s32 $0x1B8B  }
0xa0: {  	_ =	swait.ge [sflag:s21], $0x1  }
0xa1: {  	[sflag:s21] =	ssyncset.done $0x0  }
0xa2: {  	s23 =	simm.s32 $0x1B8E;
	s22 =	sld [smem:$0x3FFE];
	[sflag:s21] =	ssyncadd.s32 $0xFFFFFFFF  }
0xa3: {  	s24 =	simm.s32 $execute0_lowered;
	[smem:$0x3FD2] =	sst s23  }
0xa4: {  	s4 =	sshll.u32 s24, $0x1;
	_ =	strace $0x80000049;
	[dreg:$0x1] =	wrdreg $0xFFFFFFFF  }
0xa5: {  	s25 =	simm.s32 $_size_execute0_lowered;
	s2 =	sadd.s32 s2, s4;
	[dreg:$0x0] =	wrdreg $0x0  }
0xa6: {  	s4 =	sshll.u32 s25, $0x1;
	[dreg:$0x2] =	wrdreg s2  }
0xa7: {  	[dreg:$0x3] =	wrdreg s4  }
0xa8: {  	[dreg:$0x4] =	wrdreg $0xC0  }
0xa9: {  	_ =	task [dreg:s6], $0x5FFFF  }
0xaa: {  	[dreg:$0x1] =	wrdreg $0xFFFFFFFF  }
0xab: {  	[dreg:$0x0] =	wrdreg $0x60  }
0xac: {  	[dreg:$0x2] =	wrdreg s0  }
0xad: {  	[dreg:$0x3] =	wrdreg s16  }
0xae: {  	[dreg:$0x4] =	wrdreg s22  }
0xaf: {  	[dreg:$0x5] =	wrdreg $0x9  }
0xb0: {  	_ =	task.clear_ibuf [dreg:s6], $0x6FFFF;
	_ =	strace $0x90000049  }
0xb1: {  	s26 =	simm.s32 $0x9;
	_ =	strace $0x8000004B  }
0xb2: {  	_ =	swait.ge [sflag:s26], $0x1  }
0xb3: {  	[sflag:s26] =	ssyncadd.s32 $0xFFFFFFFF  }
0xb4: {  	_ =	strace $0x9000004B  }
0xb5: {  	_ =	sfence  }
0xb6: {  	s28 =	sld [smem:$0x0];
	_ =	sdelay $0x1  }
0xb7: {  	s29 =	srdreg.scid  }
0xb8: {  	s30 =	sshll.u32 s29, $0xD;
	s31 =	sshrl.u32 s29, $0x2  }
0xb9: {  	s1 =	sand.u32 $0x1, s29;
	s2 =	sand.u32 $0x4000, s30;
	s0 =	sadd.s32 s31, s28  }
0xba: {  	s1 =	sor.u32 s2, s1;
	s0 =	sshll.u32 s0, $0x11  }
0xbb: {  	s0 =	sor.u32 s0, s1  }
0xbc: {  	s0 =	sadd.s32 $0x8F2B, s0  }
0xbd: {  	[sflag:s0] =	ssyncadd.remote.s32 $0x1  }
0xbe: {  	_ =	sfence.sel $0xFFFF  }
0xbf: {  	[dreg:$0x0] =	wrdreg $0xFFFFFFFF;
	(pc) =	sbr.abs _section_cstart, $3  }
0xc0: {  	[dreg:$0x1] =	wrdreg $0xFFFFFFFF  }
0xc1: {  	_ =	task.clear_ibuf [dreg:s6], $0x2FFFF;
	_ =	strace $0x9FFFFFFF  }
0xc2: {  	(tm) =	ssettm $0x7FFFFFFF  }
0xc3: {  	_ =	shalt  }
tec
execute0_lowered:
.L_overlay_start_1:
0x0: {  	(tag) =	ssettag $0x1  }
0x1: {  	s3 =	rddreg [dreg:$0x0]  }
0x2: {  	s4 =	rddreg [dreg:$0x1]  }
0x3: {  	s7 =	rddreg [dreg:$0x2];
	s1 =	stileid.u32  }
0x4: {  	s0 =	rddreg [dreg:$0x3];
	s2 =	sshll.u32 s1, $0xA;
	s6 =	sshll.u32 s1, $0x4  }
0x5: {  	s5 =	simm.s32 $0x0;
	s29 =	simm.s32 $0x80;
	s2 =	sor.u32 s6, s2  }
0x6: {  	s8 =	simm.s32 $0x400;
	[smem:$0x7FF] =	sst s5;
	s2 =	sand.u32 $0x2070, s2  }
0x7: {  	s30 =	simm.s32 $0x1;
	_ =	strace $0x8000004A;
	s3 =	sadd.s32 s3, s2  }
0x8: {  	[tilespmem:s5], [sflag:$0x1] =	stream.strided.gather [hbm4b:s3+s29], $0x2000, s8, s29, $0x38;
	[tilespmem:$0x8000] =	vst v63  }
0x9: {  	_ =	swait.ge [sflag:s30], $0x2000  }
0xa: {  	[sflag:s30] =	ssyncset.done $0x0  }
0xb: {  	s31 =	simm.s32 $0x2000;
	s4 =	sadd.s32 s4, s2;
	[sflag:s30] =	ssyncadd.s32 $0xFFFFE000  }
0xc: {  	[tilespmem:s31], [sflag:$0x1] =	stream.strided.gather [hbm4b:s4+s29], $0x2000, s8, s29, $0x38;
	[tilespmem:$0x8000] =	vst v63  }
0xd: {  	_ =	swait.ge [sflag:s30], $0x2000  }
0xe: {  	[sflag:s30] =	ssyncset.done $0x0  }
0xf: {  	s5 =	simm.s32 $0x0;
	[sflag:s30] =	ssyncadd.s32 $0xFFFFE000  }
0x10: {  	v0 =	vld [tilespmem:s5+$0x0]  }
0x11: {  	v1 =	vld [tilespmem:s5+$0x2000];
	_ =	sdelay $0x3  }
0x12: {  	s6 =	simm.s32 $0x10  }
0x13: {  	v3 =	vld [tilespmem:s6+$0x0];
	v0 =	vadd.f32 v1, v0  }
0x14: {  	v5 =	vld [tilespmem:s6+$0x2000]  }
0x15: {  	v4 =	vimm.f32 $0.0e+00;
	v1 =	vimm.s32 $0xFFFFFFFF;
	v2 =	vand.u32 $0x7FFFFFFF, v0  }
0x16: {  	vm0 =	vlt.s32 v0, $0x0;
	v6 =	vxor.u32 $0xFFFFFFFF, v0;
	v7 =	vxor.u32 $0x80000000, v2  }
0x17: {  	s3 =	sadd.s32 $0x4A00, s7;
	s4 =	simm.s32 $0x80;
	v4 =	vadd.f32 v0, v4;
	v2 =	vimm.s32 $0x0;
	v0 =	vsel vm0, v6, v7  }
.LBB2_1:
0x18: {  	[tilespmem:s5+$0x4000] =	vst v0;
	v1 =	vmin.u32 v1, v0;
	v2 =	vmax.u32 v2, v0;
	s5 =	smov.u32 s6;
	s6 =	sshra.s32 s4, $0x2;
	p0 =	sne.s32 s4, $0x7FC0  }
.Ltmp0:
0x19: {  	s4 =	sadd.s32 $0x40, s4;
	v0 =	vadd.f32 v5, v3;
	v3 =	vld [tilespmem:s6+$0x0];
	(pc) =	sbr.rel @p0 .LBB2_1-.Ltmp0, $4  }
0x1a: {  	v5 =	vld [tilespmem:s6+$0x2000]  }
0x1b: {  	v6 =	vand.u32 $0x7FFFFFFF, v0;
	v4 =	vadd.f32 v0, v4  }
0x1c: {  	vm0 =	vlt.s32 v0, $0x0;
	v0 =	vxor.u32 $0xFFFFFFFF, v0;
	v6 =	vxor.u32 $0x80000000, v6  }
0x1d: {  	v0 =	vsel vm0, v0, v6  }
0x1e: {  	v6 =	vimm.s32 $0xFEDCBA9;
	v7 =	vimm.s32 $0x87654321  }
0x1f: {  	v6 =	vunpack.c.l.s4.s8 v6;
	v7 =	vunpack.c.l.s4.s8 v7;
	_ =	sdelay $0x1  }
0x20: {  	v6 =	vunpack.c.0.s8.s32 v6;
	v7 =	vunpack.c.0.s8.s32 v7  }
0x21: {  	v8 =	vimm.s32 $0x98765432;
	v3 =	vadd.f32 v5, v3;
	v5 =	vimm.s32 $0x10FEDCBA  }
0x22: {  	v5 =	vunpack.c.l.s4.s8 v5;
	v6 =	vcombine.low v7, v6;
	v7 =	vunpack.c.l.s4.s8 v8  }
0x23: {  	v4 =	vadd.f32 v3, v4  }
0x24: {  	v5 =	vunpack.c.0.s8.s32 v5;
	v6 =	vand.u32 $0xF, v6;
	v7 =	vunpack.c.0.s8.s32 v7  }
0x25: {  	v9 =	vimm.s32 $0x3210FEDC;
	v10 =	vimm.s32 $0xBA987654;
	v8 =	vperm.xlane v4, v6  }
0x26: {  	v56 =	vunpack.c.l.s4.s8 v10;
	v5 =	vcombine.low v7, v5;
	v7 =	vunpack.c.l.s4.s8 v9  }
0x27: {  	v11 =	vimm.s32 $0xFEDCBA98;
	v4 =	vadd.f32 v8, v4  }
0x28: {  	v8 =	vunpack.c.0.s8.s32 v56;
	v5 =	vand.u32 $0xF, v5;
	v7 =	vunpack.c.0.s8.s32 v7  }
0x29: {  	v11 =	vunpack.c.l.s4.s8 v11;
	v58 =	vperm.xlane v4, v5  }
0x2a: {  	v57 =	vand.u32 $0x7FFFFFFF, v3;
	v7 =	vcombine.low v8, v7;
	v8 =	vimm.s32 $0x76543210  }
0x2b: {  	vm0 =	vlt.s32 v3, $0x0;
	v4 =	vadd.f32 v58, v4;
	v8 =	vunpack.c.l.s4.s8 v8  }
0x2c: {  	v3 =	vxor.u32 $0xFFFFFFFF, v3;
	v59 =	vunpack.c.0.s8.s32 v11;
	v7 =	vand.u32 $0xF, v7  }
0x2d: {  	v9 =	vxor.u32 $0x80000000, v57;
	v60 =	vperm.xlane v4, v7;
	v8 =	vunpack.c.0.s8.s32 v8  }
0x2e: {  	v1 =	vmin.u32 v1, v0;
	v61 =	vand.u32 $0xF, v59;
	v3 =	vsel vm0, v3, v9  }
0x2f: {  	v1 =	vmin.u32 v1, v3;
	v4 =	vadd.f32 v60, v4;
	v8 =	vcombine.low v61, v8  }
0x30: {  	v62 =	vperm.xlane v1, v6  }
0x31: {  	v63 =	vperm.xlane v4, v8  }
0x32: {  	v1 =	vmin.u32 v1, v62  }
0x33: {  	v2 =	vmax.u32 v2, v0;
	v9 =	vperm.xlane v1, v5;
	v4 =	vadd.f32 v63, v4  }
0x34: {  	v2 =	vmax.u32 v2, v3  }
0x35: {  	v1 =	vmin.u32 v1, v9;
	(v2sf) =	vpush v4, $0x0;
	v4 =	vperm.xlane v2, v6  }
0x36: {  	v6 =	vperm.xlane v1, v7  }
0x37: {  	v2 =	vmax.u32 v2, v4  }
0x38: {  	v1 =	vmin.u32 v1, v6;
	v4 =	vperm.xlane v2, v5  }
0x39: {  	v5 =	vperm.xlane v1, v8  }
0x3a: {  	v2 =	vmax.u32 v2, v4  }
0x3b: {  	v1 =	vmin.u32 v1, v5;
	v4 =	vperm.xlane v2, v7  }
0x3c: {  	(v2sf) =	vpush v1, $0x0  }
0x3d: {  	v1 =	vmax.u32 v2, v4  }
0x3e: {  	v2 =	vperm.xlane v1, v8;
	_ =	sdelay $0x1  }
0x3f: {  	v1 =	vmax.u32 v1, v2  }
0x40: {  	(v2sf) =	vpush v1, $0x0;
	_ =	sdelay $0x3  }
0x41: {  	s4 =	spop (v2sf)  }
0x42: {  	s4 =	smul.f32 $1.220703130e-04, s4;
	_ =	sdelay $0x1  }
0x43: {  	s7 =	sadd.f32 $-1.242000010e-01, s4;
	_ =	sdelay $0x1  }
0x44: {  	s8 =	sadd.f32 $-3.999999910e-02, s7;
	p1 =	slt.s32 s7, $0x0;
	s10 =	sxor.u32 $0xFFFFFFFF, s7  }
0x45: {  	s11 =	sor.u32 $0x80000000, s7;
	s7 =	sadd.f32 $3.999999910e-02, s7;
	s4 =	spop (v2sf)  }
0x46: {  	s11 =	smov.u32 @p1 s10;
	p0 =	slt.s32 s8, $0x0;
	s9 =	sxor.u32 $0xFFFFFFFF, s8  }
0x47: {  	s8 =	sor.u32 $0x80000000, s8;
	s30 =	sadd.s32 $0x1, s4;
	s10 =	sxor.u32 $0xFFFFFFFF, s7  }
0x48: {  	s12 =	sor.u32 $0x80000000, s7;
	s8 =	smov.u32 @p0 s9;
	p0 =	slt.s32 s7, $0x0  }
0x49: {  	[tilespmem:s5+$0x4000] =	vst v0;
	s31 =	simm.s32 $0x0;
	s11 =	smax.u32 s11, s30;
	s12 =	smov.u32 @p0 s10  }
0x4a: {  	[tilespmem:s6+$0x4000] =	vst v3;
	v3 =	vimm.s32 $0x0;
	s8 =	smax.u32 s8, s30;
	s12 =	smax.u32 s12, s30;
	s7 =	spop (v2sf)  }
0x4b: {  	v6 =	vld [tilespmem:s31+$0x4000];
	v7 =	vimm.s32 $0x0;
	v4 =	vimm.s32 $0x0;
	v1 =	vimm.s32 $0x0;
	s10 =	smin.u32 s8, s7;
	s9 =	smin.u32 s11, s7;
	s8 =	smin.u32 s12, s7  }
0x4c: {  	s5 =	simm.s32 $0x40;
	v0 =	vmov s10;
	v2 =	vmov s9;
	v5 =	vmov s8  }
.LBB2_3:
0x4d: {  	p0 =	sne.s32 s5, $0x7FC0  }
.Ltmp1:
0x4e: {  	_ = 	snop;
	(pc) =	sbr.rel @p0 .LBB2_3-.Ltmp1, $4  }
0x4f: {  	_ = 	snop  }
0x50: {  	s6 =	sshra.s32 s5, $0x2;
	s5 =	sadd.s32 $0x40, s5;
	vm0 =	vge.u32 v6, v0;
	vm1 =	vge.u32 v6, v2;
	vm2 =	vge.u32 v6, v5  }
0x51: {  	v6 =	vld [tilespmem:s6+$0x4000];
	v8 =	vsel vm0, $0x1, v3;
	v9 =	vsel vm1, $0x1, v3;
	v10 =	vsel vm2, $0x1, v3  }
0x52: {  	v7 =	vadd.s32 v8, v7;
	v1 =	vadd.s32 v9, v1;
	v4 =	vadd.s32 v10, v4  }
0x53: {  	v8 =	vimm.s32 $0xFEDCBA9  }
0x54: {  	v9 =	vimm.s32 $0x87654321;
	v51 =	vimm.s32 $0x10FEDCBA;
	v10 =	vimm.s32 $0x98765432  }
0x55: {  	v11 =	vimm.s32 $0x3210FEDC;
	v8 =	vunpack.c.l.s4.s8 v8;
	v9 =	vunpack.c.l.s4.s8 v9  }
0x56: {  	v12 =	vimm.s32 $0xBA987654;
	v55 =	vimm.s32 $0xFEDCBA98;
	v57 =	vimm.s32 $0x76543210  }
0x57: {  	v10 =	vunpack.c.l.s4.s8 v10;
	v8 =	vunpack.c.0.s8.s32 v8;
	v9 =	vunpack.c.0.s8.s32 v9  }
0x58: {  	v11 =	vunpack.c.l.s4.s8 v11;
	v12 =	vunpack.c.l.s4.s8 v12;
	vm0 =	vge.u32 v6, v0  }
0x59: {  	vm14 =	vge.u32 v6, v2;
	v0 =	vcombine.low v9, v8;
	v8 =	vunpack.c.l.s4.s8 v51  }
0x5a: {  	v10 =	vunpack.c.0.s8.s32 v10;
	v54 =	vunpack.c.0.s8.s32 v12;
	v52 =	vsel vm0, $0x1, v3  }
0x5b: {  	v7 =	vadd.s32 v52, v7;
	v53 =	vand.u32 $0xF, v0;
	v8 =	vunpack.c.0.s8.s32 v8  }
0x5c: {  	v12 =	vunpack.c.l.s4.s8 v57;
	v13 =	vsel vm14, $0x1, v3;
	v2 =	vperm.xlane v7, v53  }
0x5d: {  	v13 =	vadd.s32 v13, v1;
	v1 =	vcombine.low v10, v8;
	v10 =	vunpack.c.l.s4.s8 v55  }
0x5e: {  	vm15 =	vge.u32 v6, v5;
	v7 =	vadd.s32 v7, v2;
	v2 =	vunpack.c.0.s8.s32 v11  }
0x5f: {  	v6 =	vperm.xlane v13, v53;
	v56 =	vand.u32 $0xF, v1;
	v5 =	vunpack.c.0.s8.s32 v10  }
0x60: {  	v60 =	vunpack.c.0.s8.s32 v12;
	v2 =	vcombine.low v54, v2;
	v58 =	vperm.xlane v7, v56  }
0x61: {  	v62 =	vsel vm15, $0x1, v3;
	v6 =	vadd.s32 v13, v6;
	v5 =	vand.u32 $0xF, v5  }
0x62: {  	v7 =	vadd.s32 v58, v7;
	v59 =	vand.u32 $0xF, v2;
	v3 =	vcombine.low v5, v60  }
0x63: {  	v5 =	vperm.xlane v6, v56;
	v61 =	vperm.xlane v7, v59  }
0x64: {  	v4 =	vadd.s32 v62, v4  }
0x65: {  	v5 =	vadd.s32 v5, v6;
	v6 =	vperm.xlane v4, v53;
	v7 =	vadd.s32 v61, v7  }
0x66: {  	v10 =	vperm.xlane v7, v3  }
0x67: {  	v63 =	vperm.xlane v5, v59;
	v4 =	vadd.s32 v4, v6  }
0x68: {  	v6 =	vperm.xlane v4, v56;
	v7 =	vadd.s32 v10, v7  }
0x69: {  	v5 =	vadd.s32 v63, v5;
	(v2sf) =	vpush v7, $0x0  }
0x6a: {  	v7 =	vperm.xlane v5, v3;
	v4 =	vadd.s32 v6, v4  }
0x6b: {  	v6 =	vperm.xlane v4, v59  }
0x6c: {  	v5 =	vadd.s32 v7, v5  }
0x6d: {  	(v2sf) =	vpush v5, $0x0;
	v4 =	vadd.s32 v6, v4  }
0x6e: {  	v5 =	vperm.xlane v4, v3;
	_ =	sdelay $0x1  }
0x6f: {  	v4 =	vadd.s32 v5, v4  }
0x70: {  	(v2sf) =	vpush v4, $0x0;
	_ =	sdelay $0x6  }
0x71: {  	s6 =	spop (v2sf)  }
0x72: {  	p1 =	sgt.u32 s10, s4;
	s7 =	sadd.s32 $0x1, s7;
	p0 =	sgt.s32 s6, $0xFFF  }
0x73: {  	p2 =	slt.u32 s10, s7;
	p5 =	slt.s32 s6, $0x1000;
	p0 =	por !p1, !p0  }
0x74: {  	s5 =	smov.u32 s6;
	p1 =	por !p2, !p5;
	p0 =	por !p0, !p0  }
0x75: {  	s11 =	spop (v2sf);
	p1 =	por !p1, !p1;
	s4 =	smov.u32 @p0 s10  }
0x76: {  	p6 =	sgt.s32 s11, $0xFFF;
	s5 =	simm.s32 @!p0 $0x2000;
	p3 =	sgt.u32 s9, s4  }
0x77: {  	s7 =	smov.u32 @p1 s10;
	p4 =	slt.s32 s11, $0x1000;
	p3 =	por !p3, !p6  }
0x78: {  	s6 =	simm.s32 @!p1 $0x0;
	p5 =	slt.u32 s9, s7;
	p0 =	por !p3, !p3  }
0x79: {  	p6 =	por !p5, !p4;
	s10 =	spop (v2sf);
	s4 =	smov.u32 @p0 s9  }
0x7a: {  	s5 =	smov.u32 @p0 s11;
	p0 =	por !p6, !p6;
	p2 =	sgt.s32 s10, $0xFFF  }
0x7b: {  	p4 =	slt.s32 s10, $0x1000;
	s7 =	smov.u32 @p0 s9;
	p3 =	sgt.u32 s8, s4  }
.Ltmp2:
0x7c: {  	s6 =	smov.u32 @p0 s11;
	p5 =	slt.u32 s8, s7;
	(pc) =	sbr.rel .LBB2_5-.Ltmp2, $4  }
0x7d: {  	s11 =	simm.s32 $0x0;
	p1 =	por !p3, !p2;
	p6 =	por !p5, !p4  }
0x7e: {  	s9 =	simm.s32 $0x0;
	p1 =	por !p1, !p1;
	p0 =	por !p6, !p6  }
0x7f: {  	s4 =	smov.u32 @p1 s8;
	s5 =	smov.u32 @p1 s10;
	s7 =	smov.u32 @p0 s8  }
0x80: {  	v4 =	vimm.s32 $0x0;
	s6 =	smov.u32 @p0 s10;
	s8 =	simm.s32 $0x0;
	s10 =	simm.s32 $0x0  }
.LBB2_6:
0x81: {  	s4 =	smov.u32 @p0 s4  }
0x82: {  	s5 =	smov.u32 @p0 s5;
	s7 =	smov.u32 @p0 s7;
	s6 =	smov.u32 @p0 s6  }
0x83: {  	s11 =	smov.u32 @p0 s11;
	s8 =	smov.u32 @p0 s8;
	s10 =	smov.u32 @p0 s10  }
.LBB2_10:
0x84: {  	s9 =	sadd.s32 $0x1, s9  }
0x85: {  	p0 =	sne.s32 s9, $0x2D  }
.Ltmp3:
0x86: {  	_ = 	snop;
	(pc) =	sbr.rel @!p0 .LBB2_11-.Ltmp3, $1  }
0x87: {  	_ =	sdelay $0x3  }
.LBB2_5:
0x88: {  	s13 =	sadd.s32 $0xFFFFF000, s5  }
0x89: {  	s12 =	ssub.s32 s7, s4;
	p0 =	slt.s32 s13, $0x3  }
0x8a: {  	p1 =	slt.u32 @!p0 s12, $0x2  }
0x8b: {  	p1 =	por p0, p1  }
.Ltmp4:
0x8c: {  	_ = 	snop;
	(pc) =	sbr.rel @p1 .LBB2_6-.Ltmp4, $1  }
0x8d: {  	_ =	sdelay $0x3  }
0x8e: {  	p0 =	slt.s32 s11, $0x3C;
	s14 =	smov.u32 s11;
	s13 =	scvt.s32.f32 s13  }
0x8f: {  	s15 =	smov.u32 s8;
	s14 =	simm.s32 @!p0 $0x3C;
	p0 =	slt.s32 s8, $0x3C  }
0x90: {  	s16 =	sadd.s32 $0xFFFFF000, s6;
	s14 =	sshll.u32 s14, $0x17;
	s15 =	simm.s32 @!p0 $0x3C  }
0x91: {  	s16 =	scvt.s32.f32 s16;
	s14 =	ssub.s32 $0x3F800000, s14;
	s15 =	sshll.u32 s15, $0x17  }
0x92: {  	s13 =	smul.f32 s14, s13;
	s24 =	ssub.s32 $0x3F800000, s15  }
0x93: {  	s14 =	smul.f32 s24, s16;
	_ =	sdelay $0x1  }
0x94: {  	s14 =	ssub.f32 s13, s14;
	_ =	sdelay $0x1  }
0x95: {  	s14 =	smax.f32 s14, $1.000000000e-30  }
0x96: {  	s25 =	ssub.s32 $0x7EF477D5, s14  }
0x97: {  	s26 =	smul.f32 s25, s14;
	_ =	sdelay $0x1  }
0x98: {  	s16 =	ssub.f32 $2.000000000e+00, s26;
	_ =	sdelay $0x1  }
0x99: {  	s15 =	smul.f32 s25, s16;
	_ =	sdelay $0x1  }
0x9a: {  	s14 =	smul.f32 s15, s14;
	_ =	sdelay $0x1  }
0x9b: {  	s14 =	ssub.f32 $2.000000000e+00, s14;
	_ =	sdelay $0x1  }
0x9c: {  	s28 =	sadd.s32 $0xFFFFFFFF, s7;
	s17 =	sxor.u32 $0xFFFFFFFF, s4;
	s14 =	smul.f32 s14, s15  }
0x9d: {  	s19 =	ssub.s32 $0x0, s7;
	p1 =	slt.s32 s28, $0x0;
	s18 =	sand.u32 $0x7FFFFFFF, s28  }
0x9e: {  	p0 =	slt.s32 s4, $0x0;
	s15 =	sand.u32 $0x7FFFFFFF, s4;
	s13 =	smul.f32 s14, s13  }
0x9f: {  	s19 =	smov.u32 @p1 s18;
	s17 =	smov.u32 @p0 s15  }
0xa0: {  	s29 =	ssub.f32 s19, s17;
	s13 =	smax.f32 s13, $0.0e+00  }
0xa1: {  	s13 =	smin.f32 s13, $1.000000000e+00  }
0xa2: {  	s13 =	smul.f32 s13, s29;
	_ =	sdelay $0x1  }
0xa3: {  	s13 =	sadd.f32 s17, s13  }
0xa4: {  	s12 =	sshrl.u32 s12, $0x1;
	s30 =	simm.s32 $0x0  }
0xa5: {  	p0 =	slt.s32 s13, $0x0;
	s14 =	sxor.u32 $0xFFFFFFFF, s13;
	s13 =	sor.u32 $0x80000000, s13  }
0xa6: {  	s12 =	sadd.s32 s4, s12;
	v6 =	vld [tilespmem:s30+$0x4000];
	s13 =	smov.u32 @p0 s14;
	p0 =	slt.u32 s9, $0xC  }
0xa7: {  	s31 =	sadd.s32 $0x1, s4;
	v8 =	vld [tilespmem:s30+$0x4010];
	s12 =	smov.u32 @p0 s13  }
0xa8: {  	v10 =	vld [tilespmem:s30+$0x4020];
	s12 =	smax.u32 s12, s31  }
0xa9: {  	v9 =	vld [tilespmem:s30+$0x4030];
	s12 =	smin.u32 s12, s28  }
0xaa: {  	v7 =	vld [tilespmem:s30+$0x4040];
	v5 =	vmov s12  }
0xab: {  	vm0 =	vge.u32 v6, v5;
	v6 =	vld [tilespmem:s30+$0x4050]  }
0xac: {  	v11 =	vimm.s32 $0x0;
	v12 =	vsel vm0, $0x1, v4;
	vm0 =	vge.u32 v8, v5;
	v8 =	vld [tilespmem:s30+$0x4060]  }
0xad: {  	s14 =	simm.s32 $0x400;
	s13 =	simm.s32 $0x80;
	v11 =	vadd.s32 v12, v11;
	v12 =	vsel vm0, $0x1, v4;
	vm0 =	vge.u32 v10, v5;
	v10 =	vld [tilespmem:s30+$0x4070]  }
.LBB2_8:
0xae: {  	p0 =	sne.s32 s14, $0x7E00;
	v13 =	vld [tilespmem:s13+$0x4000];
	v11 =	vadd.s32 v12, v11;
	v12 =	vsel vm0, $0x1, v4;
	vm0 =	vge.u32 v9, v5  }
0xaf: {  	v14 =	vld [tilespmem:s13+$0x4010];
	v9 =	vadd.s32 v12, v11;
	v11 =	vsel vm0, $0x1, v4;
	vm0 =	vge.u32 v7, v5  }
0xb0: {  	v15 =	vld [tilespmem:s13+$0x4020];
	v7 =	vadd.s32 v11, v9;
	v11 =	vsel vm0, $0x1, v4;
	vm0 =	vge.u32 v6, v5  }
.Ltmp5:
0xb1: {  	v9 =	vld [tilespmem:s13+$0x4030];
	v6 =	vadd.s32 v11, v7;
	v11 =	vsel vm0, $0x1, v4;
	vm0 =	vge.u32 v8, v5;
	(pc) =	sbr.rel @p0 .LBB2_8-.Ltmp5, $4  }
0xb2: {  	v7 =	vld [tilespmem:s13+$0x4040];
	v8 =	vadd.s32 v11, v6;
	v11 =	vsel vm0, $0x1, v4;
	vm0 =	vge.u32 v10, v5  }
0xb3: {  	vm1 =	vge.u32 v13, v5;
	v6 =	vld [tilespmem:s13+$0x4050];
	v10 =	vadd.s32 v11, v8;
	v11 =	vsel vm0, $0x1, v4  }
0xb4: {  	v12 =	vsel vm1, $0x1, v4;
	vm0 =	vge.u32 v14, v5;
	v8 =	vld [tilespmem:s13+$0x4060];
	v10 =	vadd.s32 v11, v10  }
0xb5: {  	v11 =	vadd.s32 v12, v10;
	v12 =	vsel vm0, $0x1, v4;
	vm0 =	vge.u32 v15, v5;
	v10 =	vld [tilespmem:s13+$0x4070];
	s13 =	sshra.s32 s14, $0x2;
	s14 =	sadd.s32 $0x200, s14  }
0xb6: {  	v13 =	vld [tilespmem:s13+$0x4000];
	v11 =	vadd.s32 v12, v11;
	v49 =	vsel vm0, $0x1, v4;
	vm4 =	vge.u32 v9, v5  }
0xb7: {  	v50 =	vld [tilespmem:s13+$0x4010];
	v11 =	vadd.s32 v49, v11;
	v51 =	vsel vm4, $0x1, v4;
	vm5 =	vge.u32 v7, v5  }
0xb8: {  	v7 =	vld [tilespmem:s13+$0x4020];
	v11 =	vadd.s32 v51, v11;
	v52 =	vsel vm5, $0x1, v4;
	vm6 =	vge.u32 v6, v5  }
0xb9: {  	v6 =	vld [tilespmem:s13+$0x4030];
	v11 =	vadd.s32 v52, v11;
	v53 =	vsel vm6, $0x1, v4;
	vm7 =	vge.u32 v8, v5  }
0xba: {  	v54 =	vld [tilespmem:s13+$0x4040];
	v11 =	vadd.s32 v53, v11;
	v55 =	vsel vm7, $0x1, v4;
	vm8 =	vge.u32 v10, v5  }
0xbb: {  	v56 =	vld [tilespmem:s13+$0x4050];
	vm1 =	vge.u32 v13, v5;
	v11 =	vadd.s32 v55, v11;
	v57 =	vsel vm8, $0x1, v4  }
0xbc: {  	v58 =	vld [tilespmem:s13+$0x4060];
	vm9 =	vge.u32 v50, v5;
	v13 =	vsel vm1, $0x1, v4;
	v11 =	vadd.s32 v57, v11  }
0xbd: {  	v59 =	vsel vm9, $0x1, v4;
	vm10 =	vge.u32 v7, v5;
	v7 =	vld [tilespmem:s13+$0x4070];
	v11 =	vadd.s32 v13, v11  }
0xbe: {  	v60 =	vsel vm10, $0x1, v4;
	vm11 =	vge.u32 v6, v5;
	v11 =	vadd.s32 v59, v11  }
0xbf: {  	vm12 =	vge.u32 v54, v5;
	v61 =	vsel vm11, $0x1, v4;
	v6 =	vadd.s32 v60, v11  }
0xc0: {  	vm13 =	vge.u32 v56, v5;
	v8 =	vsel vm12, $0x1, v4;
	v6 =	vadd.s32 v61, v6  }
0xc1: {  	vm14 =	vge.u32 v58, v5;
	v62 =	vsel vm13, $0x1, v4;
	v6 =	vadd.s32 v8, v6  }
0xc2: {  	v63 =	vsel vm14, $0x1, v4;
	vm15 =	vge.u32 v7, v5;
	v6 =	vadd.s32 v62, v6  }
0xc3: {  	v5 =	vadd.s32 v63, v6;
	v6 =	vsel vm15, $0x1, v4  }
0xc4: {  	v5 =	vadd.s32 v6, v5  }
0xc5: {  	v6 =	vperm.xlane v5, v0;
	_ =	sdelay $0x1  }
0xc6: {  	v5 =	vadd.s32 v5, v6  }
0xc7: {  	v6 =	vperm.xlane v5, v1;
	_ =	sdelay $0x1  }
0xc8: {  	v5 =	vadd.s32 v6, v5  }
0xc9: {  	v6 =	vperm.xlane v5, v2;
	_ =	sdelay $0x1  }
0xca: {  	v5 =	vadd.s32 v6, v5  }
0xcb: {  	v6 =	vperm.xlane v5, v3;
	_ =	sdelay $0x1  }
0xcc: {  	v5 =	vadd.s32 v6, v5  }
0xcd: {  	(v2sf) =	vpush v5, $0x0;
	_ =	sdelay $0xd  }
0xce: {  	p1 =	seq.s32 s10, $0xFFFFFFFF;
	s14 =	sadd.s32 $0x1, s11  }
0xcf: {  	s15 =	sadd.s32 $0x1, s8;
	s14 =	simm.s32 @!p1 $0x0;
	s13 =	spop (v2sf)  }
.Ltmp6:
0xd0: {  	p1 =	seq.s32 s10, $0x1;
	p0 =	sgt.s32 s13, $0xFFF;
	(pc) =	sbr.rel .LBB2_10-.Ltmp6, $4  }
0xd1: {  	s10 =	simm.s32 $0x1;
	s15 =	simm.s32 @!p1 $0x0;
	s14 =	smov.u32 @p0 s11  }
0xd2: {  	s4 =	smov.u32 @p0 s12;
	s5 =	smov.u32 @p0 s13;
	s12 =	smov.u32 @p0 s7  }
0xd3: {  	s13 =	smov.u32 @p0 s6;
	s8 =	smov.u32 @p0 s15;
	s10 =	simm.s32 @!p0 $0xFFFFFFFF  }
0xd4: {  	s7 =	smov.u32 s12;
	s6 =	smov.u32 s13;
	s11 =	smov.u32 s14  }
.LBB2_11:
0xd5: {  	v0 =	vimm.s32 $0xFEDCBA9  }
0xd6: {  	v1 =	vimm.s32 $0x87654321;
	v2 =	vimm.s32 $0x10FEDCBA;
	v3 =	vimm.s32 $0x98765432  }
0xd7: {  	v4 =	vimm.s32 $0x3210FEDC;
	v5 =	vimm.s32 $0xBA987654;
	v6 =	vimm.s32 $0xFEDCBA98  }
0xd8: {  	v7 =	vimm.s32 $0x76543210;
	v0 =	vunpack.c.l.s4.s8 v0;
	v1 =	vunpack.c.l.s4.s8 v1  }
0xd9: {  	v2 =	vunpack.c.l.s4.s8 v2;
	v3 =	vunpack.c.l.s4.s8 v3;
	v4 =	vunpack.c.l.s4.s8 v4  }
0xda: {  	v5 =	vunpack.c.l.s4.s8 v5;
	v6 =	vunpack.c.l.s4.s8 v6;
	v7 =	vunpack.c.l.s4.s8 v7  }
0xdb: {  	v0 =	vunpack.c.0.s8.s32 v0;
	v1 =	vunpack.c.0.s8.s32 v1;
	v2 =	vunpack.c.0.s8.s32 v2  }
.Ltmp7:
0xdc: {  	v3 =	vunpack.c.0.s8.s32 v3;
	v4 =	vunpack.c.0.s8.s32 v4;
	v5 =	vunpack.c.0.s8.s32 v5;
	(pc) =	sbr.rel .LBB2_12-.Ltmp7, $4  }
0xdd: {  	v6 =	vunpack.c.0.s8.s32 v6;
	v1 =	vcombine.low v1, v0  }
0xde: {  	v2 =	vcombine.low v3, v2;
	v3 =	vcombine.low v5, v4;
	v4 =	vunpack.c.0.s8.s32 v7  }
0xdf: {  	v0 =	vimm.s32 $0x0;
	v5 =	vand.u32 $0xF, v6;
	v1 =	vand.u32 $0xF, v1  }
0xe0: {  	p0 =	por $0x0, $0x0;
	s6 =	simm.s32 $0x0;
	s7 =	simm.s32 $0x0;
	v2 =	vand.u32 $0xF, v2;
	v3 =	vand.u32 $0xF, v3;
	v4 =	vcombine.low v5, v4  }
.LBB2_13:
0xe1: {  	s4 =	smov.u32 @p1 s4  }
0xe2: {  	s5 =	smov.u32 @p1 s5;
	p0 =	por @!p1 p0, p0;
	s6 =	smov.u32 @p1 s6  }
.LBB2_17:
0xe3: {  	s7 =	sadd.s32 $0x1, s7  }
0xe4: {  	p1 =	seq.s32 s7, $0x3  }
.Ltmp8:
0xe5: {  	_ = 	snop;
	(pc) =	sbr.rel @p1 .LBB2_18-.Ltmp8, $1  }
0xe6: {  	_ =	sdelay $0x3  }
.LBB2_12:
0xe7: {  	p1 =	slt.s32 s5, $0x1001  }
0xe8: {  	p2 =	por p1, p0  }
.Ltmp9:
0xe9: {  	_ = 	snop;
	(pc) =	sbr.rel @p2 .LBB2_13-.Ltmp9, $1  }
0xea: {  	_ =	sdelay $0x3  }
0xeb: {  	s8 =	simm.s32 $0x0  }
0xec: {  	v6 =	vld [tilespmem:s8+$0x4070]  }
0xed: {  	v8 =	vld [tilespmem:s8+$0x4060]  }
0xee: {  	v14 =	vld [tilespmem:s8+$0x4050]  }
0xef: {  	v7 =	vld [tilespmem:s8+$0x4000]  }
0xf0: {  	v9 =	vld [tilespmem:s8+$0x4010]  }
0xf1: {  	v11 =	vld [tilespmem:s8+$0x4030]  }
0xf2: {  	v5 =	vmov s4;
	v15 =	vld [tilespmem:s8+$0x4020]  }
0xf3: {  	v12 =	vimm.s32 $0xFFFFFFFF;
	v13 =	vimm.s32 $0x0;
	v10 =	vld [tilespmem:s8+$0x4040];
	vm0 =	vgt.u32 v6, v5  }
0xf4: {  	vm2 =	vgt.u32 v7, v5;
	v16 =	vmin.u32 v12, v7;
	vm1 =	veq.s32 v6, v5  }
0xf5: {  	vm3 =	vgt.u32 v8, v5;
	vm5 =	vgt.u32 v9, v5;
	v12 =	vsel vm2, v16, v12  }
0xf6: {  	vm4 =	veq.s32 v14, v5;
	vm6 =	vgt.u32 v14, v5;
	v16 =	vmin.u32 v12, v9  }
0xf7: {  	vm7 =	vgt.u32 v15, v5;
	vm8 =	veq.s32 v11, v5;
	v12 =	vsel vm5, v16, v12  }
0xf8: {  	vm9 =	vgt.u32 v10, v5;
	vm10 =	veq.s32 v7, v5;
	v16 =	vmin.u32 v12, v15  }
0xf9: {  	vm11 =	vgt.u32 v11, v5;
	vm15 =	veq.s32 v9, v5;
	v12 =	vsel vm7, v16, v12  }
0xfa: {  	vm2 =	veq.s32 v8, v5;
	vm5 =	veq.s32 v10, v5;
	v7 =	vmin.u32 v12, v11  }
0xfb: {  	s9 =	simm.s32 $0x80;
	vm7 =	veq.s32 v15, v5;
	v11 =	vsel vm10, $0x1, v0;
	v7 =	vsel vm11, v7, v12  }
0xfc: {  	v9 =	vld [tilespmem:s9+$0x4070];
	v11 =	vadd.s32 v11, v13;
	v12 =	vsel vm15, $0x1, v0;
	v13 =	vmin.u32 v7, v10  }
0xfd: {  	v15 =	vsel vm7, $0x1, v0;
	v10 =	vld [tilespmem:s9+$0x4060];
	v12 =	vadd.s32 v12, v11;
	v11 =	vsel vm9, v13, v7  }
0xfe: {  	s8 =	simm.s32 $0x400;
	v7 =	vld [tilespmem:s9+$0x4050];
	v12 =	vadd.s32 v15, v12;
	v13 =	vsel vm8, $0x1, v0;
	v14 =	vmin.u32 v11, v14  }
.LBB2_15:
0xff: {  	p0 =	sne.s32 s8, $0x7E00;
	v15 =	vld [tilespmem:s9+$0x4000];
	v12 =	vadd.s32 v13, v12;
	v13 =	vsel vm5, $0x1, v0;
	v11 =	vsel vm6, v14, v11  }
0x100: {  	v14 =	vld [tilespmem:s9+$0x4040];
	v12 =	vadd.s32 v13, v12;
	v13 =	vsel vm4, $0x1, v0;
	v20 =	vmin.u32 v11, v8  }
0x101: {  	v19 =	vsel vm2, $0x1, v0;
	v16 =	vld [tilespmem:s9+$0x4010];
	v12 =	vadd.s32 v13, v12;
	v11 =	vsel vm3, v20, v11  }
0x102: {  	v18 =	vsel vm1, $0x1, v0;
	v13 =	vld [tilespmem:s9+$0x4030];
	v12 =	vadd.s32 v19, v12;
	v17 =	vmin.u32 v11, v6;
	v6 =	vmovc v9;
	v8 =	vmovc v10  }
0x103: {  	v9 =	vld [tilespmem:s9+$0x4020];
	v10 =	vsel vm0, v17, v11;
	vm0 =	vgt.u32 v6, v5;
	v11 =	vadd.s32 v18, v12  }
0x104: {  	vm1 =	veq.s32 v6, v5;
	vm2 =	vgt.u32 v15, v5;
	v12 =	vmin.u32 v10, v15  }
0x105: {  	vm3 =	vgt.u32 v8, v5;
	v10 =	vsel vm2, v12, v10;
	vm2 =	veq.s32 v8, v5  }
0x106: {  	vm4 =	veq.s32 v7, v5;
	vm5 =	vgt.u32 v16, v5;
	v12 =	vmin.u32 v10, v16  }
0x107: {  	vm6 =	vgt.u32 v7, v5;
	v10 =	vsel vm5, v12, v10;
	vm5 =	veq.s32 v14, v5  }
0x108: {  	vm8 =	veq.s32 v13, v5;
	vm7 =	vgt.u32 v9, v5;
	v12 =	vmin.u32 v10, v9  }
0x109: {  	vm9 =	vgt.u32 v14, v5;
	v10 =	vsel vm7, v12, v10;
	vm7 =	veq.s32 v9, v5  }
.Ltmp10:
0x10a: {  	vm10 =	veq.s32 v15, v5;
	vm11 =	vgt.u32 v13, v5;
	v9 =	vmin.u32 v10, v13;
	(pc) =	sbr.rel @p0 .LBB2_15-.Ltmp10, $4  }
0x10b: {  	s9 =	sshra.s32 s8, $0x2;
	v12 =	vsel vm10, $0x1, v0;
	vm10 =	veq.s32 v16, v5;
	v13 =	vsel vm11, v9, v10  }
0x10c: {  	v11 =	vadd.s32 v12, v11;
	v12 =	vsel vm10, $0x1, v0;
	v9 =	vld [tilespmem:s9+$0x4070];
	v14 =	vmin.u32 v13, v14  }
0x10d: {  	v15 =	vsel vm7, $0x1, v0;
	v12 =	vadd.s32 v12, v11;
	v10 =	vld [tilespmem:s9+$0x4060];
	v11 =	vsel vm9, v14, v13  }
0x10e: {  	s8 =	sadd.s32 $0x200, s8;
	v12 =	vadd.s32 v15, v12;
	v13 =	vsel vm8, $0x1, v0;
	v14 =	vmin.u32 v11, v7;
	v7 =	vld [tilespmem:s9+$0x4050]  }
0x10f: {  	v15 =	vld [tilespmem:s9+$0x4000];
	v11 =	vsel vm6, v14, v11  }
0x110: {  	v12 =	vadd.s32 v13, v12;
	v50 =	vsel vm5, $0x1, v0;
	v8 =	vmin.u32 v11, v8  }
0x111: {  	v51 =	vsel vm4, $0x1, v0;
	v52 =	vld [tilespmem:s9+$0x4010];
	v54 =	vsel vm2, $0x1, v0;
	v8 =	vsel vm3, v8, v11  }
0x112: {  	v53 =	vld [tilespmem:s9+$0x4040];
	v55 =	vsel vm1, $0x1, v0;
	v12 =	vadd.s32 v50, v12;
	v6 =	vmin.u32 v8, v6  }
0x113: {  	v16 =	vld [tilespmem:s9+$0x4020];
	v12 =	vadd.s32 v51, v12;
	vm1 =	veq.s32 v9, v5;
	v6 =	vsel vm0, v6, v8  }
0x114: {  	v56 =	vld [tilespmem:s9+$0x4030];
	v12 =	vadd.s32 v54, v12;
	vm10 =	vgt.u32 v15, v5;
	v17 =	vmin.u32 v6, v15  }
0x115: {  	vm2 =	vgt.u32 v10, v5;
	vm3 =	veq.s32 v10, v5;
	v6 =	vsel vm10, v17, v6  }
0x116: {  	vm0 =	vgt.u32 v9, v5;
	vm11 =	vgt.u32 v52, v5;
	v57 =	vmin.u32 v6, v52  }
0x117: {  	v12 =	vadd.s32 v55, v12;
	vm5 =	veq.s32 v7, v5;
	v6 =	vsel vm11, v57, v6  }
0x118: {  	vm7 =	vgt.u32 v7, v5;
	vm13 =	vgt.u32 v16, v5;
	v13 =	vmin.u32 v6, v16  }
0x119: {  	vm12 =	veq.s32 v53, v5;
	vm8 =	veq.s32 v56, v5;
	v6 =	vsel vm13, v13, v6  }
0x11a: {  	vm14 =	veq.s32 v16, v5;
	vm9 =	vgt.u32 v56, v5;
	v8 =	vmin.u32 v6, v56  }
0x11b: {  	vm15 =	veq.s32 v52, v5;
	vm11 =	veq.s32 v15, v5;
	v6 =	vsel vm9, v8, v6  }
0x11c: {  	vm10 =	vgt.u32 v53, v5;
	v58 =	vsel vm11, $0x1, v0;
	v5 =	vmin.u32 v6, v53  }
0x11d: {  	v59 =	vsel vm15, $0x1, v0;
	v8 =	vadd.s32 v58, v12;
	v5 =	vsel vm10, v5, v6  }
0x11e: {  	v60 =	vsel vm14, $0x1, v0;
	v6 =	vadd.s32 v59, v8;
	v7 =	vmin.u32 v5, v7  }
0x11f: {  	v61 =	vsel vm8, $0x1, v0;
	v6 =	vadd.s32 v60, v6;
	v5 =	vsel vm7, v7, v5  }
0x120: {  	v6 =	vadd.s32 v61, v6;
	v7 =	vsel vm12, $0x1, v0;
	v62 =	vmin.u32 v5, v10  }
0x121: {  	v6 =	vadd.s32 v7, v6;
	v7 =	vsel vm5, $0x1, v0;
	v5 =	vsel vm2, v62, v5  }
0x122: {  	v6 =	vadd.s32 v7, v6;
	v7 =	vsel vm3, $0x1, v0;
	v8 =	vmin.u32 v5, v9  }
0x123: {  	v6 =	vadd.s32 v7, v6;
	v7 =	vsel vm1, $0x1, v0;
	v5 =	vsel vm0, v8, v5  }
0x124: {  	v6 =	vadd.s32 v7, v6;
	v7 =	vperm.xlane v5, v1  }
0x125: {  	v63 =	vperm.xlane v6, v1  }
0x126: {  	v5 =	vmin.u32 v5, v7  }
0x127: {  	v6 =	vadd.s32 v6, v63;
	v7 =	vperm.xlane v5, v2  }
0x128: {  	v8 =	vperm.xlane v6, v2  }
0x129: {  	v5 =	vmin.u32 v5, v7  }
0x12a: {  	v6 =	vadd.s32 v8, v6;
	v7 =	vperm.xlane v5, v3  }
0x12b: {  	v8 =	vperm.xlane v6, v3  }
0x12c: {  	v5 =	vmin.u32 v5, v7  }
0x12d: {  	v6 =	vadd.s32 v8, v6;
	v7 =	vperm.xlane v5, v4  }
0x12e: {  	v8 =	vperm.xlane v6, v4  }
0x12f: {  	v5 =	vmin.u32 v5, v7  }
0x130: {  	(v2sf) =	vpush v5, $0x0;
	v5 =	vadd.s32 v8, v6  }
0x131: {  	(v2sf) =	vpush v5, $0x0;
	_ =	sdelay $0xd  }
0x132: {  	s8 =	spop (v2sf)  }
.Ltmp11:
0x133: {  	s31 =	spop (v2sf);
	(pc) =	sbr.rel .LBB2_17-.Ltmp11, $4  }
0x134: {  	s9 =	ssub.s32 s5, s31  }
0x135: {  	p0 =	slt.s32 s9, $0x1000  }
0x136: {  	s10 =	ssub.s32 $0x1000, s9;
	s8 =	smov.u32 @p0 s4;
	s9 =	smov.u32 @p0 s5  }
0x137: {  	s6 =	smov.u32 @p0 s10;
	s4 =	smov.u32 s8;
	s5 =	smov.u32 s9  }
.LBB2_18:
0x138: {  	v0 =	vmov s4;
	s4 =	simm.s32 $0x0  }
0x139: {  	v3 =	vld [tilespmem:s4+$0x4000]  }
0x13a: {  	v2 =	vimm.s32 $0x0;
	v1 =	vimm.f32 $1.000000000e+00;
	s5 =	simm.s32 $0x40;
	v4 =	vimm.s32 $0x0  }
.LBB2_19:
0x13b: {  	p1 =	sne.s32 s5, $0x7FC0  }
.Ltmp12:
0x13c: {  	_ = 	snop;
	(pc) =	sbr.rel @p1 .LBB2_19-.Ltmp12, $4  }
0x13d: {  	_ = 	snop  }
0x13e: {  	s7 =	sshra.s32 s5, $0x2;
	s5 =	sadd.s32 $0x40, s5;
	vm0 =	vlt.u32 v3, v0;
	vm1 =	veq.s32 v3, v0  }
0x13f: {  	v3 =	vld [tilespmem:s7+$0x4000];
	v5 =	vsel vm0, $0x0, v1;
	v6 =	vsel vm1, $0x1, v2  }
0x140: {  	[tilespmem:s4+$0x6000] =	vst v5;
	v4 =	vadd.s32 v6, v4;
	s4 =	smov.u32 s7  }
0x141: {  	v5 =	vimm.s32 $0xFEDCBA9;
	v6 =	vimm.s32 $0x87654321  }
0x142: {  	v5 =	vunpack.c.l.s4.s8 v5;
	v6 =	vunpack.c.l.s4.s8 v6;
	_ =	sdelay $0x1  }
0x143: {  	v5 =	vunpack.c.0.s8.s32 v5;
	v6 =	vunpack.c.0.s8.s32 v6  }
0x144: {  	v7 =	vimm.s32 $0x10FEDCBA;
	vm0 =	veq.s32 v3, v0  }
0x145: {  	v57 =	vimm.s32 $0x98765432;
	v2 =	vsel vm0, $0x1, v2;
	v5 =	vcombine.low v6, v5  }
0x146: {  	v56 =	vunpack.c.l.s4.s8 v7;
	v58 =	vunpack.c.l.s4.s8 v57;
	v2 =	vadd.s32 v2, v4  }
0x147: {  	v59 =	vimm.s32 $0x3210FEDC;
	v5 =	vperm.xlane v2, v5  }
0x148: {  	v8 =	vimm.s32 $0xBA987654;
	v6 =	vunpack.c.0.s8.s32 v56;
	v4 =	vunpack.c.0.s8.s32 v58  }
0x149: {  	v7 =	vunpack.c.l.s4.s8 v59;
	v5 =	vadd.s32 v2, v5;
	v2 =	vunpack.c.l.s4.s8 v8  }
0x14a: {  	v61 =	vimm.s32 $0xFEDCBA98;
	v62 =	vimm.s32 $0x76543210;
	v4 =	vcombine.low v4, v6  }
0x14b: {  	v60 =	vunpack.c.0.s8.s32 v7;
	v7 =	vunpack.c.l.s4.s8 v61;
	v2 =	vunpack.c.0.s8.s32 v2  }
0x14c: {  	v8 =	vunpack.c.l.s4.s8 v62;
	v4 =	vperm.xlane v5, v4  }
0x14d: {  	v7 =	vunpack.c.0.s8.s32 v7;
	v6 =	vcombine.low v2, v60  }
0x14e: {  	v63 =	vunpack.c.0.s8.s32 v8;
	v4 =	vadd.s32 v4, v5  }
0x14f: {  	v7 =	vand.u32 $0xF, v7;
	v6 =	vperm.xlane v4, v6  }
0x150: {  	v5 =	vcombine.low v7, v63  }
0x151: {  	v4 =	vadd.s32 v6, v4  }
0x152: {  	v5 =	vperm.xlane v4, v5;
	_ =	sdelay $0x1  }
0x153: {  	v4 =	vadd.s32 v5, v4  }
0x154: {  	(v2sf) =	vpush v4, $0x0;
	_ =	sdelay $0xe  }
0x155: {  	s5 =	spop (v2sf)  }
0x156: {  	p1 =	sne.s32 s6, s5  }
0x157: {  	p0 =	por !p0, !p1  }
0x158: {  	p0 =	por !p0, !p0  }
.Ltmp13:
0x159: {  	_ = 	snop;
	(pc) =	sbr.rel @!p0 .LBB2_24-.Ltmp13, $4  }
0x15a: {  	_ = 	snop  }
0x15b: {  	vm15 =	vlt.u32 v3, v0  }
0x15c: {  	v1 =	vsel vm15, $0x0, v1  }
0x15d: {  	s2 =	sadd.s32 s3, s2;
	[tilespmem:s4+$0x6000] =	vst v1  }
0x15e: {  	v1 =	vimm.s32 $0xEDCBA987;
	s9 =	simm.s32 $0x0  }
0x15f: {  	v3 =	vimm.s32 $0x65432100;
	v1 =	vunpack.c.l.s4.s8 v1;
	v15 =	vld [tilespmem:s9+$0x4000]  }
0x160: {  	v3 =	vunpack.c.l.s4.s8 v3  }
0x161: {  	v1 =	vunpack.c.0.s8.s32 v1  }
0x162: {  	v8 =	vimm.s32 $0x0;
	v4 =	vimm.s32 $0xDCBA9876;
	v3 =	vunpack.c.0.s8.s32 v3  }
0x163: {  	v6 =	vimm.s32 $0x54321000;
	v4 =	vunpack.c.l.s4.s8 v4;
	v1 =	vand.u32 $0xF, v1  }
0x164: {  	v5 =	vcombine.low v3, v1;
	v1 =	vunpack.c.l.s4.s8 v6;
	vm0 =	veq.s32 v15, v0  }
0x165: {  	v3 =	vunpack.c.0.s8.s32 v4;
	v4 =	vsel vm0, $0x1, v8  }
0x166: {  	v11 =	vlaneseq.u32;
	v1 =	vunpack.c.0.s8.s32 v1;
	v6 =	vperm.xlane v4, v5  }
0x167: {  	v9 =	vimm.s32 $0x32100000;
	s3 =	simm.s32 $0x10;
	vm2 =	veq.s32 v11, $0x0;
	v3 =	vand.u32 $0xF, v3  }
0x168: {  	v7 =	vcombine.low v1, v3;
	v3 =	vunpack.c.l.s4.s8 v9;
	v1 =	vld [tilespmem:s3+$0x4000];
	v6 =	vsel vm2, $0x0, v6  }
0x169: {  	v9 =	vimm.s32 $0xE40000;
	v4 =	vadd.s32 v4, v6  }
0x16a: {  	v6 =	vunpack.c.l.s2.s4 v9;
	v3 =	vunpack.c.0.s8.s32 v3;
	v10 =	vperm.xlane v4, v7  }
0x16b: {  	v2 =	vand.u32 $0xF, v2;
	vm0 =	vmmov $0x3  }
0x16c: {  	v9 =	vcombine.low v3, v2;
	v2 =	vunpack.c.l.s4.s8 v6;
	v3 =	vsel vm0, $0x0, v10  }
0x16d: {  	v6 =	vimm.s32 $0x7060504;
	vm1 =	veq.s32 v1, v0;
	v4 =	vadd.s32 v3, v4  }
0x16e: {  	s4 =	simm.s32 $0x20;
	v2 =	vunpack.c.0.s8.s32 v2;
	v10 =	vsel vm1, $0x1, v8;
	v12 =	vperm.xlane v4, v9  }
0x16f: {  	v6 =	vunpack.c.0.s8.s32 v6;
	v3 =	vld [tilespmem:s4+$0x4000];
	vm1 =	vmmov $0xf;
	v13 =	vperm.xlane v10, v5  }
0x170: {  	vm3 =	vcmask $0x3F30;
	v2 =	vand.u32 $0x3, v2;
	v14 =	vsel vm1, $0x0, v12  }
0x171: {  	v12 =	vsel vm3, v6, v2;
	v2 =	vsel vm2, $0x0, v13;
	v4 =	vadd.s32 v14, v4  }
0x172: {  	v2 =	vadd.s32 v10, v2;
	v6 =	vperm.xlane v4, v12  }
0x173: {  	vm3 =	vmmov $0xff;
	v10 =	vperm.xlane v2, v7  }
0x174: {  	vm4 =	veq.s32 v3, v0;
	v6 =	vsel vm3, $0x0, v6  }
0x175: {  	v13 =	vsel vm4, $0x1, v8;
	v14 =	vsel vm0, $0x0, v10;
	v16 =	vadd.s32 v6, v4  }
0x176: {  	s5 =	simm.s32 $0x30;
	v4 =	vperm.xlane v13, v5;
	v2 =	vadd.s32 v14, v2;
	(v2sf) =	vpush v16, $0xF  }
0x177: {  	v10 =	vld [tilespmem:s5+$0x4000];
	v14 =	vperm.xlane v2, v9  }
0x178: {  	v4 =	vsel vm2, $0x0, v4  }
0x179: {  	v13 =	vadd.s32 v13, v4;
	v14 =	vsel vm1, $0x0, v14  }
0x17a: {  	s8 =	simm.s32 $0x0;
	vm5 =	vgt.u32 v15, v0;
	v17 =	vperm.xlane v13, v7;
	v14 =	vadd.s32 v14, v2  }
0x17b: {  	s7 =	simm.s32 $0x40;
	vm15 =	vge.u32 v15, v0;
	v16 =	vadd.s32 s8, v16;
	v18 =	vperm.xlane v14, v12  }
0x17c: {  	v6 =	vld [tilespmem:s7+$0x4000];
	v4 =	vmov s6;
	vm4 =	veq.s32 v10, v0;
	v17 =	vsel vm0, $0x0, v17  }
0x17d: {  	v19 =	vsel vm4, $0x1, v8;
	v17 =	vadd.s32 v17, v13;
	v18 =	vsel vm3, $0x0, v18  }
0x17e: {  	s6 =	simm.s32 $0x50;
	v20 =	vperm.xlane v19, v5;
	v21 =	vperm.xlane v17, v9;
	v14 =	vadd.s32 v18, v14  }
0x17f: {  	vm6 =	vle.s32 v16, v4;
	v2 =	vimm.f32 $0.0e+00;
	v13 =	vld [tilespmem:s6+$0x4000];
	(v2sf) =	vpush v14, $0xF  }
0x180: {  	vm5 =	vmor vm5, vm6;
	v16 =	vsel vm2, $0x0, v20;
	v18 =	vsel vm1, $0x0, v21  }
0x181: {  	vm4 =	veq.s32 v6, v0;
	v15 =	vadd.s32 v19, v16;
	v19 =	vadd.s32 v18, v17  }
0x182: {  	vm5 =	vmand vm15, vm5;
	v17 =	vperm.xlane v15, v7;
	v18 =	vperm.xlane v19, v12  }
0x183: {  	v20 =	vsel vm5, $0x3F800000, v2;
	v16 =	vsel vm4, $0x1, v8  }
0x184: {  	vm4 =	veq.s32 v13, v0;
	v63 =	vsel vm0, $0x0, v17;
	v22 =	vsel vm3, $0x0, v18  }
0x185: {  	s10 =	simm.s32 $0x180;
	[tilespmem:s9+$0x6000] =	vst v20;
	v17 =	vsel vm4, $0x1, v8;
	v18 =	vadd.s32 v63, v15;
	v15 =	vadd.s32 v22, v19;
	s9 =	spop (v2sf)  }
.LBB2_22:
0x186: {  	s11 =	sshra.s32 s10, $0x2  }
0x187: {  	v19 =	vperm.xlane v16, v5;
	v20 =	vperm.xlane v18, v9;
	(v2sf) =	vpush v15, $0xF;
	s8 =	sadd.s32 s8, s9;
	s9 =	smov.u32 s10;
	s12 =	sadd.s32 $0x40, s10  }
0x188: {  	p0 =	sne.s32 s10, $0x7FC0;
	vm4 =	vgt.u32 v1, v0;
	vm5 =	vge.u32 v1, v0;
	v1 =	vmovc v3;
	v3 =	vmovc v10;
	v21 =	vld [tilespmem:s11+$0x4000];
	v22 =	vadd.s32 s8, v14  }
0x189: {  	v10 =	vmovc v6;
	v6 =	vmovc v13;
	v19 =	vsel vm2, $0x0, v19;
	v20 =	vsel vm1, $0x0, v20;
	vm6 =	vle.s32 v22, v4  }
.Ltmp14:
0x18a: {  	v14 =	vmovc v15;
	v19 =	vadd.s32 v16, v19;
	v20 =	vadd.s32 v20, v18;
	vm4 =	vmor vm4, vm6;
	v16 =	vmovc v17;
	(pc) =	sbr.rel @p0 .LBB2_22-.Ltmp14, $4  }
0x18b: {  	v22 =	vperm.xlane v19, v7;
	v15 =	vperm.xlane v20, v12;
	vm4 =	vmand vm5, vm4  }
0x18c: {  	s10 =	smov.u32 s12;
	v17 =	vsel vm4, $0x3F800000, v2  }
0x18d: {  	vm4 =	veq.s32 v21, v0;
	v18 =	vsel vm0, $0x0, v22;
	v15 =	vsel vm3, $0x0, v15;
	[tilespmem:s3+$0x6000] =	vst v17;
	v13 =	vmovc v21;
	s3 =	smov.u32 s4;
	s4 =	smov.u32 s5;
	s5 =	smov.u32 s7  }
0x18e: {  	s7 =	smov.u32 s6;
	s6 =	smov.u32 s11;
	v17 =	vsel vm4, $0x1, v8;
	v18 =	vadd.s32 v18, v19;
	v15 =	vadd.s32 v15, v20;
	s9 =	spop (v2sf)  }
0x18f: {  	v8 =	vperm.xlane v16, v5  }
0x190: {  	vm2 =	veq.s32 v11, $0x0  }
0x191: {  	v8 =	vsel vm2, $0x0, v8  }
0x192: {  	v8 =	vadd.s32 v16, v8  }
0x193: {  	v49 =	vperm.xlane v8, v7;
	_ =	sdelay $0x1  }
0x194: {  	v11 =	vsel vm0, $0x0, v49  }
0x195: {  	v50 =	vperm.xlane v18, v9;
	v51 =	vperm.xlane v17, v5;
	v8 =	vadd.s32 v11, v8  }
0x196: {  	v11 =	vperm.xlane v8, v9  }
0x197: {  	v5 =	vsel vm2, $0x0, v51;
	v16 =	vsel vm1, $0x0, v50  }
0x198: {  	v5 =	vadd.s32 v17, v5;
	v16 =	vadd.s32 v16, v18;
	v11 =	vsel vm1, $0x0, v11  }
0x199: {  	v53 =	vperm.xlane v5, v7;
	v52 =	vperm.xlane v16, v12;
	v8 =	vadd.s32 v11, v8  }
0x19a: {  	v11 =	vperm.xlane v8, v12  }
0x19b: {  	(v2sf) =	vpush v15, $0xF;
	v7 =	vsel vm0, $0x0, v53;
	v17 =	vsel vm3, $0x0, v52  }
0x19c: {  	v5 =	vadd.s32 v7, v5;
	v16 =	vadd.s32 v17, v16;
	v11 =	vsel vm3, $0x0, v11  }
0x19d: {  	v55 =	vperm.xlane v5, v9;
	(v2sf) =	vpush v16, $0xF;
	v54 =	vadd.s32 v11, v8  }
0x19e: {  	(v2sf) =	vpush v54, $0xF  }
0x19f: {  	v8 =	vsel vm1, $0x0, v55  }
0x1a0: {  	v5 =	vadd.s32 v8, v5  }
0x1a1: {  	v8 =	vperm.xlane v5, v12;
	_ =	sdelay $0x1  }
0x1a2: {  	v8 =	vsel vm3, $0x0, v8  }
0x1a3: {  	v5 =	vadd.s32 v8, v5  }
0x1a4: {  	(v2sf) =	vpush v5, $0xF;
	_ =	sdelay $0x1  }
0x1a5: {  	s8 =	sadd.s32 s8, s9;
	vm9 =	vgt.u32 v1, v0;
	vm11 =	vge.u32 v1, v0  }
0x1a6: {  	vm12 =	vgt.u32 v3, v0;
	vm13 =	vge.u32 v3, v0;
	v56 =	vadd.s32 s8, v14;
	s26 =	spop (v2sf)  }
0x1a7: {  	vm15 =	vgt.u32 v10, v0;
	vm7 =	vge.u32 v10, v0;
	vm10 =	vle.s32 v56, v4;
	s8 =	sadd.s32 s8, s26  }
0x1a8: {  	vm0 =	vmor vm9, vm10;
	vm9 =	vgt.u32 v6, v0;
	v57 =	vadd.s32 s8, v15  }
0x1a9: {  	vm10 =	vge.u32 v6, v0;
	vm0 =	vmand vm11, vm0;
	vm14 =	vle.s32 v57, v4;
	s28 =	spop (v2sf)  }
0x1aa: {  	v59 =	vsel vm0, $0x3F800000, v2;
	vm1 =	vmor vm12, vm14;
	vm12 =	vgt.u32 v13, v0;
	s8 =	sadd.s32 s8, s28;
	s29 =	spop (v2sf)  }
0x1ab: {  	vm14 =	vge.u32 v13, v0;
	vm1 =	vmand vm13, vm1;
	v58 =	vadd.s32 s8, v16;
	s8 =	sadd.s32 s8, s29;
	s30 =	spop (v2sf)  }
0x1ac: {  	v60 =	vsel vm1, $0x3F800000, v2;
	vm4 =	vle.s32 v58, v4;
	v7 =	vadd.s32 s8, v54;
	s8 =	sadd.s32 s8, s30  }
0x1ad: {  	vm3 =	vmor vm15, vm4;
	vm11 =	vle.s32 v7, v4;
	v5 =	vadd.s32 s8, v5  }
0x1ae: {  	[tilespmem:s3+$0x6000] =	vst v59;
	vm8 =	vmand vm7, vm3;
	vm0 =	vmor vm9, vm11;
	vm13 =	vle.s32 v5, v4  }
0x1af: {  	[tilespmem:s4+$0x6000] =	vst v60;
	v61 =	vsel vm8, $0x3F800000, v2;
	vm0 =	vmand vm10, vm0;
	vm2 =	vmor vm12, vm13  }
0x1b0: {  	[tilespmem:s5+$0x6000] =	vst v61;
	v62 =	vsel vm0, $0x3F800000, v2;
	vm15 =	vmand vm14, vm2  }
0x1b1: {  	[tilespmem:s7+$0x6000] =	vst v62;
	v63 =	vsel vm15, $0x3F800000, v2  }
0x1b2: {  	s31 =	spop (v2sf);
	[tilespmem:s6+$0x6000] =	vst v63  }
.LBB2_24:
0x1b3: {  	s3 =	simm.s32 $0x80  }
0x1b4: {  	s4 =	simm.s32 $0x400;
	s5 =	simm.s32 $0x6000;
	s31 =	simm.s32 $0x1  }
0x1b5: {  	[hbm4b:s2+s3] =	stream.strided.scatter [tilespmem:s5], [sflag:$0x1], $0x2000, s4, s3, $0x38;
	[tilespmem:$0x8000] =	vst v63  }
0x1b6: {  	_ =	swait.ge [sflag:s31], $0x2000  }
0x1b7: {  	[sflag:s31] =	ssyncset.done $0x0  }
0x1b8: {  	[sflag:s31] =	ssyncadd.s32 $0xFFFFE000  }
0x1b9: {  	_ =	sfence.sel $0x180000  }
0x1ba: {  	[bflag:$0x0] =	sbarrier.arrive $0xFFFF  }
0x1bb: {  	p0 =	sne.s32 s1, $0x0;
	_ =	strace $0x9000004A  }
0x1bc: {  	s0 =	sadd.s32 @!p0 $0x100000, s0;
	[bflag:$0x2] =	sbarrier.arrive $0xFFFF  }
0x1bd: {  	[sflag:s0] =	ssyncadd.tile.s32 @!p0 $0x1;
	_ =	shalt  }
.Lfunc_end2:
_tile_overlayer_lowered:
.L_overlay_start_2:
0x1be: {  	(tag) =	ssettag $0x2  }
0x1bf: {  	s0 =	rddreg [dreg:$0x0];
	s2 =	stileid.u32  }
0x1c0: {  	s1 =	rddreg [dreg:$0x1];
	p0 =	sne.s32 s2, $0x0  }
0x1c1: {  	s3 =	rddreg [dreg:$0x2];
	[bflag:$0x3] =	sbarrier.arrive $0xFFFF;
	s2 =	simm.s32 @!p0 $0x1C01  }
0x1c2: {  	[timem:s3], [sflag:s2] =	dma.local @!p0 [hbm:s0], s1  }
0x1c3: {  	s0 =	simm.s32 @!p0 $0x1  }
0x1c4: {  	_ =	swait.ge @!p0 [sflag:s0], s1  }
0x1c5: {  	s1 =	ssub.s32 @!p0 $0x0, s1;
	[sflag:s0] =	ssyncset.done @!p0 $0x0  }
0x1c6: {  	[sflag:s0] =	ssyncadd.s32 @!p0 s1  }
0x1c7: {  	[bflag:$0x3] =	sbarrier.arrive $0xFFFF  }
0x1c8: {  	_ =	shalt  }

// kernel: kernel.7.cloned.1.call-start
scs
__scs_entry_jumppad:
0x0: {  	(pc) =	sbr.rel $0x88, $3  }
0x1: {  	(tag) =	ssettag $0x0;
	lr =	simm.s32 $0x1  }
0x2: {  	[smem:$0x3FA0] =	sst lr;
	_ =	strace $0xD0000000  }
0x3: {  	_ = 	snop  }
0x4: {  	_ = 	snop  }
0x5: {  	_ = 	snop  }
0x6: {  	_ = 	snop  }
0x7: {  	_ = 	snop  }
__scs_overlays_trampoline_lowered:
0x8: {  	[smem:$0x3FAF] =	sst s0  }
0x9: {  	[smem:$0x3FB0] =	sst s1  }
0xa: {  	[smem:$0x3FB1] =	sst s2  }
0xb: {  	[smem:$0x3FB2] =	sst s3  }
0xc: {  	[smem:$0x3FB3] =	sst s4  }
0xd: {  	[smem:$0x3FB4] =	sst s5  }
0xe: {  	[smem:$0x3FB5] =	sst s6  }
0xf: {  	[smem:$0x3FB6] =	sst s7  }
0x10: {  	[smem:$0x3FB7] =	sst s8  }
0x11: {  	[smem:$0x3FB8] =	sst s9;
	s0 =	simm.s32 @!p0 $0x0  }
0x12: {  	s1 =	sld [smem:$0x3F9E];
	s0 =	simm.s32 @p0 $0x1  }
0x13: {  	[smem:$0x3FB9] =	sst s0;
	s0 =	simm.s32 @!p1 $0x0  }
0x14: {  	s2 =	sld [smem:$0x3F9D];
	s0 =	simm.s32 @p1 $0x1  }
0x15: {  	[smem:$0x3FBA] =	sst s0;
	s0 =	simm.s32 @!p2 $0x0  }
0x16: {  	s3 =	sld [smem:$0x3FDB];
	s0 =	simm.s32 @p2 $0x1  }
0x17: {  	s4 =	simm.s32 $0x1BF5;
	[smem:$0x3FBC] =	sst s0  }
0x18: {  	s0 =	sld [smem:$0x3F9F];
	_ =	swait.ge [sflag:s4], $0x0  }
0x19: {  	s7 =	sld [smem:$0x3FA0]  }
0x1a: {  	s8 =	sadd.s32 $0xFFFFE003, lr  }
0x1b: {  	s9 =	sadd.s32 $0xFFFFFEF7, lr;
	s5 =	simm.s32 $0xFFFFFFFF;
	p2 =	slt.u32 s8, $0xFFFFF086  }
0x1c: {  	p1 =	slt.u32 s9, $0xF7A;
	s5 =	simm.s32 @!p2 $0x0  }
0x1d: {  	s5 =	simm.s32 @p1 $0x1;
	p0 =	seq.s32 s7, s2  }
0x1e: {  	s7 =	smul.u32 @!p0 $0xF7A, s2;
	p2 =	seq.s32 @!p0 s5, $0x0  }
0x1f: {  	s9 =	smul.u32 $0xF7A, s1;
	s8 =	simm.s32 @!p0 $0x1BF5;
	p2 =	por !p2, p0  }
0x20: {  	[sflag:s8] =	ssyncset.s32 @!p0 $0xFFFFF086;
	s6 =	sadd.s32 @!p0 s3, s7;
	s7 =	simm.s32 @!p0 $0x108  }
0x21: {  	s3 =	sadd.s32 s3, s9;
	s6 =	sadd.s32 @!p0 $0x88, s6;
	s7 =	simm.s32 @p2 $0x1082  }
0x22: {  	[simem:s7], [sflag:s8] =	dma.local @!p0 [hbm:s6], $0xF7A  }
0x23: {  	s9 =	sor.u32 $0xD0000000, s2;
	s6 =	simm.s32 $0x108;
	_ =	swait.ge @!p0 [sflag:s8], $0x0  }
0x24: {  	s3 =	sadd.s32 $0x88, s3;
	s6 =	simm.s32 @!p1 $0x1082;
	[sflag:s4] =	ssyncset.s32 $0xFFFFF086  }
0x25: {  	[simem:s6], [sflag:s4] =	dma.local [hbm:s3], $0xF7A  }
0x26: {  	[smem:$0x3FA0] =	sst s1;
	(tag) =	ssettag s2;
	_ =	strace s9  }
0x27: {  	s1 =	sld [smem:$0x3FB0]  }
0x28: {  	s2 =	sld [smem:$0x3FB1]  }
0x29: {  	s4 =	sld [smem:$0x3FB3]  }
0x2a: {  	p0 =	seq.s32 s5, $0x0;
	s5 =	sld [smem:$0x3FB4]  }
0x2b: {  	s6 =	sld [smem:$0x3FB5]  }
0x2c: {  	s7 =	sld [smem:$0x3FB6]  }
0x2d: {  	s3 =	simm.s32 $0x108;
	s8 =	sld [smem:$0x3FB7]  }
0x2e: {  	s3 =	simm.s32 @!p0 $0x1082;
	s9 =	sld [smem:$0x3FB8]  }
0x2f: {  	lr =	sadd.s32 s0, s3;
	s0 =	sld [smem:$0x3FAF]  }
0x30: {  	s3 =	sld [smem:$0x3FB2]  }
0x31: {  	[smem:$0x3FBB] =	sst s10  }
0x32: {  	s10 =	sld [smem:$0x3FB9];
	_ =	sdelay $0x3  }
0x33: {  	p0 =	seq.s32 s10, $0x1;
	s10 =	sld [smem:$0x3FBB];
	_ =	sdelay $0x3  }
0x34: {  	[smem:$0x3FBB] =	sst s10  }
0x35: {  	s10 =	sld [smem:$0x3FBA];
	_ =	sdelay $0x3  }
0x36: {  	p1 =	seq.s32 s10, $0x1;
	s10 =	sld [smem:$0x3FBB];
	_ =	sdelay $0x3  }
0x37: {  	[smem:$0x3FBB] =	sst s10  }
0x38: {  	s10 =	sld [smem:$0x3FBC]  }
0x39: {  	_ = 	snop;
	(pc) =	sbr.ind lr, $3  }
0x3a: {  	_ = 	snop  }
0x3b: {  	_ = 	snop  }
0x3c: {  	p2 =	seq.s32 s10, $0x1;
	s10 =	sld [smem:$0x3FBB]  }
0x3d: {  	_ =	shalt  }
0x3e: {  	_ =	shalt  }
0x3f: {  	_ =	shalt  }
0x40: {  	_ =	shalt  }
0x41: {  	_ =	shalt  }
0x42: {  	_ =	shalt  }
0x43: {  	_ =	shalt  }
0x44: {  	_ =	shalt  }
0x45: {  	_ =	shalt  }
0x46: {  	_ =	shalt  }
0x47: {  	_ =	shalt  }
0x48: {  	_ =	shalt  }
0x49: {  	_ =	shalt  }
0x4a: {  	_ =	shalt  }
0x4b: {  	_ =	shalt  }
0x4c: {  	_ =	shalt  }
0x4d: {  	_ =	shalt  }
0x4e: {  	_ =	shalt  }
0x4f: {  	_ =	shalt  }
0x50: {  	_ =	shalt  }
0x51: {  	_ =	shalt  }
0x52: {  	_ =	shalt  }
0x53: {  	_ =	shalt  }
0x54: {  	_ =	shalt  }
0x55: {  	_ =	shalt  }
0x56: {  	_ =	shalt  }
0x57: {  	_ =	shalt  }
0x58: {  	_ =	shalt  }
0x59: {  	_ =	shalt  }
0x5a: {  	_ =	shalt  }
0x5b: {  	_ =	shalt  }
0x5c: {  	_ =	shalt  }
0x5d: {  	_ =	shalt  }
0x5e: {  	_ =	shalt  }
0x5f: {  	_ =	shalt  }
0x60: {  	_ =	shalt  }
0x61: {  	_ =	shalt  }
0x62: {  	_ =	shalt  }
0x63: {  	_ =	shalt  }
0x64: {  	_ =	shalt  }
0x65: {  	_ =	shalt  }
0x66: {  	_ =	shalt  }
0x67: {  	_ =	shalt  }
0x68: {  	_ =	shalt  }
0x69: {  	_ =	shalt  }
0x6a: {  	_ =	shalt  }
0x6b: {  	_ =	shalt  }
0x6c: {  	_ =	shalt  }
0x6d: {  	_ =	shalt  }
0x6e: {  	_ =	shalt  }
0x6f: {  	_ =	shalt  }
0x70: {  	_ =	shalt  }
0x71: {  	_ =	shalt  }
0x72: {  	_ =	shalt  }
0x73: {  	_ =	shalt  }
0x74: {  	_ =	shalt  }
0x75: {  	_ =	shalt  }
0x76: {  	_ =	shalt  }
0x77: {  	_ =	shalt  }
0x78: {  	_ =	shalt  }
0x79: {  	_ =	shalt  }
0x7a: {  	_ =	shalt  }
0x7b: {  	_ =	shalt  }
0x7c: {  	_ =	shalt  }
0x7d: {  	_ =	shalt  }
0x7e: {  	_ =	shalt  }
0x7f: {  	_ =	shalt  }
0x80: {  	_ =	shalt  }
0x81: {  	_ =	shalt  }
0x82: {  	_ =	shalt  }
0x83: {  	_ =	shalt  }
0x84: {  	_ =	shalt  }
0x85: {  	_ =	shalt  }
0x86: {  	_ =	shalt  }
0x87: {  	_ =	shalt  }
.Lfunc_end0:
.L_simem_size_0:
called_computation.1_lowered:
.L_overlay_start_0:
0x88: {  	s0 =	sld [smem:$0x3FD9]  }
0x89: {  	s1 =	sld [smem:$0x3FFE];
	_ =	sdelay $0x3  }
0x8a: {  	s0 =	sadd.s32 s1, s0  }
0x8b: {  	[smem:$0x3FC7] =	sst s0  }
0x8c: {  	_ = 	snop  }
0x8d: {  	s0 =	sld [smem:$0x3FC9]  }
0x8e: {  	s16 =	sld [smem:$0x3FD0];
	(tm) =	ssettm $0x1  }
0x8f: {  	s2 =	sld [smem:$0x3FFB];
	_ =	sdelay $0x3  }
0x90: {  	_ =	strace s2  }
0x91: {  	s2 =	sld [smem:$0x3FFC];
	_ =	sdelay $0x3  }
0x92: {  	_ =	strace s2  }
0x93: {  	s2 =	sld [smem:$0x3FFD];
	_ =	sdelay $0x3  }
0x94: {  	_ =	strace s2  }
0x95: {  	_ =	strace $0x8FFFFFFF  }
0x96: {  	s17 =	sld [smem:$0x3FDB];
	_ =	sdelay $0x1  }
0x97: {  	s3 =	simm.s32 $_scs_section_size  }
0x98: {  	s4 =	simm.s32 $_size__tile_overlayer_lowered;
	s5 =	simm.s32 $_tile_overlayer_lowered  }
0x99: {  	s20 =	simm.s32 $0x1BFF;
	s19 =	sshll.u32 s5, $0x1;
	s2 =	sadd.s32 s3, s17  }
0x9a: {  	s6 =	simm.s32 $0x0;
	s18 =	sshll.u32 s4, $0x1;
	s4 =	sadd.s32 s19, s2  }
0x9b: {  	[timem:s6], [sflag:s20] =	dma.local [hbm:s4], s18  }
0x9c: {  	_ =	swait.ge [sflag:s20], s18  }
0x9d: {  	s3 =	ssub.s32 $0x0, s18;
	[sflag:s20] =	ssyncset.done $0x0  }
0x9e: {  	[sflag:s20] =	ssyncadd.s32 s3;
	_ =	sdelay $0x1  }
0x9f: {  	s21 =	simm.s32 $0x1B8B  }
0xa0: {  	_ =	swait.ge [sflag:s21], $0x1  }
0xa1: {  	[sflag:s21] =	ssyncset.done $0x0  }
0xa2: {  	s23 =	simm.s32 $0x1B8E;
	s22 =	sld [smem:$0x3FFE];
	[sflag:s21] =	ssyncadd.s32 $0xFFFFFFFF  }
0xa3: {  	s24 =	simm.s32 $execute0_lowered;
	[smem:$0x3FD2] =	sst s23  }
0xa4: {  	s4 =	sshll.u32 s24, $0x1;
	_ =	strace $0x80000046;
	[dreg:$0x1] =	wrdreg $0xFFFFFFFF  }
0xa5: {  	s25 =	simm.s32 $_size_execute0_lowered;
	s2 =	sadd.s32 s2, s4;
	[dreg:$0x0] =	wrdreg $0x0  }
0xa6: {  	s4 =	sshll.u32 s25, $0x1;
	[dreg:$0x2] =	wrdreg s2  }
0xa7: {  	[dreg:$0x3] =	wrdreg s4  }
0xa8: {  	[dreg:$0x4] =	wrdreg $0xC0  }
0xa9: {  	_ =	task [dreg:s6], $0x5FFFF  }
0xaa: {  	[dreg:$0x1] =	wrdreg $0xFFFFFFFF  }
0xab: {  	[dreg:$0x0] =	wrdreg $0x60  }
0xac: {  	[dreg:$0x2] =	wrdreg s0  }
0xad: {  	[dreg:$0x3] =	wrdreg s16  }
0xae: {  	[dreg:$0x4] =	wrdreg s22  }
0xaf: {  	[dreg:$0x5] =	wrdreg $0xA  }
0xb0: {  	_ =	task.clear_ibuf [dreg:s6], $0x6FFFF;
	_ =	strace $0x90000046  }
0xb1: {  	s26 =	simm.s32 $0xA;
	_ =	strace $0x80000048  }
0xb2: {  	_ =	swait.ge [sflag:s26], $0x1  }
0xb3: {  	[sflag:s26] =	ssyncadd.s32 $0xFFFFFFFF  }
0xb4: {  	_ =	strace $0x90000048  }
0xb5: {  	_ =	sfence  }
0xb6: {  	s28 =	sld [smem:$0x0];
	_ =	sdelay $0x1  }
0xb7: {  	s29 =	srdreg.scid  }
0xb8: {  	s30 =	sshll.u32 s29, $0xD;
	s31 =	sshrl.u32 s29, $0x2  }
0xb9: {  	s1 =	sand.u32 $0x1, s29;
	s2 =	sand.u32 $0x4000, s30;
	s0 =	sadd.s32 s31, s28  }
0xba: {  	s1 =	sor.u32 s2, s1;
	s0 =	sshll.u32 s0, $0x11  }
0xbb: {  	s0 =	sor.u32 s0, s1  }
0xbc: {  	s0 =	sadd.s32 $0x8F2B, s0  }
0xbd: {  	[sflag:s0] =	ssyncadd.remote.s32 $0x1  }
0xbe: {  	_ =	sfence.sel $0xFFFF  }
0xbf: {  	[dreg:$0x0] =	wrdreg $0xFFFFFFFF;
	(pc) =	sbr.abs _section_cstart, $3  }
0xc0: {  	[dreg:$0x1] =	wrdreg $0xFFFFFFFF  }
0xc1: {  	_ =	task.clear_ibuf [dreg:s6], $0x2FFFF;
	_ =	strace $0x9FFFFFFF  }
0xc2: {  	(tm) =	ssettm $0x7FFFFFFF  }
0xc3: {  	_ =	shalt  }
tec
execute0_lowered:
.L_overlay_start_1:
0x0: {  	(tag) =	ssettag $0x1  }
0x1: {  	s3 =	rddreg [dreg:$0x0]  }
0x2: {  	s4 =	rddreg [dreg:$0x1];
	s0 =	stileid.u32  }
0x3: {  	s7 =	rddreg [dreg:$0x2];
	s2 =	sshll.u32 s0, $0xA;
	s5 =	sshll.u32 s0, $0x4  }
0x4: {  	s1 =	rddreg [dreg:$0x3];
	s2 =	sor.u32 s5, s2  }
0x5: {  	s6 =	simm.s32 $0x0;
	s8 =	simm.s32 $0x80;
	s2 =	sand.u32 $0x2070, s2  }
0x6: {  	s9 =	simm.s32 $0x400;
	[smem:$0x7FF] =	sst s6;
	s29 =	sor.u32 $0x4000, s2  }
0x7: {  	s30 =	simm.s32 $0x1;
	_ =	strace $0x80000047;
	s3 =	sadd.s32 s3, s29  }
0x8: {  	[tilespmem:s6], [sflag:$0x1] =	stream.strided.gather [hbm4b:s3+s8], $0x2000, s9, s8, $0x38;
	[tilespmem:$0x8000] =	vst v63  }
0x9: {  	_ =	swait.ge [sflag:s30], $0x2000  }
0xa: {  	[sflag:s30] =	ssyncset.done $0x0  }
0xb: {  	s31 =	simm.s32 $0x2000;
	s4 =	sadd.s32 s4, s29;
	[sflag:s30] =	ssyncadd.s32 $0xFFFFE000  }
0xc: {  	[tilespmem:s31], [sflag:$0x1] =	stream.strided.gather [hbm4b:s4+s8], $0x2000, s9, s8, $0x38;
	[tilespmem:$0x8000] =	vst v63  }
0xd: {  	_ =	swait.ge [sflag:s30], $0x2000  }
0xe: {  	[sflag:s30] =	ssyncset.done $0x0  }
0xf: {  	s5 =	simm.s32 $0x0;
	[sflag:s30] =	ssyncadd.s32 $0xFFFFE000  }
0x10: {  	v0 =	vld [tilespmem:s5+$0x0]  }
0x11: {  	v1 =	vld [tilespmem:s5+$0x2000];
	_ =	sdelay $0x3  }
0x12: {  	s6 =	simm.s32 $0x10  }
0x13: {  	v3 =	vld [tilespmem:s6+$0x0];
	v0 =	vadd.f32 v1, v0  }
0x14: {  	v5 =	vld [tilespmem:s6+$0x2000]  }
0x15: {  	v4 =	vimm.f32 $0.0e+00;
	v1 =	vimm.s32 $0xFFFFFFFF;
	v2 =	vand.u32 $0x7FFFFFFF, v0  }
0x16: {  	vm0 =	vlt.s32 v0, $0x0;
	v6 =	vxor.u32 $0xFFFFFFFF, v0;
	v7 =	vxor.u32 $0x80000000, v2  }
0x17: {  	s3 =	sadd.s32 $0xA00, s7;
	s4 =	simm.s32 $0x80;
	v4 =	vadd.f32 v0, v4;
	v2 =	vimm.s32 $0x0;
	v0 =	vsel vm0, v6, v7  }
.LBB2_1:
0x18: {  	[tilespmem:s5+$0x4000] =	vst v0;
	v1 =	vmin.u32 v1, v0;
	v2 =	vmax.u32 v2, v0;
	s5 =	smov.u32 s6;
	s6 =	sshra.s32 s4, $0x2;
	p0 =	sne.s32 s4, $0x7FC0  }
.Ltmp0:
0x19: {  	s4 =	sadd.s32 $0x40, s4;
	v0 =	vadd.f32 v5, v3;
	v3 =	vld [tilespmem:s6+$0x0];
	(pc) =	sbr.rel @p0 .LBB2_1-.Ltmp0, $4  }
0x1a: {  	v5 =	vld [tilespmem:s6+$0x2000]  }
0x1b: {  	v6 =	vand.u32 $0x7FFFFFFF, v0;
	v4 =	vadd.f32 v0, v4  }
0x1c: {  	vm0 =	vlt.s32 v0, $0x0;
	v0 =	vxor.u32 $0xFFFFFFFF, v0;
	v6 =	vxor.u32 $0x80000000, v6  }
0x1d: {  	v0 =	vsel vm0, v0, v6  }
0x1e: {  	v6 =	vimm.s32 $0xFEDCBA9;
	v7 =	vimm.s32 $0x87654321  }
0x1f: {  	v6 =	vunpack.c.l.s4.s8 v6;
	v7 =	vunpack.c.l.s4.s8 v7;
	_ =	sdelay $0x1  }
0x20: {  	v6 =	vunpack.c.0.s8.s32 v6;
	v7 =	vunpack.c.0.s8.s32 v7  }
0x21: {  	v8 =	vimm.s32 $0x98765432;
	v3 =	vadd.f32 v5, v3;
	v5 =	vimm.s32 $0x10FEDCBA  }
0x22: {  	v5 =	vunpack.c.l.s4.s8 v5;
	v6 =	vcombine.low v7, v6;
	v7 =	vunpack.c.l.s4.s8 v8  }
0x23: {  	v4 =	vadd.f32 v3, v4  }
0x24: {  	v5 =	vunpack.c.0.s8.s32 v5;
	v6 =	vand.u32 $0xF, v6;
	v7 =	vunpack.c.0.s8.s32 v7  }
0x25: {  	v9 =	vimm.s32 $0x3210FEDC;
	v10 =	vimm.s32 $0xBA987654;
	v8 =	vperm.xlane v4, v6  }
0x26: {  	v56 =	vunpack.c.l.s4.s8 v10;
	v5 =	vcombine.low v7, v5;
	v7 =	vunpack.c.l.s4.s8 v9  }
0x27: {  	v11 =	vimm.s32 $0xFEDCBA98;
	v4 =	vadd.f32 v8, v4  }
0x28: {  	v8 =	vunpack.c.0.s8.s32 v56;
	v5 =	vand.u32 $0xF, v5;
	v7 =	vunpack.c.0.s8.s32 v7  }
0x29: {  	v11 =	vunpack.c.l.s4.s8 v11;
	v58 =	vperm.xlane v4, v5  }
0x2a: {  	v57 =	vand.u32 $0x7FFFFFFF, v3;
	v7 =	vcombine.low v8, v7;
	v8 =	vimm.s32 $0x76543210  }
0x2b: {  	vm0 =	vlt.s32 v3, $0x0;
	v4 =	vadd.f32 v58, v4;
	v8 =	vunpack.c.l.s4.s8 v8  }
0x2c: {  	v3 =	vxor.u32 $0xFFFFFFFF, v3;
	v59 =	vunpack.c.0.s8.s32 v11;
	v7 =	vand.u32 $0xF, v7  }
0x2d: {  	v9 =	vxor.u32 $0x80000000, v57;
	v60 =	vperm.xlane v4, v7;
	v8 =	vunpack.c.0.s8.s32 v8  }
0x2e: {  	v1 =	vmin.u32 v1, v0;
	v61 =	vand.u32 $0xF, v59;
	v3 =	vsel vm0, v3, v9  }
0x2f: {  	v1 =	vmin.u32 v1, v3;
	v4 =	vadd.f32 v60, v4;
	v8 =	vcombine.low v61, v8  }
0x30: {  	v62 =	vperm.xlane v1, v6  }
0x31: {  	v63 =	vperm.xlane v4, v8  }
0x32: {  	v1 =	vmin.u32 v1, v62  }
0x33: {  	v2 =	vmax.u32 v2, v0;
	v9 =	vperm.xlane v1, v5;
	v4 =	vadd.f32 v63, v4  }
0x34: {  	v2 =	vmax.u32 v2, v3  }
0x35: {  	v1 =	vmin.u32 v1, v9;
	(v2sf) =	vpush v4, $0x0;
	v4 =	vperm.xlane v2, v6  }
0x36: {  	v6 =	vperm.xlane v1, v7  }
0x37: {  	v2 =	vmax.u32 v2, v4  }
0x38: {  	v1 =	vmin.u32 v1, v6;
	v4 =	vperm.xlane v2, v5  }
0x39: {  	v5 =	vperm.xlane v1, v8  }
0x3a: {  	v2 =	vmax.u32 v2, v4  }
0x3b: {  	v1 =	vmin.u32 v1, v5;
	v4 =	vperm.xlane v2, v7  }
0x3c: {  	(v2sf) =	vpush v1, $0x0  }
0x3d: {  	v1 =	vmax.u32 v2, v4  }
0x3e: {  	v2 =	vperm.xlane v1, v8;
	_ =	sdelay $0x1  }
0x3f: {  	v1 =	vmax.u32 v1, v2  }
0x40: {  	(v2sf) =	vpush v1, $0x0;
	_ =	sdelay $0x3  }
0x41: {  	s4 =	spop (v2sf)  }
0x42: {  	s4 =	smul.f32 $1.220703130e-04, s4;
	_ =	sdelay $0x1  }
0x43: {  	s7 =	sadd.f32 $-1.242000010e-01, s4;
	_ =	sdelay $0x1  }
0x44: {  	s8 =	sadd.f32 $-3.999999910e-02, s7;
	p1 =	slt.s32 s7, $0x0;
	s10 =	sxor.u32 $0xFFFFFFFF, s7  }
0x45: {  	s11 =	sor.u32 $0x80000000, s7;
	s7 =	sadd.f32 $3.999999910e-02, s7;
	s4 =	spop (v2sf)  }
0x46: {  	s11 =	smov.u32 @p1 s10;
	p0 =	slt.s32 s8, $0x0;
	s9 =	sxor.u32 $0xFFFFFFFF, s8  }
0x47: {  	s8 =	sor.u32 $0x80000000, s8;
	s30 =	sadd.s32 $0x1, s4;
	s10 =	sxor.u32 $0xFFFFFFFF, s7  }
0x48: {  	s12 =	sor.u32 $0x80000000, s7;
	s8 =	smov.u32 @p0 s9;
	p0 =	slt.s32 s7, $0x0  }
0x49: {  	[tilespmem:s5+$0x4000] =	vst v0;
	s31 =	simm.s32 $0x0;
	s11 =	smax.u32 s11, s30;
	s12 =	smov.u32 @p0 s10  }
0x4a: {  	[tilespmem:s6+$0x4000] =	vst v3;
	v3 =	vimm.s32 $0x0;
	s8 =	smax.u32 s8, s30;
	s12 =	smax.u32 s12, s30;
	s7 =	spop (v2sf)  }
0x4b: {  	v6 =	vld [tilespmem:s31+$0x4000];
	v7 =	vimm.s32 $0x0;
	v4 =	vimm.s32 $0x0;
	v1 =	vimm.s32 $0x0;
	s10 =	smin.u32 s8, s7;
	s9 =	smin.u32 s11, s7;
	s8 =	smin.u32 s12, s7  }
0x4c: {  	s5 =	simm.s32 $0x40;
	v0 =	vmov s10;
	v2 =	vmov s9;
	v5 =	vmov s8  }
.LBB2_3:
0x4d: {  	p0 =	sne.s32 s5, $0x7FC0  }
.Ltmp1:
0x4e: {  	_ = 	snop;
	(pc) =	sbr.rel @p0 .LBB2_3-.Ltmp1, $4  }
0x4f: {  	_ = 	snop  }
0x50: {  	s6 =	sshra.s32 s5, $0x2;
	s5 =	sadd.s32 $0x40, s5;
	vm0 =	vge.u32 v6, v0;
	vm1 =	vge.u32 v6, v2;
	vm2 =	vge.u32 v6, v5  }
0x51: {  	v6 =	vld [tilespmem:s6+$0x4000];
	v8 =	vsel vm0, $0x1, v3;
	v9 =	vsel vm1, $0x1, v3;
	v10 =	vsel vm2, $0x1, v3  }
0x52: {  	v7 =	vadd.s32 v8, v7;
	v1 =	vadd.s32 v9, v1;
	v4 =	vadd.s32 v10, v4  }
0x53: {  	v8 =	vimm.s32 $0xFEDCBA9  }
0x54: {  	v9 =	vimm.s32 $0x87654321;
	v51 =	vimm.s32 $0x10FEDCBA;
	v10 =	vimm.s32 $0x98765432  }
0x55: {  	v11 =	vimm.s32 $0x3210FEDC;
	v8 =	vunpack.c.l.s4.s8 v8;
	v9 =	vunpack.c.l.s4.s8 v9  }
0x56: {  	v12 =	vimm.s32 $0xBA987654;
	v55 =	vimm.s32 $0xFEDCBA98;
	v57 =	vimm.s32 $0x76543210  }
0x57: {  	v10 =	vunpack.c.l.s4.s8 v10;
	v8 =	vunpack.c.0.s8.s32 v8;
	v9 =	vunpack.c.0.s8.s32 v9  }
0x58: {  	v11 =	vunpack.c.l.s4.s8 v11;
	v12 =	vunpack.c.l.s4.s8 v12;
	vm0 =	vge.u32 v6, v0  }
0x59: {  	vm14 =	vge.u32 v6, v2;
	v0 =	vcombine.low v9, v8;
	v8 =	vunpack.c.l.s4.s8 v51  }
0x5a: {  	v10 =	vunpack.c.0.s8.s32 v10;
	v54 =	vunpack.c.0.s8.s32 v12;
	v52 =	vsel vm0, $0x1, v3  }
0x5b: {  	v7 =	vadd.s32 v52, v7;
	v53 =	vand.u32 $0xF, v0;
	v8 =	vunpack.c.0.s8.s32 v8  }
0x5c: {  	v12 =	vunpack.c.l.s4.s8 v57;
	v13 =	vsel vm14, $0x1, v3;
	v2 =	vperm.xlane v7, v53  }
0x5d: {  	v13 =	vadd.s32 v13, v1;
	v1 =	vcombine.low v10, v8;
	v10 =	vunpack.c.l.s4.s8 v55  }
0x5e: {  	vm15 =	vge.u32 v6, v5;
	v7 =	vadd.s32 v7, v2;
	v2 =	vunpack.c.0.s8.s32 v11  }
0x5f: {  	v6 =	vperm.xlane v13, v53;
	v56 =	vand.u32 $0xF, v1;
	v5 =	vunpack.c.0.s8.s32 v10  }
0x60: {  	v60 =	vunpack.c.0.s8.s32 v12;
	v2 =	vcombine.low v54, v2;
	v58 =	vperm.xlane v7, v56  }
0x61: {  	v62 =	vsel vm15, $0x1, v3;
	v6 =	vadd.s32 v13, v6;
	v5 =	vand.u32 $0xF, v5  }
0x62: {  	v7 =	vadd.s32 v58, v7;
	v59 =	vand.u32 $0xF, v2;
	v3 =	vcombine.low v5, v60  }
0x63: {  	v5 =	vperm.xlane v6, v56;
	v61 =	vperm.xlane v7, v59  }
0x64: {  	v4 =	vadd.s32 v62, v4  }
0x65: {  	v5 =	vadd.s32 v5, v6;
	v6 =	vperm.xlane v4, v53;
	v7 =	vadd.s32 v61, v7  }
0x66: {  	v10 =	vperm.xlane v7, v3  }
0x67: {  	v63 =	vperm.xlane v5, v59;
	v4 =	vadd.s32 v4, v6  }
0x68: {  	v6 =	vperm.xlane v4, v56;
	v7 =	vadd.s32 v10, v7  }
0x69: {  	v5 =	vadd.s32 v63, v5;
	(v2sf) =	vpush v7, $0x0  }
0x6a: {  	v7 =	vperm.xlane v5, v3;
	v4 =	vadd.s32 v6, v4  }
0x6b: {  	v6 =	vperm.xlane v4, v59  }
0x6c: {  	v5 =	vadd.s32 v7, v5  }
0x6d: {  	(v2sf) =	vpush v5, $0x0;
	v4 =	vadd.s32 v6, v4  }
0x6e: {  	v5 =	vperm.xlane v4, v3;
	_ =	sdelay $0x1  }
0x6f: {  	v4 =	vadd.s32 v5, v4  }
0x70: {  	(v2sf) =	vpush v4, $0x0;
	_ =	sdelay $0x6  }
0x71: {  	s6 =	spop (v2sf)  }
0x72: {  	p1 =	sgt.u32 s10, s4;
	s7 =	sadd.s32 $0x1, s7;
	p0 =	sgt.s32 s6, $0xFFF  }
0x73: {  	p2 =	slt.u32 s10, s7;
	p5 =	slt.s32 s6, $0x1000;
	p0 =	por !p1, !p0  }
0x74: {  	s5 =	smov.u32 s6;
	p1 =	por !p2, !p5;
	p0 =	por !p0, !p0  }
0x75: {  	s11 =	spop (v2sf);
	p1 =	por !p1, !p1;
	s4 =	smov.u32 @p0 s10  }
0x76: {  	p6 =	sgt.s32 s11, $0xFFF;
	s5 =	simm.s32 @!p0 $0x2000;
	p3 =	sgt.u32 s9, s4  }
0x77: {  	s7 =	smov.u32 @p1 s10;
	p4 =	slt.s32 s11, $0x1000;
	p3 =	por !p3, !p6  }
0x78: {  	s6 =	simm.s32 @!p1 $0x0;
	p5 =	slt.u32 s9, s7;
	p0 =	por !p3, !p3  }
0x79: {  	p6 =	por !p5, !p4;
	s10 =	spop (v2sf);
	s4 =	smov.u32 @p0 s9  }
0x7a: {  	s5 =	smov.u32 @p0 s11;
	p0 =	por !p6, !p6;
	p2 =	sgt.s32 s10, $0xFFF  }
0x7b: {  	p4 =	slt.s32 s10, $0x1000;
	s7 =	smov.u32 @p0 s9;
	p3 =	sgt.u32 s8, s4  }
.Ltmp2:
0x7c: {  	s6 =	smov.u32 @p0 s11;
	p5 =	slt.u32 s8, s7;
	(pc) =	sbr.rel .LBB2_5-.Ltmp2, $4  }
0x7d: {  	s11 =	simm.s32 $0x0;
	p1 =	por !p3, !p2;
	p6 =	por !p5, !p4  }
0x7e: {  	s9 =	simm.s32 $0x0;
	p1 =	por !p1, !p1;
	p0 =	por !p6, !p6  }
0x7f: {  	s4 =	smov.u32 @p1 s8;
	s5 =	smov.u32 @p1 s10;
	s7 =	smov.u32 @p0 s8  }
0x80: {  	v4 =	vimm.s32 $0x0;
	s6 =	smov.u32 @p0 s10;
	s8 =	simm.s32 $0x0;
	s10 =	simm.s32 $0x0  }
.LBB2_6:
0x81: {  	s4 =	smov.u32 @p0 s4  }
0x82: {  	s5 =	smov.u32 @p0 s5;
	s7 =	smov.u32 @p0 s7;
	s6 =	smov.u32 @p0 s6  }
0x83: {  	s11 =	smov.u32 @p0 s11;
	s8 =	smov.u32 @p0 s8;
	s10 =	smov.u32 @p0 s10  }
.LBB2_10:
0x84: {  	s9 =	sadd.s32 $0x1, s9  }
0x85: {  	p0 =	sne.s32 s9, $0x2D  }
.Ltmp3:
0x86: {  	_ = 	snop;
	(pc) =	sbr.rel @!p0 .LBB2_11-.Ltmp3, $1  }
0x87: {  	_ =	sdelay $0x3  }
.LBB2_5:
0x88: {  	s13 =	sadd.s32 $0xFFFFF000, s5  }
0x89: {  	s12 =	ssub.s32 s7, s4;
	p0 =	slt.s32 s13, $0x3  }
0x8a: {  	p1 =	slt.u32 @!p0 s12, $0x2  }
0x8b: {  	p1 =	por p0, p1  }
.Ltmp4:
0x8c: {  	_ = 	snop;
	(pc) =	sbr.rel @p1 .LBB2_6-.Ltmp4, $1  }
0x8d: {  	_ =	sdelay $0x3  }
0x8e: {  	p0 =	slt.s32 s11, $0x3C;
	s14 =	smov.u32 s11;
	s13 =	scvt.s32.f32 s13  }
0x8f: {  	s15 =	smov.u32 s8;
	s14 =	simm.s32 @!p0 $0x3C;
	p0 =	slt.s32 s8, $0x3C  }
0x90: {  	s16 =	sadd.s32 $0xFFFFF000, s6;
	s14 =	sshll.u32 s14, $0x17;
	s15 =	simm.s32 @!p0 $0x3C  }
0x91: {  	s16 =	scvt.s32.f32 s16;
	s14 =	ssub.s32 $0x3F800000, s14;
	s15 =	sshll.u32 s15, $0x17  }
0x92: {  	s13 =	smul.f32 s14, s13;
	s24 =	ssub.s32 $0x3F800000, s15  }
0x93: {  	s14 =	smul.f32 s24, s16;
	_ =	sdelay $0x1  }
0x94: {  	s14 =	ssub.f32 s13, s14;
	_ =	sdelay $0x1  }
0x95: {  	s14 =	smax.f32 s14, $1.000000000e-30  }
0x96: {  	s25 =	ssub.s32 $0x7EF477D5, s14  }
0x97: {  	s26 =	smul.f32 s25, s14;
	_ =	sdelay $0x1  }
0x98: {  	s16 =	ssub.f32 $2.000000000e+00, s26;
	_ =	sdelay $0x1  }
0x99: {  	s15 =	smul.f32 s25, s16;
	_ =	sdelay $0x1  }
0x9a: {  	s14 =	smul.f32 s15, s14;
	_ =	sdelay $0x1  }
0x9b: {  	s14 =	ssub.f32 $2.000000000e+00, s14;
	_ =	sdelay $0x1  }
0x9c: {  	s28 =	sadd.s32 $0xFFFFFFFF, s7;
	s17 =	sxor.u32 $0xFFFFFFFF, s4;
	s14 =	smul.f32 s14, s15  }
0x9d: {  	s19 =	ssub.s32 $0x0, s7;
	p1 =	slt.s32 s28, $0x0;
	s18 =	sand.u32 $0x7FFFFFFF, s28  }
0x9e: {  	p0 =	slt.s32 s4, $0x0;
	s15 =	sand.u32 $0x7FFFFFFF, s4;
	s13 =	smul.f32 s14, s13  }
0x9f: {  	s19 =	smov.u32 @p1 s18;
	s17 =	smov.u32 @p0 s15  }
0xa0: {  	s29 =	ssub.f32 s19, s17;
	s13 =	smax.f32 s13, $0.0e+00  }
0xa1: {  	s13 =	smin.f32 s13, $1.000000000e+00  }
0xa2: {  	s13 =	smul.f32 s13, s29;
	_ =	sdelay $0x1  }
0xa3: {  	s13 =	sadd.f32 s17, s13  }
0xa4: {  	s12 =	sshrl.u32 s12, $0x1;
	s30 =	simm.s32 $0x0  }
0xa5: {  	p0 =	slt.s32 s13, $0x0;
	s14 =	sxor.u32 $0xFFFFFFFF, s13;
	s13 =	sor.u32 $0x80000000, s13  }
0xa6: {  	s12 =	sadd.s32 s4, s12;
	v6 =	vld [tilespmem:s30+$0x4000];
	s13 =	smov.u32 @p0 s14;
	p0 =	slt.u32 s9, $0xC  }
0xa7: {  	s31 =	sadd.s32 $0x1, s4;
	v8 =	vld [tilespmem:s30+$0x4010];
	s12 =	smov.u32 @p0 s13  }
0xa8: {  	v10 =	vld [tilespmem:s30+$0x4020];
	s12 =	smax.u32 s12, s31  }
0xa9: {  	v9 =	vld [tilespmem:s30+$0x4030];
	s12 =	smin.u32 s12, s28  }
0xaa: {  	v7 =	vld [tilespmem:s30+$0x4040];
	v5 =	vmov s12  }
0xab: {  	vm0 =	vge.u32 v6, v5;
	v6 =	vld [tilespmem:s30+$0x4050]  }
0xac: {  	v11 =	vimm.s32 $0x0;
	v12 =	vsel vm0, $0x1, v4;
	vm0 =	vge.u32 v8, v5;
	v8 =	vld [tilespmem:s30+$0x4060]  }
0xad: {  	s14 =	simm.s32 $0x400;
	s13 =	simm.s32 $0x80;
	v11 =	vadd.s32 v12, v11;
	v12 =	vsel vm0, $0x1, v4;
	vm0 =	vge.u32 v10, v5;
	v10 =	vld [tilespmem:s30+$0x4070]  }
.LBB2_8:
0xae: {  	p0 =	sne.s32 s14, $0x7E00;
	v13 =	vld [tilespmem:s13+$0x4000];
	v11 =	vadd.s32 v12, v11;
	v12 =	vsel vm0, $0x1, v4;
	vm0 =	vge.u32 v9, v5  }
0xaf: {  	v14 =	vld [tilespmem:s13+$0x4010];
	v9 =	vadd.s32 v12, v11;
	v11 =	vsel vm0, $0x1, v4;
	vm0 =	vge.u32 v7, v5  }
0xb0: {  	v15 =	vld [tilespmem:s13+$0x4020];
	v7 =	vadd.s32 v11, v9;
	v11 =	vsel vm0, $0x1, v4;
	vm0 =	vge.u32 v6, v5  }
.Ltmp5:
0xb1: {  	v9 =	vld [tilespmem:s13+$0x4030];
	v6 =	vadd.s32 v11, v7;
	v11 =	vsel vm0, $0x1, v4;
	vm0 =	vge.u32 v8, v5;
	(pc) =	sbr.rel @p0 .LBB2_8-.Ltmp5, $4  }
0xb2: {  	v7 =	vld [tilespmem:s13+$0x4040];
	v8 =	vadd.s32 v11, v6;
	v11 =	vsel vm0, $0x1, v4;
	vm0 =	vge.u32 v10, v5  }
0xb3: {  	vm1 =	vge.u32 v13, v5;
	v6 =	vld [tilespmem:s13+$0x4050];
	v10 =	vadd.s32 v11, v8;
	v11 =	vsel vm0, $0x1, v4  }
0xb4: {  	v12 =	vsel vm1, $0x1, v4;
	vm0 =	vge.u32 v14, v5;
	v8 =	vld [tilespmem:s13+$0x4060];
	v10 =	vadd.s32 v11, v10  }
0xb5: {  	v11 =	vadd.s32 v12, v10;
	v12 =	vsel vm0, $0x1, v4;
	vm0 =	vge.u32 v15, v5;
	v10 =	vld [tilespmem:s13+$0x4070];
	s13 =	sshra.s32 s14, $0x2;
	s14 =	sadd.s32 $0x200, s14  }
0xb6: {  	v13 =	vld [tilespmem:s13+$0x4000];
	v11 =	vadd.s32 v12, v11;
	v49 =	vsel vm0, $0x1, v4;
	vm4 =	vge.u32 v9, v5  }
0xb7: {  	v50 =	vld [tilespmem:s13+$0x4010];
	v11 =	vadd.s32 v49, v11;
	v51 =	vsel vm4, $0x1, v4;
	vm5 =	vge.u32 v7, v5  }
0xb8: {  	v7 =	vld [tilespmem:s13+$0x4020];
	v11 =	vadd.s32 v51, v11;
	v52 =	vsel vm5, $0x1, v4;
	vm6 =	vge.u32 v6, v5  }
0xb9: {  	v6 =	vld [tilespmem:s13+$0x4030];
	v11 =	vadd.s32 v52, v11;
	v53 =	vsel vm6, $0x1, v4;
	vm7 =	vge.u32 v8, v5  }
0xba: {  	v54 =	vld [tilespmem:s13+$0x4040];
	v11 =	vadd.s32 v53, v11;
	v55 =	vsel vm7, $0x1, v4;
	vm8 =	vge.u32 v10, v5  }
0xbb: {  	v56 =	vld [tilespmem:s13+$0x4050];
	vm1 =	vge.u32 v13, v5;
	v11 =	vadd.s32 v55, v11;
	v57 =	vsel vm8, $0x1, v4  }
0xbc: {  	v58 =	vld [tilespmem:s13+$0x4060];
	vm9 =	vge.u32 v50, v5;
	v13 =	vsel vm1, $0x1, v4;
	v11 =	vadd.s32 v57, v11  }
0xbd: {  	v59 =	vsel vm9, $0x1, v4;
	vm10 =	vge.u32 v7, v5;
	v7 =	vld [tilespmem:s13+$0x4070];
	v11 =	vadd.s32 v13, v11  }
0xbe: {  	v60 =	vsel vm10, $0x1, v4;
	vm11 =	vge.u32 v6, v5;
	v11 =	vadd.s32 v59, v11  }
0xbf: {  	vm12 =	vge.u32 v54, v5;
	v61 =	vsel vm11, $0x1, v4;
	v6 =	vadd.s32 v60, v11  }
0xc0: {  	vm13 =	vge.u32 v56, v5;
	v8 =	vsel vm12, $0x1, v4;
	v6 =	vadd.s32 v61, v6  }
0xc1: {  	vm14 =	vge.u32 v58, v5;
	v62 =	vsel vm13, $0x1, v4;
	v6 =	vadd.s32 v8, v6  }
0xc2: {  	v63 =	vsel vm14, $0x1, v4;
	vm15 =	vge.u32 v7, v5;
	v6 =	vadd.s32 v62, v6  }
0xc3: {  	v5 =	vadd.s32 v63, v6;
	v6 =	vsel vm15, $0x1, v4  }
0xc4: {  	v5 =	vadd.s32 v6, v5  }
0xc5: {  	v6 =	vperm.xlane v5, v0;
	_ =	sdelay $0x1  }
0xc6: {  	v5 =	vadd.s32 v5, v6  }
0xc7: {  	v6 =	vperm.xlane v5, v1;
	_ =	sdelay $0x1  }
0xc8: {  	v5 =	vadd.s32 v6, v5  }
0xc9: {  	v6 =	vperm.xlane v5, v2;
	_ =	sdelay $0x1  }
0xca: {  	v5 =	vadd.s32 v6, v5  }
0xcb: {  	v6 =	vperm.xlane v5, v3;
	_ =	sdelay $0x1  }
0xcc: {  	v5 =	vadd.s32 v6, v5  }
0xcd: {  	(v2sf) =	vpush v5, $0x0;
	_ =	sdelay $0xd  }
0xce: {  	p1 =	seq.s32 s10, $0xFFFFFFFF;
	s14 =	sadd.s32 $0x1, s11  }
0xcf: {  	s15 =	sadd.s32 $0x1, s8;
	s14 =	simm.s32 @!p1 $0x0;
	s13 =	spop (v2sf)  }
.Ltmp6:
0xd0: {  	p1 =	seq.s32 s10, $0x1;
	p0 =	sgt.s32 s13, $0xFFF;
	(pc) =	sbr.rel .LBB2_10-.Ltmp6, $4  }
0xd1: {  	s10 =	simm.s32 $0x1;
	s15 =	simm.s32 @!p1 $0x0;
	s14 =	smov.u32 @p0 s11  }
0xd2: {  	s4 =	smov.u32 @p0 s12;
	s5 =	smov.u32 @p0 s13;
	s12 =	smov.u32 @p0 s7  }
0xd3: {  	s13 =	smov.u32 @p0 s6;
	s8 =	smov.u32 @p0 s15;
	s10 =	simm.s32 @!p0 $0xFFFFFFFF  }
0xd4: {  	s7 =	smov.u32 s12;
	s6 =	smov.u32 s13;
	s11 =	smov.u32 s14  }
.LBB2_11:
0xd5: {  	v0 =	vimm.s32 $0xFEDCBA9  }
0xd6: {  	v1 =	vimm.s32 $0x87654321;
	v2 =	vimm.s32 $0x10FEDCBA;
	v3 =	vimm.s32 $0x98765432  }
0xd7: {  	v4 =	vimm.s32 $0x3210FEDC;
	v5 =	vimm.s32 $0xBA987654;
	v6 =	vimm.s32 $0xFEDCBA98  }
0xd8: {  	v7 =	vimm.s32 $0x76543210;
	v0 =	vunpack.c.l.s4.s8 v0;
	v1 =	vunpack.c.l.s4.s8 v1  }
0xd9: {  	v2 =	vunpack.c.l.s4.s8 v2;
	v3 =	vunpack.c.l.s4.s8 v3;
	v4 =	vunpack.c.l.s4.s8 v4  }
0xda: {  	v5 =	vunpack.c.l.s4.s8 v5;
	v6 =	vunpack.c.l.s4.s8 v6;
	v7 =	vunpack.c.l.s4.s8 v7  }
0xdb: {  	v0 =	vunpack.c.0.s8.s32 v0;
	v1 =	vunpack.c.0.s8.s32 v1;
	v2 =	vunpack.c.0.s8.s32 v2  }
.Ltmp7:
0xdc: {  	v3 =	vunpack.c.0.s8.s32 v3;
	v4 =	vunpack.c.0.s8.s32 v4;
	v5 =	vunpack.c.0.s8.s32 v5;
	(pc) =	sbr.rel .LBB2_12-.Ltmp7, $4  }
0xdd: {  	v6 =	vunpack.c.0.s8.s32 v6;
	v1 =	vcombine.low v1, v0  }
0xde: {  	v2 =	vcombine.low v3, v2;
	v3 =	vcombine.low v5, v4;
	v4 =	vunpack.c.0.s8.s32 v7  }
0xdf: {  	v0 =	vimm.s32 $0x0;
	v5 =	vand.u32 $0xF, v6;
	v1 =	vand.u32 $0xF, v1  }
0xe0: {  	p0 =	por $0x0, $0x0;
	s6 =	simm.s32 $0x0;
	s7 =	simm.s32 $0x0;
	v2 =	vand.u32 $0xF, v2;
	v3 =	vand.u32 $0xF, v3;
	v4 =	vcombine.low v5, v4  }
.LBB2_13:
0xe1: {  	s4 =	smov.u32 @p1 s4  }
0xe2: {  	s5 =	smov.u32 @p1 s5;
	p0 =	por @!p1 p0, p0;
	s6 =	smov.u32 @p1 s6  }
.LBB2_17:
0xe3: {  	s7 =	sadd.s32 $0x1, s7  }
0xe4: {  	p1 =	seq.s32 s7, $0x3  }
.Ltmp8:
0xe5: {  	_ = 	snop;
	(pc) =	sbr.rel @p1 .LBB2_18-.Ltmp8, $1  }
0xe6: {  	_ =	sdelay $0x3  }
.LBB2_12:
0xe7: {  	p1 =	slt.s32 s5, $0x1001  }
0xe8: {  	p2 =	por p1, p0  }
.Ltmp9:
0xe9: {  	_ = 	snop;
	(pc) =	sbr.rel @p2 .LBB2_13-.Ltmp9, $1  }
0xea: {  	_ =	sdelay $0x3  }
0xeb: {  	s8 =	simm.s32 $0x0  }
0xec: {  	v6 =	vld [tilespmem:s8+$0x4070]  }
0xed: {  	v8 =	vld [tilespmem:s8+$0x4060]  }
0xee: {  	v14 =	vld [tilespmem:s8+$0x4050]  }
0xef: {  	v7 =	vld [tilespmem:s8+$0x4000]  }
0xf0: {  	v9 =	vld [tilespmem:s8+$0x4010]  }
0xf1: {  	v11 =	vld [tilespmem:s8+$0x4030]  }
0xf2: {  	v5 =	vmov s4;
	v15 =	vld [tilespmem:s8+$0x4020]  }
0xf3: {  	v12 =	vimm.s32 $0xFFFFFFFF;
	v13 =	vimm.s32 $0x0;
	v10 =	vld [tilespmem:s8+$0x4040];
	vm0 =	vgt.u32 v6, v5  }
0xf4: {  	vm2 =	vgt.u32 v7, v5;
	v16 =	vmin.u32 v12, v7;
	vm1 =	veq.s32 v6, v5  }
0xf5: {  	vm3 =	vgt.u32 v8, v5;
	vm5 =	vgt.u32 v9, v5;
	v12 =	vsel vm2, v16, v12  }
0xf6: {  	vm4 =	veq.s32 v14, v5;
	vm6 =	vgt.u32 v14, v5;
	v16 =	vmin.u32 v12, v9  }
0xf7: {  	vm7 =	vgt.u32 v15, v5;
	vm8 =	veq.s32 v11, v5;
	v12 =	vsel vm5, v16, v12  }
0xf8: {  	vm9 =	vgt.u32 v10, v5;
	vm10 =	veq.s32 v7, v5;
	v16 =	vmin.u32 v12, v15  }
0xf9: {  	vm11 =	vgt.u32 v11, v5;
	vm15 =	veq.s32 v9, v5;
	v12 =	vsel vm7, v16, v12  }
0xfa: {  	vm2 =	veq.s32 v8, v5;
	vm5 =	veq.s32 v10, v5;
	v7 =	vmin.u32 v12, v11  }
0xfb: {  	s9 =	simm.s32 $0x80;
	vm7 =	veq.s32 v15, v5;
	v11 =	vsel vm10, $0x1, v0;
	v7 =	vsel vm11, v7, v12  }
0xfc: {  	v9 =	vld [tilespmem:s9+$0x4070];
	v11 =	vadd.s32 v11, v13;
	v12 =	vsel vm15, $0x1, v0;
	v13 =	vmin.u32 v7, v10  }
0xfd: {  	v15 =	vsel vm7, $0x1, v0;
	v10 =	vld [tilespmem:s9+$0x4060];
	v12 =	vadd.s32 v12, v11;
	v11 =	vsel vm9, v13, v7  }
0xfe: {  	s8 =	simm.s32 $0x400;
	v7 =	vld [tilespmem:s9+$0x4050];
	v12 =	vadd.s32 v15, v12;
	v13 =	vsel vm8, $0x1, v0;
	v14 =	vmin.u32 v11, v14  }
.LBB2_15:
0xff: {  	p0 =	sne.s32 s8, $0x7E00;
	v15 =	vld [tilespmem:s9+$0x4000];
	v12 =	vadd.s32 v13, v12;
	v13 =	vsel vm5, $0x1, v0;
	v11 =	vsel vm6, v14, v11  }
0x100: {  	v14 =	vld [tilespmem:s9+$0x4040];
	v12 =	vadd.s32 v13, v12;
	v13 =	vsel vm4, $0x1, v0;
	v20 =	vmin.u32 v11, v8  }
0x101: {  	v19 =	vsel vm2, $0x1, v0;
	v16 =	vld [tilespmem:s9+$0x4010];
	v12 =	vadd.s32 v13, v12;
	v11 =	vsel vm3, v20, v11  }
0x102: {  	v18 =	vsel vm1, $0x1, v0;
	v13 =	vld [tilespmem:s9+$0x4030];
	v12 =	vadd.s32 v19, v12;
	v17 =	vmin.u32 v11, v6;
	v6 =	vmovc v9;
	v8 =	vmovc v10  }
0x103: {  	v9 =	vld [tilespmem:s9+$0x4020];
	v10 =	vsel vm0, v17, v11;
	vm0 =	vgt.u32 v6, v5;
	v11 =	vadd.s32 v18, v12  }
0x104: {  	vm1 =	veq.s32 v6, v5;
	vm2 =	vgt.u32 v15, v5;
	v12 =	vmin.u32 v10, v15  }
0x105: {  	vm3 =	vgt.u32 v8, v5;
	v10 =	vsel vm2, v12, v10;
	vm2 =	veq.s32 v8, v5  }
0x106: {  	vm4 =	veq.s32 v7, v5;
	vm5 =	vgt.u32 v16, v5;
	v12 =	vmin.u32 v10, v16  }
0x107: {  	vm6 =	vgt.u32 v7, v5;
	v10 =	vsel vm5, v12, v10;
	vm5 =	veq.s32 v14, v5  }
0x108: {  	vm8 =	veq.s32 v13, v5;
	vm7 =	vgt.u32 v9, v5;
	v12 =	vmin.u32 v10, v9  }
0x109: {  	vm9 =	vgt.u32 v14, v5;
	v10 =	vsel vm7, v12, v10;
	vm7 =	veq.s32 v9, v5  }
.Ltmp10:
0x10a: {  	vm10 =	veq.s32 v15, v5;
	vm11 =	vgt.u32 v13, v5;
	v9 =	vmin.u32 v10, v13;
	(pc) =	sbr.rel @p0 .LBB2_15-.Ltmp10, $4  }
0x10b: {  	s9 =	sshra.s32 s8, $0x2;
	v12 =	vsel vm10, $0x1, v0;
	vm10 =	veq.s32 v16, v5;
	v13 =	vsel vm11, v9, v10  }
0x10c: {  	v11 =	vadd.s32 v12, v11;
	v12 =	vsel vm10, $0x1, v0;
	v9 =	vld [tilespmem:s9+$0x4070];
	v14 =	vmin.u32 v13, v14  }
0x10d: {  	v15 =	vsel vm7, $0x1, v0;
	v12 =	vadd.s32 v12, v11;
	v10 =	vld [tilespmem:s9+$0x4060];
	v11 =	vsel vm9, v14, v13  }
0x10e: {  	s8 =	sadd.s32 $0x200, s8;
	v12 =	vadd.s32 v15, v12;
	v13 =	vsel vm8, $0x1, v0;
	v14 =	vmin.u32 v11, v7;
	v7 =	vld [tilespmem:s9+$0x4050]  }
0x10f: {  	v15 =	vld [tilespmem:s9+$0x4000];
	v11 =	vsel vm6, v14, v11  }
0x110: {  	v12 =	vadd.s32 v13, v12;
	v50 =	vsel vm5, $0x1, v0;
	v8 =	vmin.u32 v11, v8  }
0x111: {  	v51 =	vsel vm4, $0x1, v0;
	v52 =	vld [tilespmem:s9+$0x4010];
	v54 =	vsel vm2, $0x1, v0;
	v8 =	vsel vm3, v8, v11  }
0x112: {  	v53 =	vld [tilespmem:s9+$0x4040];
	v55 =	vsel vm1, $0x1, v0;
	v12 =	vadd.s32 v50, v12;
	v6 =	vmin.u32 v8, v6  }
0x113: {  	v16 =	vld [tilespmem:s9+$0x4020];
	v12 =	vadd.s32 v51, v12;
	vm1 =	veq.s32 v9, v5;
	v6 =	vsel vm0, v6, v8  }
0x114: {  	v56 =	vld [tilespmem:s9+$0x4030];
	v12 =	vadd.s32 v54, v12;
	vm10 =	vgt.u32 v15, v5;
	v17 =	vmin.u32 v6, v15  }
0x115: {  	vm2 =	vgt.u32 v10, v5;
	vm3 =	veq.s32 v10, v5;
	v6 =	vsel vm10, v17, v6  }
0x116: {  	vm0 =	vgt.u32 v9, v5;
	vm11 =	vgt.u32 v52, v5;
	v57 =	vmin.u32 v6, v52  }
0x117: {  	v12 =	vadd.s32 v55, v12;
	vm5 =	veq.s32 v7, v5;
	v6 =	vsel vm11, v57, v6  }
0x118: {  	vm7 =	vgt.u32 v7, v5;
	vm13 =	vgt.u32 v16, v5;
	v13 =	vmin.u32 v6, v16  }
0x119: {  	vm12 =	veq.s32 v53, v5;
	vm8 =	veq.s32 v56, v5;
	v6 =	vsel vm13, v13, v6  }
0x11a: {  	vm14 =	veq.s32 v16, v5;
	vm9 =	vgt.u32 v56, v5;
	v8 =	vmin.u32 v6, v56  }
0x11b: {  	vm15 =	veq.s32 v52, v5;
	vm11 =	veq.s32 v15, v5;
	v6 =	vsel vm9, v8, v6  }
0x11c: {  	vm10 =	vgt.u32 v53, v5;
	v58 =	vsel vm11, $0x1, v0;
	v5 =	vmin.u32 v6, v53  }
0x11d: {  	v59 =	vsel vm15, $0x1, v0;
	v8 =	vadd.s32 v58, v12;
	v5 =	vsel vm10, v5, v6  }
0x11e: {  	v60 =	vsel vm14, $0x1, v0;
	v6 =	vadd.s32 v59, v8;
	v7 =	vmin.u32 v5, v7  }
0x11f: {  	v61 =	vsel vm8, $0x1, v0;
	v6 =	vadd.s32 v60, v6;
	v5 =	vsel vm7, v7, v5  }
0x120: {  	v6 =	vadd.s32 v61, v6;
	v7 =	vsel vm12, $0x1, v0;
	v62 =	vmin.u32 v5, v10  }
0x121: {  	v6 =	vadd.s32 v7, v6;
	v7 =	vsel vm5, $0x1, v0;
	v5 =	vsel vm2, v62, v5  }
0x122: {  	v6 =	vadd.s32 v7, v6;
	v7 =	vsel vm3, $0x1, v0;
	v8 =	vmin.u32 v5, v9  }
0x123: {  	v6 =	vadd.s32 v7, v6;
	v7 =	vsel vm1, $0x1, v0;
	v5 =	vsel vm0, v8, v5  }
0x124: {  	v6 =	vadd.s32 v7, v6;
	v7 =	vperm.xlane v5, v1  }
0x125: {  	v63 =	vperm.xlane v6, v1  }
0x126: {  	v5 =	vmin.u32 v5, v7  }
0x127: {  	v6 =	vadd.s32 v6, v63;
	v7 =	vperm.xlane v5, v2  }
0x128: {  	v8 =	vperm.xlane v6, v2  }
0x129: {  	v5 =	vmin.u32 v5, v7  }
0x12a: {  	v6 =	vadd.s32 v8, v6;
	v7 =	vperm.xlane v5, v3  }
0x12b: {  	v8 =	vperm.xlane v6, v3  }
0x12c: {  	v5 =	vmin.u32 v5, v7  }
0x12d: {  	v6 =	vadd.s32 v8, v6;
	v7 =	vperm.xlane v5, v4  }
0x12e: {  	v8 =	vperm.xlane v6, v4  }
0x12f: {  	v5 =	vmin.u32 v5, v7  }
0x130: {  	(v2sf) =	vpush v5, $0x0;
	v5 =	vadd.s32 v8, v6  }
0x131: {  	(v2sf) =	vpush v5, $0x0;
	_ =	sdelay $0xd  }
0x132: {  	s8 =	spop (v2sf)  }
.Ltmp11:
0x133: {  	s31 =	spop (v2sf);
	(pc) =	sbr.rel .LBB2_17-.Ltmp11, $4  }
0x134: {  	s9 =	ssub.s32 s5, s31  }
0x135: {  	p0 =	slt.s32 s9, $0x1000  }
0x136: {  	s10 =	ssub.s32 $0x1000, s9;
	s8 =	smov.u32 @p0 s4;
	s9 =	smov.u32 @p0 s5  }
0x137: {  	s6 =	smov.u32 @p0 s10;
	s4 =	smov.u32 s8;
	s5 =	smov.u32 s9  }
.LBB2_18:
0x138: {  	v0 =	vmov s4;
	s4 =	simm.s32 $0x0  }
0x139: {  	v3 =	vld [tilespmem:s4+$0x4000]  }
0x13a: {  	v2 =	vimm.s32 $0x0;
	v1 =	vimm.f32 $1.000000000e+00;
	s5 =	simm.s32 $0x40;
	v4 =	vimm.s32 $0x0  }
.LBB2_19:
0x13b: {  	p1 =	sne.s32 s5, $0x7FC0  }
.Ltmp12:
0x13c: {  	_ = 	snop;
	(pc) =	sbr.rel @p1 .LBB2_19-.Ltmp12, $4  }
0x13d: {  	_ = 	snop  }
0x13e: {  	s7 =	sshra.s32 s5, $0x2;
	s5 =	sadd.s32 $0x40, s5;
	vm0 =	vlt.u32 v3, v0;
	vm1 =	veq.s32 v3, v0  }
0x13f: {  	v3 =	vld [tilespmem:s7+$0x4000];
	v5 =	vsel vm0, $0x0, v1;
	v6 =	vsel vm1, $0x1, v2  }
0x140: {  	[tilespmem:s4+$0x6000] =	vst v5;
	v4 =	vadd.s32 v6, v4;
	s4 =	smov.u32 s7  }
0x141: {  	v5 =	vimm.s32 $0xFEDCBA9;
	v6 =	vimm.s32 $0x87654321  }
0x142: {  	v5 =	vunpack.c.l.s4.s8 v5;
	v6 =	vunpack.c.l.s4.s8 v6;
	_ =	sdelay $0x1  }
0x143: {  	v5 =	vunpack.c.0.s8.s32 v5;
	v6 =	vunpack.c.0.s8.s32 v6  }
0x144: {  	v7 =	vimm.s32 $0x10FEDCBA;
	vm0 =	veq.s32 v3, v0  }
0x145: {  	v57 =	vimm.s32 $0x98765432;
	v2 =	vsel vm0, $0x1, v2;
	v5 =	vcombine.low v6, v5  }
0x146: {  	v56 =	vunpack.c.l.s4.s8 v7;
	v58 =	vunpack.c.l.s4.s8 v57;
	v2 =	vadd.s32 v2, v4  }
0x147: {  	v59 =	vimm.s32 $0x3210FEDC;
	v5 =	vperm.xlane v2, v5  }
0x148: {  	v8 =	vimm.s32 $0xBA987654;
	v6 =	vunpack.c.0.s8.s32 v56;
	v4 =	vunpack.c.0.s8.s32 v58  }
0x149: {  	v7 =	vunpack.c.l.s4.s8 v59;
	v5 =	vadd.s32 v2, v5;
	v2 =	vunpack.c.l.s4.s8 v8  }
0x14a: {  	v61 =	vimm.s32 $0xFEDCBA98;
	v62 =	vimm.s32 $0x76543210;
	v4 =	vcombine.low v4, v6  }
0x14b: {  	v60 =	vunpack.c.0.s8.s32 v7;
	v7 =	vunpack.c.l.s4.s8 v61;
	v2 =	vunpack.c.0.s8.s32 v2  }
0x14c: {  	v8 =	vunpack.c.l.s4.s8 v62;
	v4 =	vperm.xlane v5, v4  }
0x14d: {  	v7 =	vunpack.c.0.s8.s32 v7;
	v6 =	vcombine.low v2, v60  }
0x14e: {  	v63 =	vunpack.c.0.s8.s32 v8;
	v4 =	vadd.s32 v4, v5  }
0x14f: {  	v7 =	vand.u32 $0xF, v7;
	v6 =	vperm.xlane v4, v6  }
0x150: {  	v5 =	vcombine.low v7, v63  }
0x151: {  	v4 =	vadd.s32 v6, v4  }
0x152: {  	v5 =	vperm.xlane v4, v5;
	_ =	sdelay $0x1  }
0x153: {  	v4 =	vadd.s32 v5, v4  }
0x154: {  	(v2sf) =	vpush v4, $0x0;
	_ =	sdelay $0xe  }
0x155: {  	s5 =	spop (v2sf)  }
0x156: {  	p1 =	sne.s32 s6, s5  }
0x157: {  	p0 =	por !p0, !p1  }
0x158: {  	p0 =	por !p0, !p0  }
.Ltmp13:
0x159: {  	_ = 	snop;
	(pc) =	sbr.rel @!p0 .LBB2_24-.Ltmp13, $4  }
0x15a: {  	_ = 	snop  }
0x15b: {  	vm15 =	vlt.u32 v3, v0  }
0x15c: {  	v1 =	vsel vm15, $0x0, v1  }
0x15d: {  	s2 =	sadd.s32 s3, s2;
	[tilespmem:s4+$0x6000] =	vst v1  }
0x15e: {  	v1 =	vimm.s32 $0xEDCBA987;
	s9 =	simm.s32 $0x0  }
0x15f: {  	v3 =	vimm.s32 $0x65432100;
	v1 =	vunpack.c.l.s4.s8 v1;
	v15 =	vld [tilespmem:s9+$0x4000]  }
0x160: {  	v3 =	vunpack.c.l.s4.s8 v3  }
0x161: {  	v1 =	vunpack.c.0.s8.s32 v1  }
0x162: {  	v8 =	vimm.s32 $0x0;
	v4 =	vimm.s32 $0xDCBA9876;
	v3 =	vunpack.c.0.s8.s32 v3  }
0x163: {  	v6 =	vimm.s32 $0x54321000;
	v4 =	vunpack.c.l.s4.s8 v4;
	v1 =	vand.u32 $0xF, v1  }
0x164: {  	v5 =	vcombine.low v3, v1;
	v1 =	vunpack.c.l.s4.s8 v6;
	vm0 =	veq.s32 v15, v0  }
0x165: {  	v3 =	vunpack.c.0.s8.s32 v4;
	v4 =	vsel vm0, $0x1, v8  }
0x166: {  	v11 =	vlaneseq.u32;
	v1 =	vunpack.c.0.s8.s32 v1;
	v6 =	vperm.xlane v4, v5  }
0x167: {  	v9 =	vimm.s32 $0x32100000;
	s3 =	simm.s32 $0x10;
	vm2 =	veq.s32 v11, $0x0;
	v3 =	vand.u32 $0xF, v3  }
0x168: {  	v7 =	vcombine.low v1, v3;
	v3 =	vunpack.c.l.s4.s8 v9;
	v1 =	vld [tilespmem:s3+$0x4000];
	v6 =	vsel vm2, $0x0, v6  }
0x169: {  	v9 =	vimm.s32 $0xE40000;
	v4 =	vadd.s32 v4, v6  }
0x16a: {  	v6 =	vunpack.c.l.s2.s4 v9;
	v3 =	vunpack.c.0.s8.s32 v3;
	v10 =	vperm.xlane v4, v7  }
0x16b: {  	v2 =	vand.u32 $0xF, v2;
	vm0 =	vmmov $0x3  }
0x16c: {  	v9 =	vcombine.low v3, v2;
	v2 =	vunpack.c.l.s4.s8 v6;
	v3 =	vsel vm0, $0x0, v10  }
0x16d: {  	v6 =	vimm.s32 $0x7060504;
	vm1 =	veq.s32 v1, v0;
	v4 =	vadd.s32 v3, v4  }
0x16e: {  	s4 =	simm.s32 $0x20;
	v2 =	vunpack.c.0.s8.s32 v2;
	v10 =	vsel vm1, $0x1, v8;
	v12 =	vperm.xlane v4, v9  }
0x16f: {  	v6 =	vunpack.c.0.s8.s32 v6;
	v3 =	vld [tilespmem:s4+$0x4000];
	vm1 =	vmmov $0xf;
	v13 =	vperm.xlane v10, v5  }
0x170: {  	vm3 =	vcmask $0x3F30;
	v2 =	vand.u32 $0x3, v2;
	v14 =	vsel vm1, $0x0, v12  }
0x171: {  	v12 =	vsel vm3, v6, v2;
	v2 =	vsel vm2, $0x0, v13;
	v4 =	vadd.s32 v14, v4  }
0x172: {  	v2 =	vadd.s32 v10, v2;
	v6 =	vperm.xlane v4, v12  }
0x173: {  	vm3 =	vmmov $0xff;
	v10 =	vperm.xlane v2, v7  }
0x174: {  	vm4 =	veq.s32 v3, v0;
	v6 =	vsel vm3, $0x0, v6  }
0x175: {  	v13 =	vsel vm4, $0x1, v8;
	v14 =	vsel vm0, $0x0, v10;
	v16 =	vadd.s32 v6, v4  }
0x176: {  	s5 =	simm.s32 $0x30;
	v4 =	vperm.xlane v13, v5;
	v2 =	vadd.s32 v14, v2;
	(v2sf) =	vpush v16, $0xF  }
0x177: {  	v10 =	vld [tilespmem:s5+$0x4000];
	v14 =	vperm.xlane v2, v9  }
0x178: {  	v4 =	vsel vm2, $0x0, v4  }
0x179: {  	v13 =	vadd.s32 v13, v4;
	v14 =	vsel vm1, $0x0, v14  }
0x17a: {  	s8 =	simm.s32 $0x0;
	vm5 =	vgt.u32 v15, v0;
	v17 =	vperm.xlane v13, v7;
	v14 =	vadd.s32 v14, v2  }
0x17b: {  	s7 =	simm.s32 $0x40;
	vm15 =	vge.u32 v15, v0;
	v16 =	vadd.s32 s8, v16;
	v18 =	vperm.xlane v14, v12  }
0x17c: {  	v6 =	vld [tilespmem:s7+$0x4000];
	v4 =	vmov s6;
	vm4 =	veq.s32 v10, v0;
	v17 =	vsel vm0, $0x0, v17  }
0x17d: {  	v19 =	vsel vm4, $0x1, v8;
	v17 =	vadd.s32 v17, v13;
	v18 =	vsel vm3, $0x0, v18  }
0x17e: {  	s6 =	simm.s32 $0x50;
	v20 =	vperm.xlane v19, v5;
	v21 =	vperm.xlane v17, v9;
	v14 =	vadd.s32 v18, v14  }
0x17f: {  	vm6 =	vle.s32 v16, v4;
	v2 =	vimm.f32 $0.0e+00;
	v13 =	vld [tilespmem:s6+$0x4000];
	(v2sf) =	vpush v14, $0xF  }
0x180: {  	vm5 =	vmor vm5, vm6;
	v16 =	vsel vm2, $0x0, v20;
	v18 =	vsel vm1, $0x0, v21  }
0x181: {  	vm4 =	veq.s32 v6, v0;
	v15 =	vadd.s32 v19, v16;
	v19 =	vadd.s32 v18, v17  }
0x182: {  	vm5 =	vmand vm15, vm5;
	v17 =	vperm.xlane v15, v7;
	v18 =	vperm.xlane v19, v12  }
0x183: {  	v20 =	vsel vm5, $0x3F800000, v2;
	v16 =	vsel vm4, $0x1, v8  }
0x184: {  	vm4 =	veq.s32 v13, v0;
	v63 =	vsel vm0, $0x0, v17;
	v22 =	vsel vm3, $0x0, v18  }
0x185: {  	s10 =	simm.s32 $0x180;
	[tilespmem:s9+$0x6000] =	vst v20;
	v17 =	vsel vm4, $0x1, v8;
	v18 =	vadd.s32 v63, v15;
	v15 =	vadd.s32 v22, v19;
	s9 =	spop (v2sf)  }
.LBB2_22:
0x186: {  	s11 =	sshra.s32 s10, $0x2  }
0x187: {  	v19 =	vperm.xlane v16, v5;
	v20 =	vperm.xlane v18, v9;
	(v2sf) =	vpush v15, $0xF;
	s8 =	sadd.s32 s8, s9;
	s9 =	smov.u32 s10;
	s12 =	sadd.s32 $0x40, s10  }
0x188: {  	p0 =	sne.s32 s10, $0x7FC0;
	vm4 =	vgt.u32 v1, v0;
	vm5 =	vge.u32 v1, v0;
	v1 =	vmovc v3;
	v3 =	vmovc v10;
	v21 =	vld [tilespmem:s11+$0x4000];
	v22 =	vadd.s32 s8, v14  }
0x189: {  	v10 =	vmovc v6;
	v6 =	vmovc v13;
	v19 =	vsel vm2, $0x0, v19;
	v20 =	vsel vm1, $0x0, v20;
	vm6 =	vle.s32 v22, v4  }
.Ltmp14:
0x18a: {  	v14 =	vmovc v15;
	v19 =	vadd.s32 v16, v19;
	v20 =	vadd.s32 v20, v18;
	vm4 =	vmor vm4, vm6;
	v16 =	vmovc v17;
	(pc) =	sbr.rel @p0 .LBB2_22-.Ltmp14, $4  }
0x18b: {  	v22 =	vperm.xlane v19, v7;
	v15 =	vperm.xlane v20, v12;
	vm4 =	vmand vm5, vm4  }
0x18c: {  	s10 =	smov.u32 s12;
	v17 =	vsel vm4, $0x3F800000, v2  }
0x18d: {  	vm4 =	veq.s32 v21, v0;
	v18 =	vsel vm0, $0x0, v22;
	v15 =	vsel vm3, $0x0, v15;
	[tilespmem:s3+$0x6000] =	vst v17;
	v13 =	vmovc v21;
	s3 =	smov.u32 s4;
	s4 =	smov.u32 s5;
	s5 =	smov.u32 s7  }
0x18e: {  	s7 =	smov.u32 s6;
	s6 =	smov.u32 s11;
	v17 =	vsel vm4, $0x1, v8;
	v18 =	vadd.s32 v18, v19;
	v15 =	vadd.s32 v15, v20;
	s9 =	spop (v2sf)  }
0x18f: {  	v8 =	vperm.xlane v16, v5  }
0x190: {  	vm2 =	veq.s32 v11, $0x0  }
0x191: {  	v8 =	vsel vm2, $0x0, v8  }
0x192: {  	v8 =	vadd.s32 v16, v8  }
0x193: {  	v49 =	vperm.xlane v8, v7;
	_ =	sdelay $0x1  }
0x194: {  	v11 =	vsel vm0, $0x0, v49  }
0x195: {  	v50 =	vperm.xlane v18, v9;
	v51 =	vperm.xlane v17, v5;
	v8 =	vadd.s32 v11, v8  }
0x196: {  	v11 =	vperm.xlane v8, v9  }
0x197: {  	v5 =	vsel vm2, $0x0, v51;
	v16 =	vsel vm1, $0x0, v50  }
0x198: {  	v5 =	vadd.s32 v17, v5;
	v16 =	vadd.s32 v16, v18;
	v11 =	vsel vm1, $0x0, v11  }
0x199: {  	v53 =	vperm.xlane v5, v7;
	v52 =	vperm.xlane v16, v12;
	v8 =	vadd.s32 v11, v8  }
0x19a: {  	v11 =	vperm.xlane v8, v12  }
0x19b: {  	(v2sf) =	vpush v15, $0xF;
	v7 =	vsel vm0, $0x0, v53;
	v17 =	vsel vm3, $0x0, v52  }
0x19c: {  	v5 =	vadd.s32 v7, v5;
	v16 =	vadd.s32 v17, v16;
	v11 =	vsel vm3, $0x0, v11  }
0x19d: {  	v55 =	vperm.xlane v5, v9;
	(v2sf) =	vpush v16, $0xF;
	v54 =	vadd.s32 v11, v8  }
0x19e: {  	(v2sf) =	vpush v54, $0xF  }
0x19f: {  	v8 =	vsel vm1, $0x0, v55  }
0x1a0: {  	v5 =	vadd.s32 v8, v5  }
0x1a1: {  	v8 =	vperm.xlane v5, v12;
	_ =	sdelay $0x1  }
0x1a2: {  	v8 =	vsel vm3, $0x0, v8  }
0x1a3: {  	v5 =	vadd.s32 v8, v5  }
0x1a4: {  	(v2sf) =	vpush v5, $0xF;
	_ =	sdelay $0x1  }
0x1a5: {  	s8 =	sadd.s32 s8, s9;
	vm9 =	vgt.u32 v1, v0;
	vm11 =	vge.u32 v1, v0  }
0x1a6: {  	vm12 =	vgt.u32 v3, v0;
	vm13 =	vge.u32 v3, v0;
	v56 =	vadd.s32 s8, v14;
	s26 =	spop (v2sf)  }
0x1a7: {  	vm15 =	vgt.u32 v10, v0;
	vm7 =	vge.u32 v10, v0;
	vm10 =	vle.s32 v56, v4;
	s8 =	sadd.s32 s8, s26  }
0x1a8: {  	vm0 =	vmor vm9, vm10;
	vm9 =	vgt.u32 v6, v0;
	v57 =	vadd.s32 s8, v15  }
0x1a9: {  	vm10 =	vge.u32 v6, v0;
	vm0 =	vmand vm11, vm0;
	vm14 =	vle.s32 v57, v4;
	s28 =	spop (v2sf)  }
0x1aa: {  	v59 =	vsel vm0, $0x3F800000, v2;
	vm1 =	vmor vm12, vm14;
	vm12 =	vgt.u32 v13, v0;
	s8 =	sadd.s32 s8, s28;
	s29 =	spop (v2sf)  }
0x1ab: {  	vm14 =	vge.u32 v13, v0;
	vm1 =	vmand vm13, vm1;
	v58 =	vadd.s32 s8, v16;
	s8 =	sadd.s32 s8, s29;
	s30 =	spop (v2sf)  }
0x1ac: {  	v60 =	vsel vm1, $0x3F800000, v2;
	vm4 =	vle.s32 v58, v4;
	v7 =	vadd.s32 s8, v54;
	s8 =	sadd.s32 s8, s30  }
0x1ad: {  	vm3 =	vmor vm15, vm4;
	vm11 =	vle.s32 v7, v4;
	v5 =	vadd.s32 s8, v5  }
0x1ae: {  	[tilespmem:s3+$0x6000] =	vst v59;
	vm8 =	vmand vm7, vm3;
	vm0 =	vmor vm9, vm11;
	vm13 =	vle.s32 v5, v4  }
0x1af: {  	[tilespmem:s4+$0x6000] =	vst v60;
	v61 =	vsel vm8, $0x3F800000, v2;
	vm0 =	vmand vm10, vm0;
	vm2 =	vmor vm12, vm13  }
0x1b0: {  	[tilespmem:s5+$0x6000] =	vst v61;
	v62 =	vsel vm0, $0x3F800000, v2;
	vm15 =	vmand vm14, vm2  }
0x1b1: {  	[tilespmem:s7+$0x6000] =	vst v62;
	v63 =	vsel vm15, $0x3F800000, v2  }
0x1b2: {  	s31 =	spop (v2sf);
	[tilespmem:s6+$0x6000] =	vst v63  }
.LBB2_24:
0x1b3: {  	s3 =	simm.s32 $0x80  }
0x1b4: {  	s4 =	simm.s32 $0x400;
	s5 =	simm.s32 $0x6000;
	s31 =	simm.s32 $0x1  }
0x1b5: {  	[hbm4b:s2+s3] =	stream.strided.scatter [tilespmem:s5], [sflag:$0x1], $0x2000, s4, s3, $0x38;
	[tilespmem:$0x8000] =	vst v63  }
0x1b6: {  	_ =	swait.ge [sflag:s31], $0x2000  }
0x1b7: {  	[sflag:s31] =	ssyncset.done $0x0  }
0x1b8: {  	[sflag:s31] =	ssyncadd.s32 $0xFFFFE000  }
0x1b9: {  	_ =	sfence.sel $0x180000  }
0x1ba: {  	[bflag:$0x0] =	sbarrier.arrive $0xFFFF  }
0x1bb: {  	p0 =	sne.s32 s0, $0x0;
	_ =	strace $0x90000047  }
0x1bc: {  	s0 =	sadd.s32 @!p0 $0x100000, s1;
	[bflag:$0x2] =	sbarrier.arrive $0xFFFF  }
0x1bd: {  	[sflag:s0] =	ssyncadd.tile.s32 @!p0 $0x1;
	_ =	shalt  }
.Lfunc_end2:
_tile_overlayer_lowered:
.L_overlay_start_2:
0x1be: {  	(tag) =	ssettag $0x2  }
0x1bf: {  	s0 =	rddreg [dreg:$0x0];
	s2 =	stileid.u32  }
0x1c0: {  	s1 =	rddreg [dreg:$0x1];
	p0 =	sne.s32 s2, $0x0  }
0x1c1: {  	s3 =	rddreg [dreg:$0x2];
	[bflag:$0x3] =	sbarrier.arrive $0xFFFF;
	s2 =	simm.s32 @!p0 $0x1C01  }
0x1c2: {  	[timem:s3], [sflag:s2] =	dma.local @!p0 [hbm:s0], s1  }
0x1c3: {  	s0 =	simm.s32 @!p0 $0x1  }
0x1c4: {  	_ =	swait.ge @!p0 [sflag:s0], s1  }
0x1c5: {  	s1 =	ssub.s32 @!p0 $0x0, s1;
	[sflag:s0] =	ssyncset.done @!p0 $0x0  }
0x1c6: {  	[sflag:s0] =	ssyncadd.s32 @!p0 s1  }
0x1c7: {  	[bflag:$0x3] =	sbarrier.arrive $0xFFFF  }
0x1c8: {  	_ =	shalt  }

</sc_bundles>
